<compile_context>
chip_gen: v7x
topology: tpu7x:2x2x1
jax: 0.10.2.dev20260603
libtpu: 0.0.44.dev20260713+nightly
codegen_flags: <defaults>
</compile_context>

<pallas_src>
import functools

import jax
import jax.numpy as jnp
from jax import lax
from jax.experimental import pallas as pl
from jax.experimental.pallas import tpu as pltpu
from jax.experimental.pallas import tpu_sc as plsc

D_MODEL = 1024
N_EXPERTS = 8
RANK = 256
TOK = 2048
T3 = 256
NPAD = 2 * TOK + N_EXPERTS * T3
NTILES = NPAD // T3
NW = 32
CH = TOK // NW
SUB = 32


def _router_kernel(x_ref, wg_ref, pos0_ref, pos1_ref, w1r_ref, w2r_ref, te_ref):
    xf = x_ref[...]
    logits = jnp.dot(xf, wg_ref[...].T, preferred_element_type=jnp.float32)
    idx = lax.broadcasted_iota(jnp.int32, logits.shape, 1)
    m1 = jnp.max(logits, axis=-1, keepdims=True)
    a1 = jnp.min(jnp.where(logits == m1, idx, N_EXPERTS), axis=-1, keepdims=True)
    logits2 = jnp.where(idx == a1, -jnp.inf, logits)
    m2 = jnp.max(logits2, axis=-1, keepdims=True)
    a2 = jnp.min(jnp.where(logits2 == m2, idx, N_EXPERTS), axis=-1, keepdims=True)
    t = jnp.exp(m2 - m1)
    w1 = 1.0 / (1.0 + t)
    w2 = t / (1.0 + t)

    one0 = (idx == a1).astype(jnp.float32)
    one1 = (idx == a2).astype(jnp.float32)

    c = 256
    r_ = lax.broadcasted_iota(jnp.int32, (c, c), 0)
    c_ = lax.broadcasted_iota(jnp.int32, (c, c), 1)
    ltri = (c_ < r_).astype(jnp.float32)
    rank0_chunks = []
    rank1_chunks = []
    run0 = jnp.zeros((1, N_EXPERTS), jnp.float32)
    run1 = jnp.zeros((1, N_EXPERTS), jnp.float32)
    for k in range(TOK // c):
        o0 = one0[k * c:(k + 1) * c]
        o1 = one1[k * c:(k + 1) * c]
        rank0_chunks.append(
            jnp.dot(ltri, o0, preferred_element_type=jnp.float32) + run0)
        rank1_chunks.append(
            jnp.dot(ltri, o1, preferred_element_type=jnp.float32) + run1)
        run0 = run0 + jnp.sum(o0, axis=0, keepdims=True)
        run1 = run1 + jnp.sum(o1, axis=0, keepdims=True)
    rank0 = jnp.concatenate(rank0_chunks, axis=0)
    rank1 = jnp.concatenate(rank1_chunks, axis=0)

    counts = run0 + run1
    pc = jnp.ceil(counts / T3) * T3
    e_ = lax.broadcasted_iota(jnp.int32, (N_EXPERTS, N_EXPERTS), 0)
    f_ = lax.broadcasted_iota(jnp.int32, (N_EXPERTS, N_EXPERTS), 1)
    sutri = (e_ < f_).astype(jnp.float32)
    starts = jnp.dot(pc, sutri, preferred_element_type=jnp.float32)

    pos0 = jnp.sum(one0 * (starts + rank0), axis=-1, keepdims=True)
    pos1 = jnp.sum(one1 * (starts + run0 + rank1), axis=-1, keepdims=True)
    pos0_ref[...] = pos0.astype(jnp.int32)
    pos1_ref[...] = pos1.astype(jnp.int32)
    w1r_ref[...] = jnp.broadcast_to(w1, (TOK, 128))
    w2r_ref[...] = jnp.broadcast_to(w2, (TOK, 128))

    bnd = starts + pc
    ti = lax.broadcasted_iota(jnp.int32, (NTILES, N_EXPERTS), 0) * T3
    te = jnp.sum((ti >= bnd).astype(jnp.int32), axis=-1, keepdims=True)
    te_ref[...] = jnp.minimum(te, N_EXPERTS - 1)


def _run_router(x2, Wg):
    return pl.pallas_call(
        _router_kernel,
        grid=(1,),
        in_specs=[
            pl.BlockSpec((TOK, D_MODEL), lambda i: (0, 0)),
            pl.BlockSpec((N_EXPERTS, D_MODEL), lambda i: (0, 0)),
        ],
        out_specs=[
            pl.BlockSpec((TOK, 1), lambda i: (0, 0)),
            pl.BlockSpec((TOK, 1), lambda i: (0, 0)),
            pl.BlockSpec((TOK, 128), lambda i: (0, 0)),
            pl.BlockSpec((TOK, 128), lambda i: (0, 0)),
            pl.BlockSpec((NTILES, 1), lambda i: (0, 0)),
        ],
        out_shape=[
            jax.ShapeDtypeStruct((TOK, 1), jnp.int32),
            jax.ShapeDtypeStruct((TOK, 1), jnp.int32),
            jax.ShapeDtypeStruct((TOK, 128), jnp.float32),
            jax.ShapeDtypeStruct((TOK, 128), jnp.float32),
            jax.ShapeDtypeStruct((NTILES, 1), jnp.int32),
        ],
    )(x2, Wg)


def _make_dispatch():
    mesh = plsc.VectorSubcoreMesh(core_axis_name="c", subcore_axis_name="s")

    @functools.partial(
        pl.kernel, mesh=mesh,
        out_type=[
            jax.ShapeDtypeStruct((NPAD, D_MODEL // 2), jnp.int32),
            jax.ShapeDtypeStruct((NPAD, 128), jnp.float32),
        ],
        scratch_types=[
            pltpu.VMEM((CH,), jnp.int32),
            pltpu.VMEM((CH,), jnp.int32),
            pltpu.VMEM((CH, D_MODEL // 2), jnp.int32),
            pltpu.VMEM((CH, 128), jnp.float32),
            pltpu.VMEM((CH, 128), jnp.float32),
            pltpu.SemaphoreType.DMA,
            pltpu.SemaphoreType.DMA,
            pltpu.SemaphoreType.DMA,
            pltpu.SemaphoreType.DMA,
        ],
    )
    def dispatch(xb_hbm, pos0_hbm, pos1_hbm, w1r_hbm, w2r_hbm, xs_hbm, ws_hbm,
                 idx0_v, idx1_v, rows_v, wr1_v, wr2_v,
                 sem0, sem1, sem2, sem3):
        wid = lax.axis_index("s") * 2 + lax.axis_index("c")
        base = wid * CH
        pltpu.sync_copy(pos0_hbm.at[pl.ds(base, CH)], idx0_v)
        pltpu.sync_copy(pos1_hbm.at[pl.ds(base, CH)], idx1_v)
        pltpu.sync_copy(w1r_hbm.at[pl.ds(base, CH)], wr1_v)
        pltpu.sync_copy(w2r_hbm.at[pl.ds(base, CH)], wr2_v)
        pltpu.sync_copy(xb_hbm.at[pl.ds(base, CH)], rows_v)

        c0 = pltpu.async_copy(rows_v, xs_hbm.at[idx0_v], sem0)
        c1 = pltpu.async_copy(rows_v, xs_hbm.at[idx1_v], sem1)
        c2 = pltpu.async_copy(wr1_v, ws_hbm.at[idx0_v], sem2)
        c3 = pltpu.async_copy(wr2_v, ws_hbm.at[idx1_v], sem3)
        c0.wait()
        c1.wait()
        c2.wait()
        c3.wait()

    return dispatch


def _expert_kernel(te_ref, xs_ref, ws_ref, wu_ref, wv_ref, wo_ref, ys_ref):
    xt = xs_ref[...]
    u = jnp.dot(xt, wu_ref[0].T, preferred_element_type=jnp.float32)
    v = jnp.dot(xt, wv_ref[0].T, preferred_element_type=jnp.float32)
    s = u * jax.nn.sigmoid(u) * v
    s = s * ws_ref[...][:, 0:1]
    ys_ref[...] = jnp.dot(s.astype(jnp.bfloat16), wo_ref[0],
                          preferred_element_type=jnp.float32)


def _run_experts(xs, ws, wu, wv, wo_t, te):
    grid_spec = pltpu.PrefetchScalarGridSpec(
        num_scalar_prefetch=1,
        grid=(NTILES,),
        in_specs=[
            pl.BlockSpec((T3, D_MODEL), lambda i, te: (i, 0)),
            pl.BlockSpec((T3, 128), lambda i, te: (i, 0)),
            pl.BlockSpec((1, RANK, D_MODEL), lambda i, te: (te[i], 0, 0)),
            pl.BlockSpec((1, RANK, D_MODEL), lambda i, te: (te[i], 0, 0)),
            pl.BlockSpec((1, RANK, D_MODEL), lambda i, te: (te[i], 0, 0)),
        ],
        out_specs=pl.BlockSpec((T3, D_MODEL), lambda i, te: (i, 0)),
    )
    return pl.pallas_call(
        _expert_kernel,
        grid_spec=grid_spec,
        out_shape=jax.ShapeDtypeStruct((NPAD, D_MODEL), jnp.float32),
    )(te, xs, ws, wu, wv, wo_t)


def _make_combine():
    mesh = plsc.VectorSubcoreMesh(core_axis_name="c", subcore_axis_name="s")

    @functools.partial(
        pl.kernel, mesh=mesh,
        out_type=jax.ShapeDtypeStruct((TOK, D_MODEL), jnp.float32),
        scratch_types=[
            pltpu.VMEM((SUB,), jnp.int32),
            pltpu.VMEM((SUB,), jnp.int32),
            pltpu.VMEM((SUB, D_MODEL), jnp.float32),
            pltpu.VMEM((SUB, D_MODEL), jnp.float32),
            pltpu.SemaphoreType.DMA,
            pltpu.SemaphoreType.DMA,
        ],
    )
    def combine(ys_hbm, pos0_hbm, pos1_hbm, out_hbm, idx0_v, idx1_v, buf0_v,
                buf1_v, sem0, sem1):
        wid = lax.axis_index("s") * 2 + lax.axis_index("c")
        base = wid * CH
        nvec = D_MODEL // 16
        for sub in range(CH // SUB):
            off = base + sub * SUB
            pltpu.sync_copy(pos0_hbm.at[pl.ds(off, SUB)], idx0_v)
            pltpu.sync_copy(pos1_hbm.at[pl.ds(off, SUB)], idx1_v)
            c0 = pltpu.async_copy(ys_hbm.at[idx0_v], buf0_v, sem0)
            c1 = pltpu.async_copy(ys_hbm.at[idx1_v], buf1_v, sem1)
            c0.wait()
            c1.wait()

            def body(t, _):
                for i in range(nvec):
                    sl = pl.ds(i * 16, 16)
                    buf0_v[t, sl] = buf0_v[t, sl] + buf1_v[t, sl]
                return 0
            lax.fori_loop(0, SUB, body, 0)
            pltpu.sync_copy(buf0_v, out_hbm.at[pl.ds(off, SUB)])

    return combine


def kernel(x, Wg, Wu, Wv, Wo):
    B, N, D = x.shape
    x2 = x.reshape(B * N, D)
    xb = x2.astype(jnp.bfloat16)

    pos0, pos1, w1r, w2r, te = _run_router(x2, Wg)
    pos0 = pos0.reshape(TOK)
    pos1 = pos1.reshape(TOK)
    te = te.reshape(NTILES)

    xbi = lax.bitcast_convert_type(xb.reshape(TOK, D // 2, 2), jnp.int32)
    xs_i, ws = _make_dispatch()(xbi, pos0, pos1, w1r, w2r)
    xs = lax.bitcast_convert_type(xs_i, jnp.bfloat16).reshape(NPAD, D)

    wu = Wu.astype(jnp.bfloat16)
    wv = Wv.astype(jnp.bfloat16)
    wo_t = jnp.transpose(Wo, (0, 2, 1)).astype(jnp.bfloat16)
    ys = _run_experts(xs, ws, wu, wv, wo_t, te)

    out = _make_combine()(ys, pos0, pos1)
    return out.reshape(B, N, D)

# --- scband reference (transcript-rebuilt; emitter-appended) ---
"""Pipeline reference for scband-swi-glumo-edown-proj-33767032882011 (READ-ONLY COPY).

The authoritative reference and input builder live on the scoring server;
editing this copy changes nothing except your own understanding.
"""

import jax, jax.numpy as jnp
import numpy as np

D_MODEL = 1024
N_EXPERTS = 8
K_ACTIVE = 2
RANK = 256


def setup_inputs(seed: int = 0) -> dict:
    key = jax.random.key(seed)
    k_x, k_g, k_u, k_v, k_o = jax.random.split(key, 5)
    x = jax.random.normal(k_x, (1, 2048, D_MODEL), dtype=jnp.float32)
    # router gate: nn.Linear(d_model, n_experts, bias=False) -> weight [E, D]
    Wg = jax.random.normal(k_g, (N_EXPERTS, D_MODEL), dtype=jnp.float32) * (1.0 / np.sqrt(D_MODEL))
    # experts stacked: W_u, W_v: [E, r, D]; W_o: [E, D, r]
    Wu = jax.random.normal(k_u, (N_EXPERTS, RANK, D_MODEL), dtype=jnp.float32) * (1.0 / np.sqrt(D_MODEL))
    Wv = jax.random.normal(k_v, (N_EXPERTS, RANK, D_MODEL), dtype=jnp.float32) * (1.0 / np.sqrt(D_MODEL))
    Wo = jax.random.normal(k_o, (N_EXPERTS, D_MODEL, RANK), dtype=jnp.float32) * (1.0 / np.sqrt(RANK))
    return {"x": x, "Wg": Wg, "Wu": Wu, "Wv": Wv, "Wo": Wo}


def reference(x, Wg, Wu, Wv, Wo):
    B, N, D = x.shape
    E = Wu.shape[0]
    k = K_ACTIVE

    # TopKRouter
    logits = jnp.einsum('bnd,ed->bne', x, Wg)
    topv, topi = jax.lax.top_k(logits, k)
    w = jax.nn.softmax(topv, axis=-1)

    out = jnp.zeros((B, N, D), dtype=x.dtype)
    for j in range(k):
        idx = topi[..., j]  # [B, N]
        # densely evaluate every expert (faithful to the original loop)
        expert_outs = []
        for e in range(E):
            u = jnp.einsum('bnd,rd->bnr', x, Wu[e])
            v = jnp.einsum('bnd,rd->bnr', x, Wv[e])
            s = jax.nn.silu(u) * v
            y = jnp.einsum('bnr,dr->bnd', s, Wo[e])
            expert_outs.append(y)
        Y = jnp.stack(expert_outs, axis=-2)  # [B, N, E, D]
        idx_exp = jnp.broadcast_to(idx[:, :, None, None], (B, N, 1, D))
        y_sel = jnp.take_along_axis(Y, idx_exp, axis=2).squeeze(2)  # [B, N, D]
        out = out + y_sel * w[..., j][..., None]
    return out

if __name__ == "__main__":
    import jax
    _d = setup_inputs()
    print(jax.jit(kernel)(*tuple(_d.values())))

</pallas_src>

<mosaic_0001>
#map = affine_map<(d0, d1) -> (0, 0)>
#map1 = affine_map<(d0, d1) -> (0)>
module attributes {stable_mosaic.version = 14 : i64} {
  func.func @combine(%arg0: i32, %arg1: i32, %arg2: memref<6144x1024xf32, #tpu.memory_space<hbm>>, %arg3: memref<2048xi32, #tpu.memory_space<hbm>>, %arg4: memref<2048xi32, #tpu.memory_space<hbm>>, %arg5: memref<2048x1024xf32, #tpu.memory_space<hbm>>, %arg6: memref<32xi32, #tpu.memory_space<vmem>>, %arg7: memref<32xi32, #tpu.memory_space<vmem>>, %arg8: memref<32x1024xf32, #tpu.memory_space<vmem>>, %arg9: memref<32x1024xf32, #tpu.memory_space<vmem>>, %arg10: memref<!tpu.dma_semaphore, #tpu.memory_space<semaphore_mem>>, %arg11: memref<!tpu.dma_semaphore, #tpu.memory_space<semaphore_mem>>) attributes {dimension_semantics = [#tpu.dimension_semantics<core_parallel>, #tpu.dimension_semantics<subcore_parallel>], iteration_bounds = array<i64: 2, 16>, scalar_prefetch = 0 : i64, scratch_operands = 6 : i64, tpu.core_type = #tpu.core_type<sc_vector_subcore>, window_params = [{transform_indices = #map}, {transform_indices = #map1}, {transform_indices = #map1}, {transform_indices = #map}]} {
    %mul3A = arith.constant 2 : i32
    %mul3A_0 = arith.muli %arg1, %mul3A : i32
    %add3A = arith.addi %mul3A_0, %arg0 : i32
    %mul3A_1 = arith.constant 64 : i32
    %mul3A_2 = arith.muli %add3A, %mul3A_1 : i32
    %add3A_3 = arith.constant 0 : i32
    %add3A_4 = arith.addi %mul3A_2, %add3A_3 : i32
    "tpu.region"() ({
      %run_scoped3A = tpu.sem_alloc : memref<!tpu.dma_semaphore, #tpu.memory_space<semaphore_mem>>
      %dma_start3A_42 = tpu.memref_slice %arg3[%add3A_4] : memref<2048xi32, #tpu.memory_space<hbm>> -> memref<32xi32, #tpu.memory_space<hbm>>
      %dma_start3A_43 = tpu.memref_slice %arg3[%add3A_4] : memref<2048xi32, #tpu.memory_space<hbm>> -> memref<32xi32, #tpu.memory_space<hbm>>
      tpu.enqueue_dma source(%dma_start3A_43 : memref<32xi32, #tpu.memory_space<hbm>>) target(%arg6 : memref<32xi32, #tpu.memory_space<vmem>>) target_semaphore(%run_scoped3A : memref<!tpu.dma_semaphore, #tpu.memory_space<semaphore_mem>>)
      %dma_wait3A_44 = tpu.memref_slice %arg3[%add3A_4] : memref<2048xi32, #tpu.memory_space<hbm>> -> memref<32xi32, #tpu.memory_space<hbm>>
      %dma_wait3A_45 = tpu.memref_slice %arg3[%add3A_4] : memref<2048xi32, #tpu.memory_space<hbm>> -> memref<32xi32, #tpu.memory_space<hbm>>
      tpu.wait_dma2 semaphore(%run_scoped3A : memref<!tpu.dma_semaphore, #tpu.memory_space<semaphore_mem>>) src(%dma_wait3A_45 : memref<32xi32, #tpu.memory_space<hbm>>) dst(%arg6 : memref<32xi32, #tpu.memory_space<vmem>>)
      tpu.yield
    }) : () -> ()
    "tpu.region"() ({
      %run_scoped3A = tpu.sem_alloc : memref<!tpu.dma_semaphore, #tpu.memory_space<semaphore_mem>>
      %dma_start3A_42 = tpu.memref_slice %arg4[%add3A_4] : memref<2048xi32, #tpu.memory_space<hbm>> -> memref<32xi32, #tpu.memory_space<hbm>>
      %dma_start3A_43 = tpu.memref_slice %arg4[%add3A_4] : memref<2048xi32, #tpu.memory_space<hbm>> -> memref<32xi32, #tpu.memory_space<hbm>>
      tpu.enqueue_dma source(%dma_start3A_43 : memref<32xi32, #tpu.memory_space<hbm>>) target(%arg7 : memref<32xi32, #tpu.memory_space<vmem>>) target_semaphore(%run_scoped3A : memref<!tpu.dma_semaphore, #tpu.memory_space<semaphore_mem>>)
      %dma_wait3A_44 = tpu.memref_slice %arg4[%add3A_4] : memref<2048xi32, #tpu.memory_space<hbm>> -> memref<32xi32, #tpu.memory_space<hbm>>
      %dma_wait3A_45 = tpu.memref_slice %arg4[%add3A_4] : memref<2048xi32, #tpu.memory_space<hbm>> -> memref<32xi32, #tpu.memory_space<hbm>>
      tpu.wait_dma2 semaphore(%run_scoped3A : memref<!tpu.dma_semaphore, #tpu.memory_space<semaphore_mem>>) src(%dma_wait3A_45 : memref<32xi32, #tpu.memory_space<hbm>>) dst(%arg7 : memref<32xi32, #tpu.memory_space<vmem>>)
      tpu.yield
    }) : () -> ()
    %dma_start3A = arith.constant 0 : i32
    %dma_start3A_5 = arith.constant 0 : i32
    %dma_start3A_6 = tpu.memref_slice %arg2[%dma_start3A, %dma_start3A_5] : memref<6144x1024xf32, #tpu.memory_space<hbm>> -> memref<6144x1024xf32, #tpu.memory_space<hbm>>
    tpu.enqueue_indirect_dma source(%dma_start3A_6 : memref<6144x1024xf32, #tpu.memory_space<hbm>>) target(%arg8 : memref<32x1024xf32, #tpu.memory_space<vmem>>) offsets(%arg6 : memref<32xi32, #tpu.memory_space<vmem>>) semaphore(%arg10 : memref<!tpu.dma_semaphore, #tpu.memory_space<semaphore_mem>>)
    %dma_start3A_7 = arith.constant 0 : i32
    %dma_start3A_8 = arith.constant 0 : i32
    %dma_start3A_9 = tpu.memref_slice %arg2[%dma_start3A_7, %dma_start3A_8] : memref<6144x1024xf32, #tpu.memory_space<hbm>> -> memref<6144x1024xf32, #tpu.memory_space<hbm>>
    tpu.enqueue_indirect_dma source(%dma_start3A_9 : memref<6144x1024xf32, #tpu.memory_space<hbm>>) target(%arg9 : memref<32x1024xf32, #tpu.memory_space<vmem>>) offsets(%arg7 : memref<32xi32, #tpu.memory_space<vmem>>) semaphore(%arg11 : memref<!tpu.dma_semaphore, #tpu.memory_space<semaphore_mem>>)
    %dma_wait3A = arith.constant 0 : i32
    %dma_wait3A_10 = arith.constant 0 : i32
    %dma_wait3A_11 = tpu.memref_slice %arg2[%dma_wait3A, %dma_wait3A_10] : memref<6144x1024xf32, #tpu.memory_space<hbm>> -> memref<6144x1024xf32, #tpu.memory_space<hbm>>
    tpu.wait_indirect_dma semaphore(%arg10 : memref<!tpu.dma_semaphore, #tpu.memory_space<semaphore_mem>>) src(%dma_wait3A_11 : memref<6144x1024xf32, #tpu.memory_space<hbm>>) dst(%arg8 : memref<32x1024xf32, #tpu.memory_space<vmem>>)
    %dma_wait3A_12 = arith.constant 0 : i32
    %dma_wait3A_13 = arith.constant 0 : i32
    %dma_wait3A_14 = tpu.memref_slice %arg2[%dma_wait3A_12, %dma_wait3A_13] : memref<6144x1024xf32, #tpu.memory_space<hbm>> -> memref<6144x1024xf32, #tpu.memory_space<hbm>>
    tpu.wait_indirect_dma semaphore(%arg11 : memref<!tpu.dma_semaphore, #tpu.memory_space<semaphore_mem>>) src(%dma_wait3A_14 : memref<6144x1024xf32, #tpu.memory_space<hbm>>) dst(%arg9 : memref<32x1024xf32, #tpu.memory_space<vmem>>)
    %scan3A = arith.constant 0 : i32
    %scan3A_15 = arith.constant 0 : i32
    %scan3A_16 = arith.constant 32 : i32
    %scan3A_17 = arith.addi %scan3A_15, %scan3A_16 : i32
    %scan3A_18 = arith.constant 1 : i32
    %scan3A_19 = scf.for %scan3A_42 = %scan3A_15 to %scan3A_17 step %scan3A_18 iter_args(%scan3A_43 = %scan3A) -> (i32)  : i32 {
      %get3A = arith.index_cast %scan3A_42 : i32 to index
      %get3A_44 = arith.constant 0 : index
      %get3A_45 = tpu.vector_load %arg8[%get3A, %get3A_44] {strides = array<i32>} : memref<32x1024xf32, #tpu.memory_space<vmem>>, vector<1x16xf32>,
      %get3A_46 = vector.shape_cast %get3A_45 : vector<1x16xf32> to vector<16xf32>
      %get3A_47 = arith.index_cast %scan3A_42 : i32 to index
      %get3A_48 = arith.constant 0 : index
      %get3A_49 = tpu.vector_load %arg9[%get3A_47, %get3A_48] {strides = array<i32>} : memref<32x1024xf32, #tpu.memory_space<vmem>>, vector<1x16xf32>,
      %get3A_50 = vector.shape_cast %get3A_49 : vector<1x16xf32> to vector<16xf32>
      %add3A_51 = arith.addf %get3A_46, %get3A_50 : vector<16xf32>
      %swap3A = arith.index_cast %scan3A_42 : i32 to index
      %swap3A_52 = arith.constant 0 : index
      %swap3A_53 = tpu.vector_load %arg8[%swap3A, %swap3A_52] {strides = array<i32>} : memref<32x1024xf32, #tpu.memory_space<vmem>>, vector<1x16xf32>,
      %swap3A_54 = vector.shape_cast %swap3A_53 : vector<1x16xf32> to vector<16xf32>
      %swap3A_55 = vector.shape_cast %add3A_51 : vector<16xf32> to vector<1x16xf32>
      tpu.vector_store %arg8[%swap3A, %swap3A_52], %swap3A_55 {strides = array<i32>} : memref<32x1024xf32, #tpu.memory_space<vmem>>, vector<1x16xf32>,
      %get3A_56 = arith.index_cast %scan3A_42 : i32 to index
      %get3A_57 = arith.constant 16 : index
      %get3A_58 = tpu.vector_load %arg8[%get3A_56, %get3A_57] {strides = array<i32>} : memref<32x1024xf32, #tpu.memory_space<vmem>>, vector<1x16xf32>,
      %get3A_59 = vector.shape_cast %get3A_58 : vector<1x16xf32> to vector<16xf32>
      %get3A_60 = arith.index_cast %scan3A_42 : i32 to index
      %get3A_61 = arith.constant 16 : index
      %get3A_62 = tpu.vector_load %arg9[%get3A_60, %get3A_61] {strides = array<i32>} : memref<32x1024xf32, #tpu.memory_space<vmem>>, vector<1x16xf32>,
      %get3A_63 = vector.shape_cast %get3A_62 : vector<1x16xf32> to vector<16xf32>
      %add3A_64 = arith.addf %get3A_59, %get3A_63 : vector<16xf32>
      %swap3A_65 = arith.index_cast %scan3A_42 : i32 to index
      %swap3A_66 = arith.constant 16 : index
      %swap3A_67 = tpu.vector_load %arg8[%swap3A_65, %swap3A_66] {strides = array<i32>} : memref<32x1024xf32, #tpu.memory_space<vmem>>, vector<1x16xf32>,
      %swap3A_68 = vector.shape_cast %swap3A_67 : vector<1x16xf32> to vector<16xf32>
      %swap3A_69 = vector.shape_cast %add3A_64 : vector<16xf32> to vector<1x16xf32>
      tpu.vector_store %arg8[%swap3A_65, %swap3A_66], %swap3A_69 {strides = array<i32>} : memref<32x1024xf32, #tpu.memory_space<vmem>>, vector<1x16xf32>,
      %get3A_70 = arith.index_cast %scan3A_42 : i32 to index
      %get3A_71 = arith.constant 32 : index
      %get3A_72 = tpu.vector_load %arg8[%get3A_70, %get3A_71] {strides = array<i32>} : memref<32x1024xf32, #tpu.memory_space<vmem>>, vector<1x16xf32>,
      %get3A_73 = vector.shape_cast %get3A_72 : vector<1x16xf32> to vector<16xf32>
      %get3A_74 = arith.index_cast %scan3A_42 : i32 to index
      %get3A_75 = arith.constant 32 : index
      %get3A_76 = tpu.vector_load %arg9[%get3A_74, %get3A_75] {strides = array<i32>} : memref<32x1024xf32, #tpu.memory_space<vmem>>, vector<1x16xf32>,
      %get3A_77 = vector.shape_cast %get3A_76 : vector<1x16xf32> to vector<16xf32>
      %add3A_78 = arith.addf %get3A_73, %get3A_77 : vector<16xf32>
      %swap3A_79 = arith.index_cast %scan3A_42 : i32 to index
      %swap3A_80 = arith.constant 32 : index
      %swap3A_81 = tpu.vector_load %arg8[%swap3A_79, %swap3A_80] {strides = array<i32>} : memref<32x1024xf32, #tpu.memory_space<vmem>>, vector<1x16xf32>,
      %swap3A_82 = vector.shape_cast %swap3A_81 : vector<1x16xf32> to vector<16xf32>
      %swap3A_83 = vector.shape_cast %add3A_78 : vector<16xf32> to vector<1x16xf32>
      tpu.vector_store %arg8[%swap3A_79, %swap3A_80], %swap3A_83 {strides = array<i32>} : memref<32x1024xf32, #tpu.memory_space<vmem>>, vector<1x16xf32>,
      %get3A_84 = arith.index_cast %scan3A_42 : i32 to index
      %get3A_85 = arith.constant 48 : index
      %get3A_86 = tpu.vector_load %arg8[%get3A_84, %get3A_85] {strides = array<i32>} : memref<32x1024xf32, #tpu.memory_space<vmem>>, vector<1x16xf32>,
      %get3A_87 = vector.shape_cast %get3A_86 : vector<1x16xf32> to vector<16xf32>
      %get3A_88 = arith.index_cast %scan3A_42 : i32 to index
      %get3A_89 = arith.constant 48 : index
      %get3A_90 = tpu.vector_load %arg9[%get3A_88, %get3A_89] {strides = array<i32>} : memref<32x1024xf32, #tpu.memory_space<vmem>>, vector<1x16xf32>,
      %get3A_91 = vector.shape_cast %get3A_90 : vector<1x16xf32> to vector<16xf32>
      %add3A_92 = arith.addf %get3A_87, %get3A_91 : vector<16xf32>
      %swap3A_93 = arith.index_cast %scan3A_42 : i32 to index
      %swap3A_94 = arith.constant 48 : index
      %swap3A_95 = tpu.vector_load %arg8[%swap3A_93, %swap3A_94] {strides = array<i32>} : memref<32x1024xf32, #tpu.memory_space<vmem>>, vector<1x16xf32>,
      %swap3A_96 = vector.shape_cast %swap3A_95 : vector<1x16xf32> to vector<16xf32>
      %swap3A_97 = vector.shape_cast %add3A_92 : vector<16xf32> to vector<1x16xf32>
      tpu.vector_store %arg8[%swap3A_93, %swap3A_94], %swap3A_97 {strides = array<i32>} : memref<32x1024xf32, #tpu.memory_space<vmem>>, vector<1x16xf32>,
      %get3A_98 = arith.index_cast %scan3A_42 : i32 to index
      %get3A_99 = arith.constant 64 : index
      %get3A_100 = tpu.vector_load %arg8[%get3A_98, %get3A_99] {strides = array<i32>} : memref<32x1024xf32, #tpu.memory_space<vmem>>, vector<1x16xf32>,
      %get3A_101 = vector.shape_cast %get3A_100 : vector<1x16xf32> to vector<16xf32>
      %get3A_102 = arith.index_cast %scan3A_42 : i32 to index
      %get3A_103 = arith.constant 64 : index
      %get3A_104 = tpu.vector_load %arg9[%get3A_102, %get3A_103] {strides = array<i32>} : memref<32x1024xf32, #tpu.memory_space<vmem>>, vector<1x16xf32>,
      %get3A_105 = vector.shape_cast %get3A_104 : vector<1x16xf32> to vector<16xf32>
      %add3A_106 = arith.addf %get3A_101, %get3A_105 : vector<16xf32>
      %swap3A_107 = arith.index_cast %scan3A_42 : i32 to index
      %swap3A_108 = arith.constant 64 : index
      %swap3A_109 = tpu.vector_load %arg8[%swap3A_107, %swap3A_108] {strides = array<i32>} : memref<32x1024xf32, #tpu.memory_space<vmem>>, vector<1x16xf32>,
      %swap3A_110 = vector.shape_cast %swap3A_109 : vector<1x16xf32> to vector<16xf32>
      %swap3A_111 = vector.shape_cast %add3A_106 : vector<16xf32> to vector<1x16xf32>
      tpu.vector_store %arg8[%swap3A_107, %swap3A_108], %swap3A_111 {strides = array<i32>} : memref<32x1024xf32, #tpu.memory_space<vmem>>, vector<1x16xf32>,
      %get3A_112 = arith.index_cast %scan3A_42 : i32 to index
      %get3A_113 = arith.constant 80 : index
      %get3A_114 = tpu.vector_load %arg8[%get3A_112, %get3A_113] {strides = array<i32>} : memref<32x1024xf32, #tpu.memory_space<vmem>>, vector<1x16xf32>,
      %get3A_115 = vector.shape_cast %get3A_114 : vector<1x16xf32> to vector<16xf32>
      %get3A_116 = arith.index_cast %scan3A_42 : i32 to index
      %get3A_117 = arith.constant 80 : index
      %get3A_118 = tpu.vector_load %arg9[%get3A_116, %get3A_117] {strides = array<i32>} : memref<32x1024xf32, #tpu.memory_space<vmem>>, vector<1x16xf32>,
      %get3A_119 = vector.shape_cast %get3A_118 : vector<1x16xf32> to vector<16xf32>
      %add3A_120 = arith.addf %get3A_115, %get3A_119 : vector<16xf32>
      %swap3A_121 = arith.index_cast %scan3A_42 : i32 to index
      %swap3A_122 = arith.constant 80 : index
      %swap3A_123 = tpu.vector_load %arg8[%swap3A_121, %swap3A_122] {strides = array<i32>} : memref<32x1024xf32, #tpu.memory_space<vmem>>, vector<1x16xf32>,
      %swap3A_124 = vector.shape_cast %swap3A_123 : vector<1x16xf32> to vector<16xf32>
      %swap3A_125 = vector.shape_cast %add3A_120 : vector<16xf32> to vector<1x16xf32>
      tpu.vector_store %arg8[%swap3A_121, %swap3A_122], %swap3A_125 {strides = array<i32>} : memref<32x1024xf32, #tpu.memory_space<vmem>>, vector<1x16xf32>,
      %get3A_126 = arith.index_cast %scan3A_42 : i32 to index
      %get3A_127 = arith.constant 96 : index
      %get3A_128 = tpu.vector_load %arg8[%get3A_126, %get3A_127] {strides = array<i32>} : memref<32x1024xf32, #tpu.memory_space<vmem>>, vector<1x16xf32>,
      %get3A_129 = vector.shape_cast %get3A_128 : vector<1x16xf32> to vector<16xf32>
      %get3A_130 = arith.index_cast %scan3A_42 : i32 to index
      %get3A_131 = arith.constant 96 : index
      %get3A_132 = tpu.vector_load %arg9[%get3A_130, %get3A_131] {strides = array<i32>} : memref<32x1024xf32, #tpu.memory_space<vmem>>, vector<1x16xf32>,
      %get3A_133 = vector.shape_cast %get3A_132 : vector<1x16xf32> to vector<16xf32>
      %add3A_134 = arith.addf %get3A_129, %get3A_133 : vector<16xf32>
      %swap3A_135 = arith.index_cast %scan3A_42 : i32 to index
      %swap3A_136 = arith.constant 96 : index
      %swap3A_137 = tpu.vector_load %arg8[%swap3A_135, %swap3A_136] {strides = array<i32>} : memref<32x1024xf32, #tpu.memory_space<vmem>>, vector<1x16xf32>,
      %swap3A_138 = vector.shape_cast %swap3A_137 : vector<1x16xf32> to vector<16xf32>
      %swap3A_139 = vector.shape_cast %add3A_134 : vector<16xf32> to vector<1x16xf32>
      tpu.vector_store %arg8[%swap3A_135, %swap3A_136], %swap3A_139 {strides = array<i32>} : memref<32x1024xf32, #tpu.memory_space<vmem>>, vector<1x16xf32>,
      %get3A_140 = arith.index_cast %scan3A_42 : i32 to index
      %get3A_141 = arith.constant 112 : index
      %get3A_142 = tpu.vector_load %arg8[%get3A_140, %get3A_141] {strides = array<i32>} : memref<32x1024xf32, #tpu.memory_space<vmem>>, vector<1x16xf32>,
      %get3A_143 = vector.shape_cast %get3A_142 : vector<1x16xf32> to vector<16xf32>
      %get3A_144 = arith.index_cast %scan3A_42 : i32 to index
      %get3A_145 = arith.constant 112 : index
      %get3A_146 = tpu.vector_load %arg9[%get3A_144, %get3A_145] {strides = array<i32>} : memref<32x1024xf32, #tpu.memory_space<vmem>>, vector<1x16xf32>,
      %get3A_147 = vector.shape_cast %get3A_146 : vector<1x16xf32> to vector<16xf32>
      %add3A_148 = arith.addf %get3A_143, %get3A_147 : vector<16xf32>
      %swap3A_149 = arith.index_cast %scan3A_42 : i32 to index
      %swap3A_150 = arith.constant 112 : index
      %swap3A_151 = tpu.vector_load %arg8[%swap3A_149, %swap3A_150] {strides = array<i32>} : memref<32x1024xf32, #tpu.memory_space<vmem>>, vector<1x16xf32>,
      %swap3A_152 = vector.shape_cast %swap3A_151 : vector<1x16xf32> to vector<16xf32>
      %swap3A_153 = vector.shape_cast %add3A_148 : vector<16xf32> to vector<1x16xf32>
      tpu.vector_store %arg8[%swap3A_149, %swap3A_150], %swap3A_153 {strides = array<i32>} : memref<32x1024xf32, #tpu.memory_space<vmem>>, vector<1x16xf32>,
      %get3A_154 = arith.index_cast %scan3A_42 : i32 to index
      %get3A_155 = arith.constant 128 : index
      %get3A_156 = tpu.vector_load %arg8[%get3A_154, %get3A_155] {strides = array<i32>} : memref<32x1024xf32, #tpu.memory_space<vmem>>, vector<1x16xf32>,
      %get3A_157 = vector.shape_cast %get3A_156 : vector<1x16xf32> to vector<16xf32>
      %get3A_158 = arith.index_cast %scan3A_42 : i32 to index
      %get3A_159 = arith.constant 128 : index
      %get3A_160 = tpu.vector_load %arg9[%get3A_158, %get3A_159] {strides = array<i32>} : memref<32x1024xf32, #tpu.memory_space<vmem>>, vector<1x16xf32>,
      %get3A_161 = vector.shape_cast %get3A_160 : vector<1x16xf32> to vector<16xf32>
      %add3A_162 = arith.addf %get3A_157, %get3A_161 : vector<16xf32>
      %swap3A_163 = arith.index_cast %scan3A_42 : i32 to index
      %swap3A_164 = arith.constant 128 : index
      %swap3A_165 = tpu.vector_load %arg8[%swap3A_163, %swap3A_164] {strides = array<i32>} : memref<32x1024xf32, #tpu.memory_space<vmem>>, vector<1x16xf32>,
      %swap3A_166 = vector.shape_cast %swap3A_165 : vector<1x16xf32> to vector<16xf32>
      %swap3A_167 = vector.shape_cast %add3A_162 : vector<16xf32> to vector<1x16xf32>
      tpu.vector_store %arg8[%swap3A_163, %swap3A_164], %swap3A_167 {strides = array<i32>} : memref<32x1024xf32, #tpu.memory_space<vmem>>, vector<1x16xf32>,
      %get3A_168 = arith.index_cast %scan3A_42 : i32 to index
      %get3A_169 = arith.constant 144 : index
      %get3A_170 = tpu.vector_load %arg8[%get3A_168, %get3A_169] {strides = array<i32>} : memref<32x1024xf32, #tpu.memory_space<vmem>>, vector<1x16xf32>,
      %get3A_171 = vector.shape_cast %get3A_170 : vector<1x16xf32> to vector<16xf32>
      %get3A_172 = arith.index_cast %scan3A_42 : i32 to index
      %get3A_173 = arith.constant 144 : index
      %get3A_174 = tpu.vector_load %arg9[%get3A_172, %get3A_173] {strides = array<i32>} : memref<32x1024xf32, #tpu.memory_space<vmem>>, vector<1x16xf32>,
      %get3A_175 = vector.shape_cast %get3A_174 : vector<1x16xf32> to vector<16xf32>
      %add3A_176 = arith.addf %get3A_171, %get3A_175 : vector<16xf32>
      %swap3A_177 = arith.index_cast %scan3A_42 : i32 to index
      %swap3A_178 = arith.constant 144 : index
      %swap3A_179 = tpu.vector_load %arg8[%swap3A_177, %swap3A_178] {strides = array<i32>} : memref<32x1024xf32, #tpu.memory_space<vmem>>, vector<1x16xf32>,
      %swap3A_180 = vector.shape_cast %swap3A_179 : vector<1x16xf32> to vector<16xf32>
      %swap3A_181 = vector.shape_cast %add3A_176 : vector<16xf32> to vector<1x16xf32>
      tpu.vector_store %arg8[%swap3A_177, %swap3A_178], %swap3A_181 {strides = array<i32>} : memref<32x1024xf32, #tpu.memory_space<vmem>>, vector<1x16xf32>,
      %get3A_182 = arith.index_cast %scan3A_42 : i32 to index
      %get3A_183 = arith.constant 160 : index
      %get3A_184 = tpu.vector_load %arg8[%get3A_182, %get3A_183] {strides = array<i32>} : memref<32x1024xf32, #tpu.memory_space<vmem>>, vector<1x16xf32>,
      %get3A_185 = vector.shape_cast %get3A_184 : vector<1x16xf32> to vector<16xf32>
      %get3A_186 = arith.index_cast %scan3A_42 : i32 to index
      %get3A_187 = arith.constant 160 : index
      %get3A_188 = tpu.vector_load %arg9[%get3A_186, %get3A_187] {strides = array<i32>} : memref<32x1024xf32, #tpu.memory_space<vmem>>, vector<1x16xf32>,
      %get3A_189 = vector.shape_cast %get3A_188 : vector<1x16xf32> to vector<16xf32>
      %add3A_190 = arith.addf %get3A_185, %get3A_189 : vector<16xf32>
      %swap3A_191 = arith.index_cast %scan3A_42 : i32 to index
      %swap3A_192 = arith.constant 160 : index
      %swap3A_193 = tpu.vector_load %arg8[%swap3A_191, %swap3A_192] {strides = array<i32>} : memref<32x1024xf32, #tpu.memory_space<vmem>>, vector<1x16xf32>,
      %swap3A_194 = vector.shape_cast %swap3A_193 : vector<1x16xf32> to vector<16xf32>
      %swap3A_195 = vector.shape_cast %add3A_190 : vector<16xf32> to vector<1x16xf32>
      tpu.vector_store %arg8[%swap3A_191, %swap3A_192], %swap3A_195 {strides = array<i32>} : memref<32x1024xf32, #tpu.memory_space<vmem>>, vector<1x16xf32>,
      %get3A_196 = arith.index_cast %scan3A_42 : i32 to index
      %get3A_197 = arith.constant 176 : index
      %get3A_198 = tpu.vector_load %arg8[%get3A_196, %get3A_197] {strides = array<i32>} : memref<32x1024xf32, #tpu.memory_space<vmem>>, vector<1x16xf32>,
      %get3A_199 = vector.shape_cast %get3A_198 : vector<1x16xf32> to vector<16xf32>
      %get3A_200 = arith.index_cast %scan3A_42 : i32 to index
      %get3A_201 = arith.constant 176 : index
      %get3A_202 = tpu.vector_load %arg9[%get3A_200, %get3A_201] {strides = array<i32>} : memref<32x1024xf32, #tpu.memory_space<vmem>>, vector<1x16xf32>,
      %get3A_203 = vector.shape_cast %get3A_202 : vector<1x16xf32> to vector<16xf32>
      %add3A_204 = arith.addf %get3A_199, %get3A_203 : vector<16xf32>
      %swap3A_205 = arith.index_cast %scan3A_42 : i32 to index
      %swap3A_206 = arith.constant 176 : index
      %swap3A_207 = tpu.vector_load %arg8[%swap3A_205, %swap3A_206] {strides = array<i32>} : memref<32x1024xf32, #tpu.memory_space<vmem>>, vector<1x16xf32>,
      %swap3A_208 = vector.shape_cast %swap3A_207 : vector<1x16xf32> to vector<16xf32>
      %swap3A_209 = vector.shape_cast %add3A_204 : vector<16xf32> to vector<1x16xf32>
      tpu.vector_store %arg8[%swap3A_205, %swap3A_206], %swap3A_209 {strides = array<i32>} : memref<32x1024xf32, #tpu.memory_space<vmem>>, vector<1x16xf32>,
      %get3A_210 = arith.index_cast %scan3A_42 : i32 to index
      %get3A_211 = arith.constant 192 : index
      %get3A_212 = tpu.vector_load %arg8[%get3A_210, %get3A_211] {strides = array<i32>} : memref<32x1024xf32, #tpu.memory_space<vmem>>, vector<1x16xf32>,
      %get3A_213 = vector.shape_cast %get3A_212 : vector<1x16xf32> to vector<16xf32>
      %get3A_214 = arith.index_cast %scan3A_42 : i32 to index
      %get3A_215 = arith.constant 192 : index
      %get3A_216 = tpu.vector_load %arg9[%get3A_214, %get3A_215] {strides = array<i32>} : memref<32x1024xf32, #tpu.memory_space<vmem>>, vector<1x16xf32>,
      %get3A_217 = vector.shape_cast %get3A_216 : vector<1x16xf32> to vector<16xf32>
      %add3A_218 = arith.addf %get3A_213, %get3A_217 : vector<16xf32>
      %swap3A_219 = arith.index_cast %scan3A_42 : i32 to index
      %swap3A_220 = arith.constant 192 : index
      %swap3A_221 = tpu.vector_load %arg8[%swap3A_219, %swap3A_220] {strides = array<i32>} : memref<32x1024xf32, #tpu.memory_space<vmem>>, vector<1x16xf32>,
      %swap3A_222 = vector.shape_cast %swap3A_221 : vector<1x16xf32> to vector<16xf32>
      %swap3A_223 = vector.shape_cast %add3A_218 : vector<16xf32> to vector<1x16xf32>
      tpu.vector_store %arg8[%swap3A_219, %swap3A_220], %swap3A_223 {strides = array<i32>} : memref<32x1024xf32, #tpu.memory_space<vmem>>, vector<1x16xf32>,
      %get3A_224 = arith.index_cast %scan3A_42 : i32 to index
      %get3A_225 = arith.constant 208 : index
      %get3A_226 = tpu.vector_load %arg8[%get3A_224, %get3A_225] {strides = array<i32>} : memref<32x1024xf32, #tpu.memory_space<vmem>>, vector<1x16xf32>,
      %get3A_227 = vector.shape_cast %get3A_226 : vector<1x16xf32> to vector<16xf32>
      %get3A_228 = arith.index_cast %scan3A_42 : i32 to index
      %get3A_229 = arith.constant 208 : index
      %get3A_230 = tpu.vector_load %arg9[%get3A_228, %get3A_229] {strides = array<i32>} : memref<32x1024xf32, #tpu.memory_space<vmem>>, vector<1x16xf32>,
      %get3A_231 = vector.shape_cast %get3A_230 : vector<1x16xf32> to vector<16xf32>
      %add3A_232 = arith.addf %get3A_227, %get3A_231 : vector<16xf32>
      %swap3A_233 = arith.index_cast %scan3A_42 : i32 to index
      %swap3A_234 = arith.constant 208 : index
      %swap3A_235 = tpu.vector_load %arg8[%swap3A_233, %swap3A_234] {strides = array<i32>} : memref<32x1024xf32, #tpu.memory_space<vmem>>, vector<1x16xf32>,
      %swap3A_236 = vector.shape_cast %swap3A_235 : vector<1x16xf32> to vector<16xf32>
      %swap3A_237 = vector.shape_cast %add3A_232 : vector<16xf32> to vector<1x16xf32>
      tpu.vector_store %arg8[%swap3A_233, %swap3A_234], %swap3A_237 {strides = array<i32>} : memref<32x1024xf32, #tpu.memory_space<vmem>>, vector<1x16xf32>,
      %get3A_238 = arith.index_cast %scan3A_42 : i32 to index
      %get3A_239 = arith.constant 224 : index
      %get3A_240 = tpu.vector_load %arg8[%get3A_238, %get3A_239] {strides = array<i32>} : memref<32x1024xf32, #tpu.memory_space<vmem>>, vector<1x16xf32>,
      %get3A_241 = vector.shape_cast %get3A_240 : vector<1x16xf32> to vector<16xf32>
      %get3A_242 = arith.index_cast %scan3A_42 : i32 to index
      %get3A_243 = arith.constant 224 : index
      %get3A_244 = tpu.vector_load %arg9[%get3A_242, %get3A_243] {strides = array<i32>} : memref<32x1024xf32, #tpu.memory_space<vmem>>, vector<1x16xf32>,
      %get3A_245 = vector.shape_cast %get3A_244 : vector<1x16xf32> to vector<16xf32>
      %add3A_246 = arith.addf %get3A_241, %get3A_245 : vector<16xf32>
      %swap3A_247 = arith.index_cast %scan3A_42 : i32 to index
      %swap3A_248 = arith.constant 224 : index
      %swap3A_249 = tpu.vector_load %arg8[%swap3A_247, %swap3A_248] {strides = array<i32>} : memref<32x1024xf32, #tpu.memory_space<vmem>>, vector<1x16xf32>,
      %swap3A_250 = vector.shape_cast %swap3A_249 : vector<1x16xf32> to vector<16xf32>
      %swap3A_251 = vector.shape_cast %add3A_246 : vector<16xf32> to vector<1x16xf32>
      tpu.vector_store %arg8[%swap3A_247, %swap3A_248], %swap3A_251 {strides = array<i32>} : memref<32x1024xf32, #tpu.memory_space<vmem>>, vector<1x16xf32>,
      %get3A_252 = arith.index_cast %scan3A_42 : i32 to index
      %get3A_253 = arith.constant 240 : index
      %get3A_254 = tpu.vector_load %arg8[%get3A_252, %get3A_253] {strides = array<i32>} : memref<32x1024xf32, #tpu.memory_space<vmem>>, vector<1x16xf32>,
      %get3A_255 = vector.shape_cast %get3A_254 : vector<1x16xf32> to vector<16xf32>
      %get3A_256 = arith.index_cast %scan3A_42 : i32 to index
      %get3A_257 = arith.constant 240 : index
      %get3A_258 = tpu.vector_load %arg9[%get3A_256, %get3A_257] {strides = array<i32>} : memref<32x1024xf32, #tpu.memory_space<vmem>>, vector<1x16xf32>,
      %get3A_259 = vector.shape_cast %get3A_258 : vector<1x16xf32> to vector<16xf32>
      %add3A_260 = arith.addf %get3A_255, %get3A_259 : vector<16xf32>
      %swap3A_261 = arith.index_cast %scan3A_42 : i32 to index
      %swap3A_262 = arith.constant 240 : index
      %swap3A_263 = tpu.vector_load %arg8[%swap3A_261, %swap3A_262] {strides = array<i32>} : memref<32x1024xf32, #tpu.memory_space<vmem>>, vector<1x16xf32>,
      %swap3A_264 = vector.shape_cast %swap3A_263 : vector<1x16xf32> to vector<16xf32>
      %swap3A_265 = vector.shape_cast %add3A_260 : vector<16xf32> to vector<1x16xf32>
      tpu.vector_store %arg8[%swap3A_261, %swap3A_262], %swap3A_265 {strides = array<i32>} : memref<32x1024xf32, #tpu.memory_space<vmem>>, vector<1x16xf32>,
      %get3A_266 = arith.index_cast %scan3A_42 : i32 to index
      %get3A_267 = arith.constant 256 : index
      %get3A_268 = tpu.vector_load %arg8[%get3A_266, %get3A_267] {strides = array<i32>} : memref<32x1024xf32, #tpu.memory_space<vmem>>, vector<1x16xf32>,
      %get3A_269 = vector.shape_cast %get3A_268 : vector<1x16xf32> to vector<16xf32>
      %get3A_270 = arith.index_cast %scan3A_42 : i32 to index
      %get3A_271 = arith.constant 256 : index
      %get3A_272 = tpu.vector_load %arg9[%get3A_270, %get3A_271] {strides = array<i32>} : memref<32x1024xf32, #tpu.memory_space<vmem>>, vector<1x16xf32>,
      %get3A_273 = vector.shape_cast %get3A_272 : vector<1x16xf32> to vector<16xf32>
      %add3A_274 = arith.addf %get3A_269, %get3A_273 : vector<16xf32>
      %swap3A_275 = arith.index_cast %scan3A_42 : i32 to index
      %swap3A_276 = arith.constant 256 : index
      %swap3A_277 = tpu.vector_load %arg8[%swap3A_275, %swap3A_276] {strides = array<i32>} : memref<32x1024xf32, #tpu.memory_space<vmem>>, vector<1x16xf32>,
      %swap3A_278 = vector.shape_cast %swap3A_277 : vector<1x16xf32> to vector<16xf32>
      %swap3A_279 = vector.shape_cast %add3A_274 : vector<16xf32> to vector<1x16xf32>
      tpu.vector_store %arg8[%swap3A_275, %swap3A_276], %swap3A_279 {strides = array<i32>} : memref<32x1024xf32, #tpu.memory_space<vmem>>, vector<1x16xf32>,
      %get3A_280 = arith.index_cast %scan3A_42 : i32 to index
      %get3A_281 = arith.constant 272 : index
      %get3A_282 = tpu.vector_load %arg8[%get3A_280, %get3A_281] {strides = array<i32>} : memref<32x1024xf32, #tpu.memory_space<vmem>>, vector<1x16xf32>,
      %get3A_283 = vector.shape_cast %get3A_282 : vector<1x16xf32> to vector<16xf32>
      %get3A_284 = arith.index_cast %scan3A_42 : i32 to index
      %get3A_285 = arith.constant 272 : index
      %get3A_286 = tpu.vector_load %arg9[%get3A_284, %get3A_285] {strides = array<i32>} : memref<32x1024xf32, #tpu.memory_space<vmem>>, vector<1x16xf32>,
      %get3A_287 = vector.shape_cast %get3A_286 : vector<1x16xf32> to vector<16xf32>
      %add3A_288 = arith.addf %get3A_283, %get3A_287 : vector<16xf32>
      %swap3A_289 = arith.index_cast %scan3A_42 : i32 to index
      %swap3A_290 = arith.constant 272 : index
      %swap3A_291 = tpu.vector_load %arg8[%swap3A_289, %swap3A_290] {strides = array<i32>} : memref<32x1024xf32, #tpu.memory_space<vmem>>, vector<1x16xf32>,
      %swap3A_292 = vector.shape_cast %swap3A_291 : vector<1x16xf32> to vector<16xf32>
      %swap3A_293 = vector.shape_cast %add3A_288 : vector<16xf32> to vector<1x16xf32>
      tpu.vector_store %arg8[%swap3A_289, %swap3A_290], %swap3A_293 {strides = array<i32>} : memref<32x1024xf32, #tpu.memory_space<vmem>>, vector<1x16xf32>,
      %get3A_294 = arith.index_cast %scan3A_42 : i32 to index
      %get3A_295 = arith.constant 288 : index
      %get3A_296 = tpu.vector_load %arg8[%get3A_294, %get3A_295] {strides = array<i32>} : memref<32x1024xf32, #tpu.memory_space<vmem>>, vector<1x16xf32>,
      %get3A_297 = vector.shape_cast %get3A_296 : vector<1x16xf32> to vector<16xf32>
      %get3A_298 = arith.index_cast %scan3A_42 : i32 to index
      %get3A_299 = arith.constant 288 : index
      %get3A_300 = tpu.vector_load %arg9[%get3A_298, %get3A_299] {strides = array<i32>} : memref<32x1024xf32, #tpu.memory_space<vmem>>, vector<1x16xf32>,
      %get3A_301 = vector.shape_cast %get3A_300 : vector<1x16xf32> to vector<16xf32>
      %add3A_302 = arith.addf %get3A_297, %get3A_301 : vector<16xf32>
      %swap3A_303 = arith.index_cast %scan3A_42 : i32 to index
      %swap3A_304 = arith.constant 288 : index
      %swap3A_305 = tpu.vector_load %arg8[%swap3A_303, %swap3A_304] {strides = array<i32>} : memref<32x1024xf32, #tpu.memory_space<vmem>>, vector<1x16xf32>,
      %swap3A_306 = vector.shape_cast %swap3A_305 : vector<1x16xf32> to vector<16xf32>
      %swap3A_307 = vector.shape_cast %add3A_302 : vector<16xf32> to vector<1x16xf32>
      tpu.vector_store %arg8[%swap3A_303, %swap3A_304], %swap3A_307 {strides = array<i32>} : memref<32x1024xf32, #tpu.memory_space<vmem>>, vector<1x16xf32>,
      %get3A_308 = arith.index_cast %scan3A_42 : i32 to index
      %get3A_309 = arith.constant 304 : index
      %get3A_310 = tpu.vector_load %arg8[%get3A_308, %get3A_309] {strides = array<i32>} : memref<32x1024xf32, #tpu.memory_space<vmem>>, vector<1x16xf32>,
      %get3A_311 = vector.shape_cast %get3A_310 : vector<1x16xf32> to vector<16xf32>
      %get3A_312 = arith.index_cast %scan3A_42 : i32 to index
      %get3A_313 = arith.constant 304 : index
      %get3A_314 = tpu.vector_load %arg9[%get3A_312, %get3A_313] {strides = array<i32>} : memref<32x1024xf32, #tpu.memory_space<vmem>>, vector<1x16xf32>,
      %get3A_315 = vector.shape_cast %get3A_314 : vector<1x16xf32> to vector<16xf32>
      %add3A_316 = arith.addf %get3A_311, %get3A_315 : vector<16xf32>
      %swap3A_317 = arith.index_cast %scan3A_42 : i32 to index
      %swap3A_318 = arith.constant 304 : index
      %swap3A_319 = tpu.vector_load %arg8[%swap3A_317, %swap3A_318] {strides = array<i32>} : memref<32x1024xf32, #tpu.memory_space<vmem>>, vector<1x16xf32>,
      %swap3A_320 = vector.shape_cast %swap3A_319 : vector<1x16xf32> to vector<16xf32>
      %swap3A_321 = vector.shape_cast %add3A_316 : vector<16xf32> to vector<1x16xf32>
      tpu.vector_store %arg8[%swap3A_317, %swap3A_318], %swap3A_321 {strides = array<i32>} : memref<32x1024xf32, #tpu.memory_space<vmem>>, vector<1x16xf32>,
      %get3A_322 = arith.index_cast %scan3A_42 : i32 to index
      %get3A_323 = arith.constant 320 : index
      %get3A_324 = tpu.vector_load %arg8[%get3A_322, %get3A_323] {strides = array<i32>} : memref<32x1024xf32, #tpu.memory_space<vmem>>, vector<1x16xf32>,
      %get3A_325 = vector.shape_cast %get3A_324 : vector<1x16xf32> to vector<16xf32>
      %get3A_326 = arith.index_cast %scan3A_42 : i32 to index
      %get3A_327 = arith.constant 320 : index
      %get3A_328 = tpu.vector_load %arg9[%get3A_326, %get3A_327] {strides = array<i32>} : memref<32x1024xf32, #tpu.memory_space<vmem>>, vector<1x16xf32>,
      %get3A_329 = vector.shape_cast %get3A_328 : vector<1x16xf32> to vector<16xf32>
      %add3A_330 = arith.addf %get3A_325, %get3A_329 : vector<16xf32>
      %swap3A_331 = arith.index_cast %scan3A_42 : i32 to index
      %swap3A_332 = arith.constant 320 : index
      %swap3A_333 = tpu.vector_load %arg8[%swap3A_331, %swap3A_332] {strides = array<i32>} : memref<32x1024xf32, #tpu.memory_space<vmem>>, vector<1x16xf32>,
      %swap3A_334 = vector.shape_cast %swap3A_333 : vector<1x16xf32> to vector<16xf32>
      %swap3A_335 = vector.shape_cast %add3A_330 : vector<16xf32> to vector<1x16xf32>
      tpu.vector_store %arg8[%swap3A_331, %swap3A_332], %swap3A_335 {strides = array<i32>} : memref<32x1024xf32, #tpu.memory_space<vmem>>, vector<1x16xf32>,
      %get3A_336 = arith.index_cast %scan3A_42 : i32 to index
      %get3A_337 = arith.constant 336 : index
      %get3A_338 = tpu.vector_load %arg8[%get3A_336, %get3A_337] {strides = array<i32>} : memref<32x1024xf32, #tpu.memory_space<vmem>>, vector<1x16xf32>,
      %get3A_339 = vector.shape_cast %get3A_338 : vector<1x16xf32> to vector<16xf32>
      %get3A_340 = arith.index_cast %scan3A_42 : i32 to index
      %get3A_341 = arith.constant 336 : index
      %get3A_342 = tpu.vector_load %arg9[%get3A_340, %get3A_341] {strides = array<i32>} : memref<32x1024xf32, #tpu.memory_space<vmem>>, vector<1x16xf32>,
      %get3A_343 = vector.shape_cast %get3A_342 : vector<1x16xf32> to vector<16xf32>
      %add3A_344 = arith.addf %get3A_339, %get3A_343 : vector<16xf32>
      %swap3A_345 = arith.index_cast %scan3A_42 : i32 to index
      %swap3A_346 = arith.constant 336 : index
      %swap3A_347 = tpu.vector_load %arg8[%swap3A_345, %swap3A_346] {strides = array<i32>} : memref<32x1024xf32, #tpu.memory_space<vmem>>, vector<1x16xf32>,
      %swap3A_348 = vector.shape_cast %swap3A_347 : vector<1x16xf32> to vector<16xf32>
      %swap3A_349 = vector.shape_cast %add3A_344 : vector<16xf32> to vector<1x16xf32>
      tpu.vector_store %arg8[%swap3A_345, %swap3A_346], %swap3A_349 {strides = array<i32>} : memref<32x1024xf32, #tpu.memory_space<vmem>>, vector<1x16xf32>,
      %get3A_350 = arith.index_cast %scan3A_42 : i32 to index
      %get3A_351 = arith.constant 352 : index
      %get3A_352 = tpu.vector_load %arg8[%get3A_350, %get3A_351] {strides = array<i32>} : memref<32x1024xf32, #tpu.memory_space<vmem>>, vector<1x16xf32>,
      %get3A_353 = vector.shape_cast %get3A_352 : vector<1x16xf32> to vector<16xf32>
      %get3A_354 = arith.index_cast %scan3A_42 : i32 to index
      %get3A_355 = arith.constant 352 : index
      %get3A_356 = tpu.vector_load %arg9[%get3A_354, %get3A_355] {strides = array<i32>} : memref<32x1024xf32, #tpu.memory_space<vmem>>, vector<1x16xf32>,
      %get3A_357 = vector.shape_cast %get3A_356 : vector<1x16xf32> to vector<16xf32>
      %add3A_358 = arith.addf %get3A_353, %get3A_357 : vector<16xf32>
      %swap3A_359 = arith.index_cast %scan3A_42 : i32 to index
      %swap3A_360 = arith.constant 352 : index
      %swap3A_361 = tpu.vector_load %arg8[%swap3A_359, %swap3A_360] {strides = array<i32>} : memref<32x1024xf32, #tpu.memory_space<vmem>>, vector<1x16xf32>,
      %swap3A_362 = vector.shape_cast %swap3A_361 : vector<1x16xf32> to vector<16xf32>
      %swap3A_363 = vector.shape_cast %add3A_358 : vector<16xf32> to vector<1x16xf32>
      tpu.vector_store %arg8[%swap3A_359, %swap3A_360], %swap3A_363 {strides = array<i32>} : memref<32x1024xf32, #tpu.memory_space<vmem>>, vector<1x16xf32>,
      %get3A_364 = arith.index_cast %scan3A_42 : i32 to index
      %get3A_365 = arith.constant 368 : index
      %get3A_366 = tpu.vector_load %arg8[%get3A_364, %get3A_365] {strides = array<i32>} : memref<32x1024xf32, #tpu.memory_space<vmem>>, vector<1x16xf32>,
      %get3A_367 = vector.shape_cast %get3A_366 : vector<1x16xf32> to vector<16xf32>
      %get3A_368 = arith.index_cast %scan3A_42 : i32 to index
      %get3A_369 = arith.constant 368 : index
      %get3A_370 = tpu.vector_load %arg9[%get3A_368, %get3A_369] {strides = array<i32>} : memref<32x1024xf32, #tpu.memory_space<vmem>>, vector<1x16xf32>,
      %get3A_371 = vector.shape_cast %get3A_370 : vector<1x16xf32> to vector<16xf32>
      %add3A_372 = arith.addf %get3A_367, %get3A_371 : vector<16xf32>
      %swap3A_373 = arith.index_cast %scan3A_42 : i32 to index
      %swap3A_374 = arith.constant 368 : index
      %swap3A_375 = tpu.vector_load %arg8[%swap3A_373, %swap3A_374] {strides = array<i32>} : memref<32x1024xf32, #tpu.memory_space<vmem>>, vector<1x16xf32>,
      %swap3A_376 = vector.shape_cast %swap3A_375 : vector<1x16xf32> to vector<16xf32>
      %swap3A_377 = vector.shape_cast %add3A_372 : vector<16xf32> to vector<1x16xf32>
      tpu.vector_store %arg8[%swap3A_373, %swap3A_374], %swap3A_377 {strides = array<i32>} : memref<32x1024xf32, #tpu.memory_space<vmem>>, vector<1x16xf32>,
      %get3A_378 = arith.index_cast %scan3A_42 : i32 to index
      %get3A_379 = arith.constant 384 : index
      %get3A_380 = tpu.vector_load %arg8[%get3A_378, %get3A_379] {strides = array<i32>} : memref<32x1024xf32, #tpu.memory_space<vmem>>, vector<1x16xf32>,
      %get3A_381 = vector.shape_cast %get3A_380 : vector<1x16xf32> to vector<16xf32>
      %get3A_382 = arith.index_cast %scan3A_42 : i32 to index
      %get3A_383 = arith.constant 384 : index
      %get3A_384 = tpu.vector_load %arg9[%get3A_382, %get3A_383] {strides = array<i32>} : memref<32x1024xf32, #tpu.memory_space<vmem>>, vector<1x16xf32>,
      %get3A_385 = vector.shape_cast %get3A_384 : vector<1x16xf32> to vector<16xf32>
      %add3A_386 = arith.addf %get3A_381, %get3A_385 : vector<16xf32>
      %swap3A_387 = arith.index_cast %scan3A_42 : i32 to index
      %swap3A_388 = arith.constant 384 : index
      %swap3A_389 = tpu.vector_load %arg8[%swap3A_387, %swap3A_388] {strides = array<i32>} : memref<32x1024xf32, #tpu.memory_space<vmem>>, vector<1x16xf32>,
      %swap3A_390 = vector.shape_cast %swap3A_389 : vector<1x16xf32> to vector<16xf32>
      %swap3A_391 = vector.shape_cast %add3A_386 : vector<16xf32> to vector<1x16xf32>
      tpu.vector_store %arg8[%swap3A_387, %swap3A_388], %swap3A_391 {strides = array<i32>} : memref<32x1024xf32, #tpu.memory_space<vmem>>, vector<1x16xf32>,
      %get3A_392 = arith.index_cast %scan3A_42 : i32 to index
      %get3A_393 = arith.constant 400 : index
      %get3A_394 = tpu.vector_load %arg8[%get3A_392, %get3A_393] {strides = array<i32>} : memref<32x1024xf32, #tpu.memory_space<vmem>>, vector<1x16xf32>,
      %get3A_395 = vector.shape_cast %get3A_394 : vector<1x16xf32> to vector<16xf32>
      %get3A_396 = arith.index_cast %scan3A_42 : i32 to index
      %get3A_397 = arith.constant 400 : index
      %get3A_398 = tpu.vector_load %arg9[%get3A_396, %get3A_397] {strides = array<i32>} : memref<32x1024xf32, #tpu.memory_space<vmem>>, vector<1x16xf32>,
      %get3A_399 = vector.shape_cast %get3A_398 : vector<1x16xf32> to vector<16xf32>
      %add3A_400 = arith.addf %get3A_395, %get3A_399 : vector<16xf32>
      %swap3A_401 = arith.index_cast %scan3A_42 : i32 to index
      %swap3A_402 = arith.constant 400 : index
      %swap3A_403 = tpu.vector_load %arg8[%swap3A_401, %swap3A_402] {strides = array<i32>} : memref<32x1024xf32, #tpu.memory_space<vmem>>, vector<1x16xf32>,
      %swap3A_404 = vector.shape_cast %swap3A_403 : vector<1x16xf32> to vector<16xf32>
      %swap3A_405 = vector.shape_cast %add3A_400 : vector<16xf32> to vector<1x16xf32>
      tpu.vector_store %arg8[%swap3A_401, %swap3A_402], %swap3A_405 {strides = array<i32>} : memref<32x1024xf32, #tpu.memory_space<vmem>>, vector<1x16xf32>,
      %get3A_406 = arith.index_cast %scan3A_42 : i32 to index
      %get3A_407 = arith.constant 416 : index
      %get3A_408 = tpu.vector_load %arg8[%get3A_406, %get3A_407] {strides = array<i32>} : memref<32x1024xf32, #tpu.memory_space<vmem>>, vector<1x16xf32>,
      %get3A_409 = vector.shape_cast %get3A_408 : vector<1x16xf32> to vector<16xf32>
      %get3A_410 = arith.index_cast %scan3A_42 : i32 to index
      %get3A_411 = arith.constant 416 : index
      %get3A_412 = tpu.vector_load %arg9[%get3A_410, %get3A_411] {strides = array<i32>} : memref<32x1024xf32, #tpu.memory_space<vmem>>, vector<1x16xf32>,
      %get3A_413 = vector.shape_cast %get3A_412 : vector<1x16xf32> to vector<16xf32>
      %add3A_414 = arith.addf %get3A_409, %get3A_413 : vector<16xf32>
      %swap3A_415 = arith.index_cast %scan3A_42 : i32 to index
      %swap3A_416 = arith.constant 416 : index
      %swap3A_417 = tpu.vector_load %arg8[%swap3A_415, %swap3A_416] {strides = array<i32>} : memref<32x1024xf32, #tpu.memory_space<vmem>>, vector<1x16xf32>,
      %swap3A_418 = vector.shape_cast %swap3A_417 : vector<1x16xf32> to vector<16xf32>
      %swap3A_419 = vector.shape_cast %add3A_414 : vector<16xf32> to vector<1x16xf32>
      tpu.vector_store %arg8[%swap3A_415, %swap3A_416], %swap3A_419 {strides = array<i32>} : memref<32x1024xf32, #tpu.memory_space<vmem>>, vector<1x16xf32>,
      %get3A_420 = arith.index_cast %scan3A_42 : i32 to index
      %get3A_421 = arith.constant 432 : index
      %get3A_422 = tpu.vector_load %arg8[%get3A_420, %get3A_421] {strides = array<i32>} : memref<32x1024xf32, #tpu.memory_space<vmem>>, vector<1x16xf32>,
      %get3A_423 = vector.shape_cast %get3A_422 : vector<1x16xf32> to vector<16xf32>
      %get3A_424 = arith.index_cast %scan3A_42 : i32 to index
      %get3A_425 = arith.constant 432 : index
      %get3A_426 = tpu.vector_load %arg9[%get3A_424, %get3A_425] {strides = array<i32>} : memref<32x1024xf32, #tpu.memory_space<vmem>>, vector<1x16xf32>,
      %get3A_427 = vector.shape_cast %get3A_426 : vector<1x16xf32> to vector<16xf32>
      %add3A_428 = arith.addf %get3A_423, %get3A_427 : vector<16xf32>
      %swap3A_429 = arith.index_cast %scan3A_42 : i32 to index
      %swap3A_430 = arith.constant 432 : index
      %swap3A_431 = tpu.vector_load %arg8[%swap3A_429, %swap3A_430] {strides = array<i32>} : memref<32x1024xf32, #tpu.memory_space<vmem>>, vector<1x16xf32>,
      %swap3A_432 = vector.shape_cast %swap3A_431 : vector<1x16xf32> to vector<16xf32>
      %swap3A_433 = vector.shape_cast %add3A_428 : vector<16xf32> to vector<1x16xf32>
      tpu.vector_store %arg8[%swap3A_429, %swap3A_430], %swap3A_433 {strides = array<i32>} : memref<32x1024xf32, #tpu.memory_space<vmem>>, vector<1x16xf32>,
      %get3A_434 = arith.index_cast %scan3A_42 : i32 to index
      %get3A_435 = arith.constant 448 : index
      %get3A_436 = tpu.vector_load %arg8[%get3A_434, %get3A_435] {strides = array<i32>} : memref<32x1024xf32, #tpu.memory_space<vmem>>, vector<1x16xf32>,
      %get3A_437 = vector.shape_cast %get3A_436 : vector<1x16xf32> to vector<16xf32>
      %get3A_438 = arith.index_cast %scan3A_42 : i32 to index
      %get3A_439 = arith.constant 448 : index
      %get3A_440 = tpu.vector_load %arg9[%get3A_438, %get3A_439] {strides = array<i32>} : memref<32x1024xf32, #tpu.memory_space<vmem>>, vector<1x16xf32>,
      %get3A_441 = vector.shape_cast %get3A_440 : vector<1x16xf32> to vector<16xf32>
      %add3A_442 = arith.addf %get3A_437, %get3A_441 : vector<16xf32>
      %swap3A_443 = arith.index_cast %scan3A_42 : i32 to index
      %swap3A_444 = arith.constant 448 : index
      %swap3A_445 = tpu.vector_load %arg8[%swap3A_443, %swap3A_444] {strides = array<i32>} : memref<32x1024xf32, #tpu.memory_space<vmem>>, vector<1x16xf32>,
      %swap3A_446 = vector.shape_cast %swap3A_445 : vector<1x16xf32> to vector<16xf32>
      %swap3A_447 = vector.shape_cast %add3A_442 : vector<16xf32> to vector<1x16xf32>
      tpu.vector_store %arg8[%swap3A_443, %swap3A_444], %swap3A_447 {strides = array<i32>} : memref<32x1024xf32, #tpu.memory_space<vmem>>, vector<1x16xf32>,
      %get3A_448 = arith.index_cast %scan3A_42 : i32 to index
      %get3A_449 = arith.constant 464 : index
      %get3A_450 = tpu.vector_load %arg8[%get3A_448, %get3A_449] {strides = array<i32>} : memref<32x1024xf32, #tpu.memory_space<vmem>>, vector<1x16xf32>,
      %get3A_451 = vector.shape_cast %get3A_450 : vector<1x16xf32> to vector<16xf32>
      %get3A_452 = arith.index_cast %scan3A_42 : i32 to index
      %get3A_453 = arith.constant 464 : index
      %get3A_454 = tpu.vector_load %arg9[%get3A_452, %get3A_453] {strides = array<i32>} : memref<32x1024xf32, #tpu.memory_space<vmem>>, vector<1x16xf32>,
      %get3A_455 = vector.shape_cast %get3A_454 : vector<1x16xf32> to vector<16xf32>
      %add3A_456 = arith.addf %get3A_451, %get3A_455 : vector<16xf32>
      %swap3A_457 = arith.index_cast %scan3A_42 : i32 to index
      %swap3A_458 = arith.constant 464 : index
      %swap3A_459 = tpu.vector_load %arg8[%swap3A_457, %swap3A_458] {strides = array<i32>} : memref<32x1024xf32, #tpu.memory_space<vmem>>, vector<1x16xf32>,
      %swap3A_460 = vector.shape_cast %swap3A_459 : vector<1x16xf32> to vector<16xf32>
      %swap3A_461 = vector.shape_cast %add3A_456 : vector<16xf32> to vector<1x16xf32>
      tpu.vector_store %arg8[%swap3A_457, %swap3A_458], %swap3A_461 {strides = array<i32>} : memref<32x1024xf32, #tpu.memory_space<vmem>>, vector<1x16xf32>,
      %get3A_462 = arith.index_cast %scan3A_42 : i32 to index
      %get3A_463 = arith.constant 480 : index
      %get3A_464 = tpu.vector_load %arg8[%get3A_462, %get3A_463] {strides = array<i32>} : memref<32x1024xf32, #tpu.memory_space<vmem>>, vector<1x16xf32>,
      %get3A_465 = vector.shape_cast %get3A_464 : vector<1x16xf32> to vector<16xf32>
      %get3A_466 = arith.index_cast %scan3A_42 : i32 to index
      %get3A_467 = arith.constant 480 : index
      %get3A_468 = tpu.vector_load %arg9[%get3A_466, %get3A_467] {strides = array<i32>} : memref<32x1024xf32, #tpu.memory_space<vmem>>, vector<1x16xf32>,
      %get3A_469 = vector.shape_cast %get3A_468 : vector<1x16xf32> to vector<16xf32>
      %add3A_470 = arith.addf %get3A_465, %get3A_469 : vector<16xf32>
      %swap3A_471 = arith.index_cast %scan3A_42 : i32 to index
      %swap3A_472 = arith.constant 480 : index
      %swap3A_473 = tpu.vector_load %arg8[%swap3A_471, %swap3A_472] {strides = array<i32>} : memref<32x1024xf32, #tpu.memory_space<vmem>>, vector<1x16xf32>,
      %swap3A_474 = vector.shape_cast %swap3A_473 : vector<1x16xf32> to vector<16xf32>
      %swap3A_475 = vector.shape_cast %add3A_470 : vector<16xf32> to vector<1x16xf32>
      tpu.vector_store %arg8[%swap3A_471, %swap3A_472], %swap3A_475 {strides = array<i32>} : memref<32x1024xf32, #tpu.memory_space<vmem>>, vector<1x16xf32>,
      %get3A_476 = arith.index_cast %scan3A_42 : i32 to index
      %get3A_477 = arith.constant 496 : index
      %get3A_478 = tpu.vector_load %arg8[%get3A_476, %get3A_477] {strides = array<i32>} : memref<32x1024xf32, #tpu.memory_space<vmem>>, vector<1x16xf32>,
      %get3A_479 = vector.shape_cast %get3A_478 : vector<1x16xf32> to vector<16xf32>
      %get3A_480 = arith.index_cast %scan3A_42 : i32 to index
      %get3A_481 = arith.constant 496 : index
      %get3A_482 = tpu.vector_load %arg9[%get3A_480, %get3A_481] {strides = array<i32>} : memref<32x1024xf32, #tpu.memory_space<vmem>>, vector<1x16xf32>,
      %get3A_483 = vector.shape_cast %get3A_482 : vector<1x16xf32> to vector<16xf32>
      %add3A_484 = arith.addf %get3A_479, %get3A_483 : vector<16xf32>
      %swap3A_485 = arith.index_cast %scan3A_42 : i32 to index
      %swap3A_486 = arith.constant 496 : index
      %swap3A_487 = tpu.vector_load %arg8[%swap3A_485, %swap3A_486] {strides = array<i32>} : memref<32x1024xf32, #tpu.memory_space<vmem>>, vector<1x16xf32>,
      %swap3A_488 = vector.shape_cast %swap3A_487 : vector<1x16xf32> to vector<16xf32>
      %swap3A_489 = vector.shape_cast %add3A_484 : vector<16xf32> to vector<1x16xf32>
      tpu.vector_store %arg8[%swap3A_485, %swap3A_486], %swap3A_489 {strides = array<i32>} : memref<32x1024xf32, #tpu.memory_space<vmem>>, vector<1x16xf32>,
      %get3A_490 = arith.index_cast %scan3A_42 : i32 to index
      %get3A_491 = arith.constant 512 : index
      %get3A_492 = tpu.vector_load %arg8[%get3A_490, %get3A_491] {strides = array<i32>} : memref<32x1024xf32, #tpu.memory_space<vmem>>, vector<1x16xf32>,
      %get3A_493 = vector.shape_cast %get3A_492 : vector<1x16xf32> to vector<16xf32>
      %get3A_494 = arith.index_cast %scan3A_42 : i32 to index
      %get3A_495 = arith.constant 512 : index
      %get3A_496 = tpu.vector_load %arg9[%get3A_494, %get3A_495] {strides = array<i32>} : memref<32x1024xf32, #tpu.memory_space<vmem>>, vector<1x16xf32>,
      %get3A_497 = vector.shape_cast %get3A_496 : vector<1x16xf32> to vector<16xf32>
      %add3A_498 = arith.addf %get3A_493, %get3A_497 : vector<16xf32>
      %swap3A_499 = arith.index_cast %scan3A_42 : i32 to index
      %swap3A_500 = arith.constant 512 : index
      %swap3A_501 = tpu.vector_load %arg8[%swap3A_499, %swap3A_500] {strides = array<i32>} : memref<32x1024xf32, #tpu.memory_space<vmem>>, vector<1x16xf32>,
      %swap3A_502 = vector.shape_cast %swap3A_501 : vector<1x16xf32> to vector<16xf32>
      %swap3A_503 = vector.shape_cast %add3A_498 : vector<16xf32> to vector<1x16xf32>
      tpu.vector_store %arg8[%swap3A_499, %swap3A_500], %swap3A_503 {strides = array<i32>} : memref<32x1024xf32, #tpu.memory_space<vmem>>, vector<1x16xf32>,
      %get3A_504 = arith.index_cast %scan3A_42 : i32 to index
      %get3A_505 = arith.constant 528 : index
      %get3A_506 = tpu.vector_load %arg8[%get3A_504, %get3A_505] {strides = array<i32>} : memref<32x1024xf32, #tpu.memory_space<vmem>>, vector<1x16xf32>,
      %get3A_507 = vector.shape_cast %get3A_506 : vector<1x16xf32> to vector<16xf32>
      %get3A_508 = arith.index_cast %scan3A_42 : i32 to index
      %get3A_509 = arith.constant 528 : index
      %get3A_510 = tpu.vector_load %arg9[%get3A_508, %get3A_509] {strides = array<i32>} : memref<32x1024xf32, #tpu.memory_space<vmem>>, vector<1x16xf32>,
      %get3A_511 = vector.shape_cast %get3A_510 : vector<1x16xf32> to vector<16xf32>
      %add3A_512 = arith.addf %get3A_507, %get3A_511 : vector<16xf32>
      %swap3A_513 = arith.index_cast %scan3A_42 : i32 to index
      %swap3A_514 = arith.constant 528 : index
      %swap3A_515 = tpu.vector_load %arg8[%swap3A_513, %swap3A_514] {strides = array<i32>} : memref<32x1024xf32, #tpu.memory_space<vmem>>, vector<1x16xf32>,
      %swap3A_516 = vector.shape_cast %swap3A_515 : vector<1x16xf32> to vector<16xf32>
      %swap3A_517 = vector.shape_cast %add3A_512 : vector<16xf32> to vector<1x16xf32>
      tpu.vector_store %arg8[%swap3A_513, %swap3A_514], %swap3A_517 {strides = array<i32>} : memref<32x1024xf32, #tpu.memory_space<vmem>>, vector<1x16xf32>,
      %get3A_518 = arith.index_cast %scan3A_42 : i32 to index
      %get3A_519 = arith.constant 544 : index
      %get3A_520 = tpu.vector_load %arg8[%get3A_518, %get3A_519] {strides = array<i32>} : memref<32x1024xf32, #tpu.memory_space<vmem>>, vector<1x16xf32>,
      %get3A_521 = vector.shape_cast %get3A_520 : vector<1x16xf32> to vector<16xf32>
      %get3A_522 = arith.index_cast %scan3A_42 : i32 to index
      %get3A_523 = arith.constant 544 : index
      %get3A_524 = tpu.vector_load %arg9[%get3A_522, %get3A_523] {strides = array<i32>} : memref<32x1024xf32, #tpu.memory_space<vmem>>, vector<1x16xf32>,
      %get3A_525 = vector.shape_cast %get3A_524 : vector<1x16xf32> to vector<16xf32>
      %add3A_526 = arith.addf %get3A_521, %get3A_525 : vector<16xf32>
      %swap3A_527 = arith.index_cast %scan3A_42 : i32 to index
      %swap3A_528 = arith.constant 544 : index
      %swap3A_529 = tpu.vector_load %arg8[%swap3A_527, %swap3A_528] {strides = array<i32>} : memref<32x1024xf32, #tpu.memory_space<vmem>>, vector<1x16xf32>,
      %swap3A_530 = vector.shape_cast %swap3A_529 : vector<1x16xf32> to vector<16xf32>
      %swap3A_531 = vector.shape_cast %add3A_526 : vector<16xf32> to vector<1x16xf32>
      tpu.vector_store %arg8[%swap3A_527, %swap3A_528], %swap3A_531 {strides = array<i32>} : memref<32x1024xf32, #tpu.memory_space<vmem>>, vector<1x16xf32>,
      %get3A_532 = arith.index_cast %scan3A_42 : i32 to index
      %get3A_533 = arith.constant 560 : index
      %get3A_534 = tpu.vector_load %arg8[%get3A_532, %get3A_533] {strides = array<i32>} : memref<32x1024xf32, #tpu.memory_space<vmem>>, vector<1x16xf32>,
      %get3A_535 = vector.shape_cast %get3A_534 : vector<1x16xf32> to vector<16xf32>
      %get3A_536 = arith.index_cast %scan3A_42 : i32 to index
      %get3A_537 = arith.constant 560 : index
      %get3A_538 = tpu.vector_load %arg9[%get3A_536, %get3A_537] {strides = array<i32>} : memref<32x1024xf32, #tpu.memory_space<vmem>>, vector<1x16xf32>,
      %get3A_539 = vector.shape_cast %get3A_538 : vector<1x16xf32> to vector<16xf32>
      %add3A_540 = arith.addf %get3A_535, %get3A_539 : vector<16xf32>
      %swap3A_541 = arith.index_cast %scan3A_42 : i32 to index
      %swap3A_542 = arith.constant 560 : index
      %swap3A_543 = tpu.vector_load %arg8[%swap3A_541, %swap3A_542] {strides = array<i32>} : memref<32x1024xf32, #tpu.memory_space<vmem>>, vector<1x16xf32>,
      %swap3A_544 = vector.shape_cast %swap3A_543 : vector<1x16xf32> to vector<16xf32>
      %swap3A_545 = vector.shape_cast %add3A_540 : vector<16xf32> to vector<1x16xf32>
      tpu.vector_store %arg8[%swap3A_541, %swap3A_542], %swap3A_545 {strides = array<i32>} : memref<32x1024xf32, #tpu.memory_space<vmem>>, vector<1x16xf32>,
      %get3A_546 = arith.index_cast %scan3A_42 : i32 to index
      %get3A_547 = arith.constant 576 : index
      %get3A_548 = tpu.vector_load %arg8[%get3A_546, %get3A_547] {strides = array<i32>} : memref<32x1024xf32, #tpu.memory_space<vmem>>, vector<1x16xf32>,
      %get3A_549 = vector.shape_cast %get3A_548 : vector<1x16xf32> to vector<16xf32>
      %get3A_550 = arith.index_cast %scan3A_42 : i32 to index
      %get3A_551 = arith.constant 576 : index
      %get3A_552 = tpu.vector_load %arg9[%get3A_550, %get3A_551] {strides = array<i32>} : memref<32x1024xf32, #tpu.memory_space<vmem>>, vector<1x16xf32>,
      %get3A_553 = vector.shape_cast %get3A_552 : vector<1x16xf32> to vector<16xf32>
      %add3A_554 = arith.addf %get3A_549, %get3A_553 : vector<16xf32>
      %swap3A_555 = arith.index_cast %scan3A_42 : i32 to index
      %swap3A_556 = arith.constant 576 : index
      %swap3A_557 = tpu.vector_load %arg8[%swap3A_555, %swap3A_556] {strides = array<i32>} : memref<32x1024xf32, #tpu.memory_space<vmem>>, vector<1x16xf32>,
      %swap3A_558 = vector.shape_cast %swap3A_557 : vector<1x16xf32> to vector<16xf32>
      %swap3A_559 = vector.shape_cast %add3A_554 : vector<16xf32> to vector<1x16xf32>
      tpu.vector_store %arg8[%swap3A_555, %swap3A_556], %swap3A_559 {strides = array<i32>} : memref<32x1024xf32, #tpu.memory_space<vmem>>, vector<1x16xf32>,
      %get3A_560 = arith.index_cast %scan3A_42 : i32 to index
      %get3A_561 = arith.constant 592 : index
      %get3A_562 = tpu.vector_load %arg8[%get3A_560, %get3A_561] {strides = array<i32>} : memref<32x1024xf32, #tpu.memory_space<vmem>>, vector<1x16xf32>,
      %get3A_563 = vector.shape_cast %get3A_562 : vector<1x16xf32> to vector<16xf32>
      %get3A_564 = arith.index_cast %scan3A_42 : i32 to index
      %get3A_565 = arith.constant 592 : index
      %get3A_566 = tpu.vector_load %arg9[%get3A_564, %get3A_565] {strides = array<i32>} : memref<32x1024xf32, #tpu.memory_space<vmem>>, vector<1x16xf32>,
      %get3A_567 = vector.shape_cast %get3A_566 : vector<1x16xf32> to vector<16xf32>
      %add3A_568 = arith.addf %get3A_563, %get3A_567 : vector<16xf32>
      %swap3A_569 = arith.index_cast %scan3A_42 : i32 to index
      %swap3A_570 = arith.constant 592 : index
      %swap3A_571 = tpu.vector_load %arg8[%swap3A_569, %swap3A_570] {strides = array<i32>} : memref<32x1024xf32, #tpu.memory_space<vmem>>, vector<1x16xf32>,
      %swap3A_572 = vector.shape_cast %swap3A_571 : vector<1x16xf32> to vector<16xf32>
      %swap3A_573 = vector.shape_cast %add3A_568 : vector<16xf32> to vector<1x16xf32>
      tpu.vector_store %arg8[%swap3A_569, %swap3A_570], %swap3A_573 {strides = array<i32>} : memref<32x1024xf32, #tpu.memory_space<vmem>>, vector<1x16xf32>,
      %get3A_574 = arith.index_cast %scan3A_42 : i32 to index
      %get3A_575 = arith.constant 608 : index
      %get3A_576 = tpu.vector_load %arg8[%get3A_574, %get3A_575] {strides = array<i32>} : memref<32x1024xf32, #tpu.memory_space<vmem>>, vector<1x16xf32>,
      %get3A_577 = vector.shape_cast %get3A_576 : vector<1x16xf32> to vector<16xf32>
      %get3A_578 = arith.index_cast %scan3A_42 : i32 to index
      %get3A_579 = arith.constant 608 : index
      %get3A_580 = tpu.vector_load %arg9[%get3A_578, %get3A_579] {strides = array<i32>} : memref<32x1024xf32, #tpu.memory_space<vmem>>, vector<1x16xf32>,
      %get3A_581 = vector.shape_cast %get3A_580 : vector<1x16xf32> to vector<16xf32>
      %add3A_582 = arith.addf %get3A_577, %get3A_581 : vector<16xf32>
      %swap3A_583 = arith.index_cast %scan3A_42 : i32 to index
      %swap3A_584 = arith.constant 608 : index
      %swap3A_585 = tpu.vector_load %arg8[%swap3A_583, %swap3A_584] {strides = array<i32>} : memref<32x1024xf32, #tpu.memory_space<vmem>>, vector<1x16xf32>,
      %swap3A_586 = vector.shape_cast %swap3A_585 : vector<1x16xf32> to vector<16xf32>
      %swap3A_587 = vector.shape_cast %add3A_582 : vector<16xf32> to vector<1x16xf32>
      tpu.vector_store %arg8[%swap3A_583, %swap3A_584], %swap3A_587 {strides = array<i32>} : memref<32x1024xf32, #tpu.memory_space<vmem>>, vector<1x16xf32>,
      %get3A_588 = arith.index_cast %scan3A_42 : i32 to index
      %get3A_589 = arith.constant 624 : index
      %get3A_590 = tpu.vector_load %arg8[%get3A_588, %get3A_589] {strides = array<i32>} : memref<32x1024xf32, #tpu.memory_space<vmem>>, vector<1x16xf32>,
      %get3A_591 = vector.shape_cast %get3A_590 : vector<1x16xf32> to vector<16xf32>
      %get3A_592 = arith.index_cast %scan3A_42 : i32 to index
      %get3A_593 = arith.constant 624 : index
      %get3A_594 = tpu.vector_load %arg9[%get3A_592, %get3A_593] {strides = array<i32>} : memref<32x1024xf32, #tpu.memory_space<vmem>>, vector<1x16xf32>,
      %get3A_595 = vector.shape_cast %get3A_594 : vector<1x16xf32> to vector<16xf32>
      %add3A_596 = arith.addf %get3A_591, %get3A_595 : vector<16xf32>
      %swap3A_597 = arith.index_cast %scan3A_42 : i32 to index
      %swap3A_598 = arith.constant 624 : index
      %swap3A_599 = tpu.vector_load %arg8[%swap3A_597, %swap3A_598] {strides = array<i32>} : memref<32x1024xf32, #tpu.memory_space<vmem>>, vector<1x16xf32>,
      %swap3A_600 = vector.shape_cast %swap3A_599 : vector<1x16xf32> to vector<16xf32>
      %swap3A_601 = vector.shape_cast %add3A_596 : vector<16xf32> to vector<1x16xf32>
      tpu.vector_store %arg8[%swap3A_597, %swap3A_598], %swap3A_601 {strides = array<i32>} : memref<32x1024xf32, #tpu.memory_space<vmem>>, vector<1x16xf32>,
      %get3A_602 = arith.index_cast %scan3A_42 : i32 to index
      %get3A_603 = arith.constant 640 : index
      %get3A_604 = tpu.vector_load %arg8[%get3A_602, %get3A_603] {strides = array<i32>} : memref<32x1024xf32, #tpu.memory_space<vmem>>, vector<1x16xf32>,
      %get3A_605 = vector.shape_cast %get3A_604 : vector<1x16xf32> to vector<16xf32>
      %get3A_606 = arith.index_cast %scan3A_42 : i32 to index
      %get3A_607 = arith.constant 640 : index
      %get3A_608 = tpu.vector_load %arg9[%get3A_606, %get3A_607] {strides = array<i32>} : memref<32x1024xf32, #tpu.memory_space<vmem>>, vector<1x16xf32>,
      %get3A_609 = vector.shape_cast %get3A_608 : vector<1x16xf32> to vector<16xf32>
      %add3A_610 = arith.addf %get3A_605, %get3A_609 : vector<16xf32>
      %swap3A_611 = arith.index_cast %scan3A_42 : i32 to index
      %swap3A_612 = arith.constant 640 : index
      %swap3A_613 = tpu.vector_load %arg8[%swap3A_611, %swap3A_612] {strides = array<i32>} : memref<32x1024xf32, #tpu.memory_space<vmem>>, vector<1x16xf32>,
      %swap3A_614 = vector.shape_cast %swap3A_613 : vector<1x16xf32> to vector<16xf32>
      %swap3A_615 = vector.shape_cast %add3A_610 : vector<16xf32> to vector<1x16xf32>
      tpu.vector_store %arg8[%swap3A_611, %swap3A_612], %swap3A_615 {strides = array<i32>} : memref<32x1024xf32, #tpu.memory_space<vmem>>, vector<1x16xf32>,
      %get3A_616 = arith.index_cast %scan3A_42 : i32 to index
      %get3A_617 = arith.constant 656 : index
      %get3A_618 = tpu.vector_load %arg8[%get3A_616, %get3A_617] {strides = array<i32>} : memref<32x1024xf32, #tpu.memory_space<vmem>>, vector<1x16xf32>,
      %get3A_619 = vector.shape_cast %get3A_618 : vector<1x16xf32> to vector<16xf32>
      %get3A_620 = arith.index_cast %scan3A_42 : i32 to index
      %get3A_621 = arith.constant 656 : index
      %get3A_622 = tpu.vector_load %arg9[%get3A_620, %get3A_621] {strides = array<i32>} : memref<32x1024xf32, #tpu.memory_space<vmem>>, vector<1x16xf32>,
      %get3A_623 = vector.shape_cast %get3A_622 : vector<1x16xf32> to vector<16xf32>
      %add3A_624 = arith.addf %get3A_619, %get3A_623 : vector<16xf32>
      %swap3A_625 = arith.index_cast %scan3A_42 : i32 to index
      %swap3A_626 = arith.constant 656 : index
      %swap3A_627 = tpu.vector_load %arg8[%swap3A_625, %swap3A_626] {strides = array<i32>} : memref<32x1024xf32, #tpu.memory_space<vmem>>, vector<1x16xf32>,
      %swap3A_628 = vector.shape_cast %swap3A_627 : vector<1x16xf32> to vector<16xf32>
      %swap3A_629 = vector.shape_cast %add3A_624 : vector<16xf32> to vector<1x16xf32>
      tpu.vector_store %arg8[%swap3A_625, %swap3A_626], %swap3A_629 {strides = array<i32>} : memref<32x1024xf32, #tpu.memory_space<vmem>>, vector<1x16xf32>,
      %get3A_630 = arith.index_cast %scan3A_42 : i32 to index
      %get3A_631 = arith.constant 672 : index
      %get3A_632 = tpu.vector_load %arg8[%get3A_630, %get3A_631] {strides = array<i32>} : memref<32x1024xf32, #tpu.memory_space<vmem>>, vector<1x16xf32>,
      %get3A_633 = vector.shape_cast %get3A_632 : vector<1x16xf32> to vector<16xf32>
      %get3A_634 = arith.index_cast %scan3A_42 : i32 to index
      %get3A_635 = arith.constant 672 : index
      %get3A_636 = tpu.vector_load %arg9[%get3A_634, %get3A_635] {strides = array<i32>} : memref<32x1024xf32, #tpu.memory_space<vmem>>, vector<1x16xf32>,
      %get3A_637 = vector.shape_cast %get3A_636 : vector<1x16xf32> to vector<16xf32>
      %add3A_638 = arith.addf %get3A_633, %get3A_637 : vector<16xf32>
      %swap3A_639 = arith.index_cast %scan3A_42 : i32 to index
      %swap3A_640 = arith.constant 672 : index
      %swap3A_641 = tpu.vector_load %arg8[%swap3A_639, %swap3A_640] {strides = array<i32>} : memref<32x1024xf32, #tpu.memory_space<vmem>>, vector<1x16xf32>,
      %swap3A_642 = vector.shape_cast %swap3A_641 : vector<1x16xf32> to vector<16xf32>
      %swap3A_643 = vector.shape_cast %add3A_638 : vector<16xf32> to vector<1x16xf32>
      tpu.vector_store %arg8[%swap3A_639, %swap3A_640], %swap3A_643 {strides = array<i32>} : memref<32x1024xf32, #tpu.memory_space<vmem>>, vector<1x16xf32>,
      %get3A_644 = arith.index_cast %scan3A_42 : i32 to index
      %get3A_645 = arith.constant 688 : index
      %get3A_646 = tpu.vector_load %arg8[%get3A_644, %get3A_645] {strides = array<i32>} : memref<32x1024xf32, #tpu.memory_space<vmem>>, vector<1x16xf32>,
      %get3A_647 = vector.shape_cast %get3A_646 : vector<1x16xf32> to vector<16xf32>
      %get3A_648 = arith.index_cast %scan3A_42 : i32 to index
      %get3A_649 = arith.constant 688 : index
      %get3A_650 = tpu.vector_load %arg9[%get3A_648, %get3A_649] {strides = array<i32>} : memref<32x1024xf32, #tpu.memory_space<vmem>>, vector<1x16xf32>,
      %get3A_651 = vector.shape_cast %get3A_650 : vector<1x16xf32> to vector<16xf32>
      %add3A_652 = arith.addf %get3A_647, %get3A_651 : vector<16xf32>
      %swap3A_653 = arith.index_cast %scan3A_42 : i32 to index
      %swap3A_654 = arith.constant 688 : index
      %swap3A_655 = tpu.vector_load %arg8[%swap3A_653, %swap3A_654] {strides = array<i32>} : memref<32x1024xf32, #tpu.memory_space<vmem>>, vector<1x16xf32>,
      %swap3A_656 = vector.shape_cast %swap3A_655 : vector<1x16xf32> to vector<16xf32>
      %swap3A_657 = vector.shape_cast %add3A_652 : vector<16xf32> to vector<1x16xf32>
      tpu.vector_store %arg8[%swap3A_653, %swap3A_654], %swap3A_657 {strides = array<i32>} : memref<32x1024xf32, #tpu.memory_space<vmem>>, vector<1x16xf32>,
      %get3A_658 = arith.index_cast %scan3A_42 : i32 to index
      %get3A_659 = arith.constant 704 : index
      %get3A_660 = tpu.vector_load %arg8[%get3A_658, %get3A_659] {strides = array<i32>} : memref<32x1024xf32, #tpu.memory_space<vmem>>, vector<1x16xf32>,
      %get3A_661 = vector.shape_cast %get3A_660 : vector<1x16xf32> to vector<16xf32>
      %get3A_662 = arith.index_cast %scan3A_42 : i32 to index
      %get3A_663 = arith.constant 704 : index
      %get3A_664 = tpu.vector_load %arg9[%get3A_662, %get3A_663] {strides = array<i32>} : memref<32x1024xf32, #tpu.memory_space<vmem>>, vector<1x16xf32>,
      %get3A_665 = vector.shape_cast %get3A_664 : vector<1x16xf32> to vector<16xf32>
      %add3A_666 = arith.addf %get3A_661, %get3A_665 : vector<16xf32>
      %swap3A_667 = arith.index_cast %scan3A_42 : i32 to index
      %swap3A_668 = arith.constant 704 : index
      %swap3A_669 = tpu.vector_load %arg8[%swap3A_667, %swap3A_668] {strides = array<i32>} : memref<32x1024xf32, #tpu.memory_space<vmem>>, vector<1x16xf32>,
      %swap3A_670 = vector.shape_cast %swap3A_669 : vector<1x16xf32> to vector<16xf32>
      %swap3A_671 = vector.shape_cast %add3A_666 : vector<16xf32> to vector<1x16xf32>
      tpu.vector_store %arg8[%swap3A_667, %swap3A_668], %swap3A_671 {strides = array<i32>} : memref<32x1024xf32, #tpu.memory_space<vmem>>, vector<1x16xf32>,
      %get3A_672 = arith.index_cast %scan3A_42 : i32 to index
      %get3A_673 = arith.constant 720 : index
      %get3A_674 = tpu.vector_load %arg8[%get3A_672, %get3A_673] {strides = array<i32>} : memref<32x1024xf32, #tpu.memory_space<vmem>>, vector<1x16xf32>,
      %get3A_675 = vector.shape_cast %get3A_674 : vector<1x16xf32> to vector<16xf32>
      %get3A_676 = arith.index_cast %scan3A_42 : i32 to index
      %get3A_677 = arith.constant 720 : index
      %get3A_678 = tpu.vector_load %arg9[%get3A_676, %get3A_677] {strides = array<i32>} : memref<32x1024xf32, #tpu.memory_space<vmem>>, vector<1x16xf32>,
      %get3A_679 = vector.shape_cast %get3A_678 : vector<1x16xf32> to vector<16xf32>
      %add3A_680 = arith.addf %get3A_675, %get3A_679 : vector<16xf32>
      %swap3A_681 = arith.index_cast %scan3A_42 : i32 to index
      %swap3A_682 = arith.constant 720 : index
      %swap3A_683 = tpu.vector_load %arg8[%swap3A_681, %swap3A_682] {strides = array<i32>} : memref<32x1024xf32, #tpu.memory_space<vmem>>, vector<1x16xf32>,
      %swap3A_684 = vector.shape_cast %swap3A_683 : vector<1x16xf32> to vector<16xf32>
      %swap3A_685 = vector.shape_cast %add3A_680 : vector<16xf32> to vector<1x16xf32>
      tpu.vector_store %arg8[%swap3A_681, %swap3A_682], %swap3A_685 {strides = array<i32>} : memref<32x1024xf32, #tpu.memory_space<vmem>>, vector<1x16xf32>,
      %get3A_686 = arith.index_cast %scan3A_42 : i32 to index
      %get3A_687 = arith.constant 736 : index
      %get3A_688 = tpu.vector_load %arg8[%get3A_686, %get3A_687] {strides = array<i32>} : memref<32x1024xf32, #tpu.memory_space<vmem>>, vector<1x16xf32>,
      %get3A_689 = vector.shape_cast %get3A_688 : vector<1x16xf32> to vector<16xf32>
      %get3A_690 = arith.index_cast %scan3A_42 : i32 to index
      %get3A_691 = arith.constant 736 : index
      %get3A_692 = tpu.vector_load %arg9[%get3A_690, %get3A_691] {strides = array<i32>} : memref<32x1024xf32, #tpu.memory_space<vmem>>, vector<1x16xf32>,
      %get3A_693 = vector.shape_cast %get3A_692 : vector<1x16xf32> to vector<16xf32>
      %add3A_694 = arith.addf %get3A_689, %get3A_693 : vector<16xf32>
      %swap3A_695 = arith.index_cast %scan3A_42 : i32 to index
      %swap3A_696 = arith.constant 736 : index
      %swap3A_697 = tpu.vector_load %arg8[%swap3A_695, %swap3A_696] {strides = array<i32>} : memref<32x1024xf32, #tpu.memory_space<vmem>>, vector<1x16xf32>,
      %swap3A_698 = vector.shape_cast %swap3A_697 : vector<1x16xf32> to vector<16xf32>
      %swap3A_699 = vector.shape_cast %add3A_694 : vector<16xf32> to vector<1x16xf32>
      tpu.vector_store %arg8[%swap3A_695, %swap3A_696], %swap3A_699 {strides = array<i32>} : memref<32x1024xf32, #tpu.memory_space<vmem>>, vector<1x16xf32>,
      %get3A_700 = arith.index_cast %scan3A_42 : i32 to index
      %get3A_701 = arith.constant 752 : index
      %get3A_702 = tpu.vector_load %arg8[%get3A_700, %get3A_701] {strides = array<i32>} : memref<32x1024xf32, #tpu.memory_space<vmem>>, vector<1x16xf32>,
      %get3A_703 = vector.shape_cast %get3A_702 : vector<1x16xf32> to vector<16xf32>
      %get3A_704 = arith.index_cast %scan3A_42 : i32 to index
      %get3A_705 = arith.constant 752 : index
      %get3A_706 = tpu.vector_load %arg9[%get3A_704, %get3A_705] {strides = array<i32>} : memref<32x1024xf32, #tpu.memory_space<vmem>>, vector<1x16xf32>,
      %get3A_707 = vector.shape_cast %get3A_706 : vector<1x16xf32> to vector<16xf32>
      %add3A_708 = arith.addf %get3A_703, %get3A_707 : vector<16xf32>
      %swap3A_709 = arith.index_cast %scan3A_42 : i32 to index
      %swap3A_710 = arith.constant 752 : index
      %swap3A_711 = tpu.vector_load %arg8[%swap3A_709, %swap3A_710] {strides = array<i32>} : memref<32x1024xf32, #tpu.memory_space<vmem>>, vector<1x16xf32>,
      %swap3A_712 = vector.shape_cast %swap3A_711 : vector<1x16xf32> to vector<16xf32>
      %swap3A_713 = vector.shape_cast %add3A_708 : vector<16xf32> to vector<1x16xf32>
      tpu.vector_store %arg8[%swap3A_709, %swap3A_710], %swap3A_713 {strides = array<i32>} : memref<32x1024xf32, #tpu.memory_space<vmem>>, vector<1x16xf32>,
      %get3A_714 = arith.index_cast %scan3A_42 : i32 to index
      %get3A_715 = arith.constant 768 : index
      %get3A_716 = tpu.vector_load %arg8[%get3A_714, %get3A_715] {strides = array<i32>} : memref<32x1024xf32, #tpu.memory_space<vmem>>, vector<1x16xf32>,
      %get3A_717 = vector.shape_cast %get3A_716 : vector<1x16xf32> to vector<16xf32>
      %get3A_718 = arith.index_cast %scan3A_42 : i32 to index
      %get3A_719 = arith.constant 768 : index
      %get3A_720 = tpu.vector_load %arg9[%get3A_718, %get3A_719] {strides = array<i32>} : memref<32x1024xf32, #tpu.memory_space<vmem>>, vector<1x16xf32>,
      %get3A_721 = vector.shape_cast %get3A_720 : vector<1x16xf32> to vector<16xf32>
      %add3A_722 = arith.addf %get3A_717, %get3A_721 : vector<16xf32>
      %swap3A_723 = arith.index_cast %scan3A_42 : i32 to index
      %swap3A_724 = arith.constant 768 : index
      %swap3A_725 = tpu.vector_load %arg8[%swap3A_723, %swap3A_724] {strides = array<i32>} : memref<32x1024xf32, #tpu.memory_space<vmem>>, vector<1x16xf32>,
      %swap3A_726 = vector.shape_cast %swap3A_725 : vector<1x16xf32> to vector<16xf32>
      %swap3A_727 = vector.shape_cast %add3A_722 : vector<16xf32> to vector<1x16xf32>
      tpu.vector_store %arg8[%swap3A_723, %swap3A_724], %swap3A_727 {strides = array<i32>} : memref<32x1024xf32, #tpu.memory_space<vmem>>, vector<1x16xf32>,
      %get3A_728 = arith.index_cast %scan3A_42 : i32 to index
      %get3A_729 = arith.constant 784 : index
      %get3A_730 = tpu.vector_load %arg8[%get3A_728, %get3A_729] {strides = array<i32>} : memref<32x1024xf32, #tpu.memory_space<vmem>>, vector<1x16xf32>,
      %get3A_731 = vector.shape_cast %get3A_730 : vector<1x16xf32> to vector<16xf32>
      %get3A_732 = arith.index_cast %scan3A_42 : i32 to index
      %get3A_733 = arith.constant 784 : index
      %get3A_734 = tpu.vector_load %arg9[%get3A_732, %get3A_733] {strides = array<i32>} : memref<32x1024xf32, #tpu.memory_space<vmem>>, vector<1x16xf32>,
      %get3A_735 = vector.shape_cast %get3A_734 : vector<1x16xf32> to vector<16xf32>
      %add3A_736 = arith.addf %get3A_731, %get3A_735 : vector<16xf32>
      %swap3A_737 = arith.index_cast %scan3A_42 : i32 to index
      %swap3A_738 = arith.constant 784 : index
      %swap3A_739 = tpu.vector_load %arg8[%swap3A_737, %swap3A_738] {strides = array<i32>} : memref<32x1024xf32, #tpu.memory_space<vmem>>, vector<1x16xf32>,
      %swap3A_740 = vector.shape_cast %swap3A_739 : vector<1x16xf32> to vector<16xf32>
      %swap3A_741 = vector.shape_cast %add3A_736 : vector<16xf32> to vector<1x16xf32>
      tpu.vector_store %arg8[%swap3A_737, %swap3A_738], %swap3A_741 {strides = array<i32>} : memref<32x1024xf32, #tpu.memory_space<vmem>>, vector<1x16xf32>,
      %get3A_742 = arith.index_cast %scan3A_42 : i32 to index
      %get3A_743 = arith.constant 800 : index
      %get3A_744 = tpu.vector_load %arg8[%get3A_742, %get3A_743] {strides = array<i32>} : memref<32x1024xf32, #tpu.memory_space<vmem>>, vector<1x16xf32>,
      %get3A_745 = vector.shape_cast %get3A_744 : vector<1x16xf32> to vector<16xf32>
      %get3A_746 = arith.index_cast %scan3A_42 : i32 to index
      %get3A_747 = arith.constant 800 : index
      %get3A_748 = tpu.vector_load %arg9[%get3A_746, %get3A_747] {strides = array<i32>} : memref<32x1024xf32, #tpu.memory_space<vmem>>, vector<1x16xf32>,
      %get3A_749 = vector.shape_cast %get3A_748 : vector<1x16xf32> to vector<16xf32>
      %add3A_750 = arith.addf %get3A_745, %get3A_749 : vector<16xf32>
      %swap3A_751 = arith.index_cast %scan3A_42 : i32 to index
      %swap3A_752 = arith.constant 800 : index
      %swap3A_753 = tpu.vector_load %arg8[%swap3A_751, %swap3A_752] {strides = array<i32>} : memref<32x1024xf32, #tpu.memory_space<vmem>>, vector<1x16xf32>,
      %swap3A_754 = vector.shape_cast %swap3A_753 : vector<1x16xf32> to vector<16xf32>
      %swap3A_755 = vector.shape_cast %add3A_750 : vector<16xf32> to vector<1x16xf32>
      tpu.vector_store %arg8[%swap3A_751, %swap3A_752], %swap3A_755 {strides = array<i32>} : memref<32x1024xf32, #tpu.memory_space<vmem>>, vector<1x16xf32>,
      %get3A_756 = arith.index_cast %scan3A_42 : i32 to index
      %get3A_757 = arith.constant 816 : index
      %get3A_758 = tpu.vector_load %arg8[%get3A_756, %get3A_757] {strides = array<i32>} : memref<32x1024xf32, #tpu.memory_space<vmem>>, vector<1x16xf32>,
      %get3A_759 = vector.shape_cast %get3A_758 : vector<1x16xf32> to vector<16xf32>
      %get3A_760 = arith.index_cast %scan3A_42 : i32 to index
      %get3A_761 = arith.constant 816 : index
      %get3A_762 = tpu.vector_load %arg9[%get3A_760, %get3A_761] {strides = array<i32>} : memref<32x1024xf32, #tpu.memory_space<vmem>>, vector<1x16xf32>,
      %get3A_763 = vector.shape_cast %get3A_762 : vector<1x16xf32> to vector<16xf32>
      %add3A_764 = arith.addf %get3A_759, %get3A_763 : vector<16xf32>
      %swap3A_765 = arith.index_cast %scan3A_42 : i32 to index
      %swap3A_766 = arith.constant 816 : index
      %swap3A_767 = tpu.vector_load %arg8[%swap3A_765, %swap3A_766] {strides = array<i32>} : memref<32x1024xf32, #tpu.memory_space<vmem>>, vector<1x16xf32>,
      %swap3A_768 = vector.shape_cast %swap3A_767 : vector<1x16xf32> to vector<16xf32>
      %swap3A_769 = vector.shape_cast %add3A_764 : vector<16xf32> to vector<1x16xf32>
      tpu.vector_store %arg8[%swap3A_765, %swap3A_766], %swap3A_769 {strides = array<i32>} : memref<32x1024xf32, #tpu.memory_space<vmem>>, vector<1x16xf32>,
      %get3A_770 = arith.index_cast %scan3A_42 : i32 to index
      %get3A_771 = arith.constant 832 : index
      %get3A_772 = tpu.vector_load %arg8[%get3A_770, %get3A_771] {strides = array<i32>} : memref<32x1024xf32, #tpu.memory_space<vmem>>, vector<1x16xf32>,
      %get3A_773 = vector.shape_cast %get3A_772 : vector<1x16xf32> to vector<16xf32>
      %get3A_774 = arith.index_cast %scan3A_42 : i32 to index
      %get3A_775 = arith.constant 832 : index
      %get3A_776 = tpu.vector_load %arg9[%get3A_774, %get3A_775] {strides = array<i32>} : memref<32x1024xf32, #tpu.memory_space<vmem>>, vector<1x16xf32>,
      %get3A_777 = vector.shape_cast %get3A_776 : vector<1x16xf32> to vector<16xf32>
      %add3A_778 = arith.addf %get3A_773, %get3A_777 : vector<16xf32>
      %swap3A_779 = arith.index_cast %scan3A_42 : i32 to index
      %swap3A_780 = arith.constant 832 : index
      %swap3A_781 = tpu.vector_load %arg8[%swap3A_779, %swap3A_780] {strides = array<i32>} : memref<32x1024xf32, #tpu.memory_space<vmem>>, vector<1x16xf32>,
      %swap3A_782 = vector.shape_cast %swap3A_781 : vector<1x16xf32> to vector<16xf32>
      %swap3A_783 = vector.shape_cast %add3A_778 : vector<16xf32> to vector<1x16xf32>
      tpu.vector_store %arg8[%swap3A_779, %swap3A_780], %swap3A_783 {strides = array<i32>} : memref<32x1024xf32, #tpu.memory_space<vmem>>, vector<1x16xf32>,
      %get3A_784 = arith.index_cast %scan3A_42 : i32 to index
      %get3A_785 = arith.constant 848 : index
      %get3A_786 = tpu.vector_load %arg8[%get3A_784, %get3A_785] {strides = array<i32>} : memref<32x1024xf32, #tpu.memory_space<vmem>>, vector<1x16xf32>,
      %get3A_787 = vector.shape_cast %get3A_786 : vector<1x16xf32> to vector<16xf32>
      %get3A_788 = arith.index_cast %scan3A_42 : i32 to index
      %get3A_789 = arith.constant 848 : index
      %get3A_790 = tpu.vector_load %arg9[%get3A_788, %get3A_789] {strides = array<i32>} : memref<32x1024xf32, #tpu.memory_space<vmem>>, vector<1x16xf32>,
      %get3A_791 = vector.shape_cast %get3A_790 : vector<1x16xf32> to vector<16xf32>
      %add3A_792 = arith.addf %get3A_787, %get3A_791 : vector<16xf32>
      %swap3A_793 = arith.index_cast %scan3A_42 : i32 to index
      %swap3A_794 = arith.constant 848 : index
      %swap3A_795 = tpu.vector_load %arg8[%swap3A_793, %swap3A_794] {strides = array<i32>} : memref<32x1024xf32, #tpu.memory_space<vmem>>, vector<1x16xf32>,
      %swap3A_796 = vector.shape_cast %swap3A_795 : vector<1x16xf32> to vector<16xf32>
      %swap3A_797 = vector.shape_cast %add3A_792 : vector<16xf32> to vector<1x16xf32>
      tpu.vector_store %arg8[%swap3A_793, %swap3A_794], %swap3A_797 {strides = array<i32>} : memref<32x1024xf32, #tpu.memory_space<vmem>>, vector<1x16xf32>,
      %get3A_798 = arith.index_cast %scan3A_42 : i32 to index
      %get3A_799 = arith.constant 864 : index
      %get3A_800 = tpu.vector_load %arg8[%get3A_798, %get3A_799] {strides = array<i32>} : memref<32x1024xf32, #tpu.memory_space<vmem>>, vector<1x16xf32>,
      %get3A_801 = vector.shape_cast %get3A_800 : vector<1x16xf32> to vector<16xf32>
      %get3A_802 = arith.index_cast %scan3A_42 : i32 to index
      %get3A_803 = arith.constant 864 : index
      %get3A_804 = tpu.vector_load %arg9[%get3A_802, %get3A_803] {strides = array<i32>} : memref<32x1024xf32, #tpu.memory_space<vmem>>, vector<1x16xf32>,
      %get3A_805 = vector.shape_cast %get3A_804 : vector<1x16xf32> to vector<16xf32>
      %add3A_806 = arith.addf %get3A_801, %get3A_805 : vector<16xf32>
      %swap3A_807 = arith.index_cast %scan3A_42 : i32 to index
      %swap3A_808 = arith.constant 864 : index
      %swap3A_809 = tpu.vector_load %arg8[%swap3A_807, %swap3A_808] {strides = array<i32>} : memref<32x1024xf32, #tpu.memory_space<vmem>>, vector<1x16xf32>,
      %swap3A_810 = vector.shape_cast %swap3A_809 : vector<1x16xf32> to vector<16xf32>
      %swap3A_811 = vector.shape_cast %add3A_806 : vector<16xf32> to vector<1x16xf32>
      tpu.vector_store %arg8[%swap3A_807, %swap3A_808], %swap3A_811 {strides = array<i32>} : memref<32x1024xf32, #tpu.memory_space<vmem>>, vector<1x16xf32>,
      %get3A_812 = arith.index_cast %scan3A_42 : i32 to index
      %get3A_813 = arith.constant 880 : index
      %get3A_814 = tpu.vector_load %arg8[%get3A_812, %get3A_813] {strides = array<i32>} : memref<32x1024xf32, #tpu.memory_space<vmem>>, vector<1x16xf32>,
      %get3A_815 = vector.shape_cast %get3A_814 : vector<1x16xf32> to vector<16xf32>
      %get3A_816 = arith.index_cast %scan3A_42 : i32 to index
      %get3A_817 = arith.constant 880 : index
      %get3A_818 = tpu.vector_load %arg9[%get3A_816, %get3A_817] {strides = array<i32>} : memref<32x1024xf32, #tpu.memory_space<vmem>>, vector<1x16xf32>,
      %get3A_819 = vector.shape_cast %get3A_818 : vector<1x16xf32> to vector<16xf32>
      %add3A_820 = arith.addf %get3A_815, %get3A_819 : vector<16xf32>
      %swap3A_821 = arith.index_cast %scan3A_42 : i32 to index
      %swap3A_822 = arith.constant 880 : index
      %swap3A_823 = tpu.vector_load %arg8[%swap3A_821, %swap3A_822] {strides = array<i32>} : memref<32x1024xf32, #tpu.memory_space<vmem>>, vector<1x16xf32>,
      %swap3A_824 = vector.shape_cast %swap3A_823 : vector<1x16xf32> to vector<16xf32>
      %swap3A_825 = vector.shape_cast %add3A_820 : vector<16xf32> to vector<1x16xf32>
      tpu.vector_store %arg8[%swap3A_821, %swap3A_822], %swap3A_825 {strides = array<i32>} : memref<32x1024xf32, #tpu.memory_space<vmem>>, vector<1x16xf32>,
      %get3A_826 = arith.index_cast %scan3A_42 : i32 to index
      %get3A_827 = arith.constant 896 : index
      %get3A_828 = tpu.vector_load %arg8[%get3A_826, %get3A_827] {strides = array<i32>} : memref<32x1024xf32, #tpu.memory_space<vmem>>, vector<1x16xf32>,
      %get3A_829 = vector.shape_cast %get3A_828 : vector<1x16xf32> to vector<16xf32>
      %get3A_830 = arith.index_cast %scan3A_42 : i32 to index
      %get3A_831 = arith.constant 896 : index
      %get3A_832 = tpu.vector_load %arg9[%get3A_830, %get3A_831] {strides = array<i32>} : memref<32x1024xf32, #tpu.memory_space<vmem>>, vector<1x16xf32>,
      %get3A_833 = vector.shape_cast %get3A_832 : vector<1x16xf32> to vector<16xf32>
      %add3A_834 = arith.addf %get3A_829, %get3A_833 : vector<16xf32>
      %swap3A_835 = arith.index_cast %scan3A_42 : i32 to index
      %swap3A_836 = arith.constant 896 : index
      %swap3A_837 = tpu.vector_load %arg8[%swap3A_835, %swap3A_836] {strides = array<i32>} : memref<32x1024xf32, #tpu.memory_space<vmem>>, vector<1x16xf32>,
      %swap3A_838 = vector.shape_cast %swap3A_837 : vector<1x16xf32> to vector<16xf32>
      %swap3A_839 = vector.shape_cast %add3A_834 : vector<16xf32> to vector<1x16xf32>
      tpu.vector_store %arg8[%swap3A_835, %swap3A_836], %swap3A_839 {strides = array<i32>} : memref<32x1024xf32, #tpu.memory_space<vmem>>, vector<1x16xf32>,
      %get3A_840 = arith.index_cast %scan3A_42 : i32 to index
      %get3A_841 = arith.constant 912 : index
      %get3A_842 = tpu.vector_load %arg8[%get3A_840, %get3A_841] {strides = array<i32>} : memref<32x1024xf32, #tpu.memory_space<vmem>>, vector<1x16xf32>,
      %get3A_843 = vector.shape_cast %get3A_842 : vector<1x16xf32> to vector<16xf32>
      %get3A_844 = arith.index_cast %scan3A_42 : i32 to index
      %get3A_845 = arith.constant 912 : index
      %get3A_846 = tpu.vector_load %arg9[%get3A_844, %get3A_845] {strides = array<i32>} : memref<32x1024xf32, #tpu.memory_space<vmem>>, vector<1x16xf32>,
      %get3A_847 = vector.shape_cast %get3A_846 : vector<1x16xf32> to vector<16xf32>
      %add3A_848 = arith.addf %get3A_843, %get3A_847 : vector<16xf32>
      %swap3A_849 = arith.index_cast %scan3A_42 : i32 to index
      %swap3A_850 = arith.constant 912 : index
      %swap3A_851 = tpu.vector_load %arg8[%swap3A_849, %swap3A_850] {strides = array<i32>} : memref<32x1024xf32, #tpu.memory_space<vmem>>, vector<1x16xf32>,
      %swap3A_852 = vector.shape_cast %swap3A_851 : vector<1x16xf32> to vector<16xf32>
      %swap3A_853 = vector.shape_cast %add3A_848 : vector<16xf32> to vector<1x16xf32>
      tpu.vector_store %arg8[%swap3A_849, %swap3A_850], %swap3A_853 {strides = array<i32>} : memref<32x1024xf32, #tpu.memory_space<vmem>>, vector<1x16xf32>,
      %get3A_854 = arith.index_cast %scan3A_42 : i32 to index
      %get3A_855 = arith.constant 928 : index
      %get3A_856 = tpu.vector_load %arg8[%get3A_854, %get3A_855] {strides = array<i32>} : memref<32x1024xf32, #tpu.memory_space<vmem>>, vector<1x16xf32>,
      %get3A_857 = vector.shape_cast %get3A_856 : vector<1x16xf32> to vector<16xf32>
      %get3A_858 = arith.index_cast %scan3A_42 : i32 to index
      %get3A_859 = arith.constant 928 : index
      %get3A_860 = tpu.vector_load %arg9[%get3A_858, %get3A_859] {strides = array<i32>} : memref<32x1024xf32, #tpu.memory_space<vmem>>, vector<1x16xf32>,
      %get3A_861 = vector.shape_cast %get3A_860 : vector<1x16xf32> to vector<16xf32>
      %add3A_862 = arith.addf %get3A_857, %get3A_861 : vector<16xf32>
      %swap3A_863 = arith.index_cast %scan3A_42 : i32 to index
      %swap3A_864 = arith.constant 928 : index
      %swap3A_865 = tpu.vector_load %arg8[%swap3A_863, %swap3A_864] {strides = array<i32>} : memref<32x1024xf32, #tpu.memory_space<vmem>>, vector<1x16xf32>,
      %swap3A_866 = vector.shape_cast %swap3A_865 : vector<1x16xf32> to vector<16xf32>
      %swap3A_867 = vector.shape_cast %add3A_862 : vector<16xf32> to vector<1x16xf32>
      tpu.vector_store %arg8[%swap3A_863, %swap3A_864], %swap3A_867 {strides = array<i32>} : memref<32x1024xf32, #tpu.memory_space<vmem>>, vector<1x16xf32>,
      %get3A_868 = arith.index_cast %scan3A_42 : i32 to index
      %get3A_869 = arith.constant 944 : index
      %get3A_870 = tpu.vector_load %arg8[%get3A_868, %get3A_869] {strides = array<i32>} : memref<32x1024xf32, #tpu.memory_space<vmem>>, vector<1x16xf32>,
      %get3A_871 = vector.shape_cast %get3A_870 : vector<1x16xf32> to vector<16xf32>
      %get3A_872 = arith.index_cast %scan3A_42 : i32 to index
      %get3A_873 = arith.constant 944 : index
      %get3A_874 = tpu.vector_load %arg9[%get3A_872, %get3A_873] {strides = array<i32>} : memref<32x1024xf32, #tpu.memory_space<vmem>>, vector<1x16xf32>,
      %get3A_875 = vector.shape_cast %get3A_874 : vector<1x16xf32> to vector<16xf32>
      %add3A_876 = arith.addf %get3A_871, %get3A_875 : vector<16xf32>
      %swap3A_877 = arith.index_cast %scan3A_42 : i32 to index
      %swap3A_878 = arith.constant 944 : index
      %swap3A_879 = tpu.vector_load %arg8[%swap3A_877, %swap3A_878] {strides = array<i32>} : memref<32x1024xf32, #tpu.memory_space<vmem>>, vector<1x16xf32>,
      %swap3A_880 = vector.shape_cast %swap3A_879 : vector<1x16xf32> to vector<16xf32>
      %swap3A_881 = vector.shape_cast %add3A_876 : vector<16xf32> to vector<1x16xf32>
      tpu.vector_store %arg8[%swap3A_877, %swap3A_878], %swap3A_881 {strides = array<i32>} : memref<32x1024xf32, #tpu.memory_space<vmem>>, vector<1x16xf32>,
      %get3A_882 = arith.index_cast %scan3A_42 : i32 to index
      %get3A_883 = arith.constant 960 : index
      %get3A_884 = tpu.vector_load %arg8[%get3A_882, %get3A_883] {strides = array<i32>} : memref<32x1024xf32, #tpu.memory_space<vmem>>, vector<1x16xf32>,
      %get3A_885 = vector.shape_cast %get3A_884 : vector<1x16xf32> to vector<16xf32>
      %get3A_886 = arith.index_cast %scan3A_42 : i32 to index
      %get3A_887 = arith.constant 960 : index
      %get3A_888 = tpu.vector_load %arg9[%get3A_886, %get3A_887] {strides = array<i32>} : memref<32x1024xf32, #tpu.memory_space<vmem>>, vector<1x16xf32>,
      %get3A_889 = vector.shape_cast %get3A_888 : vector<1x16xf32> to vector<16xf32>
      %add3A_890 = arith.addf %get3A_885, %get3A_889 : vector<16xf32>
      %swap3A_891 = arith.index_cast %scan3A_42 : i32 to index
      %swap3A_892 = arith.constant 960 : index
      %swap3A_893 = tpu.vector_load %arg8[%swap3A_891, %swap3A_892] {strides = array<i32>} : memref<32x1024xf32, #tpu.memory_space<vmem>>, vector<1x16xf32>,
      %swap3A_894 = vector.shape_cast %swap3A_893 : vector<1x16xf32> to vector<16xf32>
      %swap3A_895 = vector.shape_cast %add3A_890 : vector<16xf32> to vector<1x16xf32>
      tpu.vector_store %arg8[%swap3A_891, %swap3A_892], %swap3A_895 {strides = array<i32>} : memref<32x1024xf32, #tpu.memory_space<vmem>>, vector<1x16xf32>,
      %get3A_896 = arith.index_cast %scan3A_42 : i32 to index
      %get3A_897 = arith.constant 976 : index
      %get3A_898 = tpu.vector_load %arg8[%get3A_896, %get3A_897] {strides = array<i32>} : memref<32x1024xf32, #tpu.memory_space<vmem>>, vector<1x16xf32>,
      %get3A_899 = vector.shape_cast %get3A_898 : vector<1x16xf32> to vector<16xf32>
      %get3A_900 = arith.index_cast %scan3A_42 : i32 to index
      %get3A_901 = arith.constant 976 : index
      %get3A_902 = tpu.vector_load %arg9[%get3A_900, %get3A_901] {strides = array<i32>} : memref<32x1024xf32, #tpu.memory_space<vmem>>, vector<1x16xf32>,
      %get3A_903 = vector.shape_cast %get3A_902 : vector<1x16xf32> to vector<16xf32>
      %add3A_904 = arith.addf %get3A_899, %get3A_903 : vector<16xf32>
      %swap3A_905 = arith.index_cast %scan3A_42 : i32 to index
      %swap3A_906 = arith.constant 976 : index
      %swap3A_907 = tpu.vector_load %arg8[%swap3A_905, %swap3A_906] {strides = array<i32>} : memref<32x1024xf32, #tpu.memory_space<vmem>>, vector<1x16xf32>,
      %swap3A_908 = vector.shape_cast %swap3A_907 : vector<1x16xf32> to vector<16xf32>
      %swap3A_909 = vector.shape_cast %add3A_904 : vector<16xf32> to vector<1x16xf32>
      tpu.vector_store %arg8[%swap3A_905, %swap3A_906], %swap3A_909 {strides = array<i32>} : memref<32x1024xf32, #tpu.memory_space<vmem>>, vector<1x16xf32>,
      %get3A_910 = arith.index_cast %scan3A_42 : i32 to index
      %get3A_911 = arith.constant 992 : index
      %get3A_912 = tpu.vector_load %arg8[%get3A_910, %get3A_911] {strides = array<i32>} : memref<32x1024xf32, #tpu.memory_space<vmem>>, vector<1x16xf32>,
      %get3A_913 = vector.shape_cast %get3A_912 : vector<1x16xf32> to vector<16xf32>
      %get3A_914 = arith.index_cast %scan3A_42 : i32 to index
      %get3A_915 = arith.constant 992 : index
      %get3A_916 = tpu.vector_load %arg9[%get3A_914, %get3A_915] {strides = array<i32>} : memref<32x1024xf32, #tpu.memory_space<vmem>>, vector<1x16xf32>,
      %get3A_917 = vector.shape_cast %get3A_916 : vector<1x16xf32> to vector<16xf32>
      %add3A_918 = arith.addf %get3A_913, %get3A_917 : vector<16xf32>
      %swap3A_919 = arith.index_cast %scan3A_42 : i32 to index
      %swap3A_920 = arith.constant 992 : index
      %swap3A_921 = tpu.vector_load %arg8[%swap3A_919, %swap3A_920] {strides = array<i32>} : memref<32x1024xf32, #tpu.memory_space<vmem>>, vector<1x16xf32>,
      %swap3A_922 = vector.shape_cast %swap3A_921 : vector<1x16xf32> to vector<16xf32>
      %swap3A_923 = vector.shape_cast %add3A_918 : vector<16xf32> to vector<1x16xf32>
      tpu.vector_store %arg8[%swap3A_919, %swap3A_920], %swap3A_923 {strides = array<i32>} : memref<32x1024xf32, #tpu.memory_space<vmem>>, vector<1x16xf32>,
      %get3A_924 = arith.index_cast %scan3A_42 : i32 to index
      %get3A_925 = arith.constant 1008 : index
      %get3A_926 = tpu.vector_load %arg8[%get3A_924, %get3A_925] {strides = array<i32>} : memref<32x1024xf32, #tpu.memory_space<vmem>>, vector<1x16xf32>,
      %get3A_927 = vector.shape_cast %get3A_926 : vector<1x16xf32> to vector<16xf32>
      %get3A_928 = arith.index_cast %scan3A_42 : i32 to index
      %get3A_929 = arith.constant 1008 : index
      %get3A_930 = tpu.vector_load %arg9[%get3A_928, %get3A_929] {strides = array<i32>} : memref<32x1024xf32, #tpu.memory_space<vmem>>, vector<1x16xf32>,
      %get3A_931 = vector.shape_cast %get3A_930 : vector<1x16xf32> to vector<16xf32>
      %add3A_932 = arith.addf %get3A_927, %get3A_931 : vector<16xf32>
      %swap3A_933 = arith.index_cast %scan3A_42 : i32 to index
      %swap3A_934 = arith.constant 1008 : index
      %swap3A_935 = tpu.vector_load %arg8[%swap3A_933, %swap3A_934] {strides = array<i32>} : memref<32x1024xf32, #tpu.memory_space<vmem>>, vector<1x16xf32>,
      %swap3A_936 = vector.shape_cast %swap3A_935 : vector<1x16xf32> to vector<16xf32>
      %swap3A_937 = vector.shape_cast %add3A_932 : vector<16xf32> to vector<1x16xf32>
      tpu.vector_store %arg8[%swap3A_933, %swap3A_934], %swap3A_937 {strides = array<i32>} : memref<32x1024xf32, #tpu.memory_space<vmem>>, vector<1x16xf32>,
      %scan3A_938 = arith.constant 0 : i32
      scf.yield %scan3A_938 : i32
    }
    %scan3A_20 = arith.constant 32 : i32
    "tpu.region"() ({
      %run_scoped3A = tpu.sem_alloc : memref<!tpu.dma_semaphore, #tpu.memory_space<semaphore_mem>>
      %dma_start3A_42 = arith.constant 0 : i32
      %dma_start3A_43 = tpu.memref_slice %arg5[%add3A_4, %dma_start3A_42] : memref<2048x1024xf32, #tpu.memory_space<hbm>> -> memref<32x1024xf32, #tpu.memory_space<hbm>>
      %dma_start3A_44 = arith.constant 0 : i32
      %dma_start3A_45 = tpu.memref_slice %arg5[%add3A_4, %dma_start3A_44] : memref<2048x1024xf32, #tpu.memory_space<hbm>> -> memref<32x1024xf32, #tpu.memory_space<hbm>>
      tpu.enqueue_dma source(%arg8 : memref<32x1024xf32, #tpu.memory_space<vmem>>) target(%dma_start3A_45 : memref<32x1024xf32, #tpu.memory_space<hbm>>) target_semaphore(%run_scoped3A : memref<!tpu.dma_semaphore, #tpu.memory_space<semaphore_mem>>)
      %dma_wait3A_46 = arith.constant 0 : i32
      %dma_wait3A_47 = tpu.memref_slice %arg5[%add3A_4, %dma_wait3A_46] : memref<2048x1024xf32, #tpu.memory_space<hbm>> -> memref<32x1024xf32, #tpu.memory_space<hbm>>
      %dma_wait3A_48 = arith.constant 0 : i32
      %dma_wait3A_49 = tpu.memref_slice %arg5[%add3A_4, %dma_wait3A_48] : memref<2048x1024xf32, #tpu.memory_space<hbm>> -> memref<32x1024xf32, #tpu.memory_space<hbm>>
      tpu.wait_dma2 semaphore(%run_scoped3A : memref<!tpu.dma_semaphore, #tpu.memory_space<semaphore_mem>>) src(%arg8 : memref<32x1024xf32, #tpu.memory_space<vmem>>) dst(%dma_wait3A_49 : memref<32x1024xf32, #tpu.memory_space<hbm>>)
      tpu.yield
    }) : () -> ()
    %add3A_21 = arith.constant 32 : i32
    %add3A_22 = arith.addi %mul3A_2, %add3A_21 : i32
    "tpu.region"() ({
      %run_scoped3A = tpu.sem_alloc : memref<!tpu.dma_semaphore, #tpu.memory_space<semaphore_mem>>
      %dma_start3A_42 = tpu.memref_slice %arg3[%add3A_22] : memref<2048xi32, #tpu.memory_space<hbm>> -> memref<32xi32, #tpu.memory_space<hbm>>
      %dma_start3A_43 = tpu.memref_slice %arg3[%add3A_22] : memref<2048xi32, #tpu.memory_space<hbm>> -> memref<32xi32, #tpu.memory_space<hbm>>
      tpu.enqueue_dma source(%dma_start3A_43 : memref<32xi32, #tpu.memory_space<hbm>>) target(%arg6 : memref<32xi32, #tpu.memory_space<vmem>>) target_semaphore(%run_scoped3A : memref<!tpu.dma_semaphore, #tpu.memory_space<semaphore_mem>>)
      %dma_wait3A_44 = tpu.memref_slice %arg3[%add3A_22] : memref<2048xi32, #tpu.memory_space<hbm>> -> memref<32xi32, #tpu.memory_space<hbm>>
      %dma_wait3A_45 = tpu.memref_slice %arg3[%add3A_22] : memref<2048xi32, #tpu.memory_space<hbm>> -> memref<32xi32, #tpu.memory_space<hbm>>
      tpu.wait_dma2 semaphore(%run_scoped3A : memref<!tpu.dma_semaphore, #tpu.memory_space<semaphore_mem>>) src(%dma_wait3A_45 : memref<32xi32, #tpu.memory_space<hbm>>) dst(%arg6 : memref<32xi32, #tpu.memory_space<vmem>>)
      tpu.yield
    }) : () -> ()
    "tpu.region"() ({
      %run_scoped3A = tpu.sem_alloc : memref<!tpu.dma_semaphore, #tpu.memory_space<semaphore_mem>>
      %dma_start3A_42 = tpu.memref_slice %arg4[%add3A_22] : memref<2048xi32, #tpu.memory_space<hbm>> -> memref<32xi32, #tpu.memory_space<hbm>>
      %dma_start3A_43 = tpu.memref_slice %arg4[%add3A_22] : memref<2048xi32, #tpu.memory_space<hbm>> -> memref<32xi32, #tpu.memory_space<hbm>>
      tpu.enqueue_dma source(%dma_start3A_43 : memref<32xi32, #tpu.memory_space<hbm>>) target(%arg7 : memref<32xi32, #tpu.memory_space<vmem>>) target_semaphore(%run_scoped3A : memref<!tpu.dma_semaphore, #tpu.memory_space<semaphore_mem>>)
      %dma_wait3A_44 = tpu.memref_slice %arg4[%add3A_22] : memref<2048xi32, #tpu.memory_space<hbm>> -> memref<32xi32, #tpu.memory_space<hbm>>
      %dma_wait3A_45 = tpu.memref_slice %arg4[%add3A_22] : memref<2048xi32, #tpu.memory_space<hbm>> -> memref<32xi32, #tpu.memory_space<hbm>>
      tpu.wait_dma2 semaphore(%run_scoped3A : memref<!tpu.dma_semaphore, #tpu.memory_space<semaphore_mem>>) src(%dma_wait3A_45 : memref<32xi32, #tpu.memory_space<hbm>>) dst(%arg7 : memref<32xi32, #tpu.memory_space<vmem>>)
      tpu.yield
    }) : () -> ()
    %dma_start3A_23 = arith.constant 0 : i32
    %dma_start3A_24 = arith.constant 0 : i32
    %dma_start3A_25 = tpu.memref_slice %arg2[%dma_start3A_23, %dma_start3A_24] : memref<6144x1024xf32, #tpu.memory_space<hbm>> -> memref<6144x1024xf32, #tpu.memory_space<hbm>>
    tpu.enqueue_indirect_dma source(%dma_start3A_25 : memref<6144x1024xf32, #tpu.memory_space<hbm>>) target(%arg8 : memref<32x1024xf32, #tpu.memory_space<vmem>>) offsets(%arg6 : memref<32xi32, #tpu.memory_space<vmem>>) semaphore(%arg10 : memref<!tpu.dma_semaphore, #tpu.memory_space<semaphore_mem>>)
    %dma_start3A_26 = arith.constant 0 : i32
    %dma_start3A_27 = arith.constant 0 : i32
    %dma_start3A_28 = tpu.memref_slice %arg2[%dma_start3A_26, %dma_start3A_27] : memref<6144x1024xf32, #tpu.memory_space<hbm>> -> memref<6144x1024xf32, #tpu.memory_space<hbm>>
    tpu.enqueue_indirect_dma source(%dma_start3A_28 : memref<6144x1024xf32, #tpu.memory_space<hbm>>) target(%arg9 : memref<32x1024xf32, #tpu.memory_space<vmem>>) offsets(%arg7 : memref<32xi32, #tpu.memory_space<vmem>>) semaphore(%arg11 : memref<!tpu.dma_semaphore, #tpu.memory_space<semaphore_mem>>)
    %dma_wait3A_29 = arith.constant 0 : i32
    %dma_wait3A_30 = arith.constant 0 : i32
    %dma_wait3A_31 = tpu.memref_slice %arg2[%dma_wait3A_29, %dma_wait3A_30] : memref<6144x1024xf32, #tpu.memory_space<hbm>> -> memref<6144x1024xf32, #tpu.memory_space<hbm>>
    tpu.wait_indirect_dma semaphore(%arg10 : memref<!tpu.dma_semaphore, #tpu.memory_space<semaphore_mem>>) src(%dma_wait3A_31 : memref<6144x1024xf32, #tpu.memory_space<hbm>>) dst(%arg8 : memref<32x1024xf32, #tpu.memory_space<vmem>>)
    %dma_wait3A_32 = arith.constant 0 : i32
    %dma_wait3A_33 = arith.constant 0 : i32
    %dma_wait3A_34 = tpu.memref_slice %arg2[%dma_wait3A_32, %dma_wait3A_33] : memref<6144x1024xf32, #tpu.memory_space<hbm>> -> memref<6144x1024xf32, #tpu.memory_space<hbm>>
    tpu.wait_indirect_dma semaphore(%arg11 : memref<!tpu.dma_semaphore, #tpu.memory_space<semaphore_mem>>) src(%dma_wait3A_34 : memref<6144x1024xf32, #tpu.memory_space<hbm>>) dst(%arg9 : memref<32x1024xf32, #tpu.memory_space<vmem>>)
    %scan3A_35 = arith.constant 0 : i32
    %scan3A_36 = arith.constant 0 : i32
    %scan3A_37 = arith.constant 32 : i32
    %scan3A_38 = arith.addi %scan3A_36, %scan3A_37 : i32
    %scan3A_39 = arith.constant 1 : i32
    %scan3A_40 = scf.for %scan3A_42 = %scan3A_36 to %scan3A_38 step %scan3A_39 iter_args(%scan3A_43 = %scan3A_35) -> (i32)  : i32 {
      %get3A = arith.index_cast %scan3A_42 : i32 to index
      %get3A_44 = arith.constant 0 : index
      %get3A_45 = tpu.vector_load %arg8[%get3A, %get3A_44] {strides = array<i32>} : memref<32x1024xf32, #tpu.memory_space<vmem>>, vector<1x16xf32>,
      %get3A_46 = vector.shape_cast %get3A_45 : vector<1x16xf32> to vector<16xf32>
      %get3A_47 = arith.index_cast %scan3A_42 : i32 to index
      %get3A_48 = arith.constant 0 : index
      %get3A_49 = tpu.vector_load %arg9[%get3A_47, %get3A_48] {strides = array<i32>} : memref<32x1024xf32, #tpu.memory_space<vmem>>, vector<1x16xf32>,
      %get3A_50 = vector.shape_cast %get3A_49 : vector<1x16xf32> to vector<16xf32>
      %add3A_51 = arith.addf %get3A_46, %get3A_50 : vector<16xf32>
      %swap3A = arith.index_cast %scan3A_42 : i32 to index
      %swap3A_52 = arith.constant 0 : index
      %swap3A_53 = tpu.vector_load %arg8[%swap3A, %swap3A_52] {strides = array<i32>} : memref<32x1024xf32, #tpu.memory_space<vmem>>, vector<1x16xf32>,
      %swap3A_54 = vector.shape_cast %swap3A_53 : vector<1x16xf32> to vector<16xf32>
      %swap3A_55 = vector.shape_cast %add3A_51 : vector<16xf32> to vector<1x16xf32>
      tpu.vector_store %arg8[%swap3A, %swap3A_52], %swap3A_55 {strides = array<i32>} : memref<32x1024xf32, #tpu.memory_space<vmem>>, vector<1x16xf32>,
      %get3A_56 = arith.index_cast %scan3A_42 : i32 to index
      %get3A_57 = arith.constant 16 : index
      %get3A_58 = tpu.vector_load %arg8[%get3A_56, %get3A_57] {strides = array<i32>} : memref<32x1024xf32, #tpu.memory_space<vmem>>, vector<1x16xf32>,
      %get3A_59 = vector.shape_cast %get3A_58 : vector<1x16xf32> to vector<16xf32>
      %get3A_60 = arith.index_cast %scan3A_42 : i32 to index
      %get3A_61 = arith.constant 16 : index
      %get3A_62 = tpu.vector_load %arg9[%get3A_60, %get3A_61] {strides = array<i32>} : memref<32x1024xf32, #tpu.memory_space<vmem>>, vector<1x16xf32>,
      %get3A_63 = vector.shape_cast %get3A_62 : vector<1x16xf32> to vector<16xf32>
      %add3A_64 = arith.addf %get3A_59, %get3A_63 : vector<16xf32>
      %swap3A_65 = arith.index_cast %scan3A_42 : i32 to index
      %swap3A_66 = arith.constant 16 : index
      %swap3A_67 = tpu.vector_load %arg8[%swap3A_65, %swap3A_66] {strides = array<i32>} : memref<32x1024xf32, #tpu.memory_space<vmem>>, vector<1x16xf32>,
      %swap3A_68 = vector.shape_cast %swap3A_67 : vector<1x16xf32> to vector<16xf32>
      %swap3A_69 = vector.shape_cast %add3A_64 : vector<16xf32> to vector<1x16xf32>
      tpu.vector_store %arg8[%swap3A_65, %swap3A_66], %swap3A_69 {strides = array<i32>} : memref<32x1024xf32, #tpu.memory_space<vmem>>, vector<1x16xf32>,
      %get3A_70 = arith.index_cast %scan3A_42 : i32 to index
      %get3A_71 = arith.constant 32 : index
      %get3A_72 = tpu.vector_load %arg8[%get3A_70, %get3A_71] {strides = array<i32>} : memref<32x1024xf32, #tpu.memory_space<vmem>>, vector<1x16xf32>,
      %get3A_73 = vector.shape_cast %get3A_72 : vector<1x16xf32> to vector<16xf32>
      %get3A_74 = arith.index_cast %scan3A_42 : i32 to index
      %get3A_75 = arith.constant 32 : index
      %get3A_76 = tpu.vector_load %arg9[%get3A_74, %get3A_75] {strides = array<i32>} : memref<32x1024xf32, #tpu.memory_space<vmem>>, vector<1x16xf32>,
      %get3A_77 = vector.shape_cast %get3A_76 : vector<1x16xf32> to vector<16xf32>
      %add3A_78 = arith.addf %get3A_73, %get3A_77 : vector<16xf32>
      %swap3A_79 = arith.index_cast %scan3A_42 : i32 to index
      %swap3A_80 = arith.constant 32 : index
      %swap3A_81 = tpu.vector_load %arg8[%swap3A_79, %swap3A_80] {strides = array<i32>} : memref<32x1024xf32, #tpu.memory_space<vmem>>, vector<1x16xf32>,
      %swap3A_82 = vector.shape_cast %swap3A_81 : vector<1x16xf32> to vector<16xf32>
      %swap3A_83 = vector.shape_cast %add3A_78 : vector<16xf32> to vector<1x16xf32>
      tpu.vector_store %arg8[%swap3A_79, %swap3A_80], %swap3A_83 {strides = array<i32>} : memref<32x1024xf32, #tpu.memory_space<vmem>>, vector<1x16xf32>,
      %get3A_84 = arith.index_cast %scan3A_42 : i32 to index
      %get3A_85 = arith.constant 48 : index
      %get3A_86 = tpu.vector_load %arg8[%get3A_84, %get3A_85] {strides = array<i32>} : memref<32x1024xf32, #tpu.memory_space<vmem>>, vector<1x16xf32>,
      %get3A_87 = vector.shape_cast %get3A_86 : vector<1x16xf32> to vector<16xf32>
      %get3A_88 = arith.index_cast %scan3A_42 : i32 to index
      %get3A_89 = arith.constant 48 : index
      %get3A_90 = tpu.vector_load %arg9[%get3A_88, %get3A_89] {strides = array<i32>} : memref<32x1024xf32, #tpu.memory_space<vmem>>, vector<1x16xf32>,
      %get3A_91 = vector.shape_cast %get3A_90 : vector<1x16xf32> to vector<16xf32>
      %add3A_92 = arith.addf %get3A_87, %get3A_91 : vector<16xf32>
      %swap3A_93 = arith.index_cast %scan3A_42 : i32 to index
      %swap3A_94 = arith.constant 48 : index
      %swap3A_95 = tpu.vector_load %arg8[%swap3A_93, %swap3A_94] {strides = array<i32>} : memref<32x1024xf32, #tpu.memory_space<vmem>>, vector<1x16xf32>,
      %swap3A_96 = vector.shape_cast %swap3A_95 : vector<1x16xf32> to vector<16xf32>
      %swap3A_97 = vector.shape_cast %add3A_92 : vector<16xf32> to vector<1x16xf32>
      tpu.vector_store %arg8[%swap3A_93, %swap3A_94], %swap3A_97 {strides = array<i32>} : memref<32x1024xf32, #tpu.memory_space<vmem>>, vector<1x16xf32>,
      %get3A_98 = arith.index_cast %scan3A_42 : i32 to index
      %get3A_99 = arith.constant 64 : index
      %get3A_100 = tpu.vector_load %arg8[%get3A_98, %get3A_99] {strides = array<i32>} : memref<32x1024xf32, #tpu.memory_space<vmem>>, vector<1x16xf32>,
      %get3A_101 = vector.shape_cast %get3A_100 : vector<1x16xf32> to vector<16xf32>
      %get3A_102 = arith.index_cast %scan3A_42 : i32 to index
      %get3A_103 = arith.constant 64 : index
      %get3A_104 = tpu.vector_load %arg9[%get3A_102, %get3A_103] {strides = array<i32>} : memref<32x1024xf32, #tpu.memory_space<vmem>>, vector<1x16xf32>,
      %get3A_105 = vector.shape_cast %get3A_104 : vector<1x16xf32> to vector<16xf32>
      %add3A_106 = arith.addf %get3A_101, %get3A_105 : vector<16xf32>
      %swap3A_107 = arith.index_cast %scan3A_42 : i32 to index
      %swap3A_108 = arith.constant 64 : index
      %swap3A_109 = tpu.vector_load %arg8[%swap3A_107, %swap3A_108] {strides = array<i32>} : memref<32x1024xf32, #tpu.memory_space<vmem>>, vector<1x16xf32>,
      %swap3A_110 = vector.shape_cast %swap3A_109 : vector<1x16xf32> to vector<16xf32>
      %swap3A_111 = vector.shape_cast %add3A_106 : vector<16xf32> to vector<1x16xf32>
      tpu.vector_store %arg8[%swap3A_107, %swap3A_108], %swap3A_111 {strides = array<i32>} : memref<32x1024xf32, #tpu.memory_space<vmem>>, vector<1x16xf32>,
      %get3A_112 = arith.index_cast %scan3A_42 : i32 to index
      %get3A_113 = arith.constant 80 : index
      %get3A_114 = tpu.vector_load %arg8[%get3A_112, %get3A_113] {strides = array<i32>} : memref<32x1024xf32, #tpu.memory_space<vmem>>, vector<1x16xf32>,
      %get3A_115 = vector.shape_cast %get3A_114 : vector<1x16xf32> to vector<16xf32>
      %get3A_116 = arith.index_cast %scan3A_42 : i32 to index
      %get3A_117 = arith.constant 80 : index
      %get3A_118 = tpu.vector_load %arg9[%get3A_116, %get3A_117] {strides = array<i32>} : memref<32x1024xf32, #tpu.memory_space<vmem>>, vector<1x16xf32>,
      %get3A_119 = vector.shape_cast %get3A_118 : vector<1x16xf32> to vector<16xf32>
      %add3A_120 = arith.addf %get3A_115, %get3A_119 : vector<16xf32>
      %swap3A_121 = arith.index_cast %scan3A_42 : i32 to index
      %swap3A_122 = arith.constant 80 : index
      %swap3A_123 = tpu.vector_load %arg8[%swap3A_121, %swap3A_122] {strides = array<i32>} : memref<32x1024xf32, #tpu.memory_space<vmem>>, vector<1x16xf32>,
      %swap3A_124 = vector.shape_cast %swap3A_123 : vector<1x16xf32> to vector<16xf32>
      %swap3A_125 = vector.shape_cast %add3A_120 : vector<16xf32> to vector<1x16xf32>
      tpu.vector_store %arg8[%swap3A_121, %swap3A_122], %swap3A_125 {strides = array<i32>} : memref<32x1024xf32, #tpu.memory_space<vmem>>, vector<1x16xf32>,
      %get3A_126 = arith.index_cast %scan3A_42 : i32 to index
      %get3A_127 = arith.constant 96 : index
      %get3A_128 = tpu.vector_load %arg8[%get3A_126, %get3A_127] {strides = array<i32>} : memref<32x1024xf32, #tpu.memory_space<vmem>>, vector<1x16xf32>,
      %get3A_129 = vector.shape_cast %get3A_128 : vector<1x16xf32> to vector<16xf32>
      %get3A_130 = arith.index_cast %scan3A_42 : i32 to index
      %get3A_131 = arith.constant 96 : index
      %get3A_132 = tpu.vector_load %arg9[%get3A_130, %get3A_131] {strides = array<i32>} : memref<32x1024xf32, #tpu.memory_space<vmem>>, vector<1x16xf32>,
      %get3A_133 = vector.shape_cast %get3A_132 : vector<1x16xf32> to vector<16xf32>
      %add3A_134 = arith.addf %get3A_129, %get3A_133 : vector<16xf32>
      %swap3A_135 = arith.index_cast %scan3A_42 : i32 to index
      %swap3A_136 = arith.constant 96 : index
      %swap3A_137 = tpu.vector_load %arg8[%swap3A_135, %swap3A_136] {strides = array<i32>} : memref<32x1024xf32, #tpu.memory_space<vmem>>, vector<1x16xf32>,
      %swap3A_138 = vector.shape_cast %swap3A_137 : vector<1x16xf32> to vector<16xf32>
      %swap3A_139 = vector.shape_cast %add3A_134 : vector<16xf32> to vector<1x16xf32>
      tpu.vector_store %arg8[%swap3A_135, %swap3A_136], %swap3A_139 {strides = array<i32>} : memref<32x1024xf32, #tpu.memory_space<vmem>>, vector<1x16xf32>,
      %get3A_140 = arith.index_cast %scan3A_42 : i32 to index
      %get3A_141 = arith.constant 112 : index
      %get3A_142 = tpu.vector_load %arg8[%get3A_140, %get3A_141] {strides = array<i32>} : memref<32x1024xf32, #tpu.memory_space<vmem>>, vector<1x16xf32>,
      %get3A_143 = vector.shape_cast %get3A_142 : vector<1x16xf32> to vector<16xf32>
      %get3A_144 = arith.index_cast %scan3A_42 : i32 to index
      %get3A_145 = arith.constant 112 : index
      %get3A_146 = tpu.vector_load %arg9[%get3A_144, %get3A_145] {strides = array<i32>} : memref<32x1024xf32, #tpu.memory_space<vmem>>, vector<1x16xf32>,
      %get3A_147 = vector.shape_cast %get3A_146 : vector<1x16xf32> to vector<16xf32>
      %add3A_148 = arith.addf %get3A_143, %get3A_147 : vector<16xf32>
      %swap3A_149 = arith.index_cast %scan3A_42 : i32 to index
      %swap3A_150 = arith.constant 112 : index
      %swap3A_151 = tpu.vector_load %arg8[%swap3A_149, %swap3A_150] {strides = array<i32>} : memref<32x1024xf32, #tpu.memory_space<vmem>>, vector<1x16xf32>,
      %swap3A_152 = vector.shape_cast %swap3A_151 : vector<1x16xf32> to vector<16xf32>
      %swap3A_153 = vector.shape_cast %add3A_148 : vector<16xf32> to vector<1x16xf32>
      tpu.vector_store %arg8[%swap3A_149, %swap3A_150], %swap3A_153 {strides = array<i32>} : memref<32x1024xf32, #tpu.memory_space<vmem>>, vector<1x16xf32>,
      %get3A_154 = arith.index_cast %scan3A_42 : i32 to index
      %get3A_155 = arith.constant 128 : index
      %get3A_156 = tpu.vector_load %arg8[%get3A_154, %get3A_155] {strides = array<i32>} : memref<32x1024xf32, #tpu.memory_space<vmem>>, vector<1x16xf32>,
      %get3A_157 = vector.shape_cast %get3A_156 : vector<1x16xf32> to vector<16xf32>
      %get3A_158 = arith.index_cast %scan3A_42 : i32 to index
      %get3A_159 = arith.constant 128 : index
      %get3A_160 = tpu.vector_load %arg9[%get3A_158, %get3A_159] {strides = array<i32>} : memref<32x1024xf32, #tpu.memory_space<vmem>>, vector<1x16xf32>,
      %get3A_161 = vector.shape_cast %get3A_160 : vector<1x16xf32> to vector<16xf32>
      %add3A_162 = arith.addf %get3A_157, %get3A_161 : vector<16xf32>
      %swap3A_163 = arith.index_cast %scan3A_42 : i32 to index
      %swap3A_164 = arith.constant 128 : index
      %swap3A_165 = tpu.vector_load %arg8[%swap3A_163, %swap3A_164] {strides = array<i32>} : memref<32x1024xf32, #tpu.memory_space<vmem>>, vector<1x16xf32>,
      %swap3A_166 = vector.shape_cast %swap3A_165 : vector<1x16xf32> to vector<16xf32>
      %swap3A_167 = vector.shape_cast %add3A_162 : vector<16xf32> to vector<1x16xf32>
      tpu.vector_store %arg8[%swap3A_163, %swap3A_164], %swap3A_167 {strides = array<i32>} : memref<32x1024xf32, #tpu.memory_space<vmem>>, vector<1x16xf32>,
      %get3A_168 = arith.index_cast %scan3A_42 : i32 to index
      %get3A_169 = arith.constant 144 : index
      %get3A_170 = tpu.vector_load %arg8[%get3A_168, %get3A_169] {strides = array<i32>} : memref<32x1024xf32, #tpu.memory_space<vmem>>, vector<1x16xf32>,
      %get3A_171 = vector.shape_cast %get3A_170 : vector<1x16xf32> to vector<16xf32>
      %get3A_172 = arith.index_cast %scan3A_42 : i32 to index
      %get3A_173 = arith.constant 144 : index
      %get3A_174 = tpu.vector_load %arg9[%get3A_172, %get3A_173] {strides = array<i32>} : memref<32x1024xf32, #tpu.memory_space<vmem>>, vector<1x16xf32>,
      %get3A_175 = vector.shape_cast %get3A_174 : vector<1x16xf32> to vector<16xf32>
      %add3A_176 = arith.addf %get3A_171, %get3A_175 : vector<16xf32>
      %swap3A_177 = arith.index_cast %scan3A_42 : i32 to index
      %swap3A_178 = arith.constant 144 : index
      %swap3A_179 = tpu.vector_load %arg8[%swap3A_177, %swap3A_178] {strides = array<i32>} : memref<32x1024xf32, #tpu.memory_space<vmem>>, vector<1x16xf32>,
      %swap3A_180 = vector.shape_cast %swap3A_179 : vector<1x16xf32> to vector<16xf32>
      %swap3A_181 = vector.shape_cast %add3A_176 : vector<16xf32> to vector<1x16xf32>
      tpu.vector_store %arg8[%swap3A_177, %swap3A_178], %swap3A_181 {strides = array<i32>} : memref<32x1024xf32, #tpu.memory_space<vmem>>, vector<1x16xf32>,
      %get3A_182 = arith.index_cast %scan3A_42 : i32 to index
      %get3A_183 = arith.constant 160 : index
      %get3A_184 = tpu.vector_load %arg8[%get3A_182, %get3A_183] {strides = array<i32>} : memref<32x1024xf32, #tpu.memory_space<vmem>>, vector<1x16xf32>,
      %get3A_185 = vector.shape_cast %get3A_184 : vector<1x16xf32> to vector<16xf32>
      %get3A_186 = arith.index_cast %scan3A_42 : i32 to index
      %get3A_187 = arith.constant 160 : index
      %get3A_188 = tpu.vector_load %arg9[%get3A_186, %get3A_187] {strides = array<i32>} : memref<32x1024xf32, #tpu.memory_space<vmem>>, vector<1x16xf32>,
      %get3A_189 = vector.shape_cast %get3A_188 : vector<1x16xf32> to vector<16xf32>
      %add3A_190 = arith.addf %get3A_185, %get3A_189 : vector<16xf32>
      %swap3A_191 = arith.index_cast %scan3A_42 : i32 to index
      %swap3A_192 = arith.constant 160 : index
      %swap3A_193 = tpu.vector_load %arg8[%swap3A_191, %swap3A_192] {strides = array<i32>} : memref<32x1024xf32, #tpu.memory_space<vmem>>, vector<1x16xf32>,
      %swap3A_194 = vector.shape_cast %swap3A_193 : vector<1x16xf32> to vector<16xf32>
      %swap3A_195 = vector.shape_cast %add3A_190 : vector<16xf32> to vector<1x16xf32>
      tpu.vector_store %arg8[%swap3A_191, %swap3A_192], %swap3A_195 {strides = array<i32>} : memref<32x1024xf32, #tpu.memory_space<vmem>>, vector<1x16xf32>,
      %get3A_196 = arith.index_cast %scan3A_42 : i32 to index
      %get3A_197 = arith.constant 176 : index
      %get3A_198 = tpu.vector_load %arg8[%get3A_196, %get3A_197] {strides = array<i32>} : memref<32x1024xf32, #tpu.memory_space<vmem>>, vector<1x16xf32>,
      %get3A_199 = vector.shape_cast %get3A_198 : vector<1x16xf32> to vector<16xf32>
      %get3A_200 = arith.index_cast %scan3A_42 : i32 to index
      %get3A_201 = arith.constant 176 : index
      %get3A_202 = tpu.vector_load %arg9[%get3A_200, %get3A_201] {strides = array<i32>} : memref<32x1024xf32, #tpu.memory_space<vmem>>, vector<1x16xf32>,
      %get3A_203 = vector.shape_cast %get3A_202 : vector<1x16xf32> to vector<16xf32>
      %add3A_204 = arith.addf %get3A_199, %get3A_203 : vector<16xf32>
      %swap3A_205 = arith.index_cast %scan3A_42 : i32 to index
      %swap3A_206 = arith.constant 176 : index
      %swap3A_207 = tpu.vector_load %arg8[%swap3A_205, %swap3A_206] {strides = array<i32>} : memref<32x1024xf32, #tpu.memory_space<vmem>>, vector<1x16xf32>,
      %swap3A_208 = vector.shape_cast %swap3A_207 : vector<1x16xf32> to vector<16xf32>
      %swap3A_209 = vector.shape_cast %add3A_204 : vector<16xf32> to vector<1x16xf32>
      tpu.vector_store %arg8[%swap3A_205, %swap3A_206], %swap3A_209 {strides = array<i32>} : memref<32x1024xf32, #tpu.memory_space<vmem>>, vector<1x16xf32>,
      %get3A_210 = arith.index_cast %scan3A_42 : i32 to index
      %get3A_211 = arith.constant 192 : index
      %get3A_212 = tpu.vector_load %arg8[%get3A_210, %get3A_211] {strides = array<i32>} : memref<32x1024xf32, #tpu.memory_space<vmem>>, vector<1x16xf32>,
      %get3A_213 = vector.shape_cast %get3A_212 : vector<1x16xf32> to vector<16xf32>
      %get3A_214 = arith.index_cast %scan3A_42 : i32 to index
      %get3A_215 = arith.constant 192 : index
      %get3A_216 = tpu.vector_load %arg9[%get3A_214, %get3A_215] {strides = array<i32>} : memref<32x1024xf32, #tpu.memory_space<vmem>>, vector<1x16xf32>,
      %get3A_217 = vector.shape_cast %get3A_216 : vector<1x16xf32> to vector<16xf32>
      %add3A_218 = arith.addf %get3A_213, %get3A_217 : vector<16xf32>
      %swap3A_219 = arith.index_cast %scan3A_42 : i32 to index
      %swap3A_220 = arith.constant 192 : index
      %swap3A_221 = tpu.vector_load %arg8[%swap3A_219, %swap3A_220] {strides = array<i32>} : memref<32x1024xf32, #tpu.memory_space<vmem>>, vector<1x16xf32>,
      %swap3A_222 = vector.shape_cast %swap3A_221 : vector<1x16xf32> to vector<16xf32>
      %swap3A_223 = vector.shape_cast %add3A_218 : vector<16xf32> to vector<1x16xf32>
      tpu.vector_store %arg8[%swap3A_219, %swap3A_220], %swap3A_223 {strides = array<i32>} : memref<32x1024xf32, #tpu.memory_space<vmem>>, vector<1x16xf32>,
      %get3A_224 = arith.index_cast %scan3A_42 : i32 to index
      %get3A_225 = arith.constant 208 : index
      %get3A_226 = tpu.vector_load %arg8[%get3A_224, %get3A_225] {strides = array<i32>} : memref<32x1024xf32, #tpu.memory_space<vmem>>, vector<1x16xf32>,
      %get3A_227 = vector.shape_cast %get3A_226 : vector<1x16xf32> to vector<16xf32>
      %get3A_228 = arith.index_cast %scan3A_42 : i32 to index
      %get3A_229 = arith.constant 208 : index
      %get3A_230 = tpu.vector_load %arg9[%get3A_228, %get3A_229] {strides = array<i32>} : memref<32x1024xf32, #tpu.memory_space<vmem>>, vector<1x16xf32>,
      %get3A_231 = vector.shape_cast %get3A_230 : vector<1x16xf32> to vector<16xf32>
      %add3A_232 = arith.addf %get3A_227, %get3A_231 : vector<16xf32>
      %swap3A_233 = arith.index_cast %scan3A_42 : i32 to index
      %swap3A_234 = arith.constant 208 : index
      %swap3A_235 = tpu.vector_load %arg8[%swap3A_233, %swap3A_234] {strides = array<i32>} : memref<32x1024xf32, #tpu.memory_space<vmem>>, vector<1x16xf32>,
      %swap3A_236 = vector.shape_cast %swap3A_235 : vector<1x16xf32> to vector<16xf32>
      %swap3A_237 = vector.shape_cast %add3A_232 : vector<16xf32> to vector<1x16xf32>
      tpu.vector_store %arg8[%swap3A_233, %swap3A_234], %swap3A_237 {strides = array<i32>} : memref<32x1024xf32, #tpu.memory_space<vmem>>, vector<1x16xf32>,
      %get3A_238 = arith.index_cast %scan3A_42 : i32 to index
      %get3A_239 = arith.constant 224 : index
      %get3A_240 = tpu.vector_load %arg8[%get3A_238, %get3A_239] {strides = array<i32>} : memref<32x1024xf32, #tpu.memory_space<vmem>>, vector<1x16xf32>,
      %get3A_241 = vector.shape_cast %get3A_240 : vector<1x16xf32> to vector<16xf32>
      %get3A_242 = arith.index_cast %scan3A_42 : i32 to index
      %get3A_243 = arith.constant 224 : index
      %get3A_244 = tpu.vector_load %arg9[%get3A_242, %get3A_243] {strides = array<i32>} : memref<32x1024xf32, #tpu.memory_space<vmem>>, vector<1x16xf32>,
      %get3A_245 = vector.shape_cast %get3A_244 : vector<1x16xf32> to vector<16xf32>
      %add3A_246 = arith.addf %get3A_241, %get3A_245 : vector<16xf32>
      %swap3A_247 = arith.index_cast %scan3A_42 : i32 to index
      %swap3A_248 = arith.constant 224 : index
      %swap3A_249 = tpu.vector_load %arg8[%swap3A_247, %swap3A_248] {strides = array<i32>} : memref<32x1024xf32, #tpu.memory_space<vmem>>, vector<1x16xf32>,
      %swap3A_250 = vector.shape_cast %swap3A_249 : vector<1x16xf32> to vector<16xf32>
      %swap3A_251 = vector.shape_cast %add3A_246 : vector<16xf32> to vector<1x16xf32>
      tpu.vector_store %arg8[%swap3A_247, %swap3A_248], %swap3A_251 {strides = array<i32>} : memref<32x1024xf32, #tpu.memory_space<vmem>>, vector<1x16xf32>,
      %get3A_252 = arith.index_cast %scan3A_42 : i32 to index
      %get3A_253 = arith.constant 240 : index
      %get3A_254 = tpu.vector_load %arg8[%get3A_252, %get3A_253] {strides = array<i32>} : memref<32x1024xf32, #tpu.memory_space<vmem>>, vector<1x16xf32>,
      %get3A_255 = vector.shape_cast %get3A_254 : vector<1x16xf32> to vector<16xf32>
      %get3A_256 = arith.index_cast %scan3A_42 : i32 to index
      %get3A_257 = arith.constant 240 : index
      %get3A_258 = tpu.vector_load %arg9[%get3A_256, %get3A_257] {strides = array<i32>} : memref<32x1024xf32, #tpu.memory_space<vmem>>, vector<1x16xf32>,
      %get3A_259 = vector.shape_cast %get3A_258 : vector<1x16xf32> to vector<16xf32>
      %add3A_260 = arith.addf %get3A_255, %get3A_259 : vector<16xf32>
      %swap3A_261 = arith.index_cast %scan3A_42 : i32 to index
      %swap3A_262 = arith.constant 240 : index
      %swap3A_263 = tpu.vector_load %arg8[%swap3A_261, %swap3A_262] {strides = array<i32>} : memref<32x1024xf32, #tpu.memory_space<vmem>>, vector<1x16xf32>,
      %swap3A_264 = vector.shape_cast %swap3A_263 : vector<1x16xf32> to vector<16xf32>
      %swap3A_265 = vector.shape_cast %add3A_260 : vector<16xf32> to vector<1x16xf32>
      tpu.vector_store %arg8[%swap3A_261, %swap3A_262], %swap3A_265 {strides = array<i32>} : memref<32x1024xf32, #tpu.memory_space<vmem>>, vector<1x16xf32>,
      %get3A_266 = arith.index_cast %scan3A_42 : i32 to index
      %get3A_267 = arith.constant 256 : index
      %get3A_268 = tpu.vector_load %arg8[%get3A_266, %get3A_267] {strides = array<i32>} : memref<32x1024xf32, #tpu.memory_space<vmem>>, vector<1x16xf32>,
      %get3A_269 = vector.shape_cast %get3A_268 : vector<1x16xf32> to vector<16xf32>
      %get3A_270 = arith.index_cast %scan3A_42 : i32 to index
      %get3A_271 = arith.constant 256 : index
      %get3A_272 = tpu.vector_load %arg9[%get3A_270, %get3A_271] {strides = array<i32>} : memref<32x1024xf32, #tpu.memory_space<vmem>>, vector<1x16xf32>,
      %get3A_273 = vector.shape_cast %get3A_272 : vector<1x16xf32> to vector<16xf32>
      %add3A_274 = arith.addf %get3A_269, %get3A_273 : vector<16xf32>
      %swap3A_275 = arith.index_cast %scan3A_42 : i32 to index
      %swap3A_276 = arith.constant 256 : index
      %swap3A_277 = tpu.vector_load %arg8[%swap3A_275, %swap3A_276] {strides = array<i32>} : memref<32x1024xf32, #tpu.memory_space<vmem>>, vector<1x16xf32>,
      %swap3A_278 = vector.shape_cast %swap3A_277 : vector<1x16xf32> to vector<16xf32>
      %swap3A_279 = vector.shape_cast %add3A_274 : vector<16xf32> to vector<1x16xf32>
      tpu.vector_store %arg8[%swap3A_275, %swap3A_276], %swap3A_279 {strides = array<i32>} : memref<32x1024xf32, #tpu.memory_space<vmem>>, vector<1x16xf32>,
      %get3A_280 = arith.index_cast %scan3A_42 : i32 to index
      %get3A_281 = arith.constant 272 : index
      %get3A_282 = tpu.vector_load %arg8[%get3A_280, %get3A_281] {strides = array<i32>} : memref<32x1024xf32, #tpu.memory_space<vmem>>, vector<1x16xf32>,
      %get3A_283 = vector.shape_cast %get3A_282 : vector<1x16xf32> to vector<16xf32>
      %get3A_284 = arith.index_cast %scan3A_42 : i32 to index
      %get3A_285 = arith.constant 272 : index
      %get3A_286 = tpu.vector_load %arg9[%get3A_284, %get3A_285] {strides = array<i32>} : memref<32x1024xf32, #tpu.memory_space<vmem>>, vector<1x16xf32>,
      %get3A_287 = vector.shape_cast %get3A_286 : vector<1x16xf32> to vector<16xf32>
      %add3A_288 = arith.addf %get3A_283, %get3A_287 : vector<16xf32>
      %swap3A_289 = arith.index_cast %scan3A_42 : i32 to index
      %swap3A_290 = arith.constant 272 : index
      %swap3A_291 = tpu.vector_load %arg8[%swap3A_289, %swap3A_290] {strides = array<i32>} : memref<32x1024xf32, #tpu.memory_space<vmem>>, vector<1x16xf32>,
      %swap3A_292 = vector.shape_cast %swap3A_291 : vector<1x16xf32> to vector<16xf32>
      %swap3A_293 = vector.shape_cast %add3A_288 : vector<16xf32> to vector<1x16xf32>
      tpu.vector_store %arg8[%swap3A_289, %swap3A_290], %swap3A_293 {strides = array<i32>} : memref<32x1024xf32, #tpu.memory_space<vmem>>, vector<1x16xf32>,
      %get3A_294 = arith.index_cast %scan3A_42 : i32 to index
      %get3A_295 = arith.constant 288 : index
      %get3A_296 = tpu.vector_load %arg8[%get3A_294, %get3A_295] {strides = array<i32>} : memref<32x1024xf32, #tpu.memory_space<vmem>>, vector<1x16xf32>,
      %get3A_297 = vector.shape_cast %get3A_296 : vector<1x16xf32> to vector<16xf32>
      %get3A_298 = arith.index_cast %scan3A_42 : i32 to index
      %get3A_299 = arith.constant 288 : index
      %get3A_300 = tpu.vector_load %arg9[%get3A_298, %get3A_299] {strides = array<i32>} : memref<32x1024xf32, #tpu.memory_space<vmem>>, vector<1x16xf32>,
      %get3A_301 = vector.shape_cast %get3A_300 : vector<1x16xf32> to vector<16xf32>
      %add3A_302 = arith.addf %get3A_297, %get3A_301 : vector<16xf32>
      %swap3A_303 = arith.index_cast %scan3A_42 : i32 to index
      %swap3A_304 = arith.constant 288 : index
      %swap3A_305 = tpu.vector_load %arg8[%swap3A_303, %swap3A_304] {strides = array<i32>} : memref<32x1024xf32, #tpu.memory_space<vmem>>, vector<1x16xf32>,
      %swap3A_306 = vector.shape_cast %swap3A_305 : vector<1x16xf32> to vector<16xf32>
      %swap3A_307 = vector.shape_cast %add3A_302 : vector<16xf32> to vector<1x16xf32>
      tpu.vector_store %arg8[%swap3A_303, %swap3A_304], %swap3A_307 {strides = array<i32>} : memref<32x1024xf32, #tpu.memory_space<vmem>>, vector<1x16xf32>,
      %get3A_308 = arith.index_cast %scan3A_42 : i32 to index
      %get3A_309 = arith.constant 304 : index
      %get3A_310 = tpu.vector_load %arg8[%get3A_308, %get3A_309] {strides = array<i32>} : memref<32x1024xf32, #tpu.memory_space<vmem>>, vector<1x16xf32>,
      %get3A_311 = vector.shape_cast %get3A_310 : vector<1x16xf32> to vector<16xf32>
      %get3A_312 = arith.index_cast %scan3A_42 : i32 to index
      %get3A_313 = arith.constant 304 : index
      %get3A_314 = tpu.vector_load %arg9[%get3A_312, %get3A_313] {strides = array<i32>} : memref<32x1024xf32, #tpu.memory_space<vmem>>, vector<1x16xf32>,
      %get3A_315 = vector.shape_cast %get3A_314 : vector<1x16xf32> to vector<16xf32>
      %add3A_316 = arith.addf %get3A_311, %get3A_315 : vector<16xf32>
      %swap3A_317 = arith.index_cast %scan3A_42 : i32 to index
      %swap3A_318 = arith.constant 304 : index
      %swap3A_319 = tpu.vector_load %arg8[%swap3A_317, %swap3A_318] {strides = array<i32>} : memref<32x1024xf32, #tpu.memory_space<vmem>>, vector<1x16xf32>,
      %swap3A_320 = vector.shape_cast %swap3A_319 : vector<1x16xf32> to vector<16xf32>
      %swap3A_321 = vector.shape_cast %add3A_316 : vector<16xf32> to vector<1x16xf32>
      tpu.vector_store %arg8[%swap3A_317, %swap3A_318], %swap3A_321 {strides = array<i32>} : memref<32x1024xf32, #tpu.memory_space<vmem>>, vector<1x16xf32>,
      %get3A_322 = arith.index_cast %scan3A_42 : i32 to index
      %get3A_323 = arith.constant 320 : index
      %get3A_324 = tpu.vector_load %arg8[%get3A_322, %get3A_323] {strides = array<i32>} : memref<32x1024xf32, #tpu.memory_space<vmem>>, vector<1x16xf32>,
      %get3A_325 = vector.shape_cast %get3A_324 : vector<1x16xf32> to vector<16xf32>
      %get3A_326 = arith.index_cast %scan3A_42 : i32 to index
      %get3A_327 = arith.constant 320 : index
      %get3A_328 = tpu.vector_load %arg9[%get3A_326, %get3A_327] {strides = array<i32>} : memref<32x1024xf32, #tpu.memory_space<vmem>>, vector<1x16xf32>,
      %get3A_329 = vector.shape_cast %get3A_328 : vector<1x16xf32> to vector<16xf32>
      %add3A_330 = arith.addf %get3A_325, %get3A_329 : vector<16xf32>
      %swap3A_331 = arith.index_cast %scan3A_42 : i32 to index
      %swap3A_332 = arith.constant 320 : index
      %swap3A_333 = tpu.vector_load %arg8[%swap3A_331, %swap3A_332] {strides = array<i32>} : memref<32x1024xf32, #tpu.memory_space<vmem>>, vector<1x16xf32>,
      %swap3A_334 = vector.shape_cast %swap3A_333 : vector<1x16xf32> to vector<16xf32>
      %swap3A_335 = vector.shape_cast %add3A_330 : vector<16xf32> to vector<1x16xf32>
      tpu.vector_store %arg8[%swap3A_331, %swap3A_332], %swap3A_335 {strides = array<i32>} : memref<32x1024xf32, #tpu.memory_space<vmem>>, vector<1x16xf32>,
      %get3A_336 = arith.index_cast %scan3A_42 : i32 to index
      %get3A_337 = arith.constant 336 : index
      %get3A_338 = tpu.vector_load %arg8[%get3A_336, %get3A_337] {strides = array<i32>} : memref<32x1024xf32, #tpu.memory_space<vmem>>, vector<1x16xf32>,
      %get3A_339 = vector.shape_cast %get3A_338 : vector<1x16xf32> to vector<16xf32>
      %get3A_340 = arith.index_cast %scan3A_42 : i32 to index
      %get3A_341 = arith.constant 336 : index
      %get3A_342 = tpu.vector_load %arg9[%get3A_340, %get3A_341] {strides = array<i32>} : memref<32x1024xf32, #tpu.memory_space<vmem>>, vector<1x16xf32>,
      %get3A_343 = vector.shape_cast %get3A_342 : vector<1x16xf32> to vector<16xf32>
      %add3A_344 = arith.addf %get3A_339, %get3A_343 : vector<16xf32>
      %swap3A_345 = arith.index_cast %scan3A_42 : i32 to index
      %swap3A_346 = arith.constant 336 : index
      %swap3A_347 = tpu.vector_load %arg8[%swap3A_345, %swap3A_346] {strides = array<i32>} : memref<32x1024xf32, #tpu.memory_space<vmem>>, vector<1x16xf32>,
      %swap3A_348 = vector.shape_cast %swap3A_347 : vector<1x16xf32> to vector<16xf32>
      %swap3A_349 = vector.shape_cast %add3A_344 : vector<16xf32> to vector<1x16xf32>
      tpu.vector_store %arg8[%swap3A_345, %swap3A_346], %swap3A_349 {strides = array<i32>} : memref<32x1024xf32, #tpu.memory_space<vmem>>, vector<1x16xf32>,
      %get3A_350 = arith.index_cast %scan3A_42 : i32 to index
      %get3A_351 = arith.constant 352 : index
      %get3A_352 = tpu.vector_load %arg8[%get3A_350, %get3A_351] {strides = array<i32>} : memref<32x1024xf32, #tpu.memory_space<vmem>>, vector<1x16xf32>,
      %get3A_353 = vector.shape_cast %get3A_352 : vector<1x16xf32> to vector<16xf32>
      %get3A_354 = arith.index_cast %scan3A_42 : i32 to index
      %get3A_355 = arith.constant 352 : index
      %get3A_356 = tpu.vector_load %arg9[%get3A_354, %get3A_355] {strides = array<i32>} : memref<32x1024xf32, #tpu.memory_space<vmem>>, vector<1x16xf32>,
      %get3A_357 = vector.shape_cast %get3A_356 : vector<1x16xf32> to vector<16xf32>
      %add3A_358 = arith.addf %get3A_353, %get3A_357 : vector<16xf32>
      %swap3A_359 = arith.index_cast %scan3A_42 : i32 to index
      %swap3A_360 = arith.constant 352 : index
      %swap3A_361 = tpu.vector_load %arg8[%swap3A_359, %swap3A_360] {strides = array<i32>} : memref<32x1024xf32, #tpu.memory_space<vmem>>, vector<1x16xf32>,
      %swap3A_362 = vector.shape_cast %swap3A_361 : vector<1x16xf32> to vector<16xf32>
      %swap3A_363 = vector.shape_cast %add3A_358 : vector<16xf32> to vector<1x16xf32>
      tpu.vector_store %arg8[%swap3A_359, %swap3A_360], %swap3A_363 {strides = array<i32>} : memref<32x1024xf32, #tpu.memory_space<vmem>>, vector<1x16xf32>,
      %get3A_364 = arith.index_cast %scan3A_42 : i32 to index
      %get3A_365 = arith.constant 368 : index
      %get3A_366 = tpu.vector_load %arg8[%get3A_364, %get3A_365] {strides = array<i32>} : memref<32x1024xf32, #tpu.memory_space<vmem>>, vector<1x16xf32>,
      %get3A_367 = vector.shape_cast %get3A_366 : vector<1x16xf32> to vector<16xf32>
      %get3A_368 = arith.index_cast %scan3A_42 : i32 to index
      %get3A_369 = arith.constant 368 : index
      %get3A_370 = tpu.vector_load %arg9[%get3A_368, %get3A_369] {strides = array<i32>} : memref<32x1024xf32, #tpu.memory_space<vmem>>, vector<1x16xf32>,
      %get3A_371 = vector.shape_cast %get3A_370 : vector<1x16xf32> to vector<16xf32>
      %add3A_372 = arith.addf %get3A_367, %get3A_371 : vector<16xf32>
      %swap3A_373 = arith.index_cast %scan3A_42 : i32 to index
      %swap3A_374 = arith.constant 368 : index
      %swap3A_375 = tpu.vector_load %arg8[%swap3A_373, %swap3A_374] {strides = array<i32>} : memref<32x1024xf32, #tpu.memory_space<vmem>>, vector<1x16xf32>,
      %swap3A_376 = vector.shape_cast %swap3A_375 : vector<1x16xf32> to vector<16xf32>
      %swap3A_377 = vector.shape_cast %add3A_372 : vector<16xf32> to vector<1x16xf32>
      tpu.vector_store %arg8[%swap3A_373, %swap3A_374], %swap3A_377 {strides = array<i32>} : memref<32x1024xf32, #tpu.memory_space<vmem>>, vector<1x16xf32>,
      %get3A_378 = arith.index_cast %scan3A_42 : i32 to index
      %get3A_379 = arith.constant 384 : index
      %get3A_380 = tpu.vector_load %arg8[%get3A_378, %get3A_379] {strides = array<i32>} : memref<32x1024xf32, #tpu.memory_space<vmem>>, vector<1x16xf32>,
      %get3A_381 = vector.shape_cast %get3A_380 : vector<1x16xf32> to vector<16xf32>
      %get3A_382 = arith.index_cast %scan3A_42 : i32 to index
      %get3A_383 = arith.constant 384 : index
      %get3A_384 = tpu.vector_load %arg9[%get3A_382, %get3A_383] {strides = array<i32>} : memref<32x1024xf32, #tpu.memory_space<vmem>>, vector<1x16xf32>,
      %get3A_385 = vector.shape_cast %get3A_384 : vector<1x16xf32> to vector<16xf32>
      %add3A_386 = arith.addf %get3A_381, %get3A_385 : vector<16xf32>
      %swap3A_387 = arith.index_cast %scan3A_42 : i32 to index
      %swap3A_388 = arith.constant 384 : index
      %swap3A_389 = tpu.vector_load %arg8[%swap3A_387, %swap3A_388] {strides = array<i32>} : memref<32x1024xf32, #tpu.memory_space<vmem>>, vector<1x16xf32>,
      %swap3A_390 = vector.shape_cast %swap3A_389 : vector<1x16xf32> to vector<16xf32>
      %swap3A_391 = vector.shape_cast %add3A_386 : vector<16xf32> to vector<1x16xf32>
      tpu.vector_store %arg8[%swap3A_387, %swap3A_388], %swap3A_391 {strides = array<i32>} : memref<32x1024xf32, #tpu.memory_space<vmem>>, vector<1x16xf32>,
      %get3A_392 = arith.index_cast %scan3A_42 : i32 to index
      %get3A_393 = arith.constant 400 : index
      %get3A_394 = tpu.vector_load %arg8[%get3A_392, %get3A_393] {strides = array<i32>} : memref<32x1024xf32, #tpu.memory_space<vmem>>, vector<1x16xf32>,
      %get3A_395 = vector.shape_cast %get3A_394 : vector<1x16xf32> to vector<16xf32>
      %get3A_396 = arith.index_cast %scan3A_42 : i32 to index
      %get3A_397 = arith.constant 400 : index
      %get3A_398 = tpu.vector_load %arg9[%get3A_396, %get3A_397] {strides = array<i32>} : memref<32x1024xf32, #tpu.memory_space<vmem>>, vector<1x16xf32>,
      %get3A_399 = vector.shape_cast %get3A_398 : vector<1x16xf32> to vector<16xf32>
      %add3A_400 = arith.addf %get3A_395, %get3A_399 : vector<16xf32>
      %swap3A_401 = arith.index_cast %scan3A_42 : i32 to index
      %swap3A_402 = arith.constant 400 : index
      %swap3A_403 = tpu.vector_load %arg8[%swap3A_401, %swap3A_402] {strides = array<i32>} : memref<32x1024xf32, #tpu.memory_space<vmem>>, vector<1x16xf32>,
      %swap3A_404 = vector.shape_cast %swap3A_403 : vector<1x16xf32> to vector<16xf32>
      %swap3A_405 = vector.shape_cast %add3A_400 : vector<16xf32> to vector<1x16xf32>
      tpu.vector_store %arg8[%swap3A_401, %swap3A_402], %swap3A_405 {strides = array<i32>} : memref<32x1024xf32, #tpu.memory_space<vmem>>, vector<1x16xf32>,
      %get3A_406 = arith.index_cast %scan3A_42 : i32 to index
      %get3A_407 = arith.constant 416 : index
      %get3A_408 = tpu.vector_load %arg8[%get3A_406, %get3A_407] {strides = array<i32>} : memref<32x1024xf32, #tpu.memory_space<vmem>>, vector<1x16xf32>,
      %get3A_409 = vector.shape_cast %get3A_408 : vector<1x16xf32> to vector<16xf32>
      %get3A_410 = arith.index_cast %scan3A_42 : i32 to index
      %get3A_411 = arith.constant 416 : index
      %get3A_412 = tpu.vector_load %arg9[%get3A_410, %get3A_411] {strides = array<i32>} : memref<32x1024xf32, #tpu.memory_space<vmem>>, vector<1x16xf32>,
      %get3A_413 = vector.shape_cast %get3A_412 : vector<1x16xf32> to vector<16xf32>
      %add3A_414 = arith.addf %get3A_409, %get3A_413 : vector<16xf32>
      %swap3A_415 = arith.index_cast %scan3A_42 : i32 to index
      %swap3A_416 = arith.constant 416 : index
      %swap3A_417 = tpu.vector_load %arg8[%swap3A_415, %swap3A_416] {strides = array<i32>} : memref<32x1024xf32, #tpu.memory_space<vmem>>, vector<1x16xf32>,
      %swap3A_418 = vector.shape_cast %swap3A_417 : vector<1x16xf32> to vector<16xf32>
      %swap3A_419 = vector.shape_cast %add3A_414 : vector<16xf32> to vector<1x16xf32>
      tpu.vector_store %arg8[%swap3A_415, %swap3A_416], %swap3A_419 {strides = array<i32>} : memref<32x1024xf32, #tpu.memory_space<vmem>>, vector<1x16xf32>,
      %get3A_420 = arith.index_cast %scan3A_42 : i32 to index
      %get3A_421 = arith.constant 432 : index
      %get3A_422 = tpu.vector_load %arg8[%get3A_420, %get3A_421] {strides = array<i32>} : memref<32x1024xf32, #tpu.memory_space<vmem>>, vector<1x16xf32>,
      %get3A_423 = vector.shape_cast %get3A_422 : vector<1x16xf32> to vector<16xf32>
      %get3A_424 = arith.index_cast %scan3A_42 : i32 to index
      %get3A_425 = arith.constant 432 : index
      %get3A_426 = tpu.vector_load %arg9[%get3A_424, %get3A_425] {strides = array<i32>} : memref<32x1024xf32, #tpu.memory_space<vmem>>, vector<1x16xf32>,
      %get3A_427 = vector.shape_cast %get3A_426 : vector<1x16xf32> to vector<16xf32>
      %add3A_428 = arith.addf %get3A_423, %get3A_427 : vector<16xf32>
      %swap3A_429 = arith.index_cast %scan3A_42 : i32 to index
      %swap3A_430 = arith.constant 432 : index
      %swap3A_431 = tpu.vector_load %arg8[%swap3A_429, %swap3A_430] {strides = array<i32>} : memref<32x1024xf32, #tpu.memory_space<vmem>>, vector<1x16xf32>,
      %swap3A_432 = vector.shape_cast %swap3A_431 : vector<1x16xf32> to vector<16xf32>
      %swap3A_433 = vector.shape_cast %add3A_428 : vector<16xf32> to vector<1x16xf32>
      tpu.vector_store %arg8[%swap3A_429, %swap3A_430], %swap3A_433 {strides = array<i32>} : memref<32x1024xf32, #tpu.memory_space<vmem>>, vector<1x16xf32>,
      %get3A_434 = arith.index_cast %scan3A_42 : i32 to index
      %get3A_435 = arith.constant 448 : index
      %get3A_436 = tpu.vector_load %arg8[%get3A_434, %get3A_435] {strides = array<i32>} : memref<32x1024xf32, #tpu.memory_space<vmem>>, vector<1x16xf32>,
      %get3A_437 = vector.shape_cast %get3A_436 : vector<1x16xf32> to vector<16xf32>
      %get3A_438 = arith.index_cast %scan3A_42 : i32 to index
      %get3A_439 = arith.constant 448 : index
      %get3A_440 = tpu.vector_load %arg9[%get3A_438, %get3A_439] {strides = array<i32>} : memref<32x1024xf32, #tpu.memory_space<vmem>>, vector<1x16xf32>,
      %get3A_441 = vector.shape_cast %get3A_440 : vector<1x16xf32> to vector<16xf32>
      %add3A_442 = arith.addf %get3A_437, %get3A_441 : vector<16xf32>
      %swap3A_443 = arith.index_cast %scan3A_42 : i32 to index
      %swap3A_444 = arith.constant 448 : index
      %swap3A_445 = tpu.vector_load %arg8[%swap3A_443, %swap3A_444] {strides = array<i32>} : memref<32x1024xf32, #tpu.memory_space<vmem>>, vector<1x16xf32>,
      %swap3A_446 = vector.shape_cast %swap3A_445 : vector<1x16xf32> to vector<16xf32>
      %swap3A_447 = vector.shape_cast %add3A_442 : vector<16xf32> to vector<1x16xf32>
      tpu.vector_store %arg8[%swap3A_443, %swap3A_444], %swap3A_447 {strides = array<i32>} : memref<32x1024xf32, #tpu.memory_space<vmem>>, vector<1x16xf32>,
      %get3A_448 = arith.index_cast %scan3A_42 : i32 to index
      %get3A_449 = arith.constant 464 : index
      %get3A_450 = tpu.vector_load %arg8[%get3A_448, %get3A_449] {strides = array<i32>} : memref<32x1024xf32, #tpu.memory_space<vmem>>, vector<1x16xf32>,
      %get3A_451 = vector.shape_cast %get3A_450 : vector<1x16xf32> to vector<16xf32>
      %get3A_452 = arith.index_cast %scan3A_42 : i32 to index
      %get3A_453 = arith.constant 464 : index
      %get3A_454 = tpu.vector_load %arg9[%get3A_452, %get3A_453] {strides = array<i32>} : memref<32x1024xf32, #tpu.memory_space<vmem>>, vector<1x16xf32>,
      %get3A_455 = vector.shape_cast %get3A_454 : vector<1x16xf32> to vector<16xf32>
      %add3A_456 = arith.addf %get3A_451, %get3A_455 : vector<16xf32>
      %swap3A_457 = arith.index_cast %scan3A_42 : i32 to index
      %swap3A_458 = arith.constant 464 : index
      %swap3A_459 = tpu.vector_load %arg8[%swap3A_457, %swap3A_458] {strides = array<i32>} : memref<32x1024xf32, #tpu.memory_space<vmem>>, vector<1x16xf32>,
      %swap3A_460 = vector.shape_cast %swap3A_459 : vector<1x16xf32> to vector<16xf32>
      %swap3A_461 = vector.shape_cast %add3A_456 : vector<16xf32> to vector<1x16xf32>
      tpu.vector_store %arg8[%swap3A_457, %swap3A_458], %swap3A_461 {strides = array<i32>} : memref<32x1024xf32, #tpu.memory_space<vmem>>, vector<1x16xf32>,
      %get3A_462 = arith.index_cast %scan3A_42 : i32 to index
      %get3A_463 = arith.constant 480 : index
      %get3A_464 = tpu.vector_load %arg8[%get3A_462, %get3A_463] {strides = array<i32>} : memref<32x1024xf32, #tpu.memory_space<vmem>>, vector<1x16xf32>,
      %get3A_465 = vector.shape_cast %get3A_464 : vector<1x16xf32> to vector<16xf32>
      %get3A_466 = arith.index_cast %scan3A_42 : i32 to index
      %get3A_467 = arith.constant 480 : index
      %get3A_468 = tpu.vector_load %arg9[%get3A_466, %get3A_467] {strides = array<i32>} : memref<32x1024xf32, #tpu.memory_space<vmem>>, vector<1x16xf32>,
      %get3A_469 = vector.shape_cast %get3A_468 : vector<1x16xf32> to vector<16xf32>
      %add3A_470 = arith.addf %get3A_465, %get3A_469 : vector<16xf32>
      %swap3A_471 = arith.index_cast %scan3A_42 : i32 to index
      %swap3A_472 = arith.constant 480 : index
      %swap3A_473 = tpu.vector_load %arg8[%swap3A_471, %swap3A_472] {strides = array<i32>} : memref<32x1024xf32, #tpu.memory_space<vmem>>, vector<1x16xf32>,
      %swap3A_474 = vector.shape_cast %swap3A_473 : vector<1x16xf32> to vector<16xf32>
      %swap3A_475 = vector.shape_cast %add3A_470 : vector<16xf32> to vector<1x16xf32>
      tpu.vector_store %arg8[%swap3A_471, %swap3A_472], %swap3A_475 {strides = array<i32>} : memref<32x1024xf32, #tpu.memory_space<vmem>>, vector<1x16xf32>,
      %get3A_476 = arith.index_cast %scan3A_42 : i32 to index
      %get3A_477 = arith.constant 496 : index
      %get3A_478 = tpu.vector_load %arg8[%get3A_476, %get3A_477] {strides = array<i32>} : memref<32x1024xf32, #tpu.memory_space<vmem>>, vector<1x16xf32>,
      %get3A_479 = vector.shape_cast %get3A_478 : vector<1x16xf32> to vector<16xf32>
      %get3A_480 = arith.index_cast %scan3A_42 : i32 to index
      %get3A_481 = arith.constant 496 : index
      %get3A_482 = tpu.vector_load %arg9[%get3A_480, %get3A_481] {strides = array<i32>} : memref<32x1024xf32, #tpu.memory_space<vmem>>, vector<1x16xf32>,
      %get3A_483 = vector.shape_cast %get3A_482 : vector<1x16xf32> to vector<16xf32>
      %add3A_484 = arith.addf %get3A_479, %get3A_483 : vector<16xf32>
      %swap3A_485 = arith.index_cast %scan3A_42 : i32 to index
      %swap3A_486 = arith.constant 496 : index
      %swap3A_487 = tpu.vector_load %arg8[%swap3A_485, %swap3A_486] {strides = array<i32>} : memref<32x1024xf32, #tpu.memory_space<vmem>>, vector<1x16xf32>,
      %swap3A_488 = vector.shape_cast %swap3A_487 : vector<1x16xf32> to vector<16xf32>
      %swap3A_489 = vector.shape_cast %add3A_484 : vector<16xf32> to vector<1x16xf32>
      tpu.vector_store %arg8[%swap3A_485, %swap3A_486], %swap3A_489 {strides = array<i32>} : memref<32x1024xf32, #tpu.memory_space<vmem>>, vector<1x16xf32>,
      %get3A_490 = arith.index_cast %scan3A_42 : i32 to index
      %get3A_491 = arith.constant 512 : index
      %get3A_492 = tpu.vector_load %arg8[%get3A_490, %get3A_491] {strides = array<i32>} : memref<32x1024xf32, #tpu.memory_space<vmem>>, vector<1x16xf32>,
      %get3A_493 = vector.shape_cast %get3A_492 : vector<1x16xf32> to vector<16xf32>
      %get3A_494 = arith.index_cast %scan3A_42 : i32 to index
      %get3A_495 = arith.constant 512 : index
      %get3A_496 = tpu.vector_load %arg9[%get3A_494, %get3A_495] {strides = array<i32>} : memref<32x1024xf32, #tpu.memory_space<vmem>>, vector<1x16xf32>,
      %get3A_497 = vector.shape_cast %get3A_496 : vector<1x16xf32> to vector<16xf32>
      %add3A_498 = arith.addf %get3A_493, %get3A_497 : vector<16xf32>
      %swap3A_499 = arith.index_cast %scan3A_42 : i32 to index
      %swap3A_500 = arith.constant 512 : index
      %swap3A_501 = tpu.vector_load %arg8[%swap3A_499, %swap3A_500] {strides = array<i32>} : memref<32x1024xf32, #tpu.memory_space<vmem>>, vector<1x16xf32>,
      %swap3A_502 = vector.shape_cast %swap3A_501 : vector<1x16xf32> to vector<16xf32>
      %swap3A_503 = vector.shape_cast %add3A_498 : vector<16xf32> to vector<1x16xf32>
      tpu.vector_store %arg8[%swap3A_499, %swap3A_500], %swap3A_503 {strides = array<i32>} : memref<32x1024xf32, #tpu.memory_space<vmem>>, vector<1x16xf32>,
      %get3A_504 = arith.index_cast %scan3A_42 : i32 to index
      %get3A_505 = arith.constant 528 : index
      %get3A_506 = tpu.vector_load %arg8[%get3A_504, %get3A_505] {strides = array<i32>} : memref<32x1024xf32, #tpu.memory_space<vmem>>, vector<1x16xf32>,
      %get3A_507 = vector.shape_cast %get3A_506 : vector<1x16xf32> to vector<16xf32>
      %get3A_508 = arith.index_cast %scan3A_42 : i32 to index
      %get3A_509 = arith.constant 528 : index
      %get3A_510 = tpu.vector_load %arg9[%get3A_508, %get3A_509] {strides = array<i32>} : memref<32x1024xf32, #tpu.memory_space<vmem>>, vector<1x16xf32>,
      %get3A_511 = vector.shape_cast %get3A_510 : vector<1x16xf32> to vector<16xf32>
      %add3A_512 = arith.addf %get3A_507, %get3A_511 : vector<16xf32>
      %swap3A_513 = arith.index_cast %scan3A_42 : i32 to index
      %swap3A_514 = arith.constant 528 : index
      %swap3A_515 = tpu.vector_load %arg8[%swap3A_513, %swap3A_514] {strides = array<i32>} : memref<32x1024xf32, #tpu.memory_space<vmem>>, vector<1x16xf32>,
      %swap3A_516 = vector.shape_cast %swap3A_515 : vector<1x16xf32> to vector<16xf32>
      %swap3A_517 = vector.shape_cast %add3A_512 : vector<16xf32> to vector<1x16xf32>
      tpu.vector_store %arg8[%swap3A_513, %swap3A_514], %swap3A_517 {strides = array<i32>} : memref<32x1024xf32, #tpu.memory_space<vmem>>, vector<1x16xf32>,
      %get3A_518 = arith.index_cast %scan3A_42 : i32 to index
      %get3A_519 = arith.constant 544 : index
      %get3A_520 = tpu.vector_load %arg8[%get3A_518, %get3A_519] {strides = array<i32>} : memref<32x1024xf32, #tpu.memory_space<vmem>>, vector<1x16xf32>,
      %get3A_521 = vector.shape_cast %get3A_520 : vector<1x16xf32> to vector<16xf32>
      %get3A_522 = arith.index_cast %scan3A_42 : i32 to index
      %get3A_523 = arith.constant 544 : index
      %get3A_524 = tpu.vector_load %arg9[%get3A_522, %get3A_523] {strides = array<i32>} : memref<32x1024xf32, #tpu.memory_space<vmem>>, vector<1x16xf32>,
      %get3A_525 = vector.shape_cast %get3A_524 : vector<1x16xf32> to vector<16xf32>
      %add3A_526 = arith.addf %get3A_521, %get3A_525 : vector<16xf32>
      %swap3A_527 = arith.index_cast %scan3A_42 : i32 to index
      %swap3A_528 = arith.constant 544 : index
      %swap3A_529 = tpu.vector_load %arg8[%swap3A_527, %swap3A_528] {strides = array<i32>} : memref<32x1024xf32, #tpu.memory_space<vmem>>, vector<1x16xf32>,
      %swap3A_530 = vector.shape_cast %swap3A_529 : vector<1x16xf32> to vector<16xf32>
      %swap3A_531 = vector.shape_cast %add3A_526 : vector<16xf32> to vector<1x16xf32>
      tpu.vector_store %arg8[%swap3A_527, %swap3A_528], %swap3A_531 {strides = array<i32>} : memref<32x1024xf32, #tpu.memory_space<vmem>>, vector<1x16xf32>,
      %get3A_532 = arith.index_cast %scan3A_42 : i32 to index
      %get3A_533 = arith.constant 560 : index
      %get3A_534 = tpu.vector_load %arg8[%get3A_532, %get3A_533] {strides = array<i32>} : memref<32x1024xf32, #tpu.memory_space<vmem>>, vector<1x16xf32>,
      %get3A_535 = vector.shape_cast %get3A_534 : vector<1x16xf32> to vector<16xf32>
      %get3A_536 = arith.index_cast %scan3A_42 : i32 to index
      %get3A_537 = arith.constant 560 : index
      %get3A_538 = tpu.vector_load %arg9[%get3A_536, %get3A_537] {strides = array<i32>} : memref<32x1024xf32, #tpu.memory_space<vmem>>, vector<1x16xf32>,
      %get3A_539 = vector.shape_cast %get3A_538 : vector<1x16xf32> to vector<16xf32>
      %add3A_540 = arith.addf %get3A_535, %get3A_539 : vector<16xf32>
      %swap3A_541 = arith.index_cast %scan3A_42 : i32 to index
      %swap3A_542 = arith.constant 560 : index
      %swap3A_543 = tpu.vector_load %arg8[%swap3A_541, %swap3A_542] {strides = array<i32>} : memref<32x1024xf32, #tpu.memory_space<vmem>>, vector<1x16xf32>,
      %swap3A_544 = vector.shape_cast %swap3A_543 : vector<1x16xf32> to vector<16xf32>
      %swap3A_545 = vector.shape_cast %add3A_540 : vector<16xf32> to vector<1x16xf32>
      tpu.vector_store %arg8[%swap3A_541, %swap3A_542], %swap3A_545 {strides = array<i32>} : memref<32x1024xf32, #tpu.memory_space<vmem>>, vector<1x16xf32>,
      %get3A_546 = arith.index_cast %scan3A_42 : i32 to index
      %get3A_547 = arith.constant 576 : index
      %get3A_548 = tpu.vector_load %arg8[%get3A_546, %get3A_547] {strides = array<i32>} : memref<32x1024xf32, #tpu.memory_space<vmem>>, vector<1x16xf32>,
      %get3A_549 = vector.shape_cast %get3A_548 : vector<1x16xf32> to vector<16xf32>
      %get3A_550 = arith.index_cast %scan3A_42 : i32 to index
      %get3A_551 = arith.constant 576 : index
      %get3A_552 = tpu.vector_load %arg9[%get3A_550, %get3A_551] {strides = array<i32>} : memref<32x1024xf32, #tpu.memory_space<vmem>>, vector<1x16xf32>,
      %get3A_553 = vector.shape_cast %get3A_552 : vector<1x16xf32> to vector<16xf32>
      %add3A_554 = arith.addf %get3A_549, %get3A_553 : vector<16xf32>
      %swap3A_555 = arith.index_cast %scan3A_42 : i32 to index
      %swap3A_556 = arith.constant 576 : index
      %swap3A_557 = tpu.vector_load %arg8[%swap3A_555, %swap3A_556] {strides = array<i32>} : memref<32x1024xf32, #tpu.memory_space<vmem>>, vector<1x16xf32>,
      %swap3A_558 = vector.shape_cast %swap3A_557 : vector<1x16xf32> to vector<16xf32>
      %swap3A_559 = vector.shape_cast %add3A_554 : vector<16xf32> to vector<1x16xf32>
      tpu.vector_store %arg8[%swap3A_555, %swap3A_556], %swap3A_559 {strides = array<i32>} : memref<32x1024xf32, #tpu.memory_space<vmem>>, vector<1x16xf32>,
      %get3A_560 = arith.index_cast %scan3A_42 : i32 to index
      %get3A_561 = arith.constant 592 : index
      %get3A_562 = tpu.vector_load %arg8[%get3A_560, %get3A_561] {strides = array<i32>} : memref<32x1024xf32, #tpu.memory_space<vmem>>, vector<1x16xf32>,
      %get3A_563 = vector.shape_cast %get3A_562 : vector<1x16xf32> to vector<16xf32>
      %get3A_564 = arith.index_cast %scan3A_42 : i32 to index
      %get3A_565 = arith.constant 592 : index
      %get3A_566 = tpu.vector_load %arg9[%get3A_564, %get3A_565] {strides = array<i32>} : memref<32x1024xf32, #tpu.memory_space<vmem>>, vector<1x16xf32>,
      %get3A_567 = vector.shape_cast %get3A_566 : vector<1x16xf32> to vector<16xf32>
      %add3A_568 = arith.addf %get3A_563, %get3A_567 : vector<16xf32>
      %swap3A_569 = arith.index_cast %scan3A_42 : i32 to index
      %swap3A_570 = arith.constant 592 : index
      %swap3A_571 = tpu.vector_load %arg8[%swap3A_569, %swap3A_570] {strides = array<i32>} : memref<32x1024xf32, #tpu.memory_space<vmem>>, vector<1x16xf32>,
      %swap3A_572 = vector.shape_cast %swap3A_571 : vector<1x16xf32> to vector<16xf32>
      %swap3A_573 = vector.shape_cast %add3A_568 : vector<16xf32> to vector<1x16xf32>
      tpu.vector_store %arg8[%swap3A_569, %swap3A_570], %swap3A_573 {strides = array<i32>} : memref<32x1024xf32, #tpu.memory_space<vmem>>, vector<1x16xf32>,
      %get3A_574 = arith.index_cast %scan3A_42 : i32 to index
      %get3A_575 = arith.constant 608 : index
      %get3A_576 = tpu.vector_load %arg8[%get3A_574, %get3A_575] {strides = array<i32>} : memref<32x1024xf32, #tpu.memory_space<vmem>>, vector<1x16xf32>,
      %get3A_577 = vector.shape_cast %get3A_576 : vector<1x16xf32> to vector<16xf32>
      %get3A_578 = arith.index_cast %scan3A_42 : i32 to index
      %get3A_579 = arith.constant 608 : index
      %get3A_580 = tpu.vector_load %arg9[%get3A_578, %get3A_579] {strides = array<i32>} : memref<32x1024xf32, #tpu.memory_space<vmem>>, vector<1x16xf32>,
      %get3A_581 = vector.shape_cast %get3A_580 : vector<1x16xf32> to vector<16xf32>
      %add3A_582 = arith.addf %get3A_577, %get3A_581 : vector<16xf32>
      %swap3A_583 = arith.index_cast %scan3A_42 : i32 to index
      %swap3A_584 = arith.constant 608 : index
      %swap3A_585 = tpu.vector_load %arg8[%swap3A_583, %swap3A_584] {strides = array<i32>} : memref<32x1024xf32, #tpu.memory_space<vmem>>, vector<1x16xf32>,
      %swap3A_586 = vector.shape_cast %swap3A_585 : vector<1x16xf32> to vector<16xf32>
      %swap3A_587 = vector.shape_cast %add3A_582 : vector<16xf32> to vector<1x16xf32>
      tpu.vector_store %arg8[%swap3A_583, %swap3A_584], %swap3A_587 {strides = array<i32>} : memref<32x1024xf32, #tpu.memory_space<vmem>>, vector<1x16xf32>,
      %get3A_588 = arith.index_cast %scan3A_42 : i32 to index
      %get3A_589 = arith.constant 624 : index
      %get3A_590 = tpu.vector_load %arg8[%get3A_588, %get3A_589] {strides = array<i32>} : memref<32x1024xf32, #tpu.memory_space<vmem>>, vector<1x16xf32>,
      %get3A_591 = vector.shape_cast %get3A_590 : vector<1x16xf32> to vector<16xf32>
      %get3A_592 = arith.index_cast %scan3A_42 : i32 to index
      %get3A_593 = arith.constant 624 : index
      %get3A_594 = tpu.vector_load %arg9[%get3A_592, %get3A_593] {strides = array<i32>} : memref<32x1024xf32, #tpu.memory_space<vmem>>, vector<1x16xf32>,
      %get3A_595 = vector.shape_cast %get3A_594 : vector<1x16xf32> to vector<16xf32>
      %add3A_596 = arith.addf %get3A_591, %get3A_595 : vector<16xf32>
      %swap3A_597 = arith.index_cast %scan3A_42 : i32 to index
      %swap3A_598 = arith.constant 624 : index
      %swap3A_599 = tpu.vector_load %arg8[%swap3A_597, %swap3A_598] {strides = array<i32>} : memref<32x1024xf32, #tpu.memory_space<vmem>>, vector<1x16xf32>,
      %swap3A_600 = vector.shape_cast %swap3A_599 : vector<1x16xf32> to vector<16xf32>
      %swap3A_601 = vector.shape_cast %add3A_596 : vector<16xf32> to vector<1x16xf32>
      tpu.vector_store %arg8[%swap3A_597, %swap3A_598], %swap3A_601 {strides = array<i32>} : memref<32x1024xf32, #tpu.memory_space<vmem>>, vector<1x16xf32>,
      %get3A_602 = arith.index_cast %scan3A_42 : i32 to index
      %get3A_603 = arith.constant 640 : index
      %get3A_604 = tpu.vector_load %arg8[%get3A_602, %get3A_603] {strides = array<i32>} : memref<32x1024xf32, #tpu.memory_space<vmem>>, vector<1x16xf32>,
      %get3A_605 = vector.shape_cast %get3A_604 : vector<1x16xf32> to vector<16xf32>
      %get3A_606 = arith.index_cast %scan3A_42 : i32 to index
      %get3A_607 = arith.constant 640 : index
      %get3A_608 = tpu.vector_load %arg9[%get3A_606, %get3A_607] {strides = array<i32>} : memref<32x1024xf32, #tpu.memory_space<vmem>>, vector<1x16xf32>,
      %get3A_609 = vector.shape_cast %get3A_608 : vector<1x16xf32> to vector<16xf32>
      %add3A_610 = arith.addf %get3A_605, %get3A_609 : vector<16xf32>
      %swap3A_611 = arith.index_cast %scan3A_42 : i32 to index
      %swap3A_612 = arith.constant 640 : index
      %swap3A_613 = tpu.vector_load %arg8[%swap3A_611, %swap3A_612] {strides = array<i32>} : memref<32x1024xf32, #tpu.memory_space<vmem>>, vector<1x16xf32>,
      %swap3A_614 = vector.shape_cast %swap3A_613 : vector<1x16xf32> to vector<16xf32>
      %swap3A_615 = vector.shape_cast %add3A_610 : vector<16xf32> to vector<1x16xf32>
      tpu.vector_store %arg8[%swap3A_611, %swap3A_612], %swap3A_615 {strides = array<i32>} : memref<32x1024xf32, #tpu.memory_space<vmem>>, vector<1x16xf32>,
      %get3A_616 = arith.index_cast %scan3A_42 : i32 to index
      %get3A_617 = arith.constant 656 : index
      %get3A_618 = tpu.vector_load %arg8[%get3A_616, %get3A_617] {strides = array<i32>} : memref<32x1024xf32, #tpu.memory_space<vmem>>, vector<1x16xf32>,
      %get3A_619 = vector.shape_cast %get3A_618 : vector<1x16xf32> to vector<16xf32>
      %get3A_620 = arith.index_cast %scan3A_42 : i32 to index
      %get3A_621 = arith.constant 656 : index
      %get3A_622 = tpu.vector_load %arg9[%get3A_620, %get3A_621] {strides = array<i32>} : memref<32x1024xf32, #tpu.memory_space<vmem>>, vector<1x16xf32>,
      %get3A_623 = vector.shape_cast %get3A_622 : vector<1x16xf32> to vector<16xf32>
      %add3A_624 = arith.addf %get3A_619, %get3A_623 : vector<16xf32>
      %swap3A_625 = arith.index_cast %scan3A_42 : i32 to index
      %swap3A_626 = arith.constant 656 : index
      %swap3A_627 = tpu.vector_load %arg8[%swap3A_625, %swap3A_626] {strides = array<i32>} : memref<32x1024xf32, #tpu.memory_space<vmem>>, vector<1x16xf32>,
      %swap3A_628 = vector.shape_cast %swap3A_627 : vector<1x16xf32> to vector<16xf32>
      %swap3A_629 = vector.shape_cast %add3A_624 : vector<16xf32> to vector<1x16xf32>
      tpu.vector_store %arg8[%swap3A_625, %swap3A_626], %swap3A_629 {strides = array<i32>} : memref<32x1024xf32, #tpu.memory_space<vmem>>, vector<1x16xf32>,
      %get3A_630 = arith.index_cast %scan3A_42 : i32 to index
      %get3A_631 = arith.constant 672 : index
      %get3A_632 = tpu.vector_load %arg8[%get3A_630, %get3A_631] {strides = array<i32>} : memref<32x1024xf32, #tpu.memory_space<vmem>>, vector<1x16xf32>,
      %get3A_633 = vector.shape_cast %get3A_632 : vector<1x16xf32> to vector<16xf32>
      %get3A_634 = arith.index_cast %scan3A_42 : i32 to index
      %get3A_635 = arith.constant 672 : index
      %get3A_636 = tpu.vector_load %arg9[%get3A_634, %get3A_635] {strides = array<i32>} : memref<32x1024xf32, #tpu.memory_space<vmem>>, vector<1x16xf32>,
      %get3A_637 = vector.shape_cast %get3A_636 : vector<1x16xf32> to vector<16xf32>
      %add3A_638 = arith.addf %get3A_633, %get3A_637 : vector<16xf32>
      %swap3A_639 = arith.index_cast %scan3A_42 : i32 to index
      %swap3A_640 = arith.constant 672 : index
      %swap3A_641 = tpu.vector_load %arg8[%swap3A_639, %swap3A_640] {strides = array<i32>} : memref<32x1024xf32, #tpu.memory_space<vmem>>, vector<1x16xf32>,
      %swap3A_642 = vector.shape_cast %swap3A_641 : vector<1x16xf32> to vector<16xf32>
      %swap3A_643 = vector.shape_cast %add3A_638 : vector<16xf32> to vector<1x16xf32>
      tpu.vector_store %arg8[%swap3A_639, %swap3A_640], %swap3A_643 {strides = array<i32>} : memref<32x1024xf32, #tpu.memory_space<vmem>>, vector<1x16xf32>,
      %get3A_644 = arith.index_cast %scan3A_42 : i32 to index
      %get3A_645 = arith.constant 688 : index
      %get3A_646 = tpu.vector_load %arg8[%get3A_644, %get3A_645] {strides = array<i32>} : memref<32x1024xf32, #tpu.memory_space<vmem>>, vector<1x16xf32>,
      %get3A_647 = vector.shape_cast %get3A_646 : vector<1x16xf32> to vector<16xf32>
      %get3A_648 = arith.index_cast %scan3A_42 : i32 to index
      %get3A_649 = arith.constant 688 : index
      %get3A_650 = tpu.vector_load %arg9[%get3A_648, %get3A_649] {strides = array<i32>} : memref<32x1024xf32, #tpu.memory_space<vmem>>, vector<1x16xf32>,
      %get3A_651 = vector.shape_cast %get3A_650 : vector<1x16xf32> to vector<16xf32>
      %add3A_652 = arith.addf %get3A_647, %get3A_651 : vector<16xf32>
      %swap3A_653 = arith.index_cast %scan3A_42 : i32 to index
      %swap3A_654 = arith.constant 688 : index
      %swap3A_655 = tpu.vector_load %arg8[%swap3A_653, %swap3A_654] {strides = array<i32>} : memref<32x1024xf32, #tpu.memory_space<vmem>>, vector<1x16xf32>,
      %swap3A_656 = vector.shape_cast %swap3A_655 : vector<1x16xf32> to vector<16xf32>
      %swap3A_657 = vector.shape_cast %add3A_652 : vector<16xf32> to vector<1x16xf32>
      tpu.vector_store %arg8[%swap3A_653, %swap3A_654], %swap3A_657 {strides = array<i32>} : memref<32x1024xf32, #tpu.memory_space<vmem>>, vector<1x16xf32>,
      %get3A_658 = arith.index_cast %scan3A_42 : i32 to index
      %get3A_659 = arith.constant 704 : index
      %get3A_660 = tpu.vector_load %arg8[%get3A_658, %get3A_659] {strides = array<i32>} : memref<32x1024xf32, #tpu.memory_space<vmem>>, vector<1x16xf32>,
      %get3A_661 = vector.shape_cast %get3A_660 : vector<1x16xf32> to vector<16xf32>
      %get3A_662 = arith.index_cast %scan3A_42 : i32 to index
      %get3A_663 = arith.constant 704 : index
      %get3A_664 = tpu.vector_load %arg9[%get3A_662, %get3A_663] {strides = array<i32>} : memref<32x1024xf32, #tpu.memory_space<vmem>>, vector<1x16xf32>,
      %get3A_665 = vector.shape_cast %get3A_664 : vector<1x16xf32> to vector<16xf32>
      %add3A_666 = arith.addf %get3A_661, %get3A_665 : vector<16xf32>
      %swap3A_667 = arith.index_cast %scan3A_42 : i32 to index
      %swap3A_668 = arith.constant 704 : index
      %swap3A_669 = tpu.vector_load %arg8[%swap3A_667, %swap3A_668] {strides = array<i32>} : memref<32x1024xf32, #tpu.memory_space<vmem>>, vector<1x16xf32>,
      %swap3A_670 = vector.shape_cast %swap3A_669 : vector<1x16xf32> to vector<16xf32>
      %swap3A_671 = vector.shape_cast %add3A_666 : vector<16xf32> to vector<1x16xf32>
      tpu.vector_store %arg8[%swap3A_667, %swap3A_668], %swap3A_671 {strides = array<i32>} : memref<32x1024xf32, #tpu.memory_space<vmem>>, vector<1x16xf32>,
      %get3A_672 = arith.index_cast %scan3A_42 : i32 to index
      %get3A_673 = arith.constant 720 : index
      %get3A_674 = tpu.vector_load %arg8[%get3A_672, %get3A_673] {strides = array<i32>} : memref<32x1024xf32, #tpu.memory_space<vmem>>, vector<1x16xf32>,
      %get3A_675 = vector.shape_cast %get3A_674 : vector<1x16xf32> to vector<16xf32>
      %get3A_676 = arith.index_cast %scan3A_42 : i32 to index
      %get3A_677 = arith.constant 720 : index
      %get3A_678 = tpu.vector_load %arg9[%get3A_676, %get3A_677] {strides = array<i32>} : memref<32x1024xf32, #tpu.memory_space<vmem>>, vector<1x16xf32>,
      %get3A_679 = vector.shape_cast %get3A_678 : vector<1x16xf32> to vector<16xf32>
      %add3A_680 = arith.addf %get3A_675, %get3A_679 : vector<16xf32>
      %swap3A_681 = arith.index_cast %scan3A_42 : i32 to index
      %swap3A_682 = arith.constant 720 : index
      %swap3A_683 = tpu.vector_load %arg8[%swap3A_681, %swap3A_682] {strides = array<i32>} : memref<32x1024xf32, #tpu.memory_space<vmem>>, vector<1x16xf32>,
      %swap3A_684 = vector.shape_cast %swap3A_683 : vector<1x16xf32> to vector<16xf32>
      %swap3A_685 = vector.shape_cast %add3A_680 : vector<16xf32> to vector<1x16xf32>
      tpu.vector_store %arg8[%swap3A_681, %swap3A_682], %swap3A_685 {strides = array<i32>} : memref<32x1024xf32, #tpu.memory_space<vmem>>, vector<1x16xf32>,
      %get3A_686 = arith.index_cast %scan3A_42 : i32 to index
      %get3A_687 = arith.constant 736 : index
      %get3A_688 = tpu.vector_load %arg8[%get3A_686, %get3A_687] {strides = array<i32>} : memref<32x1024xf32, #tpu.memory_space<vmem>>, vector<1x16xf32>,
      %get3A_689 = vector.shape_cast %get3A_688 : vector<1x16xf32> to vector<16xf32>
      %get3A_690 = arith.index_cast %scan3A_42 : i32 to index
      %get3A_691 = arith.constant 736 : index
      %get3A_692 = tpu.vector_load %arg9[%get3A_690, %get3A_691] {strides = array<i32>} : memref<32x1024xf32, #tpu.memory_space<vmem>>, vector<1x16xf32>,
      %get3A_693 = vector.shape_cast %get3A_692 : vector<1x16xf32> to vector<16xf32>
      %add3A_694 = arith.addf %get3A_689, %get3A_693 : vector<16xf32>
      %swap3A_695 = arith.index_cast %scan3A_42 : i32 to index
      %swap3A_696 = arith.constant 736 : index
      %swap3A_697 = tpu.vector_load %arg8[%swap3A_695, %swap3A_696] {strides = array<i32>} : memref<32x1024xf32, #tpu.memory_space<vmem>>, vector<1x16xf32>,
      %swap3A_698 = vector.shape_cast %swap3A_697 : vector<1x16xf32> to vector<16xf32>
      %swap3A_699 = vector.shape_cast %add3A_694 : vector<16xf32> to vector<1x16xf32>
      tpu.vector_store %arg8[%swap3A_695, %swap3A_696], %swap3A_699 {strides = array<i32>} : memref<32x1024xf32, #tpu.memory_space<vmem>>, vector<1x16xf32>,
      %get3A_700 = arith.index_cast %scan3A_42 : i32 to index
      %get3A_701 = arith.constant 752 : index
      %get3A_702 = tpu.vector_load %arg8[%get3A_700, %get3A_701] {strides = array<i32>} : memref<32x1024xf32, #tpu.memory_space<vmem>>, vector<1x16xf32>,
      %get3A_703 = vector.shape_cast %get3A_702 : vector<1x16xf32> to vector<16xf32>
      %get3A_704 = arith.index_cast %scan3A_42 : i32 to index
      %get3A_705 = arith.constant 752 : index
      %get3A_706 = tpu.vector_load %arg9[%get3A_704, %get3A_705] {strides = array<i32>} : memref<32x1024xf32, #tpu.memory_space<vmem>>, vector<1x16xf32>,
      %get3A_707 = vector.shape_cast %get3A_706 : vector<1x16xf32> to vector<16xf32>
      %add3A_708 = arith.addf %get3A_703, %get3A_707 : vector<16xf32>
      %swap3A_709 = arith.index_cast %scan3A_42 : i32 to index
      %swap3A_710 = arith.constant 752 : index
      %swap3A_711 = tpu.vector_load %arg8[%swap3A_709, %swap3A_710] {strides = array<i32>} : memref<32x1024xf32, #tpu.memory_space<vmem>>, vector<1x16xf32>,
      %swap3A_712 = vector.shape_cast %swap3A_711 : vector<1x16xf32> to vector<16xf32>
      %swap3A_713 = vector.shape_cast %add3A_708 : vector<16xf32> to vector<1x16xf32>
      tpu.vector_store %arg8[%swap3A_709, %swap3A_710], %swap3A_713 {strides = array<i32>} : memref<32x1024xf32, #tpu.memory_space<vmem>>, vector<1x16xf32>,
      %get3A_714 = arith.index_cast %scan3A_42 : i32 to index
      %get3A_715 = arith.constant 768 : index
      %get3A_716 = tpu.vector_load %arg8[%get3A_714, %get3A_715] {strides = array<i32>} : memref<32x1024xf32, #tpu.memory_space<vmem>>, vector<1x16xf32>,
      %get3A_717 = vector.shape_cast %get3A_716 : vector<1x16xf32> to vector<16xf32>
      %get3A_718 = arith.index_cast %scan3A_42 : i32 to index
      %get3A_719 = arith.constant 768 : index
      %get3A_720 = tpu.vector_load %arg9[%get3A_718, %get3A_719] {strides = array<i32>} : memref<32x1024xf32, #tpu.memory_space<vmem>>, vector<1x16xf32>,
      %get3A_721 = vector.shape_cast %get3A_720 : vector<1x16xf32> to vector<16xf32>
      %add3A_722 = arith.addf %get3A_717, %get3A_721 : vector<16xf32>
      %swap3A_723 = arith.index_cast %scan3A_42 : i32 to index
      %swap3A_724 = arith.constant 768 : index
      %swap3A_725 = tpu.vector_load %arg8[%swap3A_723, %swap3A_724] {strides = array<i32>} : memref<32x1024xf32, #tpu.memory_space<vmem>>, vector<1x16xf32>,
      %swap3A_726 = vector.shape_cast %swap3A_725 : vector<1x16xf32> to vector<16xf32>
      %swap3A_727 = vector.shape_cast %add3A_722 : vector<16xf32> to vector<1x16xf32>
      tpu.vector_store %arg8[%swap3A_723, %swap3A_724], %swap3A_727 {strides = array<i32>} : memref<32x1024xf32, #tpu.memory_space<vmem>>, vector<1x16xf32>,
      %get3A_728 = arith.index_cast %scan3A_42 : i32 to index
      %get3A_729 = arith.constant 784 : index
      %get3A_730 = tpu.vector_load %arg8[%get3A_728, %get3A_729] {strides = array<i32>} : memref<32x1024xf32, #tpu.memory_space<vmem>>, vector<1x16xf32>,
      %get3A_731 = vector.shape_cast %get3A_730 : vector<1x16xf32> to vector<16xf32>
      %get3A_732 = arith.index_cast %scan3A_42 : i32 to index
      %get3A_733 = arith.constant 784 : index
      %get3A_734 = tpu.vector_load %arg9[%get3A_732, %get3A_733] {strides = array<i32>} : memref<32x1024xf32, #tpu.memory_space<vmem>>, vector<1x16xf32>,
      %get3A_735 = vector.shape_cast %get3A_734 : vector<1x16xf32> to vector<16xf32>
      %add3A_736 = arith.addf %get3A_731, %get3A_735 : vector<16xf32>
      %swap3A_737 = arith.index_cast %scan3A_42 : i32 to index
      %swap3A_738 = arith.constant 784 : index
      %swap3A_739 = tpu.vector_load %arg8[%swap3A_737, %swap3A_738] {strides = array<i32>} : memref<32x1024xf32, #tpu.memory_space<vmem>>, vector<1x16xf32>,
      %swap3A_740 = vector.shape_cast %swap3A_739 : vector<1x16xf32> to vector<16xf32>
      %swap3A_741 = vector.shape_cast %add3A_736 : vector<16xf32> to vector<1x16xf32>
      tpu.vector_store %arg8[%swap3A_737, %swap3A_738], %swap3A_741 {strides = array<i32>} : memref<32x1024xf32, #tpu.memory_space<vmem>>, vector<1x16xf32>,
      %get3A_742 = arith.index_cast %scan3A_42 : i32 to index
      %get3A_743 = arith.constant 800 : index
      %get3A_744 = tpu.vector_load %arg8[%get3A_742, %get3A_743] {strides = array<i32>} : memref<32x1024xf32, #tpu.memory_space<vmem>>, vector<1x16xf32>,
      %get3A_745 = vector.shape_cast %get3A_744 : vector<1x16xf32> to vector<16xf32>
      %get3A_746 = arith.index_cast %scan3A_42 : i32 to index
      %get3A_747 = arith.constant 800 : index
      %get3A_748 = tpu.vector_load %arg9[%get3A_746, %get3A_747] {strides = array<i32>} : memref<32x1024xf32, #tpu.memory_space<vmem>>, vector<1x16xf32>,
      %get3A_749 = vector.shape_cast %get3A_748 : vector<1x16xf32> to vector<16xf32>
      %add3A_750 = arith.addf %get3A_745, %get3A_749 : vector<16xf32>
      %swap3A_751 = arith.index_cast %scan3A_42 : i32 to index
      %swap3A_752 = arith.constant 800 : index
      %swap3A_753 = tpu.vector_load %arg8[%swap3A_751, %swap3A_752] {strides = array<i32>} : memref<32x1024xf32, #tpu.memory_space<vmem>>, vector<1x16xf32>,
      %swap3A_754 = vector.shape_cast %swap3A_753 : vector<1x16xf32> to vector<16xf32>
      %swap3A_755 = vector.shape_cast %add3A_750 : vector<16xf32> to vector<1x16xf32>
      tpu.vector_store %arg8[%swap3A_751, %swap3A_752], %swap3A_755 {strides = array<i32>} : memref<32x1024xf32, #tpu.memory_space<vmem>>, vector<1x16xf32>,
      %get3A_756 = arith.index_cast %scan3A_42 : i32 to index
      %get3A_757 = arith.constant 816 : index
      %get3A_758 = tpu.vector_load %arg8[%get3A_756, %get3A_757] {strides = array<i32>} : memref<32x1024xf32, #tpu.memory_space<vmem>>, vector<1x16xf32>,
      %get3A_759 = vector.shape_cast %get3A_758 : vector<1x16xf32> to vector<16xf32>
      %get3A_760 = arith.index_cast %scan3A_42 : i32 to index
      %get3A_761 = arith.constant 816 : index
      %get3A_762 = tpu.vector_load %arg9[%get3A_760, %get3A_761] {strides = array<i32>} : memref<32x1024xf32, #tpu.memory_space<vmem>>, vector<1x16xf32>,
      %get3A_763 = vector.shape_cast %get3A_762 : vector<1x16xf32> to vector<16xf32>
      %add3A_764 = arith.addf %get3A_759, %get3A_763 : vector<16xf32>
      %swap3A_765 = arith.index_cast %scan3A_42 : i32 to index
      %swap3A_766 = arith.constant 816 : index
      %swap3A_767 = tpu.vector_load %arg8[%swap3A_765, %swap3A_766] {strides = array<i32>} : memref<32x1024xf32, #tpu.memory_space<vmem>>, vector<1x16xf32>,
      %swap3A_768 = vector.shape_cast %swap3A_767 : vector<1x16xf32> to vector<16xf32>
      %swap3A_769 = vector.shape_cast %add3A_764 : vector<16xf32> to vector<1x16xf32>
      tpu.vector_store %arg8[%swap3A_765, %swap3A_766], %swap3A_769 {strides = array<i32>} : memref<32x1024xf32, #tpu.memory_space<vmem>>, vector<1x16xf32>,
      %get3A_770 = arith.index_cast %scan3A_42 : i32 to index
      %get3A_771 = arith.constant 832 : index
      %get3A_772 = tpu.vector_load %arg8[%get3A_770, %get3A_771] {strides = array<i32>} : memref<32x1024xf32, #tpu.memory_space<vmem>>, vector<1x16xf32>,
      %get3A_773 = vector.shape_cast %get3A_772 : vector<1x16xf32> to vector<16xf32>
      %get3A_774 = arith.index_cast %scan3A_42 : i32 to index
      %get3A_775 = arith.constant 832 : index
      %get3A_776 = tpu.vector_load %arg9[%get3A_774, %get3A_775] {strides = array<i32>} : memref<32x1024xf32, #tpu.memory_space<vmem>>, vector<1x16xf32>,
      %get3A_777 = vector.shape_cast %get3A_776 : vector<1x16xf32> to vector<16xf32>
      %add3A_778 = arith.addf %get3A_773, %get3A_777 : vector<16xf32>
      %swap3A_779 = arith.index_cast %scan3A_42 : i32 to index
      %swap3A_780 = arith.constant 832 : index
      %swap3A_781 = tpu.vector_load %arg8[%swap3A_779, %swap3A_780] {strides = array<i32>} : memref<32x1024xf32, #tpu.memory_space<vmem>>, vector<1x16xf32>,
      %swap3A_782 = vector.shape_cast %swap3A_781 : vector<1x16xf32> to vector<16xf32>
      %swap3A_783 = vector.shape_cast %add3A_778 : vector<16xf32> to vector<1x16xf32>
      tpu.vector_store %arg8[%swap3A_779, %swap3A_780], %swap3A_783 {strides = array<i32>} : memref<32x1024xf32, #tpu.memory_space<vmem>>, vector<1x16xf32>,
      %get3A_784 = arith.index_cast %scan3A_42 : i32 to index
      %get3A_785 = arith.constant 848 : index
      %get3A_786 = tpu.vector_load %arg8[%get3A_784, %get3A_785] {strides = array<i32>} : memref<32x1024xf32, #tpu.memory_space<vmem>>, vector<1x16xf32>,
      %get3A_787 = vector.shape_cast %get3A_786 : vector<1x16xf32> to vector<16xf32>
      %get3A_788 = arith.index_cast %scan3A_42 : i32 to index
      %get3A_789 = arith.constant 848 : index
      %get3A_790 = tpu.vector_load %arg9[%get3A_788, %get3A_789] {strides = array<i32>} : memref<32x1024xf32, #tpu.memory_space<vmem>>, vector<1x16xf32>,
      %get3A_791 = vector.shape_cast %get3A_790 : vector<1x16xf32> to vector<16xf32>
      %add3A_792 = arith.addf %get3A_787, %get3A_791 : vector<16xf32>
      %swap3A_793 = arith.index_cast %scan3A_42 : i32 to index
      %swap3A_794 = arith.constant 848 : index
      %swap3A_795 = tpu.vector_load %arg8[%swap3A_793, %swap3A_794] {strides = array<i32>} : memref<32x1024xf32, #tpu.memory_space<vmem>>, vector<1x16xf32>,
      %swap3A_796 = vector.shape_cast %swap3A_795 : vector<1x16xf32> to vector<16xf32>
      %swap3A_797 = vector.shape_cast %add3A_792 : vector<16xf32> to vector<1x16xf32>
      tpu.vector_store %arg8[%swap3A_793, %swap3A_794], %swap3A_797 {strides = array<i32>} : memref<32x1024xf32, #tpu.memory_space<vmem>>, vector<1x16xf32>,
      %get3A_798 = arith.index_cast %scan3A_42 : i32 to index
      %get3A_799 = arith.constant 864 : index
      %get3A_800 = tpu.vector_load %arg8[%get3A_798, %get3A_799] {strides = array<i32>} : memref<32x1024xf32, #tpu.memory_space<vmem>>, vector<1x16xf32>,
      %get3A_801 = vector.shape_cast %get3A_800 : vector<1x16xf32> to vector<16xf32>
      %get3A_802 = arith.index_cast %scan3A_42 : i32 to index
      %get3A_803 = arith.constant 864 : index
      %get3A_804 = tpu.vector_load %arg9[%get3A_802, %get3A_803] {strides = array<i32>} : memref<32x1024xf32, #tpu.memory_space<vmem>>, vector<1x16xf32>,
      %get3A_805 = vector.shape_cast %get3A_804 : vector<1x16xf32> to vector<16xf32>
      %add3A_806 = arith.addf %get3A_801, %get3A_805 : vector<16xf32>
      %swap3A_807 = arith.index_cast %scan3A_42 : i32 to index
      %swap3A_808 = arith.constant 864 : index
      %swap3A_809 = tpu.vector_load %arg8[%swap3A_807, %swap3A_808] {strides = array<i32>} : memref<32x1024xf32, #tpu.memory_space<vmem>>, vector<1x16xf32>,
      %swap3A_810 = vector.shape_cast %swap3A_809 : vector<1x16xf32> to vector<16xf32>
      %swap3A_811 = vector.shape_cast %add3A_806 : vector<16xf32> to vector<1x16xf32>
      tpu.vector_store %arg8[%swap3A_807, %swap3A_808], %swap3A_811 {strides = array<i32>} : memref<32x1024xf32, #tpu.memory_space<vmem>>, vector<1x16xf32>,
      %get3A_812 = arith.index_cast %scan3A_42 : i32 to index
      %get3A_813 = arith.constant 880 : index
      %get3A_814 = tpu.vector_load %arg8[%get3A_812, %get3A_813] {strides = array<i32>} : memref<32x1024xf32, #tpu.memory_space<vmem>>, vector<1x16xf32>,
      %get3A_815 = vector.shape_cast %get3A_814 : vector<1x16xf32> to vector<16xf32>
      %get3A_816 = arith.index_cast %scan3A_42 : i32 to index
      %get3A_817 = arith.constant 880 : index
      %get3A_818 = tpu.vector_load %arg9[%get3A_816, %get3A_817] {strides = array<i32>} : memref<32x1024xf32, #tpu.memory_space<vmem>>, vector<1x16xf32>,
      %get3A_819 = vector.shape_cast %get3A_818 : vector<1x16xf32> to vector<16xf32>
      %add3A_820 = arith.addf %get3A_815, %get3A_819 : vector<16xf32>
      %swap3A_821 = arith.index_cast %scan3A_42 : i32 to index
      %swap3A_822 = arith.constant 880 : index
      %swap3A_823 = tpu.vector_load %arg8[%swap3A_821, %swap3A_822] {strides = array<i32>} : memref<32x1024xf32, #tpu.memory_space<vmem>>, vector<1x16xf32>,
      %swap3A_824 = vector.shape_cast %swap3A_823 : vector<1x16xf32> to vector<16xf32>
      %swap3A_825 = vector.shape_cast %add3A_820 : vector<16xf32> to vector<1x16xf32>
      tpu.vector_store %arg8[%swap3A_821, %swap3A_822], %swap3A_825 {strides = array<i32>} : memref<32x1024xf32, #tpu.memory_space<vmem>>, vector<1x16xf32>,
      %get3A_826 = arith.index_cast %scan3A_42 : i32 to index
      %get3A_827 = arith.constant 896 : index
      %get3A_828 = tpu.vector_load %arg8[%get3A_826, %get3A_827] {strides = array<i32>} : memref<32x1024xf32, #tpu.memory_space<vmem>>, vector<1x16xf32>,
      %get3A_829 = vector.shape_cast %get3A_828 : vector<1x16xf32> to vector<16xf32>
      %get3A_830 = arith.index_cast %scan3A_42 : i32 to index
      %get3A_831 = arith.constant 896 : index
      %get3A_832 = tpu.vector_load %arg9[%get3A_830, %get3A_831] {strides = array<i32>} : memref<32x1024xf32, #tpu.memory_space<vmem>>, vector<1x16xf32>,
      %get3A_833 = vector.shape_cast %get3A_832 : vector<1x16xf32> to vector<16xf32>
      %add3A_834 = arith.addf %get3A_829, %get3A_833 : vector<16xf32>
      %swap3A_835 = arith.index_cast %scan3A_42 : i32 to index
      %swap3A_836 = arith.constant 896 : index
      %swap3A_837 = tpu.vector_load %arg8[%swap3A_835, %swap3A_836] {strides = array<i32>} : memref<32x1024xf32, #tpu.memory_space<vmem>>, vector<1x16xf32>,
      %swap3A_838 = vector.shape_cast %swap3A_837 : vector<1x16xf32> to vector<16xf32>
      %swap3A_839 = vector.shape_cast %add3A_834 : vector<16xf32> to vector<1x16xf32>
      tpu.vector_store %arg8[%swap3A_835, %swap3A_836], %swap3A_839 {strides = array<i32>} : memref<32x1024xf32, #tpu.memory_space<vmem>>, vector<1x16xf32>,
      %get3A_840 = arith.index_cast %scan3A_42 : i32 to index
      %get3A_841 = arith.constant 912 : index
      %get3A_842 = tpu.vector_load %arg8[%get3A_840, %get3A_841] {strides = array<i32>} : memref<32x1024xf32, #tpu.memory_space<vmem>>, vector<1x16xf32>,
      %get3A_843 = vector.shape_cast %get3A_842 : vector<1x16xf32> to vector<16xf32>
      %get3A_844 = arith.index_cast %scan3A_42 : i32 to index
      %get3A_845 = arith.constant 912 : index
      %get3A_846 = tpu.vector_load %arg9[%get3A_844, %get3A_845] {strides = array<i32>} : memref<32x1024xf32, #tpu.memory_space<vmem>>, vector<1x16xf32>,
      %get3A_847 = vector.shape_cast %get3A_846 : vector<1x16xf32> to vector<16xf32>
      %add3A_848 = arith.addf %get3A_843, %get3A_847 : vector<16xf32>
      %swap3A_849 = arith.index_cast %scan3A_42 : i32 to index
      %swap3A_850 = arith.constant 912 : index
      %swap3A_851 = tpu.vector_load %arg8[%swap3A_849, %swap3A_850] {strides = array<i32>} : memref<32x1024xf32, #tpu.memory_space<vmem>>, vector<1x16xf32>,
      %swap3A_852 = vector.shape_cast %swap3A_851 : vector<1x16xf32> to vector<16xf32>
      %swap3A_853 = vector.shape_cast %add3A_848 : vector<16xf32> to vector<1x16xf32>
      tpu.vector_store %arg8[%swap3A_849, %swap3A_850], %swap3A_853 {strides = array<i32>} : memref<32x1024xf32, #tpu.memory_space<vmem>>, vector<1x16xf32>,
      %get3A_854 = arith.index_cast %scan3A_42 : i32 to index
      %get3A_855 = arith.constant 928 : index
      %get3A_856 = tpu.vector_load %arg8[%get3A_854, %get3A_855] {strides = array<i32>} : memref<32x1024xf32, #tpu.memory_space<vmem>>, vector<1x16xf32>,
      %get3A_857 = vector.shape_cast %get3A_856 : vector<1x16xf32> to vector<16xf32>
      %get3A_858 = arith.index_cast %scan3A_42 : i32 to index
      %get3A_859 = arith.constant 928 : index
      %get3A_860 = tpu.vector_load %arg9[%get3A_858, %get3A_859] {strides = array<i32>} : memref<32x1024xf32, #tpu.memory_space<vmem>>, vector<1x16xf32>,
      %get3A_861 = vector.shape_cast %get3A_860 : vector<1x16xf32> to vector<16xf32>
      %add3A_862 = arith.addf %get3A_857, %get3A_861 : vector<16xf32>
      %swap3A_863 = arith.index_cast %scan3A_42 : i32 to index
      %swap3A_864 = arith.constant 928 : index
      %swap3A_865 = tpu.vector_load %arg8[%swap3A_863, %swap3A_864] {strides = array<i32>} : memref<32x1024xf32, #tpu.memory_space<vmem>>, vector<1x16xf32>,
      %swap3A_866 = vector.shape_cast %swap3A_865 : vector<1x16xf32> to vector<16xf32>
      %swap3A_867 = vector.shape_cast %add3A_862 : vector<16xf32> to vector<1x16xf32>
      tpu.vector_store %arg8[%swap3A_863, %swap3A_864], %swap3A_867 {strides = array<i32>} : memref<32x1024xf32, #tpu.memory_space<vmem>>, vector<1x16xf32>,
      %get3A_868 = arith.index_cast %scan3A_42 : i32 to index
      %get3A_869 = arith.constant 944 : index
      %get3A_870 = tpu.vector_load %arg8[%get3A_868, %get3A_869] {strides = array<i32>} : memref<32x1024xf32, #tpu.memory_space<vmem>>, vector<1x16xf32>,
      %get3A_871 = vector.shape_cast %get3A_870 : vector<1x16xf32> to vector<16xf32>
      %get3A_872 = arith.index_cast %scan3A_42 : i32 to index
      %get3A_873 = arith.constant 944 : index
      %get3A_874 = tpu.vector_load %arg9[%get3A_872, %get3A_873] {strides = array<i32>} : memref<32x1024xf32, #tpu.memory_space<vmem>>, vector<1x16xf32>,
      %get3A_875 = vector.shape_cast %get3A_874 : vector<1x16xf32> to vector<16xf32>
      %add3A_876 = arith.addf %get3A_871, %get3A_875 : vector<16xf32>
      %swap3A_877 = arith.index_cast %scan3A_42 : i32 to index
      %swap3A_878 = arith.constant 944 : index
      %swap3A_879 = tpu.vector_load %arg8[%swap3A_877, %swap3A_878] {strides = array<i32>} : memref<32x1024xf32, #tpu.memory_space<vmem>>, vector<1x16xf32>,
      %swap3A_880 = vector.shape_cast %swap3A_879 : vector<1x16xf32> to vector<16xf32>
      %swap3A_881 = vector.shape_cast %add3A_876 : vector<16xf32> to vector<1x16xf32>
      tpu.vector_store %arg8[%swap3A_877, %swap3A_878], %swap3A_881 {strides = array<i32>} : memref<32x1024xf32, #tpu.memory_space<vmem>>, vector<1x16xf32>,
      %get3A_882 = arith.index_cast %scan3A_42 : i32 to index
      %get3A_883 = arith.constant 960 : index
      %get3A_884 = tpu.vector_load %arg8[%get3A_882, %get3A_883] {strides = array<i32>} : memref<32x1024xf32, #tpu.memory_space<vmem>>, vector<1x16xf32>,
      %get3A_885 = vector.shape_cast %get3A_884 : vector<1x16xf32> to vector<16xf32>
      %get3A_886 = arith.index_cast %scan3A_42 : i32 to index
      %get3A_887 = arith.constant 960 : index
      %get3A_888 = tpu.vector_load %arg9[%get3A_886, %get3A_887] {strides = array<i32>} : memref<32x1024xf32, #tpu.memory_space<vmem>>, vector<1x16xf32>,
      %get3A_889 = vector.shape_cast %get3A_888 : vector<1x16xf32> to vector<16xf32>
      %add3A_890 = arith.addf %get3A_885, %get3A_889 : vector<16xf32>
      %swap3A_891 = arith.index_cast %scan3A_42 : i32 to index
      %swap3A_892 = arith.constant 960 : index
      %swap3A_893 = tpu.vector_load %arg8[%swap3A_891, %swap3A_892] {strides = array<i32>} : memref<32x1024xf32, #tpu.memory_space<vmem>>, vector<1x16xf32>,
      %swap3A_894 = vector.shape_cast %swap3A_893 : vector<1x16xf32> to vector<16xf32>
      %swap3A_895 = vector.shape_cast %add3A_890 : vector<16xf32> to vector<1x16xf32>
      tpu.vector_store %arg8[%swap3A_891, %swap3A_892], %swap3A_895 {strides = array<i32>} : memref<32x1024xf32, #tpu.memory_space<vmem>>, vector<1x16xf32>,
      %get3A_896 = arith.index_cast %scan3A_42 : i32 to index
      %get3A_897 = arith.constant 976 : index
      %get3A_898 = tpu.vector_load %arg8[%get3A_896, %get3A_897] {strides = array<i32>} : memref<32x1024xf32, #tpu.memory_space<vmem>>, vector<1x16xf32>,
      %get3A_899 = vector.shape_cast %get3A_898 : vector<1x16xf32> to vector<16xf32>
      %get3A_900 = arith.index_cast %scan3A_42 : i32 to index
      %get3A_901 = arith.constant 976 : index
      %get3A_902 = tpu.vector_load %arg9[%get3A_900, %get3A_901] {strides = array<i32>} : memref<32x1024xf32, #tpu.memory_space<vmem>>, vector<1x16xf32>,
      %get3A_903 = vector.shape_cast %get3A_902 : vector<1x16xf32> to vector<16xf32>
      %add3A_904 = arith.addf %get3A_899, %get3A_903 : vector<16xf32>
      %swap3A_905 = arith.index_cast %scan3A_42 : i32 to index
      %swap3A_906 = arith.constant 976 : index
      %swap3A_907 = tpu.vector_load %arg8[%swap3A_905, %swap3A_906] {strides = array<i32>} : memref<32x1024xf32, #tpu.memory_space<vmem>>, vector<1x16xf32>,
      %swap3A_908 = vector.shape_cast %swap3A_907 : vector<1x16xf32> to vector<16xf32>
      %swap3A_909 = vector.shape_cast %add3A_904 : vector<16xf32> to vector<1x16xf32>
      tpu.vector_store %arg8[%swap3A_905, %swap3A_906], %swap3A_909 {strides = array<i32>} : memref<32x1024xf32, #tpu.memory_space<vmem>>, vector<1x16xf32>,
      %get3A_910 = arith.index_cast %scan3A_42 : i32 to index
      %get3A_911 = arith.constant 992 : index
      %get3A_912 = tpu.vector_load %arg8[%get3A_910, %get3A_911] {strides = array<i32>} : memref<32x1024xf32, #tpu.memory_space<vmem>>, vector<1x16xf32>,
      %get3A_913 = vector.shape_cast %get3A_912 : vector<1x16xf32> to vector<16xf32>
      %get3A_914 = arith.index_cast %scan3A_42 : i32 to index
      %get3A_915 = arith.constant 992 : index
      %get3A_916 = tpu.vector_load %arg9[%get3A_914, %get3A_915] {strides = array<i32>} : memref<32x1024xf32, #tpu.memory_space<vmem>>, vector<1x16xf32>,
      %get3A_917 = vector.shape_cast %get3A_916 : vector<1x16xf32> to vector<16xf32>
      %add3A_918 = arith.addf %get3A_913, %get3A_917 : vector<16xf32>
      %swap3A_919 = arith.index_cast %scan3A_42 : i32 to index
      %swap3A_920 = arith.constant 992 : index
      %swap3A_921 = tpu.vector_load %arg8[%swap3A_919, %swap3A_920] {strides = array<i32>} : memref<32x1024xf32, #tpu.memory_space<vmem>>, vector<1x16xf32>,
      %swap3A_922 = vector.shape_cast %swap3A_921 : vector<1x16xf32> to vector<16xf32>
      %swap3A_923 = vector.shape_cast %add3A_918 : vector<16xf32> to vector<1x16xf32>
      tpu.vector_store %arg8[%swap3A_919, %swap3A_920], %swap3A_923 {strides = array<i32>} : memref<32x1024xf32, #tpu.memory_space<vmem>>, vector<1x16xf32>,
      %get3A_924 = arith.index_cast %scan3A_42 : i32 to index
      %get3A_925 = arith.constant 1008 : index
      %get3A_926 = tpu.vector_load %arg8[%get3A_924, %get3A_925] {strides = array<i32>} : memref<32x1024xf32, #tpu.memory_space<vmem>>, vector<1x16xf32>,
      %get3A_927 = vector.shape_cast %get3A_926 : vector<1x16xf32> to vector<16xf32>
      %get3A_928 = arith.index_cast %scan3A_42 : i32 to index
      %get3A_929 = arith.constant 1008 : index
      %get3A_930 = tpu.vector_load %arg9[%get3A_928, %get3A_929] {strides = array<i32>} : memref<32x1024xf32, #tpu.memory_space<vmem>>, vector<1x16xf32>,
      %get3A_931 = vector.shape_cast %get3A_930 : vector<1x16xf32> to vector<16xf32>
      %add3A_932 = arith.addf %get3A_927, %get3A_931 : vector<16xf32>
      %swap3A_933 = arith.index_cast %scan3A_42 : i32 to index
      %swap3A_934 = arith.constant 1008 : index
      %swap3A_935 = tpu.vector_load %arg8[%swap3A_933, %swap3A_934] {strides = array<i32>} : memref<32x1024xf32, #tpu.memory_space<vmem>>, vector<1x16xf32>,
      %swap3A_936 = vector.shape_cast %swap3A_935 : vector<1x16xf32> to vector<16xf32>
      %swap3A_937 = vector.shape_cast %add3A_932 : vector<16xf32> to vector<1x16xf32>
      tpu.vector_store %arg8[%swap3A_933, %swap3A_934], %swap3A_937 {strides = array<i32>} : memref<32x1024xf32, #tpu.memory_space<vmem>>, vector<1x16xf32>,
      %scan3A_938 = arith.constant 0 : i32
      scf.yield %scan3A_938 : i32
    }
    %scan3A_41 = arith.constant 32 : i32
    "tpu.region"() ({
      %run_scoped3A = tpu.sem_alloc : memref<!tpu.dma_semaphore, #tpu.memory_space<semaphore_mem>>
      %dma_start3A_42 = arith.constant 0 : i32
      %dma_start3A_43 = tpu.memref_slice %arg5[%add3A_22, %dma_start3A_42] : memref<2048x1024xf32, #tpu.memory_space<hbm>> -> memref<32x1024xf32, #tpu.memory_space<hbm>>
      %dma_start3A_44 = arith.constant 0 : i32
      %dma_start3A_45 = tpu.memref_slice %arg5[%add3A_22, %dma_start3A_44] : memref<2048x1024xf32, #tpu.memory_space<hbm>> -> memref<32x1024xf32, #tpu.memory_space<hbm>>
      tpu.enqueue_dma source(%arg8 : memref<32x1024xf32, #tpu.memory_space<vmem>>) target(%dma_start3A_45 : memref<32x1024xf32, #tpu.memory_space<hbm>>) target_semaphore(%run_scoped3A : memref<!tpu.dma_semaphore, #tpu.memory_space<semaphore_mem>>)
      %dma_wait3A_46 = arith.constant 0 : i32
      %dma_wait3A_47 = tpu.memref_slice %arg5[%add3A_22, %dma_wait3A_46] : memref<2048x1024xf32, #tpu.memory_space<hbm>> -> memref<32x1024xf32, #tpu.memory_space<hbm>>
      %dma_wait3A_48 = arith.constant 0 : i32
      %dma_wait3A_49 = tpu.memref_slice %arg5[%add3A_22, %dma_wait3A_48] : memref<2048x1024xf32, #tpu.memory_space<hbm>> -> memref<32x1024xf32, #tpu.memory_space<hbm>>
      tpu.wait_dma2 semaphore(%run_scoped3A : memref<!tpu.dma_semaphore, #tpu.memory_space<semaphore_mem>>) src(%arg8 : memref<32x1024xf32, #tpu.memory_space<vmem>>) dst(%dma_wait3A_49 : memref<32x1024xf32, #tpu.memory_space<hbm>>)
      tpu.yield
    }) : () -> ()
    return
  }
}

#map = affine_map<(d0, d1) -> (0, 0)>
#map1 = affine_map<(d0, d1) -> (0)>
module attributes {stable_mosaic.version = 14 : i64} {
  func.func @dispatch(%arg0: i32, %arg1: i32, %arg2: memref<2048x512xi32, #tpu.memory_space<hbm>>, %arg3: memref<2048xi32, #tpu.memory_space<hbm>>, %arg4: memref<2048xi32, #tpu.memory_space<hbm>>, %arg5: memref<2048x128xf32, #tpu.memory_space<hbm>>, %arg6: memref<2048x128xf32, #tpu.memory_space<hbm>>, %arg7: memref<6144x512xi32, #tpu.memory_space<hbm>>, %arg8: memref<6144x128xf32, #tpu.memory_space<hbm>>, %arg9: memref<64xi32, #tpu.memory_space<vmem>>, %arg10: memref<64xi32, #tpu.memory_space<vmem>>, %arg11: memref<64x512xi32, #tpu.memory_space<vmem>>, %arg12: memref<64x128xf32, #tpu.memory_space<vmem>>, %arg13: memref<64x128xf32, #tpu.memory_space<vmem>>, %arg14: memref<!tpu.dma_semaphore, #tpu.memory_space<semaphore_mem>>, %arg15: memref<!tpu.dma_semaphore, #tpu.memory_space<semaphore_mem>>, %arg16: memref<!tpu.dma_semaphore, #tpu.memory_space<semaphore_mem>>, %arg17: memref<!tpu.dma_semaphore, #tpu.memory_space<semaphore_mem>>) attributes {dimension_semantics = [#tpu.dimension_semantics<core_parallel>, #tpu.dimension_semantics<subcore_parallel>], iteration_bounds = array<i64: 2, 16>, scalar_prefetch = 0 : i64, scratch_operands = 9 : i64, tpu.core_type = #tpu.core_type<sc_vector_subcore>, window_params = [{transform_indices = #map}, {transform_indices = #map1}, {transform_indices = #map1}, {transform_indices = #map}, {transform_indices = #map}, {transform_indices = #map}, {transform_indices = #map}]} {
    %mul3A = arith.constant 2 : i32
    %mul3A_0 = arith.muli %arg1, %mul3A : i32
    %add3A = arith.addi %mul3A_0, %arg0 : i32
    %mul3A_1 = arith.constant 64 : i32
    %mul3A_2 = arith.muli %add3A, %mul3A_1 : i32
    "tpu.region"() ({
      %run_scoped3A = tpu.sem_alloc : memref<!tpu.dma_semaphore, #tpu.memory_space<semaphore_mem>>
      %dma_start3A_25 = tpu.memref_slice %arg3[%mul3A_2] : memref<2048xi32, #tpu.memory_space<hbm>> -> memref<64xi32, #tpu.memory_space<hbm>>
      %dma_start3A_26 = tpu.memref_slice %arg3[%mul3A_2] : memref<2048xi32, #tpu.memory_space<hbm>> -> memref<64xi32, #tpu.memory_space<hbm>>
      tpu.enqueue_dma source(%dma_start3A_26 : memref<64xi32, #tpu.memory_space<hbm>>) target(%arg9 : memref<64xi32, #tpu.memory_space<vmem>>) target_semaphore(%run_scoped3A : memref<!tpu.dma_semaphore, #tpu.memory_space<semaphore_mem>>)
      %dma_wait3A_27 = tpu.memref_slice %arg3[%mul3A_2] : memref<2048xi32, #tpu.memory_space<hbm>> -> memref<64xi32, #tpu.memory_space<hbm>>
      %dma_wait3A_28 = tpu.memref_slice %arg3[%mul3A_2] : memref<2048xi32, #tpu.memory_space<hbm>> -> memref<64xi32, #tpu.memory_space<hbm>>
      tpu.wait_dma2 semaphore(%run_scoped3A : memref<!tpu.dma_semaphore, #tpu.memory_space<semaphore_mem>>) src(%dma_wait3A_28 : memref<64xi32, #tpu.memory_space<hbm>>) dst(%arg9 : memref<64xi32, #tpu.memory_space<vmem>>)
      tpu.yield
    }) : () -> ()
    "tpu.region"() ({
      %run_scoped3A = tpu.sem_alloc : memref<!tpu.dma_semaphore, #tpu.memory_space<semaphore_mem>>
      %dma_start3A_25 = tpu.memref_slice %arg4[%mul3A_2] : memref<2048xi32, #tpu.memory_space<hbm>> -> memref<64xi32, #tpu.memory_space<hbm>>
      %dma_start3A_26 = tpu.memref_slice %arg4[%mul3A_2] : memref<2048xi32, #tpu.memory_space<hbm>> -> memref<64xi32, #tpu.memory_space<hbm>>
      tpu.enqueue_dma source(%dma_start3A_26 : memref<64xi32, #tpu.memory_space<hbm>>) target(%arg10 : memref<64xi32, #tpu.memory_space<vmem>>) target_semaphore(%run_scoped3A : memref<!tpu.dma_semaphore, #tpu.memory_space<semaphore_mem>>)
      %dma_wait3A_27 = tpu.memref_slice %arg4[%mul3A_2] : memref<2048xi32, #tpu.memory_space<hbm>> -> memref<64xi32, #tpu.memory_space<hbm>>
      %dma_wait3A_28 = tpu.memref_slice %arg4[%mul3A_2] : memref<2048xi32, #tpu.memory_space<hbm>> -> memref<64xi32, #tpu.memory_space<hbm>>
      tpu.wait_dma2 semaphore(%run_scoped3A : memref<!tpu.dma_semaphore, #tpu.memory_space<semaphore_mem>>) src(%dma_wait3A_28 : memref<64xi32, #tpu.memory_space<hbm>>) dst(%arg10 : memref<64xi32, #tpu.memory_space<vmem>>)
      tpu.yield
    }) : () -> ()
    "tpu.region"() ({
      %run_scoped3A = tpu.sem_alloc : memref<!tpu.dma_semaphore, #tpu.memory_space<semaphore_mem>>
      %dma_start3A_25 = arith.constant 0 : i32
      %dma_start3A_26 = tpu.memref_slice %arg5[%mul3A_2, %dma_start3A_25] : memref<2048x128xf32, #tpu.memory_space<hbm>> -> memref<64x128xf32, #tpu.memory_space<hbm>>
      %dma_start3A_27 = arith.constant 0 : i32
      %dma_start3A_28 = tpu.memref_slice %arg5[%mul3A_2, %dma_start3A_27] : memref<2048x128xf32, #tpu.memory_space<hbm>> -> memref<64x128xf32, #tpu.memory_space<hbm>>
      tpu.enqueue_dma source(%dma_start3A_28 : memref<64x128xf32, #tpu.memory_space<hbm>>) target(%arg12 : memref<64x128xf32, #tpu.memory_space<vmem>>) target_semaphore(%run_scoped3A : memref<!tpu.dma_semaphore, #tpu.memory_space<semaphore_mem>>)
      %dma_wait3A_29 = arith.constant 0 : i32
      %dma_wait3A_30 = tpu.memref_slice %arg5[%mul3A_2, %dma_wait3A_29] : memref<2048x128xf32, #tpu.memory_space<hbm>> -> memref<64x128xf32, #tpu.memory_space<hbm>>
      %dma_wait3A_31 = arith.constant 0 : i32
      %dma_wait3A_32 = tpu.memref_slice %arg5[%mul3A_2, %dma_wait3A_31] : memref<2048x128xf32, #tpu.memory_space<hbm>> -> memref<64x128xf32, #tpu.memory_space<hbm>>
      tpu.wait_dma2 semaphore(%run_scoped3A : memref<!tpu.dma_semaphore, #tpu.memory_space<semaphore_mem>>) src(%dma_wait3A_32 : memref<64x128xf32, #tpu.memory_space<hbm>>) dst(%arg12 : memref<64x128xf32, #tpu.memory_space<vmem>>)
      tpu.yield
    }) : () -> ()
    "tpu.region"() ({
      %run_scoped3A = tpu.sem_alloc : memref<!tpu.dma_semaphore, #tpu.memory_space<semaphore_mem>>
      %dma_start3A_25 = arith.constant 0 : i32
      %dma_start3A_26 = tpu.memref_slice %arg6[%mul3A_2, %dma_start3A_25] : memref<2048x128xf32, #tpu.memory_space<hbm>> -> memref<64x128xf32, #tpu.memory_space<hbm>>
      %dma_start3A_27 = arith.constant 0 : i32
      %dma_start3A_28 = tpu.memref_slice %arg6[%mul3A_2, %dma_start3A_27] : memref<2048x128xf32, #tpu.memory_space<hbm>> -> memref<64x128xf32, #tpu.memory_space<hbm>>
      tpu.enqueue_dma source(%dma_start3A_28 : memref<64x128xf32, #tpu.memory_space<hbm>>) target(%arg13 : memref<64x128xf32, #tpu.memory_space<vmem>>) target_semaphore(%run_scoped3A : memref<!tpu.dma_semaphore, #tpu.memory_space<semaphore_mem>>)
      %dma_wait3A_29 = arith.constant 0 : i32
      %dma_wait3A_30 = tpu.memref_slice %arg6[%mul3A_2, %dma_wait3A_29] : memref<2048x128xf32, #tpu.memory_space<hbm>> -> memref<64x128xf32, #tpu.memory_space<hbm>>
      %dma_wait3A_31 = arith.constant 0 : i32
      %dma_wait3A_32 = tpu.memref_slice %arg6[%mul3A_2, %dma_wait3A_31] : memref<2048x128xf32, #tpu.memory_space<hbm>> -> memref<64x128xf32, #tpu.memory_space<hbm>>
      tpu.wait_dma2 semaphore(%run_scoped3A : memref<!tpu.dma_semaphore, #tpu.memory_space<semaphore_mem>>) src(%dma_wait3A_32 : memref<64x128xf32, #tpu.memory_space<hbm>>) dst(%arg13 : memref<64x128xf32, #tpu.memory_space<vmem>>)
      tpu.yield
    }) : () -> ()
    "tpu.region"() ({
      %run_scoped3A = tpu.sem_alloc : memref<!tpu.dma_semaphore, #tpu.memory_space<semaphore_mem>>
      %dma_start3A_25 = arith.constant 0 : i32
      %dma_start3A_26 = tpu.memref_slice %arg2[%mul3A_2, %dma_start3A_25] : memref<2048x512xi32, #tpu.memory_space<hbm>> -> memref<64x512xi32, #tpu.memory_space<hbm>>
      %dma_start3A_27 = arith.constant 0 : i32
      %dma_start3A_28 = tpu.memref_slice %arg2[%mul3A_2, %dma_start3A_27] : memref<2048x512xi32, #tpu.memory_space<hbm>> -> memref<64x512xi32, #tpu.memory_space<hbm>>
      tpu.enqueue_dma source(%dma_start3A_28 : memref<64x512xi32, #tpu.memory_space<hbm>>) target(%arg11 : memref<64x512xi32, #tpu.memory_space<vmem>>) target_semaphore(%run_scoped3A : memref<!tpu.dma_semaphore, #tpu.memory_space<semaphore_mem>>)
      %dma_wait3A_29 = arith.constant 0 : i32
      %dma_wait3A_30 = tpu.memref_slice %arg2[%mul3A_2, %dma_wait3A_29] : memref<2048x512xi32, #tpu.memory_space<hbm>> -> memref<64x512xi32, #tpu.memory_space<hbm>>
      %dma_wait3A_31 = arith.constant 0 : i32
      %dma_wait3A_32 = tpu.memref_slice %arg2[%mul3A_2, %dma_wait3A_31] : memref<2048x512xi32, #tpu.memory_space<hbm>> -> memref<64x512xi32, #tpu.memory_space<hbm>>
      tpu.wait_dma2 semaphore(%run_scoped3A : memref<!tpu.dma_semaphore, #tpu.memory_space<semaphore_mem>>) src(%dma_wait3A_32 : memref<64x512xi32, #tpu.memory_space<hbm>>) dst(%arg11 : memref<64x512xi32, #tpu.memory_space<vmem>>)
      tpu.yield
    }) : () -> ()
    %dma_start3A = arith.constant 0 : i32
    %dma_start3A_3 = arith.constant 0 : i32
    %dma_start3A_4 = tpu.memref_slice %arg7[%dma_start3A, %dma_start3A_3] : memref<6144x512xi32, #tpu.memory_space<hbm>> -> memref<6144x512xi32, #tpu.memory_space<hbm>>
    tpu.enqueue_indirect_dma source(%arg11 : memref<64x512xi32, #tpu.memory_space<vmem>>) target(%dma_start3A_4 : memref<6144x512xi32, #tpu.memory_space<hbm>>) offsets(%arg9 : memref<64xi32, #tpu.memory_space<vmem>>) semaphore(%arg14 : memref<!tpu.dma_semaphore, #tpu.memory_space<semaphore_mem>>)
    %dma_start3A_5 = arith.constant 0 : i32
    %dma_start3A_6 = arith.constant 0 : i32
    %dma_start3A_7 = tpu.memref_slice %arg7[%dma_start3A_5, %dma_start3A_6] : memref<6144x512xi32, #tpu.memory_space<hbm>> -> memref<6144x512xi32, #tpu.memory_space<hbm>>
    tpu.enqueue_indirect_dma source(%arg11 : memref<64x512xi32, #tpu.memory_space<vmem>>) target(%dma_start3A_7 : memref<6144x512xi32, #tpu.memory_space<hbm>>) offsets(%arg10 : memref<64xi32, #tpu.memory_space<vmem>>) semaphore(%arg15 : memref<!tpu.dma_semaphore, #tpu.memory_space<semaphore_mem>>)
    %dma_start3A_8 = arith.constant 0 : i32
    %dma_start3A_9 = arith.constant 0 : i32
    %dma_start3A_10 = tpu.memref_slice %arg8[%dma_start3A_8, %dma_start3A_9] : memref<6144x128xf32, #tpu.memory_space<hbm>> -> memref<6144x128xf32, #tpu.memory_space<hbm>>
    tpu.enqueue_indirect_dma source(%arg12 : memref<64x128xf32, #tpu.memory_space<vmem>>) target(%dma_start3A_10 : memref<6144x128xf32, #tpu.memory_space<hbm>>) offsets(%arg9 : memref<64xi32, #tpu.memory_space<vmem>>) semaphore(%arg16 : memref<!tpu.dma_semaphore, #tpu.memory_space<semaphore_mem>>)
    %dma_start3A_11 = arith.constant 0 : i32
    %dma_start3A_12 = arith.constant 0 : i32
    %dma_start3A_13 = tpu.memref_slice %arg8[%dma_start3A_11, %dma_start3A_12] : memref<6144x128xf32, #tpu.memory_space<hbm>> -> memref<6144x128xf32, #tpu.memory_space<hbm>>
    tpu.enqueue_indirect_dma source(%arg13 : memref<64x128xf32, #tpu.memory_space<vmem>>) target(%dma_start3A_13 : memref<6144x128xf32, #tpu.memory_space<hbm>>) offsets(%arg10 : memref<64xi32, #tpu.memory_space<vmem>>) semaphore(%arg17 : memref<!tpu.dma_semaphore, #tpu.memory_space<semaphore_mem>>)
    %dma_wait3A = arith.constant 0 : i32
    %dma_wait3A_14 = arith.constant 0 : i32
    %dma_wait3A_15 = tpu.memref_slice %arg7[%dma_wait3A, %dma_wait3A_14] : memref<6144x512xi32, #tpu.memory_space<hbm>> -> memref<6144x512xi32, #tpu.memory_space<hbm>>
    tpu.wait_indirect_dma semaphore(%arg14 : memref<!tpu.dma_semaphore, #tpu.memory_space<semaphore_mem>>) src(%arg11 : memref<64x512xi32, #tpu.memory_space<vmem>>) dst(%dma_wait3A_15 : memref<6144x512xi32, #tpu.memory_space<hbm>>)
    %dma_wait3A_16 = arith.constant 0 : i32
    %dma_wait3A_17 = arith.constant 0 : i32
    %dma_wait3A_18 = tpu.memref_slice %arg7[%dma_wait3A_16, %dma_wait3A_17] : memref<6144x512xi32, #tpu.memory_space<hbm>> -> memref<6144x512xi32, #tpu.memory_space<hbm>>
    tpu.wait_indirect_dma semaphore(%arg15 : memref<!tpu.dma_semaphore, #tpu.memory_space<semaphore_mem>>) src(%arg11 : memref<64x512xi32, #tpu.memory_space<vmem>>) dst(%dma_wait3A_18 : memref<6144x512xi32, #tpu.memory_space<hbm>>)
    %dma_wait3A_19 = arith.constant 0 : i32
    %dma_wait3A_20 = arith.constant 0 : i32
    %dma_wait3A_21 = tpu.memref_slice %arg8[%dma_wait3A_19, %dma_wait3A_20] : memref<6144x128xf32, #tpu.memory_space<hbm>> -> memref<6144x128xf32, #tpu.memory_space<hbm>>
    tpu.wait_indirect_dma semaphore(%arg16 : memref<!tpu.dma_semaphore, #tpu.memory_space<semaphore_mem>>) src(%arg12 : memref<64x128xf32, #tpu.memory_space<vmem>>) dst(%dma_wait3A_21 : memref<6144x128xf32, #tpu.memory_space<hbm>>)
    %dma_wait3A_22 = arith.constant 0 : i32
    %dma_wait3A_23 = arith.constant 0 : i32
    %dma_wait3A_24 = tpu.memref_slice %arg8[%dma_wait3A_22, %dma_wait3A_23] : memref<6144x128xf32, #tpu.memory_space<hbm>> -> memref<6144x128xf32, #tpu.memory_space<hbm>>
    tpu.wait_indirect_dma semaphore(%arg17 : memref<!tpu.dma_semaphore, #tpu.memory_space<semaphore_mem>>) src(%arg13 : memref<64x128xf32, #tpu.memory_space<vmem>>) dst(%dma_wait3A_24 : memref<6144x128xf32, #tpu.memory_space<hbm>>)
    return
  }
}

module attributes {stable_mosaic.version = 14 : i64} {
  func.func @_router_kernel(%arg0: i32, %arg1: memref<2048x1024xf32, #tpu.memory_space<vmem>>, %arg2: memref<8x1024xf32, #tpu.memory_space<vmem>>, %arg3: memref<2048x1xi32, #tpu.memory_space<vmem>>, %arg4: memref<2048x1xi32, #tpu.memory_space<vmem>>, %arg5: memref<2048x128xf32, #tpu.memory_space<vmem>>, %arg6: memref<2048x128xf32, #tpu.memory_space<vmem>>, %arg7: memref<24x1xi32, #tpu.memory_space<vmem>>) attributes {dimension_semantics = [#tpu.dimension_semantics<arbitrary>], iteration_bounds = array<i64: 1>, scalar_prefetch = 0 : i64, scratch_operands = 0 : i64, tpu.core_type = #tpu.core_type<tc>, window_params = [{pipeline_mode = #tpu.pipeline_mode<synchronous>, transform_indices = @transform_0, window_bounds = array<i64: 2048, 1024>}, {pipeline_mode = #tpu.pipeline_mode<synchronous>, transform_indices = @transform_1, window_bounds = array<i64: 8, 1024>}, {pipeline_mode = #tpu.pipeline_mode<synchronous>, transform_indices = @transform_2, window_bounds = array<i64: 2048, 1>}, {pipeline_mode = #tpu.pipeline_mode<synchronous>, transform_indices = @transform_3, window_bounds = array<i64: 2048, 1>}, {pipeline_mode = #tpu.pipeline_mode<synchronous>, transform_indices = @transform_4, window_bounds = array<i64: 2048, 128>}, {pipeline_mode = #tpu.pipeline_mode<synchronous>, transform_indices = @transform_5, window_bounds = array<i64: 2048, 128>}, {pipeline_mode = #tpu.pipeline_mode<synchronous>, transform_indices = @transform_6, window_bounds = array<i64: 24, 1>}]} {
    %get3A = arith.constant 0 : index
    %get3A_0 = arith.constant 0 : index
    %get3A_1 = vector.load %arg1[%get3A, %get3A_0] : memref<2048x1024xf32, #tpu.memory_space<vmem>>, vector<2048x1024xf32>
    %get3A_2 = arith.constant 0 : index
    %get3A_3 = arith.constant 0 : index
    %get3A_4 = vector.load %arg2[%get3A_2, %get3A_3] : memref<8x1024xf32, #tpu.memory_space<vmem>>, vector<8x1024xf32>
    %transpose3A = tpu.transpose %get3A_4, [1, 0] : vector<8x1024xf32> -> vector<1024x8xf32>
    %dot_general3A = arith.constant dense<0.000000e+00> : vector<2048x8xf32>
    %dot_general3A_5 = tpu.matmul %get3A_1, %transpose3A, %dot_general3A {dimension_numbers = #tpu.dot_dimension_numbers<[1], [0], [0], [1], [0, 0, 1, 1], [], []>, transpose_lhs_hint = false} : vector<2048x1024xf32>, vector<1024x8xf32>, vector<2048x8xf32> -> vector<2048x8xf32>
    %iota3A = tpu.iota {dimensions = array<i32: 1>} : vector<2048x8xi32>
    %reduce_max3A = arith.constant dense<0xFF800000> : vector<2048xf32>
    %reduce_max3A_6 = vector.multi_reduction <maximumf>, %dot_general3A_5, %reduce_max3A [1] : vector<2048x8xf32> to vector<2048xf32>
    %broadcast_in_dim3A = vector.shape_cast %reduce_max3A_6 : vector<2048xf32> to vector<2048x1xf32>
    %eq3A = vector.broadcast %broadcast_in_dim3A : vector<2048x1xf32> to vector<2048x8xf32>
    %eq3A_7 = arith.cmpf oeq, %dot_general3A_5, %eq3A : vector<2048x8xf32>
    %jit3A = arith.constant 8 : i32
    %broadcast_in_dim3A_8 = vector.broadcast %jit3A : i32 to vector<2048x8xi32>
    %select_n3A = arith.select %eq3A_7, %iota3A, %broadcast_in_dim3A_8 : vector<2048x8xi1>, vector<2048x8xi32>
    %reduce_min3A = arith.constant dense<2147483647> : vector<2048xi32>
    %reduce_min3A_9 = vector.multi_reduction <minsi>, %select_n3A, %reduce_min3A [1] : vector<2048x8xi32> to vector<2048xi32>
    %broadcast_in_dim3A_10 = vector.shape_cast %reduce_min3A_9 : vector<2048xi32> to vector<2048x1xi32>
    %eq3A_11 = vector.broadcast %broadcast_in_dim3A_10 : vector<2048x1xi32> to vector<2048x8xi32>
    %eq3A_12 = arith.cmpi eq, %iota3A, %eq3A_11 : vector<2048x8xi32>
    %jit3A_13 = arith.constant 0xFF800000 : f32
    %broadcast_in_dim3A_14 = vector.broadcast %jit3A_13 : f32 to vector<2048x8xf32>
    %select_n3A_15 = arith.select %eq3A_12, %broadcast_in_dim3A_14, %dot_general3A_5 : vector<2048x8xi1>, vector<2048x8xf32>
    %reduce_max3A_16 = arith.constant dense<0xFF800000> : vector<2048xf32>
    %reduce_max3A_17 = vector.multi_reduction <maximumf>, %select_n3A_15, %reduce_max3A_16 [1] : vector<2048x8xf32> to vector<2048xf32>
    %broadcast_in_dim3A_18 = vector.shape_cast %reduce_max3A_17 : vector<2048xf32> to vector<2048x1xf32>
    %eq3A_19 = vector.broadcast %broadcast_in_dim3A_18 : vector<2048x1xf32> to vector<2048x8xf32>
    %eq3A_20 = arith.cmpf oeq, %select_n3A_15, %eq3A_19 : vector<2048x8xf32>
    %jit3A_21 = arith.constant 8 : i32
    %broadcast_in_dim3A_22 = vector.broadcast %jit3A_21 : i32 to vector<2048x8xi32>
    %select_n3A_23 = arith.select %eq3A_20, %iota3A, %broadcast_in_dim3A_22 : vector<2048x8xi1>, vector<2048x8xi32>
    %reduce_min3A_24 = arith.constant dense<2147483647> : vector<2048xi32>
    %reduce_min3A_25 = vector.multi_reduction <minsi>, %select_n3A_23, %reduce_min3A_24 [1] : vector<2048x8xi32> to vector<2048xi32>
    %broadcast_in_dim3A_26 = vector.shape_cast %reduce_min3A_25 : vector<2048xi32> to vector<2048x1xi32>
    %sub3A = arith.subf %broadcast_in_dim3A_18, %broadcast_in_dim3A : vector<2048x1xf32>
    %exp3A = math.exp %sub3A : vector<2048x1xf32>
    %add3A = arith.constant 1.000000e+00 : f32
    %add3A_27 = vector.broadcast %add3A : f32 to vector<2048x1xf32>
    %add3A_28 = arith.addf %add3A_27, %exp3A : vector<2048x1xf32>
    %div3A = arith.constant 1.000000e+00 : f32
    %div3A_29 = vector.broadcast %div3A : f32 to vector<2048x1xf32>
    %div3A_30 = arith.divf %div3A_29, %add3A_28 : vector<2048x1xf32>
    %add3A_31 = arith.constant 1.000000e+00 : f32
    %add3A_32 = vector.broadcast %add3A_31 : f32 to vector<2048x1xf32>
    %add3A_33 = arith.addf %add3A_32, %exp3A : vector<2048x1xf32>
    %div3A_34 = arith.divf %exp3A, %add3A_33 : vector<2048x1xf32>
    %eq3A_35 = vector.broadcast %broadcast_in_dim3A_10 : vector<2048x1xi32> to vector<2048x8xi32>
    %eq3A_36 = arith.cmpi eq, %iota3A, %eq3A_35 : vector<2048x8xi32>
    %convert_element_type3A = arith.extui %eq3A_36 : vector<2048x8xi1> to vector<2048x8xi32>
    %convert_element_type3A_37 = arith.sitofp %convert_element_type3A : vector<2048x8xi32> to vector<2048x8xf32>
    %eq3A_38 = vector.broadcast %broadcast_in_dim3A_26 : vector<2048x1xi32> to vector<2048x8xi32>
    %eq3A_39 = arith.cmpi eq, %iota3A, %eq3A_38 : vector<2048x8xi32>
    %convert_element_type3A_40 = arith.extui %eq3A_39 : vector<2048x8xi1> to vector<2048x8xi32>
    %convert_element_type3A_41 = arith.sitofp %convert_element_type3A_40 : vector<2048x8xi32> to vector<2048x8xf32>
    %iota3A_42 = tpu.iota {dimensions = array<i32: 0>} : vector<256x256xi32>
    %iota3A_43 = tpu.iota {dimensions = array<i32: 1>} : vector<256x256xi32>
    %lt3A = arith.cmpi slt, %iota3A_43, %iota3A_42 : vector<256x256xi32>
    %convert_element_type3A_44 = arith.extui %lt3A : vector<256x256xi1> to vector<256x256xi32>
    %convert_element_type3A_45 = arith.sitofp %convert_element_type3A_44 : vector<256x256xi32> to vector<256x256xf32>
    %broadcast_in_dim3A_46 = arith.constant 0.000000e+00 : f32
    %broadcast_in_dim3A_47 = vector.broadcast %broadcast_in_dim3A_46 : f32 to vector<1x8xf32>
    %broadcast_in_dim3A_48 = arith.constant 0.000000e+00 : f32
    %broadcast_in_dim3A_49 = vector.broadcast %broadcast_in_dim3A_48 : f32 to vector<1x8xf32>
    %slice3A = vector.extract_strided_slice %convert_element_type3A_37 {offsets = [0, 0], sizes = [256, 8], strides = [1, 1]} : vector<2048x8xf32> to vector<256x8xf32>
    %slice3A_50 = vector.extract_strided_slice %convert_element_type3A_41 {offsets = [0, 0], sizes = [256, 8], strides = [1, 1]} : vector<2048x8xf32> to vector<256x8xf32>
    %dot_general3A_51 = arith.constant dense<0.000000e+00> : vector<256x8xf32>
    %dot_general3A_52 = tpu.matmul %convert_element_type3A_45, %slice3A, %dot_general3A_51 {dimension_numbers = #tpu.dot_dimension_numbers<[1], [0], [0], [1], [0, 0, 1, 1], [], []>, transpose_lhs_hint = false} : vector<256x256xf32>, vector<256x8xf32>, vector<256x8xf32> -> vector<256x8xf32>
    %add3A_53 = vector.broadcast %broadcast_in_dim3A_47 : vector<1x8xf32> to vector<256x8xf32>
    %add3A_54 = arith.addf %dot_general3A_52, %add3A_53 : vector<256x8xf32>
    %dot_general3A_55 = arith.constant dense<0.000000e+00> : vector<256x8xf32>
    %dot_general3A_56 = tpu.matmul %convert_element_type3A_45, %slice3A_50, %dot_general3A_55 {dimension_numbers = #tpu.dot_dimension_numbers<[1], [0], [0], [1], [0, 0, 1, 1], [], []>, transpose_lhs_hint = false} : vector<256x256xf32>, vector<256x8xf32>, vector<256x8xf32> -> vector<256x8xf32>
    %add3A_57 = vector.broadcast %broadcast_in_dim3A_49 : vector<1x8xf32> to vector<256x8xf32>
    %add3A_58 = arith.addf %dot_general3A_56, %add3A_57 : vector<256x8xf32>
    %reduce_sum3A = arith.constant dense<0.000000e+00> : vector<8xf32>
    %reduce_sum3A_59 = vector.multi_reduction <add>, %slice3A, %reduce_sum3A [0] : vector<256x8xf32> to vector<8xf32>
    %broadcast_in_dim3A_60 = vector.shape_cast %reduce_sum3A_59 : vector<8xf32> to vector<1x8xf32>
    %add3A_61 = arith.addf %broadcast_in_dim3A_47, %broadcast_in_dim3A_60 : vector<1x8xf32>
    %reduce_sum3A_62 = arith.constant dense<0.000000e+00> : vector<8xf32>
    %reduce_sum3A_63 = vector.multi_reduction <add>, %slice3A_50, %reduce_sum3A_62 [0] : vector<256x8xf32> to vector<8xf32>
    %broadcast_in_dim3A_64 = vector.shape_cast %reduce_sum3A_63 : vector<8xf32> to vector<1x8xf32>
    %add3A_65 = arith.addf %broadcast_in_dim3A_49, %broadcast_in_dim3A_64 : vector<1x8xf32>
    %slice3A_66 = vector.extract_strided_slice %convert_element_type3A_37 {offsets = [256, 0], sizes = [256, 8], strides = [1, 1]} : vector<2048x8xf32> to vector<256x8xf32>
    %slice3A_67 = vector.extract_strided_slice %convert_element_type3A_41 {offsets = [256, 0], sizes = [256, 8], strides = [1, 1]} : vector<2048x8xf32> to vector<256x8xf32>
    %dot_general3A_68 = arith.constant dense<0.000000e+00> : vector<256x8xf32>
    %dot_general3A_69 = tpu.matmul %convert_element_type3A_45, %slice3A_66, %dot_general3A_68 {dimension_numbers = #tpu.dot_dimension_numbers<[1], [0], [0], [1], [0, 0, 1, 1], [], []>, transpose_lhs_hint = false} : vector<256x256xf32>, vector<256x8xf32>, vector<256x8xf32> -> vector<256x8xf32>
    %add3A_70 = vector.broadcast %add3A_61 : vector<1x8xf32> to vector<256x8xf32>
    %add3A_71 = arith.addf %dot_general3A_69, %add3A_70 : vector<256x8xf32>
    %dot_general3A_72 = arith.constant dense<0.000000e+00> : vector<256x8xf32>
    %dot_general3A_73 = tpu.matmul %convert_element_type3A_45, %slice3A_67, %dot_general3A_72 {dimension_numbers = #tpu.dot_dimension_numbers<[1], [0], [0], [1], [0, 0, 1, 1], [], []>, transpose_lhs_hint = false} : vector<256x256xf32>, vector<256x8xf32>, vector<256x8xf32> -> vector<256x8xf32>
    %add3A_74 = vector.broadcast %add3A_65 : vector<1x8xf32> to vector<256x8xf32>
    %add3A_75 = arith.addf %dot_general3A_73, %add3A_74 : vector<256x8xf32>
    %reduce_sum3A_76 = arith.constant dense<0.000000e+00> : vector<8xf32>
    %reduce_sum3A_77 = vector.multi_reduction <add>, %slice3A_66, %reduce_sum3A_76 [0] : vector<256x8xf32> to vector<8xf32>
    %broadcast_in_dim3A_78 = vector.shape_cast %reduce_sum3A_77 : vector<8xf32> to vector<1x8xf32>
    %add3A_79 = arith.addf %add3A_61, %broadcast_in_dim3A_78 : vector<1x8xf32>
    %reduce_sum3A_80 = arith.constant dense<0.000000e+00> : vector<8xf32>
    %reduce_sum3A_81 = vector.multi_reduction <add>, %slice3A_67, %reduce_sum3A_80 [0] : vector<256x8xf32> to vector<8xf32>
    %broadcast_in_dim3A_82 = vector.shape_cast %reduce_sum3A_81 : vector<8xf32> to vector<1x8xf32>
    %add3A_83 = arith.addf %add3A_65, %broadcast_in_dim3A_82 : vector<1x8xf32>
    %slice3A_84 = vector.extract_strided_slice %convert_element_type3A_37 {offsets = [512, 0], sizes = [256, 8], strides = [1, 1]} : vector<2048x8xf32> to vector<256x8xf32>
    %slice3A_85 = vector.extract_strided_slice %convert_element_type3A_41 {offsets = [512, 0], sizes = [256, 8], strides = [1, 1]} : vector<2048x8xf32> to vector<256x8xf32>
    %dot_general3A_86 = arith.constant dense<0.000000e+00> : vector<256x8xf32>
    %dot_general3A_87 = tpu.matmul %convert_element_type3A_45, %slice3A_84, %dot_general3A_86 {dimension_numbers = #tpu.dot_dimension_numbers<[1], [0], [0], [1], [0, 0, 1, 1], [], []>, transpose_lhs_hint = false} : vector<256x256xf32>, vector<256x8xf32>, vector<256x8xf32> -> vector<256x8xf32>
    %add3A_88 = vector.broadcast %add3A_79 : vector<1x8xf32> to vector<256x8xf32>
    %add3A_89 = arith.addf %dot_general3A_87, %add3A_88 : vector<256x8xf32>
    %dot_general3A_90 = arith.constant dense<0.000000e+00> : vector<256x8xf32>
    %dot_general3A_91 = tpu.matmul %convert_element_type3A_45, %slice3A_85, %dot_general3A_90 {dimension_numbers = #tpu.dot_dimension_numbers<[1], [0], [0], [1], [0, 0, 1, 1], [], []>, transpose_lhs_hint = false} : vector<256x256xf32>, vector<256x8xf32>, vector<256x8xf32> -> vector<256x8xf32>
    %add3A_92 = vector.broadcast %add3A_83 : vector<1x8xf32> to vector<256x8xf32>
    %add3A_93 = arith.addf %dot_general3A_91, %add3A_92 : vector<256x8xf32>
    %reduce_sum3A_94 = arith.constant dense<0.000000e+00> : vector<8xf32>
    %reduce_sum3A_95 = vector.multi_reduction <add>, %slice3A_84, %reduce_sum3A_94 [0] : vector<256x8xf32> to vector<8xf32>
    %broadcast_in_dim3A_96 = vector.shape_cast %reduce_sum3A_95 : vector<8xf32> to vector<1x8xf32>
    %add3A_97 = arith.addf %add3A_79, %broadcast_in_dim3A_96 : vector<1x8xf32>
    %reduce_sum3A_98 = arith.constant dense<0.000000e+00> : vector<8xf32>
    %reduce_sum3A_99 = vector.multi_reduction <add>, %slice3A_85, %reduce_sum3A_98 [0] : vector<256x8xf32> to vector<8xf32>
    %broadcast_in_dim3A_100 = vector.shape_cast %reduce_sum3A_99 : vector<8xf32> to vector<1x8xf32>
    %add3A_101 = arith.addf %add3A_83, %broadcast_in_dim3A_100 : vector<1x8xf32>
    %slice3A_102 = vector.extract_strided_slice %convert_element_type3A_37 {offsets = [768, 0], sizes = [256, 8], strides = [1, 1]} : vector<2048x8xf32> to vector<256x8xf32>
    %slice3A_103 = vector.extract_strided_slice %convert_element_type3A_41 {offsets = [768, 0], sizes = [256, 8], strides = [1, 1]} : vector<2048x8xf32> to vector<256x8xf32>
    %dot_general3A_104 = arith.constant dense<0.000000e+00> : vector<256x8xf32>
    %dot_general3A_105 = tpu.matmul %convert_element_type3A_45, %slice3A_102, %dot_general3A_104 {dimension_numbers = #tpu.dot_dimension_numbers<[1], [0], [0], [1], [0, 0, 1, 1], [], []>, transpose_lhs_hint = false} : vector<256x256xf32>, vector<256x8xf32>, vector<256x8xf32> -> vector<256x8xf32>
    %add3A_106 = vector.broadcast %add3A_97 : vector<1x8xf32> to vector<256x8xf32>
    %add3A_107 = arith.addf %dot_general3A_105, %add3A_106 : vector<256x8xf32>
    %dot_general3A_108 = arith.constant dense<0.000000e+00> : vector<256x8xf32>
    %dot_general3A_109 = tpu.matmul %convert_element_type3A_45, %slice3A_103, %dot_general3A_108 {dimension_numbers = #tpu.dot_dimension_numbers<[1], [0], [0], [1], [0, 0, 1, 1], [], []>, transpose_lhs_hint = false} : vector<256x256xf32>, vector<256x8xf32>, vector<256x8xf32> -> vector<256x8xf32>
    %add3A_110 = vector.broadcast %add3A_101 : vector<1x8xf32> to vector<256x8xf32>
    %add3A_111 = arith.addf %dot_general3A_109, %add3A_110 : vector<256x8xf32>
    %reduce_sum3A_112 = arith.constant dense<0.000000e+00> : vector<8xf32>
    %reduce_sum3A_113 = vector.multi_reduction <add>, %slice3A_102, %reduce_sum3A_112 [0] : vector<256x8xf32> to vector<8xf32>
    %broadcast_in_dim3A_114 = vector.shape_cast %reduce_sum3A_113 : vector<8xf32> to vector<1x8xf32>
    %add3A_115 = arith.addf %add3A_97, %broadcast_in_dim3A_114 : vector<1x8xf32>
    %reduce_sum3A_116 = arith.constant dense<0.000000e+00> : vector<8xf32>
    %reduce_sum3A_117 = vector.multi_reduction <add>, %slice3A_103, %reduce_sum3A_116 [0] : vector<256x8xf32> to vector<8xf32>
    %broadcast_in_dim3A_118 = vector.shape_cast %reduce_sum3A_117 : vector<8xf32> to vector<1x8xf32>
    %add3A_119 = arith.addf %add3A_101, %broadcast_in_dim3A_118 : vector<1x8xf32>
    %slice3A_120 = vector.extract_strided_slice %convert_element_type3A_37 {offsets = [1024, 0], sizes = [256, 8], strides = [1, 1]} : vector<2048x8xf32> to vector<256x8xf32>
    %slice3A_121 = vector.extract_strided_slice %convert_element_type3A_41 {offsets = [1024, 0], sizes = [256, 8], strides = [1, 1]} : vector<2048x8xf32> to vector<256x8xf32>
    %dot_general3A_122 = arith.constant dense<0.000000e+00> : vector<256x8xf32>
    %dot_general3A_123 = tpu.matmul %convert_element_type3A_45, %slice3A_120, %dot_general3A_122 {dimension_numbers = #tpu.dot_dimension_numbers<[1], [0], [0], [1], [0, 0, 1, 1], [], []>, transpose_lhs_hint = false} : vector<256x256xf32>, vector<256x8xf32>, vector<256x8xf32> -> vector<256x8xf32>
    %add3A_124 = vector.broadcast %add3A_115 : vector<1x8xf32> to vector<256x8xf32>
    %add3A_125 = arith.addf %dot_general3A_123, %add3A_124 : vector<256x8xf32>
    %dot_general3A_126 = arith.constant dense<0.000000e+00> : vector<256x8xf32>
    %dot_general3A_127 = tpu.matmul %convert_element_type3A_45, %slice3A_121, %dot_general3A_126 {dimension_numbers = #tpu.dot_dimension_numbers<[1], [0], [0], [1], [0, 0, 1, 1], [], []>, transpose_lhs_hint = false} : vector<256x256xf32>, vector<256x8xf32>, vector<256x8xf32> -> vector<256x8xf32>
    %add3A_128 = vector.broadcast %add3A_119 : vector<1x8xf32> to vector<256x8xf32>
    %add3A_129 = arith.addf %dot_general3A_127, %add3A_128 : vector<256x8xf32>
    %reduce_sum3A_130 = arith.constant dense<0.000000e+00> : vector<8xf32>
    %reduce_sum3A_131 = vector.multi_reduction <add>, %slice3A_120, %reduce_sum3A_130 [0] : vector<256x8xf32> to vector<8xf32>
    %broadcast_in_dim3A_132 = vector.shape_cast %reduce_sum3A_131 : vector<8xf32> to vector<1x8xf32>
    %add3A_133 = arith.addf %add3A_115, %broadcast_in_dim3A_132 : vector<1x8xf32>
    %reduce_sum3A_134 = arith.constant dense<0.000000e+00> : vector<8xf32>
    %reduce_sum3A_135 = vector.multi_reduction <add>, %slice3A_121, %reduce_sum3A_134 [0] : vector<256x8xf32> to vector<8xf32>
    %broadcast_in_dim3A_136 = vector.shape_cast %reduce_sum3A_135 : vector<8xf32> to vector<1x8xf32>
    %add3A_137 = arith.addf %add3A_119, %broadcast_in_dim3A_136 : vector<1x8xf32>
    %slice3A_138 = vector.extract_strided_slice %convert_element_type3A_37 {offsets = [1280, 0], sizes = [256, 8], strides = [1, 1]} : vector<2048x8xf32> to vector<256x8xf32>
    %slice3A_139 = vector.extract_strided_slice %convert_element_type3A_41 {offsets = [1280, 0], sizes = [256, 8], strides = [1, 1]} : vector<2048x8xf32> to vector<256x8xf32>
    %dot_general3A_140 = arith.constant dense<0.000000e+00> : vector<256x8xf32>
    %dot_general3A_141 = tpu.matmul %convert_element_type3A_45, %slice3A_138, %dot_general3A_140 {dimension_numbers = #tpu.dot_dimension_numbers<[1], [0], [0], [1], [0, 0, 1, 1], [], []>, transpose_lhs_hint = false} : vector<256x256xf32>, vector<256x8xf32>, vector<256x8xf32> -> vector<256x8xf32>
    %add3A_142 = vector.broadcast %add3A_133 : vector<1x8xf32> to vector<256x8xf32>
    %add3A_143 = arith.addf %dot_general3A_141, %add3A_142 : vector<256x8xf32>
    %dot_general3A_144 = arith.constant dense<0.000000e+00> : vector<256x8xf32>
    %dot_general3A_145 = tpu.matmul %convert_element_type3A_45, %slice3A_139, %dot_general3A_144 {dimension_numbers = #tpu.dot_dimension_numbers<[1], [0], [0], [1], [0, 0, 1, 1], [], []>, transpose_lhs_hint = false} : vector<256x256xf32>, vector<256x8xf32>, vector<256x8xf32> -> vector<256x8xf32>
    %add3A_146 = vector.broadcast %add3A_137 : vector<1x8xf32> to vector<256x8xf32>
    %add3A_147 = arith.addf %dot_general3A_145, %add3A_146 : vector<256x8xf32>
    %reduce_sum3A_148 = arith.constant dense<0.000000e+00> : vector<8xf32>
    %reduce_sum3A_149 = vector.multi_reduction <add>, %slice3A_138, %reduce_sum3A_148 [0] : vector<256x8xf32> to vector<8xf32>
    %broadcast_in_dim3A_150 = vector.shape_cast %reduce_sum3A_149 : vector<8xf32> to vector<1x8xf32>
    %add3A_151 = arith.addf %add3A_133, %broadcast_in_dim3A_150 : vector<1x8xf32>
    %reduce_sum3A_152 = arith.constant dense<0.000000e+00> : vector<8xf32>
    %reduce_sum3A_153 = vector.multi_reduction <add>, %slice3A_139, %reduce_sum3A_152 [0] : vector<256x8xf32> to vector<8xf32>
    %broadcast_in_dim3A_154 = vector.shape_cast %reduce_sum3A_153 : vector<8xf32> to vector<1x8xf32>
    %add3A_155 = arith.addf %add3A_137, %broadcast_in_dim3A_154 : vector<1x8xf32>
    %slice3A_156 = vector.extract_strided_slice %convert_element_type3A_37 {offsets = [1536, 0], sizes = [256, 8], strides = [1, 1]} : vector<2048x8xf32> to vector<256x8xf32>
    %slice3A_157 = vector.extract_strided_slice %convert_element_type3A_41 {offsets = [1536, 0], sizes = [256, 8], strides = [1, 1]} : vector<2048x8xf32> to vector<256x8xf32>
    %dot_general3A_158 = arith.constant dense<0.000000e+00> : vector<256x8xf32>
    %dot_general3A_159 = tpu.matmul %convert_element_type3A_45, %slice3A_156, %dot_general3A_158 {dimension_numbers = #tpu.dot_dimension_numbers<[1], [0], [0], [1], [0, 0, 1, 1], [], []>, transpose_lhs_hint = false} : vector<256x256xf32>, vector<256x8xf32>, vector<256x8xf32> -> vector<256x8xf32>
    %add3A_160 = vector.broadcast %add3A_151 : vector<1x8xf32> to vector<256x8xf32>
    %add3A_161 = arith.addf %dot_general3A_159, %add3A_160 : vector<256x8xf32>
    %dot_general3A_162 = arith.constant dense<0.000000e+00> : vector<256x8xf32>
    %dot_general3A_163 = tpu.matmul %convert_element_type3A_45, %slice3A_157, %dot_general3A_162 {dimension_numbers = #tpu.dot_dimension_numbers<[1], [0], [0], [1], [0, 0, 1, 1], [], []>, transpose_lhs_hint = false} : vector<256x256xf32>, vector<256x8xf32>, vector<256x8xf32> -> vector<256x8xf32>
    %add3A_164 = vector.broadcast %add3A_155 : vector<1x8xf32> to vector<256x8xf32>
    %add3A_165 = arith.addf %dot_general3A_163, %add3A_164 : vector<256x8xf32>
    %reduce_sum3A_166 = arith.constant dense<0.000000e+00> : vector<8xf32>
    %reduce_sum3A_167 = vector.multi_reduction <add>, %slice3A_156, %reduce_sum3A_166 [0] : vector<256x8xf32> to vector<8xf32>
    %broadcast_in_dim3A_168 = vector.shape_cast %reduce_sum3A_167 : vector<8xf32> to vector<1x8xf32>
    %add3A_169 = arith.addf %add3A_151, %broadcast_in_dim3A_168 : vector<1x8xf32>
    %reduce_sum3A_170 = arith.constant dense<0.000000e+00> : vector<8xf32>
    %reduce_sum3A_171 = vector.multi_reduction <add>, %slice3A_157, %reduce_sum3A_170 [0] : vector<256x8xf32> to vector<8xf32>
    %broadcast_in_dim3A_172 = vector.shape_cast %reduce_sum3A_171 : vector<8xf32> to vector<1x8xf32>
    %add3A_173 = arith.addf %add3A_155, %broadcast_in_dim3A_172 : vector<1x8xf32>
    %slice3A_174 = vector.extract_strided_slice %convert_element_type3A_37 {offsets = [1792, 0], sizes = [256, 8], strides = [1, 1]} : vector<2048x8xf32> to vector<256x8xf32>
    %slice3A_175 = vector.extract_strided_slice %convert_element_type3A_41 {offsets = [1792, 0], sizes = [256, 8], strides = [1, 1]} : vector<2048x8xf32> to vector<256x8xf32>
    %dot_general3A_176 = arith.constant dense<0.000000e+00> : vector<256x8xf32>
    %dot_general3A_177 = tpu.matmul %convert_element_type3A_45, %slice3A_174, %dot_general3A_176 {dimension_numbers = #tpu.dot_dimension_numbers<[1], [0], [0], [1], [0, 0, 1, 1], [], []>, transpose_lhs_hint = false} : vector<256x256xf32>, vector<256x8xf32>, vector<256x8xf32> -> vector<256x8xf32>
    %add3A_178 = vector.broadcast %add3A_169 : vector<1x8xf32> to vector<256x8xf32>
    %add3A_179 = arith.addf %dot_general3A_177, %add3A_178 : vector<256x8xf32>
    %dot_general3A_180 = arith.constant dense<0.000000e+00> : vector<256x8xf32>
    %dot_general3A_181 = tpu.matmul %convert_element_type3A_45, %slice3A_175, %dot_general3A_180 {dimension_numbers = #tpu.dot_dimension_numbers<[1], [0], [0], [1], [0, 0, 1, 1], [], []>, transpose_lhs_hint = false} : vector<256x256xf32>, vector<256x8xf32>, vector<256x8xf32> -> vector<256x8xf32>
    %add3A_182 = vector.broadcast %add3A_173 : vector<1x8xf32> to vector<256x8xf32>
    %add3A_183 = arith.addf %dot_general3A_181, %add3A_182 : vector<256x8xf32>
    %reduce_sum3A_184 = arith.constant dense<0.000000e+00> : vector<8xf32>
    %reduce_sum3A_185 = vector.multi_reduction <add>, %slice3A_174, %reduce_sum3A_184 [0] : vector<256x8xf32> to vector<8xf32>
    %broadcast_in_dim3A_186 = vector.shape_cast %reduce_sum3A_185 : vector<8xf32> to vector<1x8xf32>
    %add3A_187 = arith.addf %add3A_169, %broadcast_in_dim3A_186 : vector<1x8xf32>
    %reduce_sum3A_188 = arith.constant dense<0.000000e+00> : vector<8xf32>
    %reduce_sum3A_189 = vector.multi_reduction <add>, %slice3A_175, %reduce_sum3A_188 [0] : vector<256x8xf32> to vector<8xf32>
    %broadcast_in_dim3A_190 = vector.shape_cast %reduce_sum3A_189 : vector<8xf32> to vector<1x8xf32>
    %add3A_191 = arith.addf %add3A_173, %broadcast_in_dim3A_190 : vector<1x8xf32>
    %concatenate3A = tpu.concatenate %add3A_54, %add3A_71, %add3A_89, %add3A_107, %add3A_125, %add3A_143, %add3A_161, %add3A_179 in 0 : vector<256x8xf32>, vector<256x8xf32>, vector<256x8xf32>, vector<256x8xf32>, vector<256x8xf32>, vector<256x8xf32>, vector<256x8xf32>, vector<256x8xf32> -> vector<2048x8xf32>
    %concatenate3A_192 = tpu.concatenate %add3A_58, %add3A_75, %add3A_93, %add3A_111, %add3A_129, %add3A_147, %add3A_165, %add3A_183 in 0 : vector<256x8xf32>, vector<256x8xf32>, vector<256x8xf32>, vector<256x8xf32>, vector<256x8xf32>, vector<256x8xf32>, vector<256x8xf32>, vector<256x8xf32> -> vector<2048x8xf32>
    %add3A_193 = arith.addf %add3A_187, %add3A_191 : vector<1x8xf32>
    %div3A_194 = arith.constant 2.560000e+02 : f32
    %div3A_195 = vector.broadcast %div3A_194 : f32 to vector<1x8xf32>
    %div3A_196 = arith.divf %add3A_193, %div3A_195 : vector<1x8xf32>
    %ceil3A = math.ceil %div3A_196 : vector<1x8xf32>
    %mul3A = arith.constant 2.560000e+02 : f32
    %mul3A_197 = vector.broadcast %mul3A : f32 to vector<1x8xf32>
    %mul3A_198 = arith.mulf %ceil3A, %mul3A_197 : vector<1x8xf32>
    %iota3A_199 = tpu.iota {dimensions = array<i32: 0>} : vector<8x8xi32>
    %iota3A_200 = tpu.iota {dimensions = array<i32: 1>} : vector<8x8xi32>
    %lt3A_201 = arith.cmpi slt, %iota3A_199, %iota3A_200 : vector<8x8xi32>
    %convert_element_type3A_202 = arith.extui %lt3A_201 : vector<8x8xi1> to vector<8x8xi32>
    %convert_element_type3A_203 = arith.sitofp %convert_element_type3A_202 : vector<8x8xi32> to vector<8x8xf32>
    %dot_general3A_204 = arith.constant dense<0.000000e+00> : vector<1x8xf32>
    %dot_general3A_205 = tpu.matmul %mul3A_198, %convert_element_type3A_203, %dot_general3A_204 {dimension_numbers = #tpu.dot_dimension_numbers<[1], [0], [0], [1], [0, 0, 1, 1], [], []>, transpose_lhs_hint = false} : vector<1x8xf32>, vector<8x8xf32>, vector<1x8xf32> -> vector<1x8xf32>
    %add3A_206 = vector.broadcast %dot_general3A_205 : vector<1x8xf32> to vector<2048x8xf32>
    %add3A_207 = arith.addf %add3A_206, %concatenate3A : vector<2048x8xf32>
    %mul3A_208 = arith.mulf %convert_element_type3A_37, %add3A_207 : vector<2048x8xf32>
    %reduce_sum3A_209 = arith.constant dense<0.000000e+00> : vector<2048xf32>
    %reduce_sum3A_210 = vector.multi_reduction <add>, %mul3A_208, %reduce_sum3A_209 [1] : vector<2048x8xf32> to vector<2048xf32>
    %broadcast_in_dim3A_211 = vector.shape_cast %reduce_sum3A_210 : vector<2048xf32> to vector<2048x1xf32>
    %add3A_212 = arith.addf %dot_general3A_205, %add3A_187 : vector<1x8xf32>
    %add3A_213 = vector.broadcast %add3A_212 : vector<1x8xf32> to vector<2048x8xf32>
    %add3A_214 = arith.addf %add3A_213, %concatenate3A_192 : vector<2048x8xf32>
    %mul3A_215 = arith.mulf %convert_element_type3A_41, %add3A_214 : vector<2048x8xf32>
    %reduce_sum3A_216 = arith.constant dense<0.000000e+00> : vector<2048xf32>
    %reduce_sum3A_217 = vector.multi_reduction <add>, %mul3A_215, %reduce_sum3A_216 [1] : vector<2048x8xf32> to vector<2048xf32>
    %broadcast_in_dim3A_218 = vector.shape_cast %reduce_sum3A_217 : vector<2048xf32> to vector<2048x1xf32>
    %convert_element_type3A_219 = arith.fptosi %broadcast_in_dim3A_211 : vector<2048x1xf32> to vector<2048x1xi32>
    %swap3A = arith.constant 0 : index
    %swap3A_220 = arith.constant 0 : index
    %swap3A_221 = vector.load %arg3[%swap3A, %swap3A_220] : memref<2048x1xi32, #tpu.memory_space<vmem>>, vector<2048x1xi32>
    tpu.vector_store %arg3[%swap3A, %swap3A_220], %convert_element_type3A_219 {strides = array<i32>} : memref<2048x1xi32, #tpu.memory_space<vmem>>, vector<2048x1xi32>,
    %convert_element_type3A_222 = arith.fptosi %broadcast_in_dim3A_218 : vector<2048x1xf32> to vector<2048x1xi32>
    %swap3A_223 = arith.constant 0 : index
    %swap3A_224 = arith.constant 0 : index
    %swap3A_225 = vector.load %arg4[%swap3A_223, %swap3A_224] : memref<2048x1xi32, #tpu.memory_space<vmem>>, vector<2048x1xi32>
    tpu.vector_store %arg4[%swap3A_223, %swap3A_224], %convert_element_type3A_222 {strides = array<i32>} : memref<2048x1xi32, #tpu.memory_space<vmem>>, vector<2048x1xi32>,
    %broadcast_in_dim3A_226 = vector.shape_cast %div3A_30 : vector<2048x1xf32> to vector<2048x1xf32>
    %broadcast_in_dim3A_227 = vector.broadcast %broadcast_in_dim3A_226 : vector<2048x1xf32> to vector<2048x128xf32>
    %swap3A_228 = arith.constant 0 : index
    %swap3A_229 = arith.constant 0 : index
    %swap3A_230 = vector.load %arg5[%swap3A_228, %swap3A_229] : memref<2048x128xf32, #tpu.memory_space<vmem>>, vector<2048x128xf32>
    tpu.vector_store %arg5[%swap3A_228, %swap3A_229], %broadcast_in_dim3A_227 {strides = array<i32>} : memref<2048x128xf32, #tpu.memory_space<vmem>>, vector<2048x128xf32>,
    %broadcast_in_dim3A_231 = vector.shape_cast %div3A_34 : vector<2048x1xf32> to vector<2048x1xf32>
    %broadcast_in_dim3A_232 = vector.broadcast %broadcast_in_dim3A_231 : vector<2048x1xf32> to vector<2048x128xf32>
    %swap3A_233 = arith.constant 0 : index
    %swap3A_234 = arith.constant 0 : index
    %swap3A_235 = vector.load %arg6[%swap3A_233, %swap3A_234] : memref<2048x128xf32, #tpu.memory_space<vmem>>, vector<2048x128xf32>
    tpu.vector_store %arg6[%swap3A_233, %swap3A_234], %broadcast_in_dim3A_232 {strides = array<i32>} : memref<2048x128xf32, #tpu.memory_space<vmem>>, vector<2048x128xf32>,
    %add3A_236 = arith.addf %dot_general3A_205, %mul3A_198 : vector<1x8xf32>
    %iota3A_237 = tpu.iota {dimensions = array<i32: 0>} : vector<24x8xi32>
    %mul3A_238 = arith.constant 256 : i32
    %mul3A_239 = vector.broadcast %mul3A_238 : i32 to vector<24x8xi32>
    %mul3A_240 = arith.muli %iota3A_237, %mul3A_239 : vector<24x8xi32>
    %convert_element_type3A_241 = arith.sitofp %mul3A_240 : vector<24x8xi32> to vector<24x8xf32>
    %ge3A = vector.broadcast %add3A_236 : vector<1x8xf32> to vector<24x8xf32>
    %ge3A_242 = arith.cmpf oge, %convert_element_type3A_241, %ge3A : vector<24x8xf32>
    %convert_element_type3A_243 = arith.extui %ge3A_242 : vector<24x8xi1> to vector<24x8xi32>
    %reduce_sum3A_244 = arith.constant dense<0> : vector<24xi32>
    %reduce_sum3A_245 = vector.multi_reduction <add>, %convert_element_type3A_243, %reduce_sum3A_244 [1] : vector<24x8xi32> to vector<24xi32>
    %broadcast_in_dim3A_246 = vector.shape_cast %reduce_sum3A_245 : vector<24xi32> to vector<24x1xi32>
    %min3A = arith.constant 7 : i32
    %min3A_247 = vector.broadcast %min3A : i32 to vector<24x1xi32>
    %min3A_248 = arith.minsi %broadcast_in_dim3A_246, %min3A_247 : vector<24x1xi32>
    %swap3A_249 = arith.constant 0 : index
    %swap3A_250 = arith.constant 0 : index
    %swap3A_251 = vector.load %arg7[%swap3A_249, %swap3A_250] : memref<24x1xi32, #tpu.memory_space<vmem>>, vector<24x1xi32>
    tpu.vector_store %arg7[%swap3A_249, %swap3A_250], %min3A_248 {strides = array<i32>} : memref<24x1xi32, #tpu.memory_space<vmem>>, vector<24x1xi32>,
    return
  }
  func.func @transform_0(%arg0: i32) -> (i32, i32) {
    %c0_i32 = arith.constant 0 : i32
    %c0_i32_0 = arith.constant 0 : i32
    %c0_i32_1 = arith.constant 0 : i32
    return %c0_i32, %c0_i32_0 : i32, i32
  }
  func.func @transform_1(%arg0: i32) -> (i32, i32) {
    %c0_i32 = arith.constant 0 : i32
    %c0_i32_0 = arith.constant 0 : i32
    %c0_i32_1 = arith.constant 0 : i32
    return %c0_i32, %c0_i32_0 : i32, i32
  }
  func.func @transform_2(%arg0: i32) -> (i32, i32) {
    %c0_i32 = arith.constant 0 : i32
    %c0_i32_0 = arith.constant 0 : i32
    %c0_i32_1 = arith.constant 0 : i32
    return %c0_i32, %c0_i32_0 : i32, i32
  }
  func.func @transform_3(%arg0: i32) -> (i32, i32) {
    %c0_i32 = arith.constant 0 : i32
    %c0_i32_0 = arith.constant 0 : i32
    %c0_i32_1 = arith.constant 0 : i32
    return %c0_i32, %c0_i32_0 : i32, i32
  }
  func.func @transform_4(%arg0: i32) -> (i32, i32) {
    %c0_i32 = arith.constant 0 : i32
    %c0_i32_0 = arith.constant 0 : i32
    %c0_i32_1 = arith.constant 0 : i32
    return %c0_i32, %c0_i32_0 : i32, i32
  }
  func.func @transform_5(%arg0: i32) -> (i32, i32) {
    %c0_i32 = arith.constant 0 : i32
    %c0_i32_0 = arith.constant 0 : i32
    %c0_i32_1 = arith.constant 0 : i32
    return %c0_i32, %c0_i32_0 : i32, i32
  }
  func.func @transform_6(%arg0: i32) -> (i32, i32) {
    %c0_i32 = arith.constant 0 : i32
    %c0_i32_0 = arith.constant 0 : i32
    %c0_i32_1 = arith.constant 0 : i32
    return %c0_i32, %c0_i32_0 : i32, i32
  }
}

module attributes {stable_mosaic.version = 14 : i64} {
  func.func @_expert_kernel(%arg0: i32, %arg1: memref<24xi32, #tpu.memory_space<smem>>, %arg2: memref<256x1024xbf16, #tpu.memory_space<vmem>>, %arg3: memref<256x128xf32, #tpu.memory_space<vmem>>, %arg4: memref<1x256x1024xbf16, #tpu.memory_space<vmem>>, %arg5: memref<1x256x1024xbf16, #tpu.memory_space<vmem>>, %arg6: memref<1x256x1024xbf16, #tpu.memory_space<vmem>>, %arg7: memref<256x1024xf32, #tpu.memory_space<vmem>>) attributes {dimension_semantics = [#tpu.dimension_semantics<arbitrary>], iteration_bounds = array<i64: 24>, scalar_prefetch = 1 : i64, scratch_operands = 0 : i64, tpu.core_type = #tpu.core_type<tc>, window_params = [{transform_indices = @transform_0, window_bounds = array<i64: 256, 1024>}, {transform_indices = @transform_1, window_bounds = array<i64: 256, 128>}, {transform_indices = @transform_2, window_bounds = array<i64: 1, 256, 1024>}, {transform_indices = @transform_3, window_bounds = array<i64: 1, 256, 1024>}, {transform_indices = @transform_4, window_bounds = array<i64: 1, 256, 1024>}, {transform_indices = @transform_5, window_bounds = array<i64: 256, 1024>}]} {
    %get3A = arith.constant 0 : index
    %get3A_0 = arith.constant 0 : index
    %get3A_1 = vector.load %arg2[%get3A, %get3A_0] : memref<256x1024xbf16, #tpu.memory_space<vmem>>, vector<256x1024xbf16>
    %get3A_2 = arith.constant 0 : index
    %get3A_3 = arith.constant 0 : index
    %get3A_4 = arith.constant 0 : index
    %get3A_5 = vector.load %arg4[%get3A_2, %get3A_3, %get3A_4] : memref<1x256x1024xbf16, #tpu.memory_space<vmem>>, vector<1x256x1024xbf16>
    %get3A_6 = vector.shape_cast %get3A_5 : vector<1x256x1024xbf16> to vector<256x1024xbf16>
    %transpose3A = tpu.transpose %get3A_6, [1, 0] : vector<256x1024xbf16> -> vector<1024x256xbf16>
    %dot_general3A = arith.constant dense<0.000000e+00> : vector<256x256xf32>
    %dot_general3A_7 = tpu.matmul %get3A_1, %transpose3A, %dot_general3A {dimension_numbers = #tpu.dot_dimension_numbers<[1], [0], [0], [1], [0, 0, 1, 1], [], []>, transpose_lhs_hint = false} : vector<256x1024xbf16>, vector<1024x256xbf16>, vector<256x256xf32> -> vector<256x256xf32>
    %get3A_8 = arith.constant 0 : index
    %get3A_9 = arith.constant 0 : index
    %get3A_10 = arith.constant 0 : index
    %get3A_11 = vector.load %arg5[%get3A_8, %get3A_9, %get3A_10] : memref<1x256x1024xbf16, #tpu.memory_space<vmem>>, vector<1x256x1024xbf16>
    %get3A_12 = vector.shape_cast %get3A_11 : vector<1x256x1024xbf16> to vector<256x1024xbf16>
    %transpose3A_13 = tpu.transpose %get3A_12, [1, 0] : vector<256x1024xbf16> -> vector<1024x256xbf16>
    %dot_general3A_14 = arith.constant dense<0.000000e+00> : vector<256x256xf32>
    %dot_general3A_15 = tpu.matmul %get3A_1, %transpose3A_13, %dot_general3A_14 {dimension_numbers = #tpu.dot_dimension_numbers<[1], [0], [0], [1], [0, 0, 1, 1], [], []>, transpose_lhs_hint = false} : vector<256x1024xbf16>, vector<1024x256xbf16>, vector<256x256xf32> -> vector<256x256xf32>
    %logistic3A = arith.negf %dot_general3A_7 : vector<256x256xf32>
    %logistic3A_16 = math.exp %logistic3A : vector<256x256xf32>
    %logistic3A_17 = arith.constant 1.000000e+00 : f32
    %logistic3A_18 = vector.broadcast %logistic3A_17 : f32 to vector<256x256xf32>
    %logistic3A_19 = arith.addf %logistic3A_18, %logistic3A_16 : vector<256x256xf32>
    %logistic3A_20 = arith.divf %logistic3A_18, %logistic3A_19 : vector<256x256xf32>
    %mul3A = arith.mulf %dot_general3A_7, %logistic3A_20 : vector<256x256xf32>
    %mul3A_21 = arith.mulf %mul3A, %dot_general3A_15 : vector<256x256xf32>
    %get3A_22 = arith.constant 0 : index
    %get3A_23 = arith.constant 0 : index
    %get3A_24 = vector.load %arg3[%get3A_22, %get3A_23] : memref<256x128xf32, #tpu.memory_space<vmem>>, vector<256x128xf32>
    %slice3A = vector.extract_strided_slice %get3A_24 {offsets = [0, 0], sizes = [256, 1], strides = [1, 1]} : vector<256x128xf32> to vector<256x1xf32>
    %mul3A_25 = vector.broadcast %slice3A : vector<256x1xf32> to vector<256x256xf32>
    %mul3A_26 = arith.mulf %mul3A_21, %mul3A_25 : vector<256x256xf32>
    %convert_element_type3A = arith.truncf %mul3A_26 : vector<256x256xf32> to vector<256x256xbf16>
    %get3A_27 = arith.constant 0 : index
    %get3A_28 = arith.constant 0 : index
    %get3A_29 = arith.constant 0 : index
    %get3A_30 = vector.load %arg6[%get3A_27, %get3A_28, %get3A_29] : memref<1x256x1024xbf16, #tpu.memory_space<vmem>>, vector<1x256x1024xbf16>
    %get3A_31 = vector.shape_cast %get3A_30 : vector<1x256x1024xbf16> to vector<256x1024xbf16>
    %dot_general3A_32 = arith.constant dense<0.000000e+00> : vector<256x1024xf32>
    %dot_general3A_33 = tpu.matmul %convert_element_type3A, %get3A_31, %dot_general3A_32 {dimension_numbers = #tpu.dot_dimension_numbers<[1], [0], [0], [1], [0, 0, 1, 1], [], []>, transpose_lhs_hint = false} : vector<256x256xbf16>, vector<256x1024xbf16>, vector<256x1024xf32> -> vector<256x1024xf32>
    %swap3A = arith.constant 0 : index
    %swap3A_34 = arith.constant 0 : index
    %swap3A_35 = vector.load %arg7[%swap3A, %swap3A_34] : memref<256x1024xf32, #tpu.memory_space<vmem>>, vector<256x1024xf32>
    tpu.vector_store %arg7[%swap3A, %swap3A_34], %dot_general3A_33 {strides = array<i32>} : memref<256x1024xf32, #tpu.memory_space<vmem>>, vector<256x1024xf32>,
    return
  }
  func.func @transform_0(%arg0: i32, %arg1: memref<24xi32, #tpu.memory_space<smem>>) -> (i32, i32) {
    %c0_i32 = arith.constant 0 : i32
    %c0_i32_0 = arith.constant 0 : i32
    return %arg0, %c0_i32 : i32, i32
  }
  func.func @transform_1(%arg0: i32, %arg1: memref<24xi32, #tpu.memory_space<smem>>) -> (i32, i32) {
    %c0_i32 = arith.constant 0 : i32
    %c0_i32_0 = arith.constant 0 : i32
    return %arg0, %c0_i32 : i32, i32
  }
  func.func @transform_2(%arg0: i32, %arg1: memref<24xi32, #tpu.memory_space<smem>>) -> (i32, i32, i32) {
    %get3A = arith.index_cast %arg0 : i32 to index
    %get3A_0 = memref.load %arg1[%get3A] : memref<24xi32, #tpu.memory_space<smem>>
    %c0_i32 = arith.constant 0 : i32
    %c0_i32_1 = arith.constant 0 : i32
    %c0_i32_2 = arith.constant 0 : i32
    return %get3A_0, %c0_i32, %c0_i32_1 : i32, i32, i32
  }
  func.func @transform_3(%arg0: i32, %arg1: memref<24xi32, #tpu.memory_space<smem>>) -> (i32, i32, i32) {
    %get3A = arith.index_cast %arg0 : i32 to index
    %get3A_0 = memref.load %arg1[%get3A] : memref<24xi32, #tpu.memory_space<smem>>
    %c0_i32 = arith.constant 0 : i32
    %c0_i32_1 = arith.constant 0 : i32
    %c0_i32_2 = arith.constant 0 : i32
    return %get3A_0, %c0_i32, %c0_i32_1 : i32, i32, i32
  }
  func.func @transform_4(%arg0: i32, %arg1: memref<24xi32, #tpu.memory_space<smem>>) -> (i32, i32, i32) {
    %get3A = arith.index_cast %arg0 : i32 to index
    %get3A_0 = memref.load %arg1[%get3A] : memref<24xi32, #tpu.memory_space<smem>>
    %c0_i32 = arith.constant 0 : i32
    %c0_i32_1 = arith.constant 0 : i32
    %c0_i32_2 = arith.constant 0 : i32
    return %get3A_0, %c0_i32, %c0_i32_1 : i32, i32, i32
  }
  func.func @transform_5(%arg0: i32, %arg1: memref<24xi32, #tpu.memory_space<smem>>) -> (i32, i32) {
    %c0_i32 = arith.constant 0 : i32
    %c0_i32_0 = arith.constant 0 : i32
    return %arg0, %c0_i32 : i32, i32
  }
}

</mosaic_0001>

<sc_bundles>
// kernel: kernel.6.cloned.1.call-start
scs
__scs_entry_jumppad:
0x0: {  	(pc) =	sbr.rel $0x88, $3  }
0x1: {  	(tag) =	ssettag $0x0;
	lr =	simm.s32 $0x1  }
0x2: {  	[smem:$0x3F9C] =	sst lr;
	_ =	strace $0xD0000000  }
0x3: {  	_ = 	snop  }
0x4: {  	_ = 	snop  }
0x5: {  	_ = 	snop  }
0x6: {  	_ = 	snop  }
0x7: {  	_ = 	snop  }
__scs_overlays_trampoline_lowered:
0x8: {  	[smem:$0x3FAB] =	sst s0  }
0x9: {  	[smem:$0x3FAC] =	sst s1  }
0xa: {  	[smem:$0x3FAD] =	sst s2  }
0xb: {  	[smem:$0x3FAE] =	sst s3  }
0xc: {  	[smem:$0x3FAF] =	sst s4  }
0xd: {  	[smem:$0x3FB0] =	sst s5  }
0xe: {  	[smem:$0x3FB1] =	sst s6  }
0xf: {  	[smem:$0x3FB2] =	sst s7  }
0x10: {  	[smem:$0x3FB3] =	sst s8  }
0x11: {  	[smem:$0x3FB4] =	sst s9;
	s0 =	simm.s32 @!p0 $0x0  }
0x12: {  	s1 =	sld [smem:$0x3F9A];
	s0 =	simm.s32 @p0 $0x1  }
0x13: {  	[smem:$0x3FB5] =	sst s0;
	s0 =	simm.s32 @!p1 $0x0  }
0x14: {  	s2 =	sld [smem:$0x3F99];
	s0 =	simm.s32 @p1 $0x1  }
0x15: {  	[smem:$0x3FB6] =	sst s0;
	s0 =	simm.s32 @!p2 $0x0  }
0x16: {  	s3 =	sld [smem:$0x3FDB];
	s0 =	simm.s32 @p2 $0x1  }
0x17: {  	s4 =	simm.s32 $0x1BF5;
	[smem:$0x3FB8] =	sst s0  }
0x18: {  	s0 =	sld [smem:$0x3F9B];
	_ =	swait.ge [sflag:s4], $0x0  }
0x19: {  	s7 =	sld [smem:$0x3F9C]  }
0x1a: {  	s8 =	sadd.s32 $0xFFFFE003, lr  }
0x1b: {  	s9 =	sadd.s32 $0xFFFFFEF7, lr;
	s5 =	simm.s32 $0xFFFFFFFF;
	p2 =	slt.u32 s8, $0xFFFFF086  }
0x1c: {  	p1 =	slt.u32 s9, $0xF7A;
	s5 =	simm.s32 @!p2 $0x0  }
0x1d: {  	s5 =	simm.s32 @p1 $0x1;
	p0 =	seq.s32 s7, s2  }
0x1e: {  	s7 =	smul.u32 @!p0 $0xF7A, s2;
	p2 =	seq.s32 @!p0 s5, $0x0  }
0x1f: {  	s9 =	smul.u32 $0xF7A, s1;
	s8 =	simm.s32 @!p0 $0x1BF5;
	p2 =	por !p2, p0  }
0x20: {  	[sflag:s8] =	ssyncset.s32 @!p0 $0xFFFFF086;
	s6 =	sadd.s32 @!p0 s3, s7;
	s7 =	simm.s32 @!p0 $0x108  }
0x21: {  	s3 =	sadd.s32 s3, s9;
	s6 =	sadd.s32 @!p0 $0x88, s6;
	s7 =	simm.s32 @p2 $0x1082  }
0x22: {  	[simem:s7], [sflag:s8] =	dma.local @!p0 [hbm:s6], $0xF7A  }
0x23: {  	s9 =	sor.u32 $0xD0000000, s2;
	s6 =	simm.s32 $0x108;
	_ =	swait.ge @!p0 [sflag:s8], $0x0  }
0x24: {  	s3 =	sadd.s32 $0x88, s3;
	s6 =	simm.s32 @!p1 $0x1082;
	[sflag:s4] =	ssyncset.s32 $0xFFFFF086  }
0x25: {  	[simem:s6], [sflag:s4] =	dma.local [hbm:s3], $0xF7A  }
0x26: {  	[smem:$0x3F9C] =	sst s1;
	(tag) =	ssettag s2;
	_ =	strace s9  }
0x27: {  	s1 =	sld [smem:$0x3FAC]  }
0x28: {  	s2 =	sld [smem:$0x3FAD]  }
0x29: {  	s4 =	sld [smem:$0x3FAF]  }
0x2a: {  	p0 =	seq.s32 s5, $0x0;
	s5 =	sld [smem:$0x3FB0]  }
0x2b: {  	s6 =	sld [smem:$0x3FB1]  }
0x2c: {  	s7 =	sld [smem:$0x3FB2]  }
0x2d: {  	s3 =	simm.s32 $0x108;
	s8 =	sld [smem:$0x3FB3]  }
0x2e: {  	s3 =	simm.s32 @!p0 $0x1082;
	s9 =	sld [smem:$0x3FB4]  }
0x2f: {  	lr =	sadd.s32 s0, s3;
	s0 =	sld [smem:$0x3FAB]  }
0x30: {  	s3 =	sld [smem:$0x3FAE]  }
0x31: {  	[smem:$0x3FB7] =	sst s10  }
0x32: {  	s10 =	sld [smem:$0x3FB5];
	_ =	sdelay $0x3  }
0x33: {  	p0 =	seq.s32 s10, $0x1;
	s10 =	sld [smem:$0x3FB7];
	_ =	sdelay $0x3  }
0x34: {  	[smem:$0x3FB7] =	sst s10  }
0x35: {  	s10 =	sld [smem:$0x3FB6];
	_ =	sdelay $0x3  }
0x36: {  	p1 =	seq.s32 s10, $0x1;
	s10 =	sld [smem:$0x3FB7];
	_ =	sdelay $0x3  }
0x37: {  	[smem:$0x3FB7] =	sst s10  }
0x38: {  	s10 =	sld [smem:$0x3FB8]  }
0x39: {  	_ = 	snop;
	(pc) =	sbr.ind lr, $3  }
0x3a: {  	_ = 	snop  }
0x3b: {  	_ = 	snop  }
0x3c: {  	p2 =	seq.s32 s10, $0x1;
	s10 =	sld [smem:$0x3FB7]  }
0x3d: {  	_ =	shalt  }
0x3e: {  	_ =	shalt  }
0x3f: {  	_ =	shalt  }
0x40: {  	_ =	shalt  }
0x41: {  	_ =	shalt  }
0x42: {  	_ =	shalt  }
0x43: {  	_ =	shalt  }
0x44: {  	_ =	shalt  }
0x45: {  	_ =	shalt  }
0x46: {  	_ =	shalt  }
0x47: {  	_ =	shalt  }
0x48: {  	_ =	shalt  }
0x49: {  	_ =	shalt  }
0x4a: {  	_ =	shalt  }
0x4b: {  	_ =	shalt  }
0x4c: {  	_ =	shalt  }
0x4d: {  	_ =	shalt  }
0x4e: {  	_ =	shalt  }
0x4f: {  	_ =	shalt  }
0x50: {  	_ =	shalt  }
0x51: {  	_ =	shalt  }
0x52: {  	_ =	shalt  }
0x53: {  	_ =	shalt  }
0x54: {  	_ =	shalt  }
0x55: {  	_ =	shalt  }
0x56: {  	_ =	shalt  }
0x57: {  	_ =	shalt  }
0x58: {  	_ =	shalt  }
0x59: {  	_ =	shalt  }
0x5a: {  	_ =	shalt  }
0x5b: {  	_ =	shalt  }
0x5c: {  	_ =	shalt  }
0x5d: {  	_ =	shalt  }
0x5e: {  	_ =	shalt  }
0x5f: {  	_ =	shalt  }
0x60: {  	_ =	shalt  }
0x61: {  	_ =	shalt  }
0x62: {  	_ =	shalt  }
0x63: {  	_ =	shalt  }
0x64: {  	_ =	shalt  }
0x65: {  	_ =	shalt  }
0x66: {  	_ =	shalt  }
0x67: {  	_ =	shalt  }
0x68: {  	_ =	shalt  }
0x69: {  	_ =	shalt  }
0x6a: {  	_ =	shalt  }
0x6b: {  	_ =	shalt  }
0x6c: {  	_ =	shalt  }
0x6d: {  	_ =	shalt  }
0x6e: {  	_ =	shalt  }
0x6f: {  	_ =	shalt  }
0x70: {  	_ =	shalt  }
0x71: {  	_ =	shalt  }
0x72: {  	_ =	shalt  }
0x73: {  	_ =	shalt  }
0x74: {  	_ =	shalt  }
0x75: {  	_ =	shalt  }
0x76: {  	_ =	shalt  }
0x77: {  	_ =	shalt  }
0x78: {  	_ =	shalt  }
0x79: {  	_ =	shalt  }
0x7a: {  	_ =	shalt  }
0x7b: {  	_ =	shalt  }
0x7c: {  	_ =	shalt  }
0x7d: {  	_ =	shalt  }
0x7e: {  	_ =	shalt  }
0x7f: {  	_ =	shalt  }
0x80: {  	_ =	shalt  }
0x81: {  	_ =	shalt  }
0x82: {  	_ =	shalt  }
0x83: {  	_ =	shalt  }
0x84: {  	_ =	shalt  }
0x85: {  	_ =	shalt  }
0x86: {  	_ =	shalt  }
0x87: {  	_ =	shalt  }
.Lfunc_end0:
.L_simem_size_0:
called_computation_lowered:
.L_overlay_start_0:
0x88: {  	s2 =	sld [smem:$0x3FD9]  }
0x89: {  	s3 =	sld [smem:$0x3FFE];
	_ =	sdelay $0x1  }
0x8a: {  	s1 =	srdreg.scid  }
0x8b: {  	s0 =	sand.u32 $0x1, s1  }
0x8c: {  	s17 =	sshll.u32 s0, $0xA;
	s2 =	sadd.s32 s3, s2  }
0x8d: {  	s2 =	sadd.s32 s2, s17  }
0x8e: {  	[smem:$0x3FC3] =	sst s2  }
0x8f: {  	_ = 	snop  }
0x90: {  	s2 =	sld [smem:$0x3FD0];
	(tm) =	ssettm $0x1  }
0x91: {  	s18 =	sld [smem:$0x3FFB];
	_ =	sdelay $0x3  }
0x92: {  	_ =	strace s18  }
0x93: {  	s3 =	sld [smem:$0x3FFC];
	_ =	sdelay $0x3  }
0x94: {  	_ =	strace s3  }
0x95: {  	s3 =	sld [smem:$0x3FFD];
	_ =	sdelay $0x3  }
0x96: {  	_ =	strace s3  }
0x97: {  	_ =	strace $0x8FFFFFFF  }
0x98: {  	s19 =	sld [smem:$0x3FDB];
	_ =	sdelay $0x1  }
0x99: {  	s4 =	simm.s32 $_scs_section_size  }
0x9a: {  	s5 =	simm.s32 $_size__tile_overlayer_lowered;
	s6 =	simm.s32 $_tile_overlayer_lowered  }
0x9b: {  	s22 =	simm.s32 $0x1BFF;
	s21 =	sshll.u32 s6, $0x1;
	s3 =	sadd.s32 s4, s19  }
0x9c: {  	s7 =	simm.s32 $0x0;
	s20 =	sshll.u32 s5, $0x1;
	s5 =	sadd.s32 s21, s3  }
0x9d: {  	[timem:s7], [sflag:s22] =	dma.local [hbm:s5], s20  }
0x9e: {  	_ =	swait.ge [sflag:s22], s20  }
0x9f: {  	s4 =	ssub.s32 $0x0, s20;
	[sflag:s22] =	ssyncset.done $0x0  }
0xa0: {  	[sflag:s22] =	ssyncadd.s32 s4;
	_ =	sdelay $0x1  }
0xa1: {  	s23 =	simm.s32 $0x1B8B  }
0xa2: {  	_ =	swait.ge [sflag:s23], $0x1  }
0xa3: {  	[sflag:s23] =	ssyncset.done $0x0  }
0xa4: {  	s25 =	simm.s32 $0x1B8E;
	s24 =	sld [smem:$0x3FFE];
	[sflag:s23] =	ssyncadd.s32 $0xFFFFFFFF  }
0xa5: {  	s26 =	simm.s32 $execute0_lowered;
	[smem:$0x3FD2] =	sst s25  }
0xa6: {  	s5 =	sshll.u32 s26, $0x1;
	_ =	strace $0x80000046;
	[dreg:$0x1] =	wrdreg $0xFFFFFFFF  }
0xa7: {  	s28 =	simm.s32 $_size_execute0_lowered;
	s3 =	sadd.s32 s3, s5;
	[dreg:$0x0] =	wrdreg $0x0  }
0xa8: {  	s5 =	sshll.u32 s28, $0x1;
	[dreg:$0x2] =	wrdreg s3  }
0xa9: {  	[dreg:$0x3] =	wrdreg s5  }
0xaa: {  	[dreg:$0x4] =	wrdreg $0xC0  }
0xab: {  	_ =	task [dreg:s7], $0x5FFFF  }
0xac: {  	[dreg:$0x1] =	wrdreg $0xFFFFFFFF  }
0xad: {  	[dreg:$0x0] =	wrdreg $0x60  }
0xae: {  	[dreg:$0x2] =	wrdreg s2  }
0xaf: {  	[dreg:$0x3] =	wrdreg s24  }
0xb0: {  	[dreg:$0x4] =	wrdreg $0x9  }
0xb1: {  	_ =	task.clear_ibuf [dreg:s7], $0x5FFFF;
	_ =	strace $0x90000046  }
0xb2: {  	s29 =	simm.s32 $0x9;
	_ =	strace $0x80000048  }
0xb3: {  	_ =	swait.ge [sflag:s29], $0x1  }
0xb4: {  	[sflag:s29] =	ssyncadd.s32 $0xFFFFFFFF  }
0xb5: {  	_ =	strace $0x90000048  }
0xb6: {  	_ =	sfence  }
0xb7: {  	s30 =	sld [smem:$0x0];
	_ =	sdelay $0x2  }
0xb8: {  	s31 =	sshll.u32 s1, $0xD;
	s1 =	sshrl.u32 s1, $0x2  }
0xb9: {  	s3 =	sand.u32 $0x4000, s31;
	s1 =	sadd.s32 s1, s30  }
0xba: {  	s0 =	sor.u32 s3, s0;
	s1 =	sshll.u32 s1, $0x11  }
0xbb: {  	s0 =	sor.u32 s1, s0  }
0xbc: {  	s0 =	sadd.s32 $0x8F2B, s0  }
0xbd: {  	[sflag:s0] =	ssyncadd.remote.s32 $0x1  }
0xbe: {  	_ =	sfence.sel $0xFFFF  }
0xbf: {  	[dreg:$0x0] =	wrdreg $0xFFFFFFFF;
	(pc) =	sbr.abs _section_cstart, $3  }
0xc0: {  	[dreg:$0x1] =	wrdreg $0xFFFFFFFF  }
0xc1: {  	_ =	task.clear_ibuf [dreg:s7], $0x2FFFF;
	_ =	strace $0x9FFFFFFF  }
0xc2: {  	(tm) =	ssettm $0x7FFFFFFF  }
0xc3: {  	_ =	shalt  }
tec
execute0_lowered:
.L_overlay_start_1:
0x0: {  	(tag) =	ssettag $0x1  }
0x1: {  	s1 =	srdreg.scid;
	s4 =	rddreg [dreg:$0x0]  }
0x2: {  	s0 =	stileid.u32;
	s5 =	rddreg [dreg:$0x1]  }
0x3: {  	s10 =	simm.s32 $0xA100;
	s11 =	simm.s32 $0x100;
	s12 =	simm.s32 $0x900  }
0x4: {  	s13 =	simm.s32 $0x1100;
	s14 =	simm.s32 $0x1900;
	s15 =	simm.s32 $0x2100  }
0x5: {  	s16 =	simm.s32 $0x2900;
	s17 =	simm.s32 $0x3100;
	s18 =	simm.s32 $0x3900  }
0x6: {  	s19 =	simm.s32 $0x4100;
	s20 =	simm.s32 $0x4900;
	s21 =	simm.s32 $0x5100  }
0x7: {  	s22 =	simm.s32 $0x5900;
	s28 =	simm.s32 $0x40;
	s29 =	simm.s32 $0x1  }
0x8: {  	s30 =	simm.s32 $0x2;
	s31 =	simm.s32 $0x3;
	s1 =	sand.u32 $0x1, s1  }
0x9: {  	s2 =	sshll.u32 s0, $0x7;
	s3 =	sshll.u32 s1, $0x6;
	s1 =	ssub.s32 $0x2, s1  }
0xa: {  	s6 =	sor.u32 s3, s2;
	s2 =	simm.s32 $0x0;
	s26 =	sshrl.u32 s1, $0x1  }
0xb: {  	s3 =	sshrl.u32 s6, $0x3;
	[smem:$0x7FF] =	sst s2;
	s23 =	sshll.u32 s6, $0x4  }
0xc: {  	s6 =	sshll.u32 s6, $0x6;
	s1 =	ssub.s32 s1, s26;
	s26 =	simm.s32 $0x7900  }
0xd: {  	s7 =	sadd.s32 s3, s5;
	_ =	strace $0x80000047;
	s8 =	sadd.s32 s23, s5  }
0xe: {  	s3 =	sadd.s32 $0x12400, s5;
	s6 =	sadd.s32 s4, s6;
	s4 =	sadd.s32 $0x72400, s5  }
0xf: {  	s5 =	sadd.s32 $0x12500, s5;
	s9 =	sadd.s32 $0x12000, s7;
	[dreg:$0x7] =	wrdreg s6  }
0x10: {  	s23 =	simm.s32 $0x6100;
	s7 =	sadd.s32 $0x12200, s7;
	[dreg:$0x3] =	wrdreg s9  }
0x11: {  	s24 =	sadd.s32 $0x2000, s8;
	s25 =	sadd.s32 $0xA000, s8;
	[dreg:$0x4] =	wrdreg s7  }
0x12: {  	v2 =	vlaneseq.u32;
	s6 =	smax.u32 s1, $0x1;
	s8 =	simm.s32 $0x80;
	[dreg:$0x5] =	wrdreg s24  }
0x13: {  	vm0 =	vmmov $0xffff;
	v1 =	vshrl.u32 v2, $0x3;
	s1 =	simm.s32 $0x4;
	[dreg:$0x6] =	wrdreg s25;
	s7 =	simm.s32 $0x5  }
0x14: {  	v0 =	vand.u32 $0x7, v2;
	v2 =	vor.u32 $0x8, v2;
	v1 =	vmul.u32 $0x8, v1;
	s9 =	simm.s32 $0x8100;
	s24 =	simm.s32 $0x6900;
	s25 =	simm.s32 $0x7100  }
.LBB2_1:
0x15: {  	s0 =	rddreg [dreg:$0x3]  }
0x16: {  	[tilespmem:s2], [sflag:$0x5] =	stream.linear.gather [hbm4b:s0+s2], $0x40, $0x38;
	[tilespmem:$0xC100] =	vst v63  }
0x17: {  	_ =	swait.ge [sflag:s7], $0x40  }
0x18: {  	[sflag:s7] =	ssyncset.done $0x0  }
0x19: {  	s0 =	rddreg [dreg:$0x4];
	[sflag:s7] =	ssyncadd.s32 $0xFFFFFFC0  }
0x1a: {  	[tilespmem:s8], [sflag:$0x5] =	stream.linear.gather [hbm4b:s0+s2], $0x40, $0x38;
	[tilespmem:$0xC100] =	vst v63  }
0x1b: {  	_ =	swait.ge [sflag:s7], $0x40  }
0x1c: {  	[sflag:s7] =	ssyncset.done $0x0  }
0x1d: {  	s0 =	rddreg [dreg:$0x5];
	[sflag:s7] =	ssyncadd.s32 $0xFFFFFFC0  }
0x1e: {  	[tilespmem:s9], [sflag:$0x5] =	stream.linear.gather [hbm4b:s0+s2], $0x2000, $0x38;
	[tilespmem:$0xC100] =	vst v63  }
0x1f: {  	_ =	swait.ge [sflag:s7], $0x2000  }
0x20: {  	[sflag:s7] =	ssyncset.done $0x0  }
0x21: {  	s0 =	rddreg [dreg:$0x6];
	[sflag:s7] =	ssyncadd.s32 $0xFFFFE000  }
0x22: {  	[tilespmem:s10], [sflag:$0x5] =	stream.linear.gather [hbm4b:s0+s2], $0x2000, $0x38;
	[tilespmem:$0xC100] =	vst v63  }
0x23: {  	_ =	swait.ge [sflag:s7], $0x2000  }
0x24: {  	[sflag:s7] =	ssyncset.done $0x0  }
0x25: {  	s0 =	rddreg [dreg:$0x7];
	[sflag:s7] =	ssyncadd.s32 $0xFFFFE000  }
0x26: {  	[tilespmem:s11], [sflag:$0x5] =	stream.linear.gather [hbm4b:s0+s2], $0x8000, $0x38;
	[tilespmem:$0xC100] =	vst v63  }
0x27: {  	_ =	swait.ge [sflag:s7], $0x8000  }
0x28: {  	[sflag:s7] =	ssyncset.done $0x0  }
0x29: {  	[sflag:s7] =	ssyncadd.s32 $0xFFFF8000  }
0x2a: {  	v3 =	vld [tilespmem:$0x0];
	_ =	sdelay $0x4  }
0x2b: {  	v4 =	vshll.u32 v3, $0x2  }
0x2c: {  	v3 =	vand.u32 $0x7, v3;
	v4 =	vand.u32 $0xFFFFFFE0, v4  }
0x2d: {  	v3 =	vor.u32 v3, v4  }
0x2e: {  	v4 =	vperm.xlane v3, v0;
	_ =	sdelay $0x1  }
0x2f: {  	v4 =	vadd.s32 v1, v4;
	_ =	sdelay $0x1  }
0x30: {  	v3 =	vperm.xlane v3, v2;
	_ =	sdelay $0x1  }
0x31: {  	v3 =	vadd.s32 v1, v3  }
0x32: {  	[hbm4b:s3+s2] =	stream.indirect_vreg.scatter [tilespmem:s11], [sflag:$0x1], $0x80, v4, vm0, $0xb8;
	[tilespmem:$0xC100] =	vst v63  }
0x33: {  	_ = 	snop  }
0x34: {  	[hbm4b:s5+s2] =	stream.indirect_vreg.scatter [tilespmem:s12], [sflag:$0x1], $0x80, v4, vm0, $0xb8;
	[tilespmem:$0xC100] =	vst v63  }
0x35: {  	_ = 	snop  }
0x36: {  	[hbm4b:s3+s2] =	stream.indirect_vreg.scatter [tilespmem:s13], [sflag:$0x1], $0x80, v3, vm0, $0xb8;
	[tilespmem:$0xC100] =	vst v63  }
0x37: {  	_ = 	snop  }
0x38: {  	[hbm4b:s5+s2] =	stream.indirect_vreg.scatter [tilespmem:s14], [sflag:$0x1], $0x80, v3, vm0, $0xb8;
	[tilespmem:$0xC100] =	vst v63  }
0x39: {  	v3 =	vld [tilespmem:$0x10];
	_ =	sdelay $0x4  }
0x3a: {  	v57 =	vshll.u32 v3, $0x2  }
0x3b: {  	v3 =	vand.u32 $0x7, v3;
	v4 =	vand.u32 $0xFFFFFFE0, v57  }
0x3c: {  	v3 =	vor.u32 v3, v4  }
0x3d: {  	v4 =	vperm.xlane v3, v0;
	_ =	sdelay $0x1  }
0x3e: {  	v4 =	vadd.s32 v1, v4;
	_ =	sdelay $0x1  }
0x3f: {  	v3 =	vperm.xlane v3, v2;
	_ =	sdelay $0x1  }
0x40: {  	v3 =	vadd.s32 v1, v3  }
0x41: {  	[hbm4b:s3+s2] =	stream.indirect_vreg.scatter [tilespmem:s15], [sflag:$0x1], $0x80, v4, vm0, $0xb8;
	[tilespmem:$0xC100] =	vst v63  }
0x42: {  	_ = 	snop  }
0x43: {  	[hbm4b:s5+s2] =	stream.indirect_vreg.scatter [tilespmem:s16], [sflag:$0x1], $0x80, v4, vm0, $0xb8;
	[tilespmem:$0xC100] =	vst v63  }
0x44: {  	_ = 	snop  }
0x45: {  	[hbm4b:s3+s2] =	stream.indirect_vreg.scatter [tilespmem:s17], [sflag:$0x1], $0x80, v3, vm0, $0xb8;
	[tilespmem:$0xC100] =	vst v63  }
0x46: {  	_ = 	snop  }
0x47: {  	[hbm4b:s5+s2] =	stream.indirect_vreg.scatter [tilespmem:s18], [sflag:$0x1], $0x80, v3, vm0, $0xb8;
	[tilespmem:$0xC100] =	vst v63  }
0x48: {  	v3 =	vld [tilespmem:$0x20];
	_ =	sdelay $0x4  }
0x49: {  	v58 =	vshll.u32 v3, $0x2  }
0x4a: {  	v3 =	vand.u32 $0x7, v3;
	v4 =	vand.u32 $0xFFFFFFE0, v58  }
0x4b: {  	v3 =	vor.u32 v3, v4  }
0x4c: {  	v4 =	vperm.xlane v3, v0;
	_ =	sdelay $0x1  }
0x4d: {  	v4 =	vadd.s32 v1, v4;
	_ =	sdelay $0x1  }
0x4e: {  	v3 =	vperm.xlane v3, v2;
	_ =	sdelay $0x1  }
0x4f: {  	v3 =	vadd.s32 v1, v3  }
0x50: {  	[hbm4b:s3+s2] =	stream.indirect_vreg.scatter [tilespmem:s19], [sflag:$0x1], $0x80, v4, vm0, $0xb8;
	[tilespmem:$0xC100] =	vst v63  }
0x51: {  	_ = 	snop  }
0x52: {  	[hbm4b:s5+s2] =	stream.indirect_vreg.scatter [tilespmem:s20], [sflag:$0x1], $0x80, v4, vm0, $0xb8;
	[tilespmem:$0xC100] =	vst v63  }
0x53: {  	_ = 	snop  }
0x54: {  	[hbm4b:s3+s2] =	stream.indirect_vreg.scatter [tilespmem:s21], [sflag:$0x1], $0x80, v3, vm0, $0xb8;
	[tilespmem:$0xC100] =	vst v63  }
0x55: {  	_ = 	snop  }
0x56: {  	[hbm4b:s5+s2] =	stream.indirect_vreg.scatter [tilespmem:s22], [sflag:$0x1], $0x80, v3, vm0, $0xb8;
	[tilespmem:$0xC100] =	vst v63  }
0x57: {  	v3 =	vld [tilespmem:$0x30];
	_ =	sdelay $0x4  }
0x58: {  	v59 =	vshll.u32 v3, $0x2  }
0x59: {  	v3 =	vand.u32 $0x7, v3;
	v4 =	vand.u32 $0xFFFFFFE0, v59  }
0x5a: {  	v3 =	vor.u32 v3, v4  }
0x5b: {  	v4 =	vperm.xlane v3, v0;
	_ =	sdelay $0x1  }
0x5c: {  	v4 =	vadd.s32 v1, v4;
	_ =	sdelay $0x1  }
0x5d: {  	v3 =	vperm.xlane v3, v2;
	_ =	sdelay $0x1  }
0x5e: {  	v3 =	vadd.s32 v1, v3  }
0x5f: {  	[hbm4b:s3+s2] =	stream.indirect_vreg.scatter [tilespmem:s23], [sflag:$0x1], $0x80, v4, vm0, $0xb8;
	[tilespmem:$0xC100] =	vst v63  }
0x60: {  	_ = 	snop  }
0x61: {  	[hbm4b:s5+s2] =	stream.indirect_vreg.scatter [tilespmem:s24], [sflag:$0x1], $0x80, v4, vm0, $0xb8;
	[tilespmem:$0xC100] =	vst v63  }
0x62: {  	_ = 	snop  }
0x63: {  	[hbm4b:s3+s2] =	stream.indirect_vreg.scatter [tilespmem:s25], [sflag:$0x1], $0x80, v3, vm0, $0xb8;
	[tilespmem:$0xC100] =	vst v63  }
0x64: {  	_ = 	snop  }
0x65: {  	[hbm4b:s5+s2] =	stream.indirect_vreg.scatter [tilespmem:s26], [sflag:$0x1], $0x80, v3, vm0, $0xb8;
	[tilespmem:$0xC100] =	vst v63  }
0x66: {  	v3 =	vld [tilespmem:$0x80];
	_ =	sdelay $0x4  }
0x67: {  	v60 =	vshll.u32 v3, $0x2  }
0x68: {  	v3 =	vand.u32 $0x7, v3;
	v4 =	vand.u32 $0xFFFFFFE0, v60  }
0x69: {  	v3 =	vor.u32 v3, v4  }
0x6a: {  	v4 =	vperm.xlane v3, v0;
	_ =	sdelay $0x1  }
0x6b: {  	v4 =	vadd.s32 v1, v4;
	_ =	sdelay $0x1  }
0x6c: {  	v3 =	vperm.xlane v3, v2;
	_ =	sdelay $0x1  }
0x6d: {  	v3 =	vadd.s32 v1, v3  }
0x6e: {  	[hbm4b:s3+s2] =	stream.indirect_vreg.scatter [tilespmem:s11], [sflag:$0x2], $0x80, v4, vm0, $0xb8;
	[tilespmem:$0xC100] =	vst v63  }
0x6f: {  	_ = 	snop  }
0x70: {  	[hbm4b:s5+s2] =	stream.indirect_vreg.scatter [tilespmem:s12], [sflag:$0x2], $0x80, v4, vm0, $0xb8;
	[tilespmem:$0xC100] =	vst v63  }
0x71: {  	_ = 	snop  }
0x72: {  	[hbm4b:s3+s2] =	stream.indirect_vreg.scatter [tilespmem:s13], [sflag:$0x2], $0x80, v3, vm0, $0xb8;
	[tilespmem:$0xC100] =	vst v63  }
0x73: {  	_ = 	snop  }
0x74: {  	[hbm4b:s5+s2] =	stream.indirect_vreg.scatter [tilespmem:s14], [sflag:$0x2], $0x80, v3, vm0, $0xb8;
	[tilespmem:$0xC100] =	vst v63  }
0x75: {  	v3 =	vld [tilespmem:$0x90];
	_ =	sdelay $0x4  }
0x76: {  	v61 =	vshll.u32 v3, $0x2  }
0x77: {  	v3 =	vand.u32 $0x7, v3;
	v4 =	vand.u32 $0xFFFFFFE0, v61  }
0x78: {  	v3 =	vor.u32 v3, v4  }
0x79: {  	v4 =	vperm.xlane v3, v0;
	_ =	sdelay $0x1  }
0x7a: {  	v4 =	vadd.s32 v1, v4;
	_ =	sdelay $0x1  }
0x7b: {  	v3 =	vperm.xlane v3, v2;
	_ =	sdelay $0x1  }
0x7c: {  	v3 =	vadd.s32 v1, v3  }
0x7d: {  	[hbm4b:s3+s2] =	stream.indirect_vreg.scatter [tilespmem:s15], [sflag:$0x2], $0x80, v4, vm0, $0xb8;
	[tilespmem:$0xC100] =	vst v63  }
0x7e: {  	_ = 	snop  }
0x7f: {  	[hbm4b:s5+s2] =	stream.indirect_vreg.scatter [tilespmem:s16], [sflag:$0x2], $0x80, v4, vm0, $0xb8;
	[tilespmem:$0xC100] =	vst v63  }
0x80: {  	_ = 	snop  }
0x81: {  	[hbm4b:s3+s2] =	stream.indirect_vreg.scatter [tilespmem:s17], [sflag:$0x2], $0x80, v3, vm0, $0xb8;
	[tilespmem:$0xC100] =	vst v63  }
0x82: {  	_ = 	snop  }
0x83: {  	[hbm4b:s5+s2] =	stream.indirect_vreg.scatter [tilespmem:s18], [sflag:$0x2], $0x80, v3, vm0, $0xb8;
	[tilespmem:$0xC100] =	vst v63  }
0x84: {  	v3 =	vld [tilespmem:$0xA0];
	_ =	sdelay $0x4  }
0x85: {  	v62 =	vshll.u32 v3, $0x2  }
0x86: {  	v3 =	vand.u32 $0x7, v3;
	v4 =	vand.u32 $0xFFFFFFE0, v62  }
0x87: {  	v3 =	vor.u32 v3, v4  }
0x88: {  	v4 =	vperm.xlane v3, v0;
	_ =	sdelay $0x1  }
0x89: {  	v4 =	vadd.s32 v1, v4;
	_ =	sdelay $0x1  }
0x8a: {  	v3 =	vperm.xlane v3, v2;
	_ =	sdelay $0x1  }
0x8b: {  	v3 =	vadd.s32 v1, v3  }
0x8c: {  	[hbm4b:s3+s2] =	stream.indirect_vreg.scatter [tilespmem:s19], [sflag:$0x2], $0x80, v4, vm0, $0xb8;
	[tilespmem:$0xC100] =	vst v63  }
0x8d: {  	_ = 	snop  }
0x8e: {  	[hbm4b:s5+s2] =	stream.indirect_vreg.scatter [tilespmem:s20], [sflag:$0x2], $0x80, v4, vm0, $0xb8;
	[tilespmem:$0xC100] =	vst v63  }
0x8f: {  	_ = 	snop  }
0x90: {  	[hbm4b:s3+s2] =	stream.indirect_vreg.scatter [tilespmem:s21], [sflag:$0x2], $0x80, v3, vm0, $0xb8;
	[tilespmem:$0xC100] =	vst v63  }
0x91: {  	_ = 	snop  }
0x92: {  	[hbm4b:s5+s2] =	stream.indirect_vreg.scatter [tilespmem:s22], [sflag:$0x2], $0x80, v3, vm0, $0xb8;
	[tilespmem:$0xC100] =	vst v63  }
0x93: {  	v3 =	vld [tilespmem:$0xB0];
	_ =	sdelay $0x4  }
0x94: {  	v63 =	vshll.u32 v3, $0x2  }
0x95: {  	v3 =	vand.u32 $0x7, v3;
	v4 =	vand.u32 $0xFFFFFFE0, v63  }
0x96: {  	v3 =	vor.u32 v3, v4  }
0x97: {  	v4 =	vperm.xlane v3, v0;
	_ =	sdelay $0x1  }
0x98: {  	v4 =	vadd.s32 v1, v4;
	_ =	sdelay $0x1  }
0x99: {  	v3 =	vperm.xlane v3, v2;
	_ =	sdelay $0x1  }
0x9a: {  	v3 =	vadd.s32 v1, v3  }
0x9b: {  	[hbm4b:s3+s2] =	stream.indirect_vreg.scatter [tilespmem:s23], [sflag:$0x2], $0x80, v4, vm0, $0xb8;
	[tilespmem:$0xC100] =	vst v63  }
0x9c: {  	_ = 	snop  }
0x9d: {  	[hbm4b:s5+s2] =	stream.indirect_vreg.scatter [tilespmem:s24], [sflag:$0x2], $0x80, v4, vm0, $0xb8;
	[tilespmem:$0xC100] =	vst v63  }
0x9e: {  	_ = 	snop  }
0x9f: {  	[hbm4b:s3+s2] =	stream.indirect_vreg.scatter [tilespmem:s25], [sflag:$0x2], $0x80, v3, vm0, $0xb8;
	[tilespmem:$0xC100] =	vst v63  }
0xa0: {  	_ = 	snop  }
0xa1: {  	[hbm4b:s5+s2] =	stream.indirect_vreg.scatter [tilespmem:s26], [sflag:$0x2], $0x80, v3, vm0, $0xb8;
	[tilespmem:$0xC100] =	vst v63  }
0xa2: {  	_ = 	snop  }
0xa3: {  	[hbm4b:s4+s28] =	stream.indirect.scatter [tilespmem:s9], [sflag:$0x3], $0x80, s2, s28, $0xb8;
	[tilespmem:$0xC100] =	vst v63  }
0xa4: {  	_ = 	snop  }
0xa5: {  	[hbm4b:s4+s28] =	stream.indirect.scatter [tilespmem:s10], [sflag:$0x4], $0x80, s8, s28, $0xb8;
	[tilespmem:$0xC100] =	vst v63  }
0xa6: {  	_ =	swait.ge [sflag:s29], $0x8000  }
0xa7: {  	[sflag:s29] =	ssyncset.done $0x0  }
0xa8: {  	[sflag:s29] =	ssyncadd.s32 $0xFFFF8000  }
0xa9: {  	_ =	swait.ge [sflag:s30], $0x8000  }
0xaa: {  	[sflag:s30] =	ssyncset.done $0x0  }
0xab: {  	[sflag:s30] =	ssyncadd.s32 $0xFFFF8000  }
0xac: {  	p0 =	sne.s32 s6, $0x1;
	_ =	swait.ge [sflag:s31], $0x2000  }
.Ltmp0:
0xad: {  	[sflag:s31] =	ssyncset.done $0x0;
	(pc) =	sbr.rel @p0 .LBB2_1-.Ltmp0, $4  }
0xae: {  	[sflag:s31] =	ssyncadd.s32 $0xFFFFE000  }
0xaf: {  	_ =	swait.ge [sflag:s1], $0x2000  }
0xb0: {  	[sflag:s1] =	ssyncset.done $0x0  }
0xb1: {  	s6 =	sadd.s32 $0xFFFFFFFF, s6;
	[sflag:s1] =	ssyncadd.s32 $0xFFFFE000  }
0xb2: {  	_ =	sfence.sel $0x180000  }
0xb3: {  	[bflag:$0x0] =	sbarrier.arrive $0xFFFF  }
0xb4: {  	_ =	strace $0x90000047  }
0xb5: {  	s0 =	stileid.u32;
	[bflag:$0x2] =	sbarrier.arrive $0xFFFF  }
0xb6: {  	p0 =	sne.s32 s0, $0x0;
	s0 =	rddreg [dreg:$0x2]  }
0xb7: {  	s0 =	sadd.s32 @!p0 $0x100000, s0  }
0xb8: {  	[sflag:s0] =	ssyncadd.tile.s32 @!p0 $0x1;
	_ =	shalt  }
.Lfunc_end2:
_tile_overlayer_lowered:
.L_overlay_start_2:
0xb9: {  	(tag) =	ssettag $0x2  }
0xba: {  	s0 =	rddreg [dreg:$0x0];
	s2 =	stileid.u32  }
0xbb: {  	s1 =	rddreg [dreg:$0x1];
	p0 =	sne.s32 s2, $0x0  }
0xbc: {  	s3 =	rddreg [dreg:$0x2];
	[bflag:$0x3] =	sbarrier.arrive $0xFFFF;
	s2 =	simm.s32 @!p0 $0x1C05  }
0xbd: {  	[timem:s3], [sflag:s2] =	dma.local @!p0 [hbm:s0], s1  }
0xbe: {  	s0 =	simm.s32 @!p0 $0x5  }
0xbf: {  	_ =	swait.ge @!p0 [sflag:s0], s1  }
0xc0: {  	s1 =	ssub.s32 @!p0 $0x0, s1;
	[sflag:s0] =	ssyncset.done @!p0 $0x0  }
0xc1: {  	[sflag:s0] =	ssyncadd.s32 @!p0 s1  }
0xc2: {  	[bflag:$0x3] =	sbarrier.arrive $0xFFFF  }
0xc3: {  	_ =	shalt  }

// kernel: kernel.9.cloned.1.call-start
scs
__scs_entry_jumppad:
0x0: {  	(pc) =	sbr.rel $0x88, $3  }
0x1: {  	(tag) =	ssettag $0x0;
	lr =	simm.s32 $0x1  }
0x2: {  	[smem:$0x3F9C] =	sst lr;
	_ =	strace $0xD0000000  }
0x3: {  	_ = 	snop  }
0x4: {  	_ = 	snop  }
0x5: {  	_ = 	snop  }
0x6: {  	_ = 	snop  }
0x7: {  	_ = 	snop  }
__scs_overlays_trampoline_lowered:
0x8: {  	[smem:$0x3FAB] =	sst s0  }
0x9: {  	[smem:$0x3FAC] =	sst s1  }
0xa: {  	[smem:$0x3FAD] =	sst s2  }
0xb: {  	[smem:$0x3FAE] =	sst s3  }
0xc: {  	[smem:$0x3FAF] =	sst s4  }
0xd: {  	[smem:$0x3FB0] =	sst s5  }
0xe: {  	[smem:$0x3FB1] =	sst s6  }
0xf: {  	[smem:$0x3FB2] =	sst s7  }
0x10: {  	[smem:$0x3FB3] =	sst s8  }
0x11: {  	[smem:$0x3FB4] =	sst s9;
	s0 =	simm.s32 @!p0 $0x0  }
0x12: {  	s1 =	sld [smem:$0x3F9A];
	s0 =	simm.s32 @p0 $0x1  }
0x13: {  	[smem:$0x3FB5] =	sst s0;
	s0 =	simm.s32 @!p1 $0x0  }
0x14: {  	s2 =	sld [smem:$0x3F99];
	s0 =	simm.s32 @p1 $0x1  }
0x15: {  	[smem:$0x3FB6] =	sst s0;
	s0 =	simm.s32 @!p2 $0x0  }
0x16: {  	s3 =	sld [smem:$0x3FDB];
	s0 =	simm.s32 @p2 $0x1  }
0x17: {  	s4 =	simm.s32 $0x1BF5;
	[smem:$0x3FB8] =	sst s0  }
0x18: {  	s0 =	sld [smem:$0x3F9B];
	_ =	swait.ge [sflag:s4], $0x0  }
0x19: {  	s7 =	sld [smem:$0x3F9C]  }
0x1a: {  	s8 =	sadd.s32 $0xFFFFE003, lr  }
0x1b: {  	s9 =	sadd.s32 $0xFFFFFEF7, lr;
	s5 =	simm.s32 $0xFFFFFFFF;
	p2 =	slt.u32 s8, $0xFFFFF086  }
0x1c: {  	p1 =	slt.u32 s9, $0xF7A;
	s5 =	simm.s32 @!p2 $0x0  }
0x1d: {  	s5 =	simm.s32 @p1 $0x1;
	p0 =	seq.s32 s7, s2  }
0x1e: {  	s7 =	smul.u32 @!p0 $0xF7A, s2;
	p2 =	seq.s32 @!p0 s5, $0x0  }
0x1f: {  	s9 =	smul.u32 $0xF7A, s1;
	s8 =	simm.s32 @!p0 $0x1BF5;
	p2 =	por !p2, p0  }
0x20: {  	[sflag:s8] =	ssyncset.s32 @!p0 $0xFFFFF086;
	s6 =	sadd.s32 @!p0 s3, s7;
	s7 =	simm.s32 @!p0 $0x108  }
0x21: {  	s3 =	sadd.s32 s3, s9;
	s6 =	sadd.s32 @!p0 $0x88, s6;
	s7 =	simm.s32 @p2 $0x1082  }
0x22: {  	[simem:s7], [sflag:s8] =	dma.local @!p0 [hbm:s6], $0xF7A  }
0x23: {  	s9 =	sor.u32 $0xD0000000, s2;
	s6 =	simm.s32 $0x108;
	_ =	swait.ge @!p0 [sflag:s8], $0x0  }
0x24: {  	s3 =	sadd.s32 $0x88, s3;
	s6 =	simm.s32 @!p1 $0x1082;
	[sflag:s4] =	ssyncset.s32 $0xFFFFF086  }
0x25: {  	[simem:s6], [sflag:s4] =	dma.local [hbm:s3], $0xF7A  }
0x26: {  	[smem:$0x3F9C] =	sst s1;
	(tag) =	ssettag s2;
	_ =	strace s9  }
0x27: {  	s1 =	sld [smem:$0x3FAC]  }
0x28: {  	s2 =	sld [smem:$0x3FAD]  }
0x29: {  	s4 =	sld [smem:$0x3FAF]  }
0x2a: {  	p0 =	seq.s32 s5, $0x0;
	s5 =	sld [smem:$0x3FB0]  }
0x2b: {  	s6 =	sld [smem:$0x3FB1]  }
0x2c: {  	s7 =	sld [smem:$0x3FB2]  }
0x2d: {  	s3 =	simm.s32 $0x108;
	s8 =	sld [smem:$0x3FB3]  }
0x2e: {  	s3 =	simm.s32 @!p0 $0x1082;
	s9 =	sld [smem:$0x3FB4]  }
0x2f: {  	lr =	sadd.s32 s0, s3;
	s0 =	sld [smem:$0x3FAB]  }
0x30: {  	s3 =	sld [smem:$0x3FAE]  }
0x31: {  	[smem:$0x3FB7] =	sst s10  }
0x32: {  	s10 =	sld [smem:$0x3FB5];
	_ =	sdelay $0x3  }
0x33: {  	p0 =	seq.s32 s10, $0x1;
	s10 =	sld [smem:$0x3FB7];
	_ =	sdelay $0x3  }
0x34: {  	[smem:$0x3FB7] =	sst s10  }
0x35: {  	s10 =	sld [smem:$0x3FB6];
	_ =	sdelay $0x3  }
0x36: {  	p1 =	seq.s32 s10, $0x1;
	s10 =	sld [smem:$0x3FB7];
	_ =	sdelay $0x3  }
0x37: {  	[smem:$0x3FB7] =	sst s10  }
0x38: {  	s10 =	sld [smem:$0x3FB8]  }
0x39: {  	_ = 	snop;
	(pc) =	sbr.ind lr, $3  }
0x3a: {  	_ = 	snop  }
0x3b: {  	_ = 	snop  }
0x3c: {  	p2 =	seq.s32 s10, $0x1;
	s10 =	sld [smem:$0x3FB7]  }
0x3d: {  	_ =	shalt  }
0x3e: {  	_ =	shalt  }
0x3f: {  	_ =	shalt  }
0x40: {  	_ =	shalt  }
0x41: {  	_ =	shalt  }
0x42: {  	_ =	shalt  }
0x43: {  	_ =	shalt  }
0x44: {  	_ =	shalt  }
0x45: {  	_ =	shalt  }
0x46: {  	_ =	shalt  }
0x47: {  	_ =	shalt  }
0x48: {  	_ =	shalt  }
0x49: {  	_ =	shalt  }
0x4a: {  	_ =	shalt  }
0x4b: {  	_ =	shalt  }
0x4c: {  	_ =	shalt  }
0x4d: {  	_ =	shalt  }
0x4e: {  	_ =	shalt  }
0x4f: {  	_ =	shalt  }
0x50: {  	_ =	shalt  }
0x51: {  	_ =	shalt  }
0x52: {  	_ =	shalt  }
0x53: {  	_ =	shalt  }
0x54: {  	_ =	shalt  }
0x55: {  	_ =	shalt  }
0x56: {  	_ =	shalt  }
0x57: {  	_ =	shalt  }
0x58: {  	_ =	shalt  }
0x59: {  	_ =	shalt  }
0x5a: {  	_ =	shalt  }
0x5b: {  	_ =	shalt  }
0x5c: {  	_ =	shalt  }
0x5d: {  	_ =	shalt  }
0x5e: {  	_ =	shalt  }
0x5f: {  	_ =	shalt  }
0x60: {  	_ =	shalt  }
0x61: {  	_ =	shalt  }
0x62: {  	_ =	shalt  }
0x63: {  	_ =	shalt  }
0x64: {  	_ =	shalt  }
0x65: {  	_ =	shalt  }
0x66: {  	_ =	shalt  }
0x67: {  	_ =	shalt  }
0x68: {  	_ =	shalt  }
0x69: {  	_ =	shalt  }
0x6a: {  	_ =	shalt  }
0x6b: {  	_ =	shalt  }
0x6c: {  	_ =	shalt  }
0x6d: {  	_ =	shalt  }
0x6e: {  	_ =	shalt  }
0x6f: {  	_ =	shalt  }
0x70: {  	_ =	shalt  }
0x71: {  	_ =	shalt  }
0x72: {  	_ =	shalt  }
0x73: {  	_ =	shalt  }
0x74: {  	_ =	shalt  }
0x75: {  	_ =	shalt  }
0x76: {  	_ =	shalt  }
0x77: {  	_ =	shalt  }
0x78: {  	_ =	shalt  }
0x79: {  	_ =	shalt  }
0x7a: {  	_ =	shalt  }
0x7b: {  	_ =	shalt  }
0x7c: {  	_ =	shalt  }
0x7d: {  	_ =	shalt  }
0x7e: {  	_ =	shalt  }
0x7f: {  	_ =	shalt  }
0x80: {  	_ =	shalt  }
0x81: {  	_ =	shalt  }
0x82: {  	_ =	shalt  }
0x83: {  	_ =	shalt  }
0x84: {  	_ =	shalt  }
0x85: {  	_ =	shalt  }
0x86: {  	_ =	shalt  }
0x87: {  	_ =	shalt  }
.Lfunc_end0:
.L_simem_size_0:
called_computation.1_lowered:
.L_overlay_start_0:
0x88: {  	s2 =	sld [smem:$0x3FD9]  }
0x89: {  	s3 =	sld [smem:$0x3FFE];
	_ =	sdelay $0x1  }
0x8a: {  	s1 =	srdreg.scid  }
0x8b: {  	s0 =	sand.u32 $0x1, s1  }
0x8c: {  	s17 =	sshll.u32 s0, $0xA;
	s2 =	sadd.s32 s3, s2  }
0x8d: {  	s2 =	sadd.s32 s2, s17  }
0x8e: {  	[smem:$0x3FC3] =	sst s2  }
0x8f: {  	_ = 	snop  }
0x90: {  	s2 =	sld [smem:$0x3FD0];
	(tm) =	ssettm $0x1  }
0x91: {  	s18 =	sld [smem:$0x3FFB];
	_ =	sdelay $0x3  }
0x92: {  	_ =	strace s18  }
0x93: {  	s3 =	sld [smem:$0x3FFC];
	_ =	sdelay $0x3  }
0x94: {  	_ =	strace s3  }
0x95: {  	s3 =	sld [smem:$0x3FFD];
	_ =	sdelay $0x3  }
0x96: {  	_ =	strace s3  }
0x97: {  	_ =	strace $0x8FFFFFFF  }
0x98: {  	s19 =	sld [smem:$0x3FDB];
	_ =	sdelay $0x1  }
0x99: {  	s4 =	simm.s32 $_scs_section_size  }
0x9a: {  	s5 =	simm.s32 $_size__tile_overlayer_lowered;
	s6 =	simm.s32 $_tile_overlayer_lowered  }
0x9b: {  	s22 =	simm.s32 $0x1BFF;
	s21 =	sshll.u32 s6, $0x1;
	s3 =	sadd.s32 s4, s19  }
0x9c: {  	s7 =	simm.s32 $0x0;
	s20 =	sshll.u32 s5, $0x1;
	s5 =	sadd.s32 s21, s3  }
0x9d: {  	[timem:s7], [sflag:s22] =	dma.local [hbm:s5], s20  }
0x9e: {  	_ =	swait.ge [sflag:s22], s20  }
0x9f: {  	s4 =	ssub.s32 $0x0, s20;
	[sflag:s22] =	ssyncset.done $0x0  }
0xa0: {  	[sflag:s22] =	ssyncadd.s32 s4;
	_ =	sdelay $0x1  }
0xa1: {  	s23 =	simm.s32 $0x1B8B  }
0xa2: {  	_ =	swait.ge [sflag:s23], $0x1  }
0xa3: {  	[sflag:s23] =	ssyncset.done $0x0  }
0xa4: {  	s25 =	simm.s32 $0x1B8E;
	s24 =	sld [smem:$0x3FFE];
	[sflag:s23] =	ssyncadd.s32 $0xFFFFFFFF  }
0xa5: {  	s26 =	simm.s32 $execute0_lowered;
	[smem:$0x3FD2] =	sst s25  }
0xa6: {  	s5 =	sshll.u32 s26, $0x1;
	_ =	strace $0x80000049;
	[dreg:$0x1] =	wrdreg $0xFFFFFFFF  }
0xa7: {  	s28 =	simm.s32 $_size_execute0_lowered;
	s3 =	sadd.s32 s3, s5;
	[dreg:$0x0] =	wrdreg $0x0  }
0xa8: {  	s5 =	sshll.u32 s28, $0x1;
	[dreg:$0x2] =	wrdreg s3  }
0xa9: {  	[dreg:$0x3] =	wrdreg s5  }
0xaa: {  	[dreg:$0x4] =	wrdreg $0xC0  }
0xab: {  	_ =	task [dreg:s7], $0x5FFFF  }
0xac: {  	[dreg:$0x1] =	wrdreg $0xFFFFFFFF  }
0xad: {  	[dreg:$0x0] =	wrdreg $0x60  }
0xae: {  	[dreg:$0x2] =	wrdreg s24  }
0xaf: {  	[dreg:$0x3] =	wrdreg s2  }
0xb0: {  	[dreg:$0x4] =	wrdreg $0x9  }
0xb1: {  	_ =	task.clear_ibuf [dreg:s7], $0x5FFFF;
	_ =	strace $0x90000049  }
0xb2: {  	s29 =	simm.s32 $0x9;
	_ =	strace $0x8000004B  }
0xb3: {  	_ =	swait.ge [sflag:s29], $0x1  }
0xb4: {  	[sflag:s29] =	ssyncadd.s32 $0xFFFFFFFF  }
0xb5: {  	_ =	strace $0x9000004B  }
0xb6: {  	_ =	sfence  }
0xb7: {  	s30 =	sld [smem:$0x0];
	_ =	sdelay $0x2  }
0xb8: {  	s31 =	sshll.u32 s1, $0xD;
	s1 =	sshrl.u32 s1, $0x2  }
0xb9: {  	s3 =	sand.u32 $0x4000, s31;
	s1 =	sadd.s32 s1, s30  }
0xba: {  	s0 =	sor.u32 s3, s0;
	s1 =	sshll.u32 s1, $0x11  }
0xbb: {  	s0 =	sor.u32 s1, s0  }
0xbc: {  	s0 =	sadd.s32 $0x8F2B, s0  }
0xbd: {  	[sflag:s0] =	ssyncadd.remote.s32 $0x1  }
0xbe: {  	_ =	sfence.sel $0xFFFF  }
0xbf: {  	[dreg:$0x0] =	wrdreg $0xFFFFFFFF;
	(pc) =	sbr.abs _section_cstart, $3  }
0xc0: {  	[dreg:$0x1] =	wrdreg $0xFFFFFFFF  }
0xc1: {  	_ =	task.clear_ibuf [dreg:s7], $0x2FFFF;
	_ =	strace $0x9FFFFFFF  }
0xc2: {  	(tm) =	ssettm $0x7FFFFFFF  }
0xc3: {  	_ =	shalt  }
tec
execute0_lowered:
.L_overlay_start_1:
0x0: {  	(tag) =	ssettag $0x1  }
0x1: {  	s0 =	rddreg [dreg:$0x0]  }
0x2: {  	s2 =	rddreg [dreg:$0x1];
	s1 =	simm.s32 $0x0;
	s4 =	srdreg.scid  }
0x3: {  	s6 =	stileid.u32;
	s14 =	simm.s32 $0x3;
	s16 =	simm.s32 $0x100  }
0x4: {  	s15 =	simm.s32 $0x9900;
	s17 =	simm.s32 $0xA100;
	s18 =	simm.s32 $0xA900  }
0x5: {  	s19 =	simm.s32 $0xB100;
	s20 =	simm.s32 $0xC100;
	s21 =	simm.s32 $0xC900  }
0x6: {  	s22 =	simm.s32 $0xD900;
	s23 =	simm.s32 $0xE900;
	s24 =	simm.s32 $0xF100  }
0x7: {  	s12 =	simm.s32 $0xF900;
	s25 =	simm.s32 $0x1;
	s13 =	simm.s32 $0x2  }
0x8: {  	[smem:$0x7FF] =	sst s1;
	s3 =	sadd.s32 $0x72400, s0;
	s4 =	sand.u32 $0x1, s4  }
0x9: {  	s6 =	sshll.u32 s6, $0x7;
	s9 =	sadd.s32 $0x12000, s0;
	s10 =	sadd.s32 $0x12200, s0  }
0xa: {  	s8 =	sadd.s32 $0x72700, s0;
	s5 =	ssub.s32 $0x2, s4;
	s4 =	sshll.u32 s4, $0x6  }
0xb: {  	_ =	strace $0x8000004A;
	s7 =	sshrl.u32 s5, $0x1;
	s4 =	sor.u32 s4, s6  }
0xc: {  	s5 =	ssub.s32 s5, s7;
	s6 =	sshrl.u32 s4, $0x3;
	s7 =	sadd.s32 $0x72600, s0  }
0xd: {  	s11 =	sshll.u32 s4, $0x7;
	s4 =	sor.u32 $0x20, s4;
	s26 =	sadd.s32 s9, s6  }
0xe: {  	s6 =	sadd.s32 s10, s6;
	s28 =	sadd.s32 s2, s11;
	[dreg:$0x3] =	wrdreg s26  }
0xf: {  	s29 =	sshrl.u32 s4, $0x3;
	s30 =	sshll.u32 s4, $0x7;
	[dreg:$0x4] =	wrdreg s6  }
0x10: {  	s31 =	smax.u32 s5, $0x1;
	s5 =	simm.s32 $0x9100;
	[dreg:$0x5] =	wrdreg s28  }
0x11: {  	s11 =	simm.s32 $0xE100;
	s9 =	sadd.s32 s9, s29;
	[dreg:$0x9] =	wrdreg s31  }
0x12: {  	v2 =	vlaneseq.u32;
	s6 =	sadd.s32 $0x72500, s0;
	s0 =	sadd.s32 s10, s29;
	[dreg:$0x6] =	wrdreg s9  }
0x13: {  	vm0 =	vmmov $0xffff;
	v1 =	vshrl.u32 v2, $0x3;
	s10 =	simm.s32 $0xD100;
	[dreg:$0x7] =	wrdreg s0;
	s0 =	sadd.s32 s2, s30  }
0x14: {  	v0 =	vand.u32 $0x7, v2;
	v2 =	vor.u32 $0x8, v2;
	v1 =	vmul.u32 $0x8, v1;
	s26 =	simm.s32 $0x0;
	s9 =	simm.s32 $0xB900;
	[dreg:$0x8] =	wrdreg s0  }
.LBB2_1:
0x15: {  	s0 =	rddreg [dreg:$0x3]  }
0x16: {  	[tilespmem:s1], [sflag:$0x3] =	stream.linear.gather [hbm4b:s0+s1], $0x20, $0x38;
	[tilespmem:$0x10100] =	vst v63  }
0x17: {  	_ =	swait.ge [sflag:s14], $0x20  }
0x18: {  	[sflag:s14] =	ssyncset.done $0x0  }
0x19: {  	s2 =	simm.s32 $0x80;
	s4 =	rddreg [dreg:$0x4];
	[sflag:s14] =	ssyncadd.s32 $0xFFFFFFE0  }
0x1a: {  	[tilespmem:s2], [sflag:$0x3] =	stream.linear.gather [hbm4b:s4+s1], $0x20, $0x38;
	[tilespmem:$0x10100] =	vst v63  }
0x1b: {  	_ =	swait.ge [sflag:s14], $0x20  }
0x1c: {  	[sflag:s14] =	ssyncset.done $0x0  }
0x1d: {  	[sflag:s14] =	ssyncadd.s32 $0xFFFFFFE0  }
0x1e: {  	v3 =	vld [tilespmem:$0x0];
	_ =	sdelay $0x4  }
0x1f: {  	v4 =	vshll.u32 v3, $0x3  }
0x20: {  	v3 =	vand.u32 $0x7, v3;
	v4 =	vand.u32 $0xFFFFFFC0, v4  }
0x21: {  	v3 =	vor.u32 v3, v4  }
0x22: {  	v4 =	vperm.xlane v3, v0;
	_ =	sdelay $0x1  }
0x23: {  	v4 =	vadd.s32 v1, v4;
	_ =	sdelay $0x4  }
0x24: {  	[tilespmem:s16], [sflag:$0x1] =	stream.indirect_vreg.gather [hbm4b:s3+s1], $0x80, v4, vm0, $0xb8;
	[tilespmem:$0x10100] =	vst v63  }
0x25: {  	s4 =	simm.s32 $0x900;
	v3 =	vperm.xlane v3, v2  }
0x26: {  	[tilespmem:s4], [sflag:$0x1] =	stream.indirect_vreg.gather [hbm4b:s6+s1], $0x80, v4, vm0, $0xb8;
	[tilespmem:$0x10100] =	vst v63  }
0x27: {  	s2 =	simm.s32 $0x1100;
	v3 =	vadd.s32 v1, v3  }
0x28: {  	[tilespmem:s2], [sflag:$0x1] =	stream.indirect_vreg.gather [hbm4b:s7+s1], $0x80, v4, vm0, $0xb8;
	[tilespmem:$0x10100] =	vst v63  }
0x29: {  	s4 =	simm.s32 $0x1900  }
0x2a: {  	[tilespmem:s4], [sflag:$0x1] =	stream.indirect_vreg.gather [hbm4b:s8+s1], $0x80, v4, vm0, $0xb8;
	[tilespmem:$0x10100] =	vst v63  }
0x2b: {  	s2 =	simm.s32 $0x2100  }
0x2c: {  	[tilespmem:s2], [sflag:$0x1] =	stream.indirect_vreg.gather [hbm4b:s3+s1], $0x80, v3, vm0, $0xb8;
	[tilespmem:$0x10100] =	vst v63  }
0x2d: {  	s4 =	simm.s32 $0x2900  }
0x2e: {  	[tilespmem:s4], [sflag:$0x1] =	stream.indirect_vreg.gather [hbm4b:s6+s1], $0x80, v3, vm0, $0xb8;
	[tilespmem:$0x10100] =	vst v63  }
0x2f: {  	s2 =	simm.s32 $0x3100  }
0x30: {  	[tilespmem:s2], [sflag:$0x1] =	stream.indirect_vreg.gather [hbm4b:s7+s1], $0x80, v3, vm0, $0xb8;
	[tilespmem:$0x10100] =	vst v63  }
0x31: {  	s4 =	simm.s32 $0x3900  }
0x32: {  	[tilespmem:s4], [sflag:$0x1] =	stream.indirect_vreg.gather [hbm4b:s8+s1], $0x80, v3, vm0, $0xb8;
	[tilespmem:$0x10100] =	vst v63  }
0x33: {  	v3 =	vld [tilespmem:$0x10];
	_ =	sdelay $0x4  }
0x34: {  	v61 =	vshll.u32 v3, $0x3  }
0x35: {  	v3 =	vand.u32 $0x7, v3;
	v4 =	vand.u32 $0xFFFFFFC0, v61  }
0x36: {  	v3 =	vor.u32 v3, v4  }
0x37: {  	v4 =	vperm.xlane v3, v0;
	_ =	sdelay $0x1  }
0x38: {  	v4 =	vadd.s32 v1, v4;
	_ =	sdelay $0x3  }
0x39: {  	s2 =	simm.s32 $0x4100  }
0x3a: {  	[tilespmem:s2], [sflag:$0x1] =	stream.indirect_vreg.gather [hbm4b:s3+s1], $0x80, v4, vm0, $0xb8;
	[tilespmem:$0x10100] =	vst v63  }
0x3b: {  	s4 =	simm.s32 $0x4900;
	v3 =	vperm.xlane v3, v2  }
0x3c: {  	[tilespmem:s4], [sflag:$0x1] =	stream.indirect_vreg.gather [hbm4b:s6+s1], $0x80, v4, vm0, $0xb8;
	[tilespmem:$0x10100] =	vst v63  }
0x3d: {  	v3 =	vadd.s32 v1, v3;
	s2 =	simm.s32 $0x5100  }
0x3e: {  	[tilespmem:s2], [sflag:$0x1] =	stream.indirect_vreg.gather [hbm4b:s7+s1], $0x80, v4, vm0, $0xb8;
	[tilespmem:$0x10100] =	vst v63  }
0x3f: {  	s4 =	simm.s32 $0x5900  }
0x40: {  	[tilespmem:s4], [sflag:$0x1] =	stream.indirect_vreg.gather [hbm4b:s8+s1], $0x80, v4, vm0, $0xb8;
	[tilespmem:$0x10100] =	vst v63  }
0x41: {  	s2 =	simm.s32 $0x6100  }
0x42: {  	[tilespmem:s2], [sflag:$0x1] =	stream.indirect_vreg.gather [hbm4b:s3+s1], $0x80, v3, vm0, $0xb8;
	[tilespmem:$0x10100] =	vst v63  }
0x43: {  	s4 =	simm.s32 $0x6900  }
0x44: {  	[tilespmem:s4], [sflag:$0x1] =	stream.indirect_vreg.gather [hbm4b:s6+s1], $0x80, v3, vm0, $0xb8;
	[tilespmem:$0x10100] =	vst v63  }
0x45: {  	s2 =	simm.s32 $0x7100  }
0x46: {  	[tilespmem:s2], [sflag:$0x1] =	stream.indirect_vreg.gather [hbm4b:s7+s1], $0x80, v3, vm0, $0xb8;
	[tilespmem:$0x10100] =	vst v63  }
0x47: {  	s4 =	simm.s32 $0x7900  }
0x48: {  	[tilespmem:s4], [sflag:$0x1] =	stream.indirect_vreg.gather [hbm4b:s8+s1], $0x80, v3, vm0, $0xb8;
	[tilespmem:$0x10100] =	vst v63  }
0x49: {  	v3 =	vld [tilespmem:$0x80];
	_ =	sdelay $0x4  }
0x4a: {  	v62 =	vshll.u32 v3, $0x3  }
0x4b: {  	v3 =	vand.u32 $0x7, v3;
	v4 =	vand.u32 $0xFFFFFFC0, v62  }
0x4c: {  	v3 =	vor.u32 v3, v4  }
0x4d: {  	v4 =	vperm.xlane v3, v0;
	_ =	sdelay $0x1  }
0x4e: {  	v4 =	vadd.s32 v1, v4;
	_ =	sdelay $0x3  }
0x4f: {  	s2 =	simm.s32 $0x8100  }
0x50: {  	[tilespmem:s2], [sflag:$0x2] =	stream.indirect_vreg.gather [hbm4b:s3+s1], $0x80, v4, vm0, $0xb8;
	[tilespmem:$0x10100] =	vst v63  }
0x51: {  	s4 =	simm.s32 $0x8900;
	v3 =	vperm.xlane v3, v2  }
0x52: {  	[tilespmem:s4], [sflag:$0x2] =	stream.indirect_vreg.gather [hbm4b:s6+s1], $0x80, v4, vm0, $0xb8;
	[tilespmem:$0x10100] =	vst v63  }
0x53: {  	v3 =	vadd.s32 v1, v3  }
0x54: {  	[tilespmem:s5], [sflag:$0x2] =	stream.indirect_vreg.gather [hbm4b:s7+s1], $0x80, v4, vm0, $0xb8;
	[tilespmem:$0x10100] =	vst v63  }
0x55: {  	_ = 	snop  }
0x56: {  	[tilespmem:s15], [sflag:$0x2] =	stream.indirect_vreg.gather [hbm4b:s8+s1], $0x80, v4, vm0, $0xb8;
	[tilespmem:$0x10100] =	vst v63  }
0x57: {  	_ = 	snop  }
0x58: {  	[tilespmem:s17], [sflag:$0x2] =	stream.indirect_vreg.gather [hbm4b:s3+s1], $0x80, v3, vm0, $0xb8;
	[tilespmem:$0x10100] =	vst v63  }
0x59: {  	_ = 	snop  }
0x5a: {  	[tilespmem:s18], [sflag:$0x2] =	stream.indirect_vreg.gather [hbm4b:s6+s1], $0x80, v3, vm0, $0xb8;
	[tilespmem:$0x10100] =	vst v63  }
0x5b: {  	_ = 	snop  }
0x5c: {  	[tilespmem:s19], [sflag:$0x2] =	stream.indirect_vreg.gather [hbm4b:s7+s1], $0x80, v3, vm0, $0xb8;
	[tilespmem:$0x10100] =	vst v63  }
0x5d: {  	_ = 	snop  }
0x5e: {  	[tilespmem:s9], [sflag:$0x2] =	stream.indirect_vreg.gather [hbm4b:s8+s1], $0x80, v3, vm0, $0xb8;
	[tilespmem:$0x10100] =	vst v63  }
0x5f: {  	v3 =	vld [tilespmem:$0x90];
	_ =	sdelay $0x4  }
0x60: {  	v63 =	vshll.u32 v3, $0x3  }
0x61: {  	v3 =	vand.u32 $0x7, v3;
	v4 =	vand.u32 $0xFFFFFFC0, v63  }
0x62: {  	v3 =	vor.u32 v3, v4  }
0x63: {  	v4 =	vperm.xlane v3, v0;
	_ =	sdelay $0x1  }
0x64: {  	v4 =	vadd.s32 v1, v4;
	_ =	sdelay $0x4  }
0x65: {  	[tilespmem:s20], [sflag:$0x2] =	stream.indirect_vreg.gather [hbm4b:s3+s1], $0x80, v4, vm0, $0xb8;
	[tilespmem:$0x10100] =	vst v63  }
0x66: {  	v3 =	vperm.xlane v3, v2  }
0x67: {  	[tilespmem:s21], [sflag:$0x2] =	stream.indirect_vreg.gather [hbm4b:s6+s1], $0x80, v4, vm0, $0xb8;
	[tilespmem:$0x10100] =	vst v63  }
0x68: {  	v3 =	vadd.s32 v1, v3  }
0x69: {  	[tilespmem:s10], [sflag:$0x2] =	stream.indirect_vreg.gather [hbm4b:s7+s1], $0x80, v4, vm0, $0xb8;
	[tilespmem:$0x10100] =	vst v63  }
0x6a: {  	_ = 	snop  }
0x6b: {  	[tilespmem:s22], [sflag:$0x2] =	stream.indirect_vreg.gather [hbm4b:s8+s1], $0x80, v4, vm0, $0xb8;
	[tilespmem:$0x10100] =	vst v63  }
0x6c: {  	_ = 	snop  }
0x6d: {  	[tilespmem:s11], [sflag:$0x2] =	stream.indirect_vreg.gather [hbm4b:s3+s1], $0x80, v3, vm0, $0xb8;
	[tilespmem:$0x10100] =	vst v63  }
0x6e: {  	_ = 	snop  }
0x6f: {  	[tilespmem:s23], [sflag:$0x2] =	stream.indirect_vreg.gather [hbm4b:s6+s1], $0x80, v3, vm0, $0xb8;
	[tilespmem:$0x10100] =	vst v63  }
0x70: {  	_ = 	snop  }
0x71: {  	[tilespmem:s24], [sflag:$0x2] =	stream.indirect_vreg.gather [hbm4b:s7+s1], $0x80, v3, vm0, $0xb8;
	[tilespmem:$0x10100] =	vst v63  }
0x72: {  	_ = 	snop  }
0x73: {  	[tilespmem:s12], [sflag:$0x2] =	stream.indirect_vreg.gather [hbm4b:s8+s1], $0x80, v3, vm0, $0xb8;
	[tilespmem:$0x10100] =	vst v63  }
0x74: {  	_ =	swait.ge [sflag:s25], $0x8000  }
0x75: {  	[sflag:s25] =	ssyncset.done $0x0  }
0x76: {  	[sflag:s25] =	ssyncadd.s32 $0xFFFF8000  }
0x77: {  	_ =	swait.ge [sflag:s13], $0x8000  }
0x78: {  	s28 =	simm.s32 $0xFFFF8000;
	s29 =	simm.s32 $0x0;
	[sflag:s13] =	ssyncset.done $0x0  }
0x79: {  	s30 =	simm.s32 $0x0;
	s31 =	simm.s32 $0x0;
	[sflag:s13] =	ssyncadd.s32 $0xFFFF8000  }
.LBB2_2:
0x7a: {  	s0 =	sadd.s32 $0x8000, s28  }
0x7b: {  	s2 =	sand.u32 $0x380, s31;
	s0 =	sand.u32 $0x6000, s0  }
0x7c: {  	s0 =	sor.u32 s2, s0  }
0x7d: {  	v3 =	vld [tilespmem:s0+$0x100]  }
0x7e: {  	v4 =	vld [tilespmem:s0+$0x8100]  }
0x7f: {  	v5 =	vld [tilespmem:s0+$0x110]  }
0x80: {  	v6 =	vld [tilespmem:s0+$0x8110]  }
0x81: {  	v7 =	vld [tilespmem:s0+$0x120]  }
0x82: {  	v8 =	vld [tilespmem:s0+$0x8120]  }
0x83: {  	v9 =	vld [tilespmem:s0+$0x130]  }
0x84: {  	v10 =	vld [tilespmem:s0+$0x8130]  }
0x85: {  	v11 =	vld [tilespmem:s0+$0x140]  }
0x86: {  	v12 =	vld [tilespmem:s0+$0x8140]  }
0x87: {  	v13 =	vld [tilespmem:s0+$0x150]  }
0x88: {  	v14 =	vld [tilespmem:s0+$0x8150]  }
0x89: {  	v15 =	vld [tilespmem:s0+$0x160]  }
0x8a: {  	v16 =	vld [tilespmem:s0+$0x8160]  }
0x8b: {  	v17 =	vld [tilespmem:s0+$0x170]  }
0x8c: {  	v18 =	vld [tilespmem:s0+$0x8170]  }
0x8d: {  	v19 =	vld [tilespmem:s0+$0x500]  }
0x8e: {  	v20 =	vld [tilespmem:s0+$0x8500]  }
0x8f: {  	v21 =	vld [tilespmem:s0+$0x510]  }
0x90: {  	v22 =	vld [tilespmem:s0+$0x8510]  }
0x91: {  	v23 =	vld [tilespmem:s0+$0x520]  }
0x92: {  	v24 =	vld [tilespmem:s0+$0x8520]  }
0x93: {  	v25 =	vld [tilespmem:s0+$0x530]  }
0x94: {  	v26 =	vld [tilespmem:s0+$0x8530]  }
0x95: {  	v27 =	vld [tilespmem:s0+$0x540]  }
0x96: {  	v28 =	vld [tilespmem:s0+$0x8540]  }
0x97: {  	v29 =	vld [tilespmem:s0+$0x550]  }
0x98: {  	v30 =	vld [tilespmem:s0+$0x8550]  }
0x99: {  	v31 =	vld [tilespmem:s0+$0x560]  }
0x9a: {  	v32 =	vld [tilespmem:s0+$0x8560]  }
0x9b: {  	v33 =	vld [tilespmem:s0+$0x570]  }
0x9c: {  	v34 =	vld [tilespmem:s0+$0x8570]  }
0x9d: {  	v35 =	vld [tilespmem:s0+$0x900]  }
0x9e: {  	v36 =	vld [tilespmem:s0+$0x8900]  }
0x9f: {  	v37 =	vld [tilespmem:s0+$0x910]  }
0xa0: {  	v38 =	vld [tilespmem:s0+$0x8910]  }
0xa1: {  	v39 =	vld [tilespmem:s0+$0x920]  }
0xa2: {  	v40 =	vld [tilespmem:s0+$0x8920]  }
0xa3: {  	v41 =	vld [tilespmem:s0+$0x930]  }
0xa4: {  	v42 =	vld [tilespmem:s0+$0x8930]  }
0xa5: {  	v43 =	vld [tilespmem:s0+$0x940]  }
0xa6: {  	v44 =	vld [tilespmem:s0+$0x8940]  }
0xa7: {  	v45 =	vld [tilespmem:s0+$0x950]  }
0xa8: {  	v46 =	vld [tilespmem:s0+$0x8950]  }
0xa9: {  	v47 =	vld [tilespmem:s0+$0x960]  }
0xaa: {  	v48 =	vld [tilespmem:s0+$0x8960]  }
0xab: {  	v49 =	vld [tilespmem:s0+$0x970]  }
0xac: {  	v50 =	vld [tilespmem:s0+$0x8970]  }
0xad: {  	v51 =	vld [tilespmem:s0+$0xD00]  }
0xae: {  	v52 =	vld [tilespmem:s0+$0x8D00]  }
0xaf: {  	v53 =	vld [tilespmem:s0+$0xD10]  }
0xb0: {  	v54 =	vld [tilespmem:s0+$0x8D10]  }
0xb1: {  	v55 =	vld [tilespmem:s0+$0xD20]  }
0xb2: {  	v56 =	vld [tilespmem:s0+$0x8D20]  }
0xb3: {  	v57 =	vld [tilespmem:s0+$0xD30]  }
0xb4: {  	v58 =	vld [tilespmem:s0+$0x8D30]  }
0xb5: {  	v59 =	vld [tilespmem:s0+$0xD40]  }
0xb6: {  	v60 =	vld [tilespmem:s0+$0x8D40]  }
0xb7: {  	v61 =	vld [tilespmem:s0+$0xD50]  }
0xb8: {  	v62 =	vld [tilespmem:s0+$0x8D50]  }
0xb9: {  	v63 =	vld [tilespmem:s0+$0xD60]  }
0xba: {  	v3 =	vadd.f32 v4, v3;
	v4 =	vld [tilespmem:s0+$0x8D60]  }
0xbb: {  	v5 =	vadd.f32 v6, v5;
	v6 =	vld [tilespmem:s0+$0xD70]  }
0xbc: {  	v14 =	vadd.f32 v14, v13;
	v13 =	vld [tilespmem:s0+$0x9120];
	[tilespmem:s0+$0x100] =	vst v3;
	v3 =	vadd.f32 v8, v7  }
0xbd: {  	v18 =	vadd.f32 v18, v17;
	v17 =	vld [tilespmem:s0+$0x9140];
	[tilespmem:s0+$0x110] =	vst v5  }
0xbe: {  	v22 =	vadd.f32 v22, v21;
	v21 =	vld [tilespmem:s0+$0x9160];
	[tilespmem:s0+$0x120] =	vst v3;
	v3 =	vadd.f32 v12, v11  }
0xbf: {  	v7 =	vld [tilespmem:s0+$0x8D70];
	[tilespmem:s0+$0x150] =	vst v14  }
0xc0: {  	v8 =	vld [tilespmem:s0+$0x1100];
	[tilespmem:s0+$0x140] =	vst v3;
	v3 =	vadd.f32 v16, v15  }
0xc1: {  	v5 =	vadd.f32 v10, v9;
	v9 =	vld [tilespmem:s0+$0x9100];
	[tilespmem:s0+$0x170] =	vst v18  }
0xc2: {  	v10 =	vld [tilespmem:s0+$0x1110];
	[tilespmem:s0+$0x160] =	vst v3;
	v3 =	vadd.f32 v20, v19  }
0xc3: {  	v26 =	vadd.f32 v26, v25;
	v14 =	vld [tilespmem:s0+$0x1130];
	[tilespmem:s0+$0x510] =	vst v22  }
0xc4: {  	v18 =	vld [tilespmem:s0+$0x1150];
	[tilespmem:s0+$0x500] =	vst v3;
	v3 =	vadd.f32 v24, v23  }
0xc5: {  	v30 =	vadd.f32 v30, v29;
	[tilespmem:s0+$0x530] =	vst v26;
	v22 =	vld [tilespmem:s0+$0x1170]  }
0xc6: {  	v19 =	vld [tilespmem:s0+$0x9150];
	[tilespmem:s0+$0x520] =	vst v3;
	v3 =	vadd.f32 v28, v27  }
0xc7: {  	v34 =	vadd.f32 v34, v33;
	[tilespmem:s0+$0x550] =	vst v30;
	v11 =	vld [tilespmem:s0+$0x9110]  }
0xc8: {  	v12 =	vld [tilespmem:s0+$0x1120];
	[tilespmem:s0+$0x540] =	vst v3;
	v3 =	vadd.f32 v32, v31  }
0xc9: {  	[tilespmem:s0+$0x570] =	vst v34;
	v15 =	vld [tilespmem:s0+$0x9130]  }
0xca: {  	v16 =	vld [tilespmem:s0+$0x1140];
	[tilespmem:s0+$0x560] =	vst v3;
	v3 =	vadd.f32 v36, v35  }
0xcb: {  	[tilespmem:s0+$0x130] =	vst v5;
	v20 =	vld [tilespmem:s0+$0x1160];
	v19 =	vadd.f32 v19, v18  }
0xcc: {  	v24 =	vld [tilespmem:s0+$0x1500];
	[tilespmem:s0+$0x900] =	vst v3;
	v3 =	vadd.f32 v40, v39  }
0xcd: {  	[tilespmem:s0+$0x1150] =	vst v19;
	v36 =	vadd.f32 v38, v37;
	v37 =	vld [tilespmem:s0+$0x9170]  }
0xce: {  	v38 =	vadd.f32 v42, v41;
	v41 =	vld [tilespmem:s0+$0x1510];
	[tilespmem:s0+$0x920] =	vst v3;
	v3 =	vadd.f32 v44, v43  }
0xcf: {  	v42 =	vld [tilespmem:s0+$0x9510];
	[tilespmem:s0+$0x910] =	vst v36  }
0xd0: {  	v35 =	vld [tilespmem:s0+$0x1910];
	[tilespmem:s0+$0x940] =	vst v3;
	v3 =	vadd.f32 v48, v47  }
0xd1: {  	v39 =	vld [tilespmem:s0+$0x9500];
	[tilespmem:s0+$0x930] =	vst v38;
	v40 =	vadd.f32 v46, v45  }
0xd2: {  	v45 =	vld [tilespmem:s0+$0x9520];
	[tilespmem:s0+$0x960] =	vst v3;
	v3 =	vadd.f32 v52, v51  }
0xd3: {  	v46 =	vadd.f32 v54, v53;
	v53 =	vld [tilespmem:s0+$0x1550];
	[tilespmem:s0+$0x950] =	vst v40  }
0xd4: {  	v54 =	vld [tilespmem:s0+$0x9550];
	[tilespmem:s0+$0xD00] =	vst v3;
	v3 =	vadd.f32 v56, v55  }
0xd5: {  	v36 =	vld [tilespmem:s0+$0x9910];
	v43 =	vadd.f32 v50, v49;
	[tilespmem:s0+$0xD10] =	vst v46  }
0xd6: {  	v38 =	vld [tilespmem:s0+$0x1920];
	[tilespmem:s0+$0xD20] =	vst v3;
	v3 =	vadd.f32 v60, v59  }
0xd7: {  	v44 =	vld [tilespmem:s0+$0x1520];
	v49 =	vadd.f32 v58, v57;
	[tilespmem:s0+$0x970] =	vst v43  }
0xd8: {  	v50 =	vld [tilespmem:s0+$0x1540];
	[tilespmem:s0+$0xD40] =	vst v3;
	v3 =	vadd.f32 v4, v63  }
0xd9: {  	v57 =	vld [tilespmem:s0+$0x9560];
	v58 =	vadd.f32 v11, v10;
	[tilespmem:s0+$0xD30] =	vst v49  }
0xda: {  	v46 =	vld [tilespmem:s0+$0x9950];
	[tilespmem:s0+$0xD60] =	vst v3;
	v3 =	vadd.f32 v9, v8  }
0xdb: {  	v37 =	vadd.f32 v37, v22;
	v40 =	vadd.f32 v42, v41;
	v41 =	vld [tilespmem:s0+$0x1930];
	[tilespmem:s0+$0x1110] =	vst v58  }
0xdc: {  	v42 =	vld [tilespmem:s0+$0x9930];
	[tilespmem:s0+$0x1100] =	vst v3;
	v3 =	vadd.f32 v13, v12  }
0xdd: {  	v47 =	vld [tilespmem:s0+$0x1530];
	[tilespmem:s0+$0x1170] =	vst v37  }
0xde: {  	v48 =	vld [tilespmem:s0+$0x9530];
	[tilespmem:s0+$0x1120] =	vst v3;
	v3 =	vadd.f32 v17, v16  }
0xdf: {  	v49 =	vld [tilespmem:s0+$0x9960];
	[tilespmem:s0+$0x1510] =	vst v40;
	v52 =	vadd.f32 v62, v61  }
0xe0: {  	v51 =	vld [tilespmem:s0+$0x9540];
	[tilespmem:s0+$0x1140] =	vst v3;
	v3 =	vadd.f32 v21, v20  }
0xe1: {  	v61 =	vadd.f32 v15, v14;
	v62 =	vld [tilespmem:s0+$0x1900];
	[tilespmem:s0+$0xD50] =	vst v52  }
0xe2: {  	v56 =	vld [tilespmem:s0+$0x1560];
	[tilespmem:s0+$0x1160] =	vst v3;
	v3 =	vadd.f32 v39, v24  }
0xe3: {  	v55 =	vadd.f32 v7, v6;
	[tilespmem:s0+$0x1130] =	vst v61;
	v52 =	vld [tilespmem:s0+$0x9970]  }
0xe4: {  	v43 =	vadd.f32 v48, v47;
	v47 =	vld [tilespmem:s0+$0x1960];
	[tilespmem:s0+$0x1500] =	vst v3;
	v3 =	vadd.f32 v45, v44  }
0xe5: {  	[tilespmem:s0+$0xD70] =	vst v55;
	v63 =	vld [tilespmem:s0+$0x9900]  }
0xe6: {  	v59 =	vld [tilespmem:s0+$0x1570];
	[tilespmem:s0+$0x1520] =	vst v3;
	v3 =	vadd.f32 v51, v50  }
0xe7: {  	[tilespmem:s0+$0x1530] =	vst v43;
	v4 =	vadd.f32 v54, v53;
	v39 =	vld [tilespmem:s0+$0x9920]  }
0xe8: {  	v60 =	vld [tilespmem:s0+$0x9570];
	[tilespmem:s0+$0x1540] =	vst v3;
	v3 =	vadd.f32 v57, v56  }
0xe9: {  	v54 =	vadd.f32 v42, v41;
	[tilespmem:s0+$0x1550] =	vst v4;
	v45 =	vld [tilespmem:s0+$0x1950]  }
0xea: {  	v53 =	vld [tilespmem:s0+$0x9940];
	[tilespmem:s0+$0x1560] =	vst v3;
	v3 =	vadd.f32 v63, v62  }
0xeb: {  	[tilespmem:s0+$0x1930] =	vst v54;
	v55 =	vadd.f32 v49, v47;
	v50 =	vld [tilespmem:s0+$0x1970]  }
0xec: {  	v44 =	vld [tilespmem:s0+$0x1940];
	[tilespmem:s0+$0x1900] =	vst v3;
	v3 =	vadd.f32 v39, v38  }
0xed: {  	v48 =	vadd.f32 v60, v59;
	[tilespmem:s0+$0x1960] =	vst v55  }
0xee: {  	[tilespmem:s0+$0x1920] =	vst v3;
	v3 =	vadd.f32 v46, v45  }
0xef: {  	s4 =	sand.u32 $0x7, s29;
	[tilespmem:s0+$0x1570] =	vst v48;
	v51 =	vadd.f32 v36, v35  }
0xf0: {  	s2 =	sshll.u32 s4, $0x7;
	[tilespmem:s0+$0x1950] =	vst v3;
	v3 =	vadd.f32 v52, v50  }
0xf1: {  	s2 =	sadd.s32 s2, s30;
	[tilespmem:s0+$0x1910] =	vst v51;
	v56 =	vadd.f32 v53, v44  }
0xf2: {  	s4 =	sor.u32 $0x1C00, s2;
	[tilespmem:s0+$0x1970] =	vst v3  }
0xf3: {  	[tilespmem:s0+$0x1940] =	vst v56;
	v3 =	vld [tilespmem:s4+$0x100]  }
0xf4: {  	v4 =	vld [tilespmem:s4+$0x8100];
	_ =	sdelay $0x4  }
0xf5: {  	v3 =	vadd.f32 v4, v3;
	_ =	sdelay $0x1  }
0xf6: {  	[tilespmem:s4+$0x100] =	vst v3;
	s4 =	sor.u32 $0x1C10, s2  }
0xf7: {  	v3 =	vld [tilespmem:s4+$0x100]  }
0xf8: {  	v57 =	vld [tilespmem:s4+$0x8100];
	_ =	sdelay $0x4  }
0xf9: {  	v3 =	vadd.f32 v57, v3;
	_ =	sdelay $0x1  }
0xfa: {  	[tilespmem:s4+$0x100] =	vst v3;
	s4 =	sor.u32 $0x1C20, s2  }
0xfb: {  	v3 =	vld [tilespmem:s4+$0x100]  }
0xfc: {  	v58 =	vld [tilespmem:s4+$0x8100];
	_ =	sdelay $0x4  }
0xfd: {  	v3 =	vadd.f32 v58, v3;
	_ =	sdelay $0x1  }
0xfe: {  	[tilespmem:s4+$0x100] =	vst v3;
	s4 =	sor.u32 $0x1C30, s2  }
0xff: {  	v3 =	vld [tilespmem:s4+$0x100]  }
0x100: {  	v59 =	vld [tilespmem:s4+$0x8100];
	_ =	sdelay $0x4  }
0x101: {  	v3 =	vadd.f32 v59, v3;
	_ =	sdelay $0x1  }
0x102: {  	[tilespmem:s4+$0x100] =	vst v3;
	s4 =	sor.u32 $0x1C40, s2  }
0x103: {  	v3 =	vld [tilespmem:s4+$0x100]  }
0x104: {  	v60 =	vld [tilespmem:s4+$0x8100];
	_ =	sdelay $0x4  }
0x105: {  	v3 =	vadd.f32 v60, v3;
	_ =	sdelay $0x1  }
0x106: {  	[tilespmem:s4+$0x100] =	vst v3;
	s4 =	sor.u32 $0x1C50, s2  }
0x107: {  	v3 =	vld [tilespmem:s4+$0x100]  }
0x108: {  	v61 =	vld [tilespmem:s4+$0x8100];
	_ =	sdelay $0x4  }
0x109: {  	v3 =	vadd.f32 v61, v3;
	_ =	sdelay $0x1  }
0x10a: {  	[tilespmem:s4+$0x100] =	vst v3;
	s4 =	sor.u32 $0x1C60, s2  }
0x10b: {  	v3 =	vld [tilespmem:s4+$0x100]  }
0x10c: {  	v62 =	vld [tilespmem:s4+$0x8100];
	_ =	sdelay $0x4  }
0x10d: {  	v3 =	vadd.f32 v62, v3;
	_ =	sdelay $0x1  }
0x10e: {  	[tilespmem:s4+$0x100] =	vst v3;
	s4 =	sor.u32 $0x1C70, s2  }
0x10f: {  	v3 =	vld [tilespmem:s4+$0x100]  }
0x110: {  	v63 =	vld [tilespmem:s4+$0x8100];
	_ =	sdelay $0x1  }
0x111: {  	p0 =	sne.s32 s31, $0xF80  }
.Ltmp0:
0x112: {  	_ = 	snop;
	(pc) =	sbr.rel @p0 .LBB2_2-.Ltmp0, $4  }
0x113: {  	_ = 	snop  }
0x114: {  	v3 =	vadd.f32 v63, v3  }
0x115: {  	s29 =	sadd.s32 $0x1, s29  }
0x116: {  	s28 =	sadd.s32 $0x400, s28;
	s31 =	sadd.s32 $0x80, s31;
	s30 =	sadd.s32 $0x400, s30;
	[tilespmem:s4+$0x100] =	vst v3  }
0x117: {  	s28 =	simm.s32 $0x0;
	s0 =	rddreg [dreg:$0x5]  }
0x118: {  	[hbm4b:s0+s28] =	stream.linear.scatter [tilespmem:s16], [sflag:$0x3], $0x8000, $0x38;
	[tilespmem:$0x10100] =	vst v63  }
0x119: {  	_ =	swait.ge [sflag:s14], $0x8000  }
0x11a: {  	[sflag:s14] =	ssyncset.done $0x0  }
0x11b: {  	s2 =	rddreg [dreg:$0x6];
	[sflag:s14] =	ssyncadd.s32 $0xFFFF8000  }
0x11c: {  	[tilespmem:s28], [sflag:$0x3] =	stream.linear.gather [hbm4b:s2+s28], $0x20, $0x38;
	[tilespmem:$0x10100] =	vst v63  }
0x11d: {  	_ =	swait.ge [sflag:s14], $0x20  }
0x11e: {  	[sflag:s14] =	ssyncset.done $0x0  }
0x11f: {  	s2 =	simm.s32 $0x80;
	s4 =	rddreg [dreg:$0x7];
	[sflag:s14] =	ssyncadd.s32 $0xFFFFFFE0  }
0x120: {  	[tilespmem:s2], [sflag:$0x3] =	stream.linear.gather [hbm4b:s4+s28], $0x20, $0x38;
	[tilespmem:$0x10100] =	vst v63  }
0x121: {  	_ =	swait.ge [sflag:s14], $0x20  }
0x122: {  	[sflag:s14] =	ssyncset.done $0x0  }
0x123: {  	[sflag:s14] =	ssyncadd.s32 $0xFFFFFFE0  }
0x124: {  	v3 =	vld [tilespmem:$0x0];
	_ =	sdelay $0x4  }
0x125: {  	v4 =	vshll.u32 v3, $0x3  }
0x126: {  	v3 =	vand.u32 $0x7, v3;
	v4 =	vand.u32 $0xFFFFFFC0, v4  }
0x127: {  	v3 =	vor.u32 v3, v4  }
0x128: {  	v4 =	vperm.xlane v3, v0;
	_ =	sdelay $0x1  }
0x129: {  	v4 =	vadd.s32 v1, v4;
	_ =	sdelay $0x4  }
0x12a: {  	[tilespmem:s16], [sflag:$0x1] =	stream.indirect_vreg.gather [hbm4b:s3+s28], $0x80, v4, vm0, $0xb8;
	[tilespmem:$0x10100] =	vst v63  }
0x12b: {  	s4 =	simm.s32 $0x900;
	v3 =	vperm.xlane v3, v2  }
0x12c: {  	[tilespmem:s4], [sflag:$0x1] =	stream.indirect_vreg.gather [hbm4b:s6+s28], $0x80, v4, vm0, $0xb8;
	[tilespmem:$0x10100] =	vst v63  }
0x12d: {  	s2 =	simm.s32 $0x1100;
	v3 =	vadd.s32 v1, v3  }
0x12e: {  	[tilespmem:s2], [sflag:$0x1] =	stream.indirect_vreg.gather [hbm4b:s7+s28], $0x80, v4, vm0, $0xb8;
	[tilespmem:$0x10100] =	vst v63  }
0x12f: {  	s4 =	simm.s32 $0x1900  }
0x130: {  	[tilespmem:s4], [sflag:$0x1] =	stream.indirect_vreg.gather [hbm4b:s8+s28], $0x80, v4, vm0, $0xb8;
	[tilespmem:$0x10100] =	vst v63  }
0x131: {  	s2 =	simm.s32 $0x2100  }
0x132: {  	[tilespmem:s2], [sflag:$0x1] =	stream.indirect_vreg.gather [hbm4b:s3+s28], $0x80, v3, vm0, $0xb8;
	[tilespmem:$0x10100] =	vst v63  }
0x133: {  	s4 =	simm.s32 $0x2900  }
0x134: {  	[tilespmem:s4], [sflag:$0x1] =	stream.indirect_vreg.gather [hbm4b:s6+s28], $0x80, v3, vm0, $0xb8;
	[tilespmem:$0x10100] =	vst v63  }
0x135: {  	s2 =	simm.s32 $0x3100  }
0x136: {  	[tilespmem:s2], [sflag:$0x1] =	stream.indirect_vreg.gather [hbm4b:s7+s28], $0x80, v3, vm0, $0xb8;
	[tilespmem:$0x10100] =	vst v63  }
0x137: {  	s4 =	simm.s32 $0x3900  }
0x138: {  	[tilespmem:s4], [sflag:$0x1] =	stream.indirect_vreg.gather [hbm4b:s8+s28], $0x80, v3, vm0, $0xb8;
	[tilespmem:$0x10100] =	vst v63  }
0x139: {  	v3 =	vld [tilespmem:$0x10];
	_ =	sdelay $0x4  }
0x13a: {  	v61 =	vshll.u32 v3, $0x3  }
0x13b: {  	v3 =	vand.u32 $0x7, v3;
	v4 =	vand.u32 $0xFFFFFFC0, v61  }
0x13c: {  	v3 =	vor.u32 v3, v4  }
0x13d: {  	v4 =	vperm.xlane v3, v0;
	_ =	sdelay $0x1  }
0x13e: {  	v4 =	vadd.s32 v1, v4;
	_ =	sdelay $0x3  }
0x13f: {  	s2 =	simm.s32 $0x4100  }
0x140: {  	[tilespmem:s2], [sflag:$0x1] =	stream.indirect_vreg.gather [hbm4b:s3+s28], $0x80, v4, vm0, $0xb8;
	[tilespmem:$0x10100] =	vst v63  }
0x141: {  	s4 =	simm.s32 $0x4900;
	v3 =	vperm.xlane v3, v2  }
0x142: {  	[tilespmem:s4], [sflag:$0x1] =	stream.indirect_vreg.gather [hbm4b:s6+s28], $0x80, v4, vm0, $0xb8;
	[tilespmem:$0x10100] =	vst v63  }
0x143: {  	v3 =	vadd.s32 v1, v3;
	s2 =	simm.s32 $0x5100  }
0x144: {  	[tilespmem:s2], [sflag:$0x1] =	stream.indirect_vreg.gather [hbm4b:s7+s28], $0x80, v4, vm0, $0xb8;
	[tilespmem:$0x10100] =	vst v63  }
0x145: {  	s4 =	simm.s32 $0x5900  }
0x146: {  	[tilespmem:s4], [sflag:$0x1] =	stream.indirect_vreg.gather [hbm4b:s8+s28], $0x80, v4, vm0, $0xb8;
	[tilespmem:$0x10100] =	vst v63  }
0x147: {  	s2 =	simm.s32 $0x6100  }
0x148: {  	[tilespmem:s2], [sflag:$0x1] =	stream.indirect_vreg.gather [hbm4b:s3+s28], $0x80, v3, vm0, $0xb8;
	[tilespmem:$0x10100] =	vst v63  }
0x149: {  	s4 =	simm.s32 $0x6900  }
0x14a: {  	[tilespmem:s4], [sflag:$0x1] =	stream.indirect_vreg.gather [hbm4b:s6+s28], $0x80, v3, vm0, $0xb8;
	[tilespmem:$0x10100] =	vst v63  }
0x14b: {  	s2 =	simm.s32 $0x7100  }
0x14c: {  	[tilespmem:s2], [sflag:$0x1] =	stream.indirect_vreg.gather [hbm4b:s7+s28], $0x80, v3, vm0, $0xb8;
	[tilespmem:$0x10100] =	vst v63  }
0x14d: {  	s4 =	simm.s32 $0x7900  }
0x14e: {  	[tilespmem:s4], [sflag:$0x1] =	stream.indirect_vreg.gather [hbm4b:s8+s28], $0x80, v3, vm0, $0xb8;
	[tilespmem:$0x10100] =	vst v63  }
0x14f: {  	v3 =	vld [tilespmem:$0x80];
	_ =	sdelay $0x4  }
0x150: {  	v62 =	vshll.u32 v3, $0x3  }
0x151: {  	v3 =	vand.u32 $0x7, v3;
	v4 =	vand.u32 $0xFFFFFFC0, v62  }
0x152: {  	v3 =	vor.u32 v3, v4  }
0x153: {  	v4 =	vperm.xlane v3, v0;
	_ =	sdelay $0x1  }
0x154: {  	v4 =	vadd.s32 v1, v4;
	_ =	sdelay $0x3  }
0x155: {  	s2 =	simm.s32 $0x8100  }
0x156: {  	[tilespmem:s2], [sflag:$0x2] =	stream.indirect_vreg.gather [hbm4b:s3+s28], $0x80, v4, vm0, $0xb8;
	[tilespmem:$0x10100] =	vst v63  }
0x157: {  	s4 =	simm.s32 $0x8900;
	v3 =	vperm.xlane v3, v2  }
0x158: {  	[tilespmem:s4], [sflag:$0x2] =	stream.indirect_vreg.gather [hbm4b:s6+s28], $0x80, v4, vm0, $0xb8;
	[tilespmem:$0x10100] =	vst v63  }
0x159: {  	v3 =	vadd.s32 v1, v3  }
0x15a: {  	[tilespmem:s5], [sflag:$0x2] =	stream.indirect_vreg.gather [hbm4b:s7+s28], $0x80, v4, vm0, $0xb8;
	[tilespmem:$0x10100] =	vst v63  }
0x15b: {  	_ = 	snop  }
0x15c: {  	[tilespmem:s15], [sflag:$0x2] =	stream.indirect_vreg.gather [hbm4b:s8+s28], $0x80, v4, vm0, $0xb8;
	[tilespmem:$0x10100] =	vst v63  }
0x15d: {  	_ = 	snop  }
0x15e: {  	[tilespmem:s17], [sflag:$0x2] =	stream.indirect_vreg.gather [hbm4b:s3+s28], $0x80, v3, vm0, $0xb8;
	[tilespmem:$0x10100] =	vst v63  }
0x15f: {  	_ = 	snop  }
0x160: {  	[tilespmem:s18], [sflag:$0x2] =	stream.indirect_vreg.gather [hbm4b:s6+s28], $0x80, v3, vm0, $0xb8;
	[tilespmem:$0x10100] =	vst v63  }
0x161: {  	_ = 	snop  }
0x162: {  	[tilespmem:s19], [sflag:$0x2] =	stream.indirect_vreg.gather [hbm4b:s7+s28], $0x80, v3, vm0, $0xb8;
	[tilespmem:$0x10100] =	vst v63  }
0x163: {  	_ = 	snop  }
0x164: {  	[tilespmem:s9], [sflag:$0x2] =	stream.indirect_vreg.gather [hbm4b:s8+s28], $0x80, v3, vm0, $0xb8;
	[tilespmem:$0x10100] =	vst v63  }
0x165: {  	v3 =	vld [tilespmem:$0x90];
	_ =	sdelay $0x4  }
0x166: {  	v63 =	vshll.u32 v3, $0x3  }
0x167: {  	v3 =	vand.u32 $0x7, v3;
	v4 =	vand.u32 $0xFFFFFFC0, v63  }
0x168: {  	v3 =	vor.u32 v3, v4  }
0x169: {  	v4 =	vperm.xlane v3, v0;
	_ =	sdelay $0x1  }
0x16a: {  	v4 =	vadd.s32 v1, v4;
	_ =	sdelay $0x4  }
0x16b: {  	[tilespmem:s20], [sflag:$0x2] =	stream.indirect_vreg.gather [hbm4b:s3+s28], $0x80, v4, vm0, $0xb8;
	[tilespmem:$0x10100] =	vst v63  }
0x16c: {  	v3 =	vperm.xlane v3, v2  }
0x16d: {  	[tilespmem:s21], [sflag:$0x2] =	stream.indirect_vreg.gather [hbm4b:s6+s28], $0x80, v4, vm0, $0xb8;
	[tilespmem:$0x10100] =	vst v63  }
0x16e: {  	v3 =	vadd.s32 v1, v3  }
0x16f: {  	[tilespmem:s10], [sflag:$0x2] =	stream.indirect_vreg.gather [hbm4b:s7+s28], $0x80, v4, vm0, $0xb8;
	[tilespmem:$0x10100] =	vst v63  }
0x170: {  	_ = 	snop  }
0x171: {  	[tilespmem:s22], [sflag:$0x2] =	stream.indirect_vreg.gather [hbm4b:s8+s28], $0x80, v4, vm0, $0xb8;
	[tilespmem:$0x10100] =	vst v63  }
0x172: {  	_ = 	snop  }
0x173: {  	[tilespmem:s11], [sflag:$0x2] =	stream.indirect_vreg.gather [hbm4b:s3+s28], $0x80, v3, vm0, $0xb8;
	[tilespmem:$0x10100] =	vst v63  }
0x174: {  	_ = 	snop  }
0x175: {  	[tilespmem:s23], [sflag:$0x2] =	stream.indirect_vreg.gather [hbm4b:s6+s28], $0x80, v3, vm0, $0xb8;
	[tilespmem:$0x10100] =	vst v63  }
0x176: {  	_ = 	snop  }
0x177: {  	[tilespmem:s24], [sflag:$0x2] =	stream.indirect_vreg.gather [hbm4b:s7+s28], $0x80, v3, vm0, $0xb8;
	[tilespmem:$0x10100] =	vst v63  }
0x178: {  	_ = 	snop  }
0x179: {  	[tilespmem:s12], [sflag:$0x2] =	stream.indirect_vreg.gather [hbm4b:s8+s28], $0x80, v3, vm0, $0xb8;
	[tilespmem:$0x10100] =	vst v63  }
0x17a: {  	_ =	swait.ge [sflag:s25], $0x8000  }
0x17b: {  	[sflag:s25] =	ssyncset.done $0x0  }
0x17c: {  	[sflag:s25] =	ssyncadd.s32 $0xFFFF8000  }
0x17d: {  	_ =	swait.ge [sflag:s13], $0x8000  }
0x17e: {  	s29 =	simm.s32 $0xFFFF8000;
	[sflag:s13] =	ssyncset.done $0x0  }
0x17f: {  	s30 =	simm.s32 $0x0;
	s31 =	simm.s32 $0x0;
	[sflag:s13] =	ssyncadd.s32 $0xFFFF8000  }
.LBB2_4:
0x180: {  	s0 =	sadd.s32 $0x8000, s29  }
0x181: {  	s2 =	sand.u32 $0x380, s31;
	s0 =	sand.u32 $0x6000, s0  }
0x182: {  	s0 =	sor.u32 s2, s0  }
0x183: {  	v3 =	vld [tilespmem:s0+$0x100]  }
0x184: {  	v4 =	vld [tilespmem:s0+$0x8100]  }
0x185: {  	v5 =	vld [tilespmem:s0+$0x110]  }
0x186: {  	v6 =	vld [tilespmem:s0+$0x8110]  }
0x187: {  	v7 =	vld [tilespmem:s0+$0x120]  }
0x188: {  	v8 =	vld [tilespmem:s0+$0x8120]  }
0x189: {  	v9 =	vld [tilespmem:s0+$0x130]  }
0x18a: {  	v10 =	vld [tilespmem:s0+$0x8130]  }
0x18b: {  	v11 =	vld [tilespmem:s0+$0x140]  }
0x18c: {  	v12 =	vld [tilespmem:s0+$0x8140]  }
0x18d: {  	v13 =	vld [tilespmem:s0+$0x150]  }
0x18e: {  	v14 =	vld [tilespmem:s0+$0x8150]  }
0x18f: {  	v15 =	vld [tilespmem:s0+$0x160]  }
0x190: {  	v16 =	vld [tilespmem:s0+$0x8160]  }
0x191: {  	v17 =	vld [tilespmem:s0+$0x170]  }
0x192: {  	v18 =	vld [tilespmem:s0+$0x8170]  }
0x193: {  	v19 =	vld [tilespmem:s0+$0x500]  }
0x194: {  	v20 =	vld [tilespmem:s0+$0x8500]  }
0x195: {  	v21 =	vld [tilespmem:s0+$0x510]  }
0x196: {  	v22 =	vld [tilespmem:s0+$0x8510]  }
0x197: {  	v23 =	vld [tilespmem:s0+$0x520]  }
0x198: {  	v24 =	vld [tilespmem:s0+$0x8520]  }
0x199: {  	v25 =	vld [tilespmem:s0+$0x530]  }
0x19a: {  	v26 =	vld [tilespmem:s0+$0x8530]  }
0x19b: {  	v27 =	vld [tilespmem:s0+$0x540]  }
0x19c: {  	v28 =	vld [tilespmem:s0+$0x8540]  }
0x19d: {  	v29 =	vld [tilespmem:s0+$0x550]  }
0x19e: {  	v30 =	vld [tilespmem:s0+$0x8550]  }
0x19f: {  	v31 =	vld [tilespmem:s0+$0x560]  }
0x1a0: {  	v32 =	vld [tilespmem:s0+$0x8560]  }
0x1a1: {  	v33 =	vld [tilespmem:s0+$0x570]  }
0x1a2: {  	v34 =	vld [tilespmem:s0+$0x8570]  }
0x1a3: {  	v35 =	vld [tilespmem:s0+$0x900]  }
0x1a4: {  	v36 =	vld [tilespmem:s0+$0x8900]  }
0x1a5: {  	v37 =	vld [tilespmem:s0+$0x910]  }
0x1a6: {  	v38 =	vld [tilespmem:s0+$0x8910]  }
0x1a7: {  	v39 =	vld [tilespmem:s0+$0x920]  }
0x1a8: {  	v40 =	vld [tilespmem:s0+$0x8920]  }
0x1a9: {  	v41 =	vld [tilespmem:s0+$0x930]  }
0x1aa: {  	v42 =	vld [tilespmem:s0+$0x8930]  }
0x1ab: {  	v43 =	vld [tilespmem:s0+$0x940]  }
0x1ac: {  	v44 =	vld [tilespmem:s0+$0x8940]  }
0x1ad: {  	v45 =	vld [tilespmem:s0+$0x950]  }
0x1ae: {  	v46 =	vld [tilespmem:s0+$0x8950]  }
0x1af: {  	v47 =	vld [tilespmem:s0+$0x960]  }
0x1b0: {  	v48 =	vld [tilespmem:s0+$0x8960]  }
0x1b1: {  	v49 =	vld [tilespmem:s0+$0x970]  }
0x1b2: {  	v50 =	vld [tilespmem:s0+$0x8970]  }
0x1b3: {  	v51 =	vld [tilespmem:s0+$0xD00]  }
0x1b4: {  	v52 =	vld [tilespmem:s0+$0x8D00]  }
0x1b5: {  	v53 =	vld [tilespmem:s0+$0xD10]  }
0x1b6: {  	v54 =	vld [tilespmem:s0+$0x8D10]  }
0x1b7: {  	v55 =	vld [tilespmem:s0+$0xD20]  }
0x1b8: {  	v56 =	vld [tilespmem:s0+$0x8D20]  }
0x1b9: {  	v57 =	vld [tilespmem:s0+$0xD30]  }
0x1ba: {  	v58 =	vld [tilespmem:s0+$0x8D30]  }
0x1bb: {  	v59 =	vld [tilespmem:s0+$0xD40]  }
0x1bc: {  	v60 =	vld [tilespmem:s0+$0x8D40]  }
0x1bd: {  	v61 =	vld [tilespmem:s0+$0xD50]  }
0x1be: {  	v62 =	vld [tilespmem:s0+$0x8D50]  }
0x1bf: {  	v63 =	vld [tilespmem:s0+$0xD60]  }
0x1c0: {  	v3 =	vadd.f32 v4, v3;
	v4 =	vld [tilespmem:s0+$0x8D60]  }
0x1c1: {  	v5 =	vadd.f32 v6, v5;
	v6 =	vld [tilespmem:s0+$0xD70]  }
0x1c2: {  	v14 =	vadd.f32 v14, v13;
	v13 =	vld [tilespmem:s0+$0x9120];
	[tilespmem:s0+$0x100] =	vst v3;
	v3 =	vadd.f32 v8, v7  }
0x1c3: {  	v18 =	vadd.f32 v18, v17;
	v17 =	vld [tilespmem:s0+$0x9140];
	[tilespmem:s0+$0x110] =	vst v5  }
0x1c4: {  	v22 =	vadd.f32 v22, v21;
	v21 =	vld [tilespmem:s0+$0x9160];
	[tilespmem:s0+$0x120] =	vst v3;
	v3 =	vadd.f32 v12, v11  }
0x1c5: {  	v7 =	vld [tilespmem:s0+$0x8D70];
	[tilespmem:s0+$0x150] =	vst v14  }
0x1c6: {  	v8 =	vld [tilespmem:s0+$0x1100];
	[tilespmem:s0+$0x140] =	vst v3;
	v3 =	vadd.f32 v16, v15  }
0x1c7: {  	v5 =	vadd.f32 v10, v9;
	v9 =	vld [tilespmem:s0+$0x9100];
	[tilespmem:s0+$0x170] =	vst v18  }
0x1c8: {  	v10 =	vld [tilespmem:s0+$0x1110];
	[tilespmem:s0+$0x160] =	vst v3;
	v3 =	vadd.f32 v20, v19  }
0x1c9: {  	v26 =	vadd.f32 v26, v25;
	v14 =	vld [tilespmem:s0+$0x1130];
	[tilespmem:s0+$0x510] =	vst v22  }
0x1ca: {  	v18 =	vld [tilespmem:s0+$0x1150];
	[tilespmem:s0+$0x500] =	vst v3;
	v3 =	vadd.f32 v24, v23  }
0x1cb: {  	v30 =	vadd.f32 v30, v29;
	[tilespmem:s0+$0x530] =	vst v26;
	v22 =	vld [tilespmem:s0+$0x1170]  }
0x1cc: {  	v19 =	vld [tilespmem:s0+$0x9150];
	[tilespmem:s0+$0x520] =	vst v3;
	v3 =	vadd.f32 v28, v27  }
0x1cd: {  	v34 =	vadd.f32 v34, v33;
	[tilespmem:s0+$0x550] =	vst v30;
	v11 =	vld [tilespmem:s0+$0x9110]  }
0x1ce: {  	v12 =	vld [tilespmem:s0+$0x1120];
	[tilespmem:s0+$0x540] =	vst v3;
	v3 =	vadd.f32 v32, v31  }
0x1cf: {  	[tilespmem:s0+$0x570] =	vst v34;
	v15 =	vld [tilespmem:s0+$0x9130]  }
0x1d0: {  	v16 =	vld [tilespmem:s0+$0x1140];
	[tilespmem:s0+$0x560] =	vst v3;
	v3 =	vadd.f32 v36, v35  }
0x1d1: {  	[tilespmem:s0+$0x130] =	vst v5;
	v20 =	vld [tilespmem:s0+$0x1160];
	v19 =	vadd.f32 v19, v18  }
0x1d2: {  	v24 =	vld [tilespmem:s0+$0x1500];
	[tilespmem:s0+$0x900] =	vst v3;
	v3 =	vadd.f32 v40, v39  }
0x1d3: {  	[tilespmem:s0+$0x1150] =	vst v19;
	v36 =	vadd.f32 v38, v37;
	v37 =	vld [tilespmem:s0+$0x9170]  }
0x1d4: {  	v38 =	vadd.f32 v42, v41;
	v41 =	vld [tilespmem:s0+$0x1510];
	[tilespmem:s0+$0x920] =	vst v3;
	v3 =	vadd.f32 v44, v43  }
0x1d5: {  	v42 =	vld [tilespmem:s0+$0x9510];
	[tilespmem:s0+$0x910] =	vst v36  }
0x1d6: {  	v35 =	vld [tilespmem:s0+$0x1910];
	[tilespmem:s0+$0x940] =	vst v3;
	v3 =	vadd.f32 v48, v47  }
0x1d7: {  	v39 =	vld [tilespmem:s0+$0x9500];
	[tilespmem:s0+$0x930] =	vst v38;
	v40 =	vadd.f32 v46, v45  }
0x1d8: {  	v45 =	vld [tilespmem:s0+$0x9520];
	[tilespmem:s0+$0x960] =	vst v3;
	v3 =	vadd.f32 v52, v51  }
0x1d9: {  	v46 =	vadd.f32 v54, v53;
	v53 =	vld [tilespmem:s0+$0x1550];
	[tilespmem:s0+$0x950] =	vst v40  }
0x1da: {  	v54 =	vld [tilespmem:s0+$0x9550];
	[tilespmem:s0+$0xD00] =	vst v3;
	v3 =	vadd.f32 v56, v55  }
0x1db: {  	v36 =	vld [tilespmem:s0+$0x9910];
	v43 =	vadd.f32 v50, v49;
	[tilespmem:s0+$0xD10] =	vst v46  }
0x1dc: {  	v38 =	vld [tilespmem:s0+$0x1920];
	[tilespmem:s0+$0xD20] =	vst v3;
	v3 =	vadd.f32 v60, v59  }
0x1dd: {  	v44 =	vld [tilespmem:s0+$0x1520];
	v49 =	vadd.f32 v58, v57;
	[tilespmem:s0+$0x970] =	vst v43  }
0x1de: {  	v50 =	vld [tilespmem:s0+$0x1540];
	[tilespmem:s0+$0xD40] =	vst v3;
	v3 =	vadd.f32 v4, v63  }
0x1df: {  	v57 =	vld [tilespmem:s0+$0x9560];
	v58 =	vadd.f32 v11, v10;
	[tilespmem:s0+$0xD30] =	vst v49  }
0x1e0: {  	v46 =	vld [tilespmem:s0+$0x9950];
	[tilespmem:s0+$0xD60] =	vst v3;
	v3 =	vadd.f32 v9, v8  }
0x1e1: {  	v37 =	vadd.f32 v37, v22;
	v40 =	vadd.f32 v42, v41;
	v41 =	vld [tilespmem:s0+$0x1930];
	[tilespmem:s0+$0x1110] =	vst v58  }
0x1e2: {  	v42 =	vld [tilespmem:s0+$0x9930];
	[tilespmem:s0+$0x1100] =	vst v3;
	v3 =	vadd.f32 v13, v12  }
0x1e3: {  	v47 =	vld [tilespmem:s0+$0x1530];
	[tilespmem:s0+$0x1170] =	vst v37  }
0x1e4: {  	v48 =	vld [tilespmem:s0+$0x9530];
	[tilespmem:s0+$0x1120] =	vst v3;
	v3 =	vadd.f32 v17, v16  }
0x1e5: {  	v49 =	vld [tilespmem:s0+$0x9960];
	[tilespmem:s0+$0x1510] =	vst v40;
	v52 =	vadd.f32 v62, v61  }
0x1e6: {  	v51 =	vld [tilespmem:s0+$0x9540];
	[tilespmem:s0+$0x1140] =	vst v3;
	v3 =	vadd.f32 v21, v20  }
0x1e7: {  	v61 =	vadd.f32 v15, v14;
	v62 =	vld [tilespmem:s0+$0x1900];
	[tilespmem:s0+$0xD50] =	vst v52  }
0x1e8: {  	v56 =	vld [tilespmem:s0+$0x1560];
	[tilespmem:s0+$0x1160] =	vst v3;
	v3 =	vadd.f32 v39, v24  }
0x1e9: {  	v55 =	vadd.f32 v7, v6;
	[tilespmem:s0+$0x1130] =	vst v61;
	v52 =	vld [tilespmem:s0+$0x9970]  }
0x1ea: {  	v43 =	vadd.f32 v48, v47;
	v47 =	vld [tilespmem:s0+$0x1960];
	[tilespmem:s0+$0x1500] =	vst v3;
	v3 =	vadd.f32 v45, v44  }
0x1eb: {  	[tilespmem:s0+$0xD70] =	vst v55;
	v63 =	vld [tilespmem:s0+$0x9900]  }
0x1ec: {  	v59 =	vld [tilespmem:s0+$0x1570];
	[tilespmem:s0+$0x1520] =	vst v3;
	v3 =	vadd.f32 v51, v50  }
0x1ed: {  	[tilespmem:s0+$0x1530] =	vst v43;
	v4 =	vadd.f32 v54, v53;
	v39 =	vld [tilespmem:s0+$0x9920]  }
0x1ee: {  	v60 =	vld [tilespmem:s0+$0x9570];
	[tilespmem:s0+$0x1540] =	vst v3;
	v3 =	vadd.f32 v57, v56  }
0x1ef: {  	v54 =	vadd.f32 v42, v41;
	[tilespmem:s0+$0x1550] =	vst v4;
	v45 =	vld [tilespmem:s0+$0x1950]  }
0x1f0: {  	v53 =	vld [tilespmem:s0+$0x9940];
	[tilespmem:s0+$0x1560] =	vst v3;
	v3 =	vadd.f32 v63, v62  }
0x1f1: {  	[tilespmem:s0+$0x1930] =	vst v54;
	v55 =	vadd.f32 v49, v47;
	v50 =	vld [tilespmem:s0+$0x1970]  }
0x1f2: {  	v44 =	vld [tilespmem:s0+$0x1940];
	[tilespmem:s0+$0x1900] =	vst v3;
	v3 =	vadd.f32 v39, v38  }
0x1f3: {  	v48 =	vadd.f32 v60, v59;
	[tilespmem:s0+$0x1960] =	vst v55  }
0x1f4: {  	[tilespmem:s0+$0x1920] =	vst v3;
	v3 =	vadd.f32 v46, v45  }
0x1f5: {  	s4 =	sand.u32 $0x7, s28;
	[tilespmem:s0+$0x1570] =	vst v48;
	v51 =	vadd.f32 v36, v35  }
0x1f6: {  	s2 =	sshll.u32 s4, $0x7;
	[tilespmem:s0+$0x1950] =	vst v3;
	v3 =	vadd.f32 v52, v50  }
0x1f7: {  	s2 =	sadd.s32 s2, s30;
	[tilespmem:s0+$0x1910] =	vst v51;
	v56 =	vadd.f32 v53, v44  }
0x1f8: {  	s4 =	sor.u32 $0x1C00, s2;
	[tilespmem:s0+$0x1970] =	vst v3  }
0x1f9: {  	[tilespmem:s0+$0x1940] =	vst v56;
	v3 =	vld [tilespmem:s4+$0x100]  }
0x1fa: {  	v4 =	vld [tilespmem:s4+$0x8100];
	_ =	sdelay $0x4  }
0x1fb: {  	v3 =	vadd.f32 v4, v3;
	_ =	sdelay $0x1  }
0x1fc: {  	[tilespmem:s4+$0x100] =	vst v3;
	s4 =	sor.u32 $0x1C10, s2  }
0x1fd: {  	v3 =	vld [tilespmem:s4+$0x100]  }
0x1fe: {  	v57 =	vld [tilespmem:s4+$0x8100];
	_ =	sdelay $0x4  }
0x1ff: {  	v3 =	vadd.f32 v57, v3;
	_ =	sdelay $0x1  }
0x200: {  	[tilespmem:s4+$0x100] =	vst v3;
	s4 =	sor.u32 $0x1C20, s2  }
0x201: {  	v3 =	vld [tilespmem:s4+$0x100]  }
0x202: {  	v58 =	vld [tilespmem:s4+$0x8100];
	_ =	sdelay $0x4  }
0x203: {  	v3 =	vadd.f32 v58, v3;
	_ =	sdelay $0x1  }
0x204: {  	[tilespmem:s4+$0x100] =	vst v3;
	s4 =	sor.u32 $0x1C30, s2  }
0x205: {  	v3 =	vld [tilespmem:s4+$0x100]  }
0x206: {  	v59 =	vld [tilespmem:s4+$0x8100];
	_ =	sdelay $0x4  }
0x207: {  	v3 =	vadd.f32 v59, v3;
	_ =	sdelay $0x1  }
0x208: {  	[tilespmem:s4+$0x100] =	vst v3;
	s4 =	sor.u32 $0x1C40, s2  }
0x209: {  	v3 =	vld [tilespmem:s4+$0x100]  }
0x20a: {  	v60 =	vld [tilespmem:s4+$0x8100];
	_ =	sdelay $0x4  }
0x20b: {  	v3 =	vadd.f32 v60, v3;
	_ =	sdelay $0x1  }
0x20c: {  	[tilespmem:s4+$0x100] =	vst v3;
	s4 =	sor.u32 $0x1C50, s2  }
0x20d: {  	v3 =	vld [tilespmem:s4+$0x100]  }
0x20e: {  	v61 =	vld [tilespmem:s4+$0x8100];
	_ =	sdelay $0x4  }
0x20f: {  	v3 =	vadd.f32 v61, v3;
	_ =	sdelay $0x1  }
0x210: {  	[tilespmem:s4+$0x100] =	vst v3;
	s4 =	sor.u32 $0x1C60, s2  }
0x211: {  	v3 =	vld [tilespmem:s4+$0x100]  }
0x212: {  	v62 =	vld [tilespmem:s4+$0x8100];
	_ =	sdelay $0x4  }
0x213: {  	v3 =	vadd.f32 v62, v3;
	_ =	sdelay $0x1  }
0x214: {  	[tilespmem:s4+$0x100] =	vst v3;
	s4 =	sor.u32 $0x1C70, s2  }
0x215: {  	v3 =	vld [tilespmem:s4+$0x100]  }
0x216: {  	v63 =	vld [tilespmem:s4+$0x8100];
	_ =	sdelay $0x1  }
0x217: {  	p0 =	sne.s32 s31, $0xF80  }
.Ltmp1:
0x218: {  	_ = 	snop;
	(pc) =	sbr.rel @p0 .LBB2_4-.Ltmp1, $4  }
0x219: {  	_ = 	snop  }
0x21a: {  	v3 =	vadd.f32 v63, v3  }
0x21b: {  	s28 =	sadd.s32 $0x1, s28  }
0x21c: {  	s29 =	sadd.s32 $0x400, s29;
	s31 =	sadd.s32 $0x80, s31;
	s30 =	sadd.s32 $0x400, s30;
	[tilespmem:s4+$0x100] =	vst v3  }
0x21d: {  	s0 =	rddreg [dreg:$0x8]  }
0x21e: {  	[hbm4b:s0+s1] =	stream.linear.scatter [tilespmem:s16], [sflag:$0x3], $0x8000, $0x38;
	[tilespmem:$0x10100] =	vst v63  }
0x21f: {  	_ =	swait.ge [sflag:s14], $0x8000  }
0x220: {  	s26 =	sadd.s32 $0x1, s26;
	s31 =	rddreg [dreg:$0x9]  }
0x221: {  	p0 =	sne.s32 s26, s31  }
.Ltmp2:
0x222: {  	_ = 	snop;
	(pc) =	sbr.rel @p0 .LBB2_1-.Ltmp2, $3  }
0x223: {  	_ =	sdelay $0x1  }
0x224: {  	[sflag:s14] =	ssyncset.done $0x0  }
0x225: {  	[sflag:s14] =	ssyncadd.s32 $0xFFFF8000  }
0x226: {  	_ =	sfence.sel $0x180000  }
0x227: {  	[bflag:$0x0] =	sbarrier.arrive $0xFFFF  }
0x228: {  	_ =	strace $0x9000004A  }
0x229: {  	s0 =	stileid.u32;
	[bflag:$0x2] =	sbarrier.arrive $0xFFFF  }
0x22a: {  	p0 =	sne.s32 s0, $0x0;
	s0 =	rddreg [dreg:$0x2]  }
0x22b: {  	s0 =	sadd.s32 @!p0 $0x100000, s0  }
0x22c: {  	[sflag:s0] =	ssyncadd.tile.s32 @!p0 $0x1;
	_ =	shalt  }
.Lfunc_end2:
_tile_overlayer_lowered:
.L_overlay_start_2:
0x22d: {  	(tag) =	ssettag $0x2  }
0x22e: {  	s0 =	rddreg [dreg:$0x0];
	s2 =	stileid.u32  }
0x22f: {  	s1 =	rddreg [dreg:$0x1];
	p0 =	sne.s32 s2, $0x0  }
0x230: {  	s3 =	rddreg [dreg:$0x2];
	[bflag:$0x3] =	sbarrier.arrive $0xFFFF;
	s2 =	simm.s32 @!p0 $0x1C03  }
0x231: {  	[timem:s3], [sflag:s2] =	dma.local @!p0 [hbm:s0], s1  }
0x232: {  	s0 =	simm.s32 @!p0 $0x3  }
0x233: {  	_ =	swait.ge @!p0 [sflag:s0], s1  }
0x234: {  	s1 =	ssub.s32 @!p0 $0x0, s1;
	[sflag:s0] =	ssyncset.done @!p0 $0x0  }
0x235: {  	[sflag:s0] =	ssyncadd.s32 @!p0 s1  }
0x236: {  	[bflag:$0x3] =	sbarrier.arrive $0xFFFF  }
0x237: {  	_ =	shalt  }

</sc_bundles>
